<compile_context>
chip_gen: v7x
topology: tpu7x:2x2x1
jax: 0.10.2.dev20260603
libtpu: 0.0.44.dev20260713+nightly
codegen_flags: <defaults>
</compile_context>

<pallas_src>
from itertools import combinations

import jax
import jax.numpy as jnp
import numpy as np
from jax import lax
from jax.experimental import pallas as pl
from jax.experimental.pallas import tpu as pltpu
from jax.experimental.pallas import tpu_sc as plsc

_N_MODES = 20
_N_PHOTONS = 5
_N_OUT_MODES = 10

_B = 1024
_NIN = 15504
_NOUT = 252
_K = 32
_L = 16
_NS = 16

_B_SC = 256
_B_TC = _B - _B_SC
_NB = 2
_BW = 128
_NQ = 16
_OPW = 16
_TAIL = _NOUT - (_NQ - 1) * _OPW
_RPW = _OPW * _K
_CHO = 4
_CHR = _CHO * _K
_NCHUNK = _OPW // _CHO
_SEG = _BW // _L
_TCB = 128


def _build_tables():
    def fock_keys(n_modes, n_photons):
        ks = []
        for comb in combinations(range(n_modes), n_photons):
            occ = [0] * n_modes
            for m in comb:
                occ[m] = 1
            ks.append(tuple(occ))
        return ks

    keys_in = fock_keys(_N_MODES, _N_PHOTONS)
    keys_out = fock_keys(_N_OUT_MODES, _N_PHOTONS)
    num_skips = _N_MODES // _N_OUT_MODES
    first_skips = _N_MODES % _N_OUT_MODES
    index_num_skips = list(range(0, _N_MODES + 1, num_skips))
    index_first_skips = ([0] + list(range(1, first_skips + 1))
                         + [first_skips] * (_N_OUT_MODES - first_skips))
    skips = [a + b for a, b in zip(index_first_skips, index_num_skips)]
    groups = [list(range(skips[k], skips[k + 1])) for k in range(_N_OUT_MODES)]
    out_index = {k: i for i, k in enumerate(keys_out)}
    match, include = [], []
    for i, kin in enumerate(keys_in):
        kout = tuple(sum(kin[m] for m in g) for g in groups)
        if kout in out_index:
            match.append(out_index[kout])
            include.append(i)
    match = np.asarray(match, np.int64)
    include = np.asarray(include, np.int64)
    order = np.argsort(match, kind="stable")
    grouped = include[order].reshape(_NOUT, _K)
    padded = np.zeros((_NQ * _OPW, _K), np.int64)
    padded[:_NOUT] = grouped
    idx = padded.reshape(-1).astype(np.int32)
    pool = np.zeros((_NIN, 256), np.float32)
    pool[include, match] = 1.0
    return idx, pool


_IDX, _POOL = _build_tables()


def _rsqrt16(x):
    xi = plsc.bitcast(x, jnp.int32)
    yi = jnp.int32(0x5F3759DF) - lax.shift_right_arithmetic(xi, 1)
    y = plsc.bitcast(yi, jnp.float32)
    for _ in range(3):
        y = y * (jnp.float32(1.5) - jnp.float32(0.5) * x * y * y)
    return y


def _compute_chunk(buf, outst, c):
    def seg_body(s, carry):
        col = s * _L
        for j in range(_CHO):
            acc = buf[j * _K, pl.ds(col, _L)]
            for k in range(1, _K):
                acc = acc + buf[j * _K + k, pl.ds(col, _L)]
            outst[c * _CHO + j, pl.ds(col, _L)] = acc
        return carry

    lax.fori_loop(0, _SEG, seg_body, 0)


def _sc_body(at, idxt, outt, idx_v, buf_a, buf_b, outst, nrm, shared,
             sem_a, sem_b):
    cid = lax.axis_index("c")
    sid = lax.axis_index("s")
    nb = cid
    q = sid
    col0 = _B_TC + nb * _BW
    o0 = q * _OPW

    pltpu.sync_copy(idxt.at[pl.ds(q * _RPW, _RPW)], idx_v)
    pltpu.async_copy(at.at[idx_v.at[pl.ds(0, _CHR)], pl.ds(col0, _BW)],
                     buf_a, sem_a)

    def pair_body(i, carry):
        c0 = 2 * i
        pltpu.make_async_copy(at.at[idx_v.at[pl.ds(0, _CHR)],
                                    pl.ds(col0, _BW)], buf_a, sem_a).wait()
        pltpu.async_copy(at.at[idx_v.at[pl.ds((c0 + 1) * _CHR, _CHR)],
                               pl.ds(col0, _BW)], buf_b, sem_b)
        _compute_chunk(buf_a, outst, c0)

        pltpu.make_async_copy(at.at[idx_v.at[pl.ds(0, _CHR)],
                                    pl.ds(col0, _BW)], buf_b, sem_b).wait()
        nxt = jnp.minimum((c0 + 2) * _CHR, jnp.int32((_NCHUNK - 1) * _CHR))
        pltpu.async_copy(at.at[idx_v.at[pl.ds(nxt, _CHR)],
                               pl.ds(col0, _BW)], buf_a, sem_a)
        _compute_chunk(buf_b, outst, c0 + 1)
        return carry

    lax.fori_loop(0, _NCHUNK // 2, pair_body, 0)
    pltpu.make_async_copy(at.at[idx_v.at[pl.ds(0, _CHR)],
                                pl.ds(col0, _BW)], buf_a, sem_a).wait()

    opw = jnp.where(q == _NQ - 1, _TAIL, _OPW)
    for s in range(_SEG):
        col = s * _L

        def ssq_body(r, ssq):
            v = outst[r, pl.ds(col, _L)]
            return ssq + v * v

        nrm[0, pl.ds(col, _L)] = lax.fori_loop(
            0, opw, ssq_body, jnp.zeros((_L,), jnp.float32))

    pltpu.sync_copy(nrm.at[0], shared.at[sid])
    plsc.subcore_barrier()
    g0 = (sid // _NQ) * _NQ
    for p in range(_NQ):
        pltpu.sync_copy(shared.at[g0 + p], nrm.at[1 + p])
    for s in range(_SEG):
        col = s * _L
        tot = nrm[1, pl.ds(col, _L)]
        for p in range(1, _NQ):
            tot = tot + nrm[1 + p, pl.ds(col, _L)]
        nrm[0, pl.ds(col, _L)] = _rsqrt16(tot)

    def scale_body(r, carry):
        for s in range(_SEG):
            col = s * _L
            outst[r, pl.ds(col, _L)] = (outst[r, pl.ds(col, _L)]
                                        * nrm[0, pl.ds(col, _L)])
        return carry

    lax.fori_loop(0, _OPW, scale_body, 0)

    @pl.when(q < _NQ - 1)
    def _():
        pltpu.sync_copy(outst,
                        outt.at[pl.ds(o0, _OPW), pl.ds(nb * _BW, _BW)])

    @pl.when(q == _NQ - 1)
    def _():
        pltpu.sync_copy(outst.at[pl.ds(0, _TAIL)],
                        outt.at[pl.ds((_NQ - 1) * _OPW, _TAIL),
                                pl.ds(nb * _BW, _BW)])


def _tc_body(at_ref, pool_ref, out_ref):
    a = at_ref[...]
    hi = a.astype(jnp.bfloat16)
    lo = (a - hi.astype(jnp.float32)).astype(jnp.bfloat16)
    dn = (((0,), (0,)), ((), ()))
    p = pool_ref[...]
    m = (jax.lax.dot_general(hi, p, dn, preferred_element_type=jnp.float32)
         + jax.lax.dot_general(lo, p, dn, preferred_element_type=jnp.float32))
    ssq = jnp.sum(m * m, axis=1, keepdims=True)
    out_ref[...] = (m * jax.lax.rsqrt(ssq))[:, :_NOUT]


def kernel(amplitudes):
    at = amplitudes.T
    idxt = jnp.asarray(_IDX)
    pool = jnp.asarray(_POOL, dtype=jnp.bfloat16)

    mesh = plsc.VectorSubcoreMesh(core_axis_name="c", subcore_axis_name="s")
    sc_run = pl.kernel(
        _sc_body,
        out_type=jax.ShapeDtypeStruct((_NOUT, _B_SC), jnp.float32),
        mesh=mesh,
        compiler_params=pltpu.CompilerParams(use_tc_tiling_on_sc=True,
                                             needs_layout_passes=False),
        scratch_types=[
            pltpu.VMEM((_RPW,), jnp.int32),
            pltpu.VMEM((_CHR, _BW), jnp.float32),
            pltpu.VMEM((_CHR, _BW), jnp.float32),
            pltpu.VMEM((_OPW, _BW), jnp.float32),
            pltpu.VMEM((1 + _NQ, _BW), jnp.float32),
            pltpu.VMEM_SHARED((_NS, _BW), jnp.float32),
            pltpu.SemaphoreType.DMA,
            pltpu.SemaphoreType.DMA,
        ],
    )
    out_sc_t = sc_run(at, idxt)

    tc_run = pl.pallas_call(
        _tc_body,
        out_shape=jax.ShapeDtypeStruct((_B_TC, _NOUT), jnp.float32),
        grid=(_B_TC // _TCB,),
        in_specs=[
            pl.BlockSpec((_NIN, _TCB), lambda i: (0, i)),
            pl.BlockSpec((_NIN, 256), lambda i: (0, 0)),
        ],
        out_specs=pl.BlockSpec((_TCB, _NOUT), lambda i: (i, 0)),
    )
    out_tc = tc_run(at, pool)

    return jnp.concatenate([out_tc, out_sc_t.T], axis=0)

# --- scband reference (transcript-rebuilt; emitter-appended) ---
"""Pipeline reference for scband-pooling-feed-forward-45165876085507 (READ-ONLY COPY).

The authoritative reference and input builder live on the scoring server;
editing this copy changes nothing except your own understanding.
"""

import jax, jax.numpy as jnp
import numpy as np
from itertools import combinations

N_MODES = 20
N_PHOTONS = 5
N_OUTPUT_MODES = 10

def _fock_keys_unbunched(n_modes, n_photons):
    keys = []
    for comb in combinations(range(n_modes), n_photons):
        occ = [0] * n_modes
        for m in comb:
            occ[m] = 1
        keys.append(tuple(occ))
    return keys

def _default_pooling_modes(n_modes, n_output_modes):
    num_skips = n_modes // n_output_modes
    first_skips = n_modes % n_output_modes
    index_num_skips = list(range(0, n_modes + 1, num_skips))
    index_first_skips = [0] + list(range(1, first_skips + 1)) + [first_skips] * (n_output_modes - first_skips)
    index_skips = [a + b for a, b in zip(index_first_skips, index_num_skips)]
    return [list(range(index_skips[k], index_skips[k + 1])) for k in range(n_output_modes)]

KEYS_IN = _fock_keys_unbunched(N_MODES, N_PHOTONS)
KEYS_OUT = _fock_keys_unbunched(N_OUTPUT_MODES, N_PHOTONS)
POOLING_MODES = _default_pooling_modes(N_MODES, N_OUTPUT_MODES)
_out_index = {k: i for i, k in enumerate(KEYS_OUT)}
_match, _include = [], []
for _i, _kin in enumerate(KEYS_IN):
    _kout = tuple(sum(_kin[m] for m in g) for g in POOLING_MODES)
    if _kout in _out_index:
        _match.append(_out_index[_kout])
        _include.append(_i)
MATCH_INDICES = np.asarray(_match, dtype=np.int32)
INCLUDE_INDICES = np.asarray(_include, dtype=np.int32)
N_IN_STATES = len(KEYS_IN)
N_OUT_STATES = len(KEYS_OUT)

def setup_inputs(seed: int = 0) -> dict:
    key = jax.random.key(seed)
    amplitudes = jax.random.normal(key, (1024, N_IN_STATES), dtype=jnp.float32)
    return {"amplitudes": amplitudes}

def reference(amplitudes):
    batch_size = amplitudes.shape[0]
    # mask out excluded indices (gather of included columns)
    filtered = amplitudes[:, INCLUDE_INDICES]
    # scatter-add along the state dimension into output states
    output = jnp.zeros((batch_size, N_OUT_STATES), dtype=amplitudes.dtype)
    output = output.at[:, MATCH_INDICES].add(filtered)
    # normalize: sqrt of sum of |amp|^2 per batch row
    sum_probs = jnp.sqrt(jnp.sum(jnp.abs(output) ** 2, axis=-1, keepdims=True))
    return output / sum_probs

if __name__ == "__main__":
    import jax
    _d = setup_inputs()
    print(jax.jit(kernel)(*tuple(_d.values())))

</pallas_src>

<mosaic_0001>
#map = affine_map<(d0, d1) -> (0, 0)>
#map1 = affine_map<(d0, d1) -> (0)>
module attributes {stable_mosaic.version = 14 : i64} {
  func.func @_sc_body(%arg0: i32, %arg1: i32, %arg2: memref<15504x1024xf32, #tpu.memory_space<hbm>>, %arg3: memref<8192xi32, #tpu.memory_space<hbm>>, %arg4: memref<252x256xf32, #tpu.memory_space<hbm>>, %arg5: memref<512xi32, #tpu.memory_space<vmem>>, %arg6: memref<128x128xf32, #tpu.memory_space<vmem>>, %arg7: memref<128x128xf32, #tpu.memory_space<vmem>>, %arg8: memref<16x128xf32, #tpu.memory_space<vmem>>, %arg9: memref<17x128xf32, #tpu.memory_space<vmem>>, %arg10: memref<16x128xf32, #tpu.memory_space<vmem_shared>>, %arg11: memref<!tpu.dma_semaphore, #tpu.memory_space<semaphore_mem>>, %arg12: memref<!tpu.dma_semaphore, #tpu.memory_space<semaphore_mem>>) attributes {dimension_semantics = [#tpu.dimension_semantics<core_parallel>, #tpu.dimension_semantics<subcore_parallel>], iteration_bounds = array<i64: 2, 16>, scalar_prefetch = 0 : i64, scratch_operands = 8 : i64, tpu.core_type = #tpu.core_type<sc_vector_subcore>, window_params = [{transform_indices = #map}, {transform_indices = #map1}, {transform_indices = #map}]} {
    %mul3A = arith.constant 128 : i32
    %mul3A_0 = arith.muli %arg0, %mul3A : i32
    %add3A = arith.constant 768 : i32
    %add3A_1 = arith.addi %add3A, %mul3A_0 : i32
    %mul3A_2 = arith.constant 16 : i32
    %mul3A_3 = arith.muli %arg1, %mul3A_2 : i32
    %mul3A_4 = arith.constant 512 : i32
    %mul3A_5 = arith.muli %arg1, %mul3A_4 : i32
    "tpu.region"() ({
      %run_scoped3A_1174 = tpu.sem_alloc : memref<!tpu.dma_semaphore, #tpu.memory_space<semaphore_mem>>
      %dma_start3A_1175 = tpu.memref_slice %arg3[%mul3A_5] : memref<8192xi32, #tpu.memory_space<hbm>> -> memref<512xi32, #tpu.memory_space<hbm>>
      %dma_start3A_1176 = tpu.memref_slice %arg3[%mul3A_5] : memref<8192xi32, #tpu.memory_space<hbm>> -> memref<512xi32, #tpu.memory_space<hbm>>
      tpu.enqueue_dma source(%dma_start3A_1176 : memref<512xi32, #tpu.memory_space<hbm>>) target(%arg5 : memref<512xi32, #tpu.memory_space<vmem>>) target_semaphore(%run_scoped3A_1174 : memref<!tpu.dma_semaphore, #tpu.memory_space<semaphore_mem>>)
      %dma_wait3A_1177 = tpu.memref_slice %arg3[%mul3A_5] : memref<8192xi32, #tpu.memory_space<hbm>> -> memref<512xi32, #tpu.memory_space<hbm>>
      %dma_wait3A_1178 = tpu.memref_slice %arg3[%mul3A_5] : memref<8192xi32, #tpu.memory_space<hbm>> -> memref<512xi32, #tpu.memory_space<hbm>>
      tpu.wait_dma2 semaphore(%run_scoped3A_1174 : memref<!tpu.dma_semaphore, #tpu.memory_space<semaphore_mem>>) src(%dma_wait3A_1178 : memref<512xi32, #tpu.memory_space<hbm>>) dst(%arg5 : memref<512xi32, #tpu.memory_space<vmem>>)
      tpu.yield
    }) : () -> ()
    %dma_start3A = arith.constant 0 : i32
    %dma_start3A_6 = tpu.memref_slice %arg5[%dma_start3A] : memref<512xi32, #tpu.memory_space<vmem>> -> memref<128xi32, #tpu.memory_space<vmem>>
    %dma_start3A_7 = arith.constant 0 : i32
    %dma_start3A_8 = tpu.memref_slice %arg2[%dma_start3A_7, %add3A_1] : memref<15504x1024xf32, #tpu.memory_space<hbm>> -> memref<15504x128xf32, #tpu.memory_space<hbm>>
    tpu.enqueue_indirect_dma source(%dma_start3A_8 : memref<15504x128xf32, #tpu.memory_space<hbm>>) target(%arg6 : memref<128x128xf32, #tpu.memory_space<vmem>>) offsets(%dma_start3A_6 : memref<128xi32, #tpu.memory_space<vmem>>) semaphore(%arg11 : memref<!tpu.dma_semaphore, #tpu.memory_space<semaphore_mem>>)
    %scan3A = arith.constant 0 : i32
    %scan3A_9 = arith.constant 0 : i32
    %scan3A_10 = arith.constant 2 : i32
    %scan3A_11 = arith.addi %scan3A_9, %scan3A_10 : i32
    %scan3A_12 = arith.constant 1 : i32
    scf.for %scan3A_1174 = %scan3A_9 to %scan3A_11 step %scan3A_12  : i32 {
      %mul3A_1175 = arith.constant 2 : i32
      %mul3A_1176 = arith.muli %mul3A_1175, %scan3A_1174 : i32
      %dma_wait3A_1177 = arith.constant 0 : i32
      %dma_wait3A_1178 = tpu.memref_slice %arg5[%dma_wait3A_1177] : memref<512xi32, #tpu.memory_space<vmem>> -> memref<128xi32, #tpu.memory_space<vmem>>
      %dma_wait3A_1179 = arith.constant 0 : i32
      %dma_wait3A_1180 = tpu.memref_slice %arg2[%dma_wait3A_1179, %add3A_1] : memref<15504x1024xf32, #tpu.memory_space<hbm>> -> memref<15504x128xf32, #tpu.memory_space<hbm>>
      tpu.wait_indirect_dma semaphore(%arg11 : memref<!tpu.dma_semaphore, #tpu.memory_space<semaphore_mem>>) src(%dma_wait3A_1180 : memref<15504x128xf32, #tpu.memory_space<hbm>>) dst(%arg6 : memref<128x128xf32, #tpu.memory_space<vmem>>)
      %add3A_1181 = arith.constant 1 : i32
      %add3A_1182 = arith.addi %mul3A_1176, %add3A_1181 : i32
      %mul3A_1183 = arith.constant 128 : i32
      %mul3A_1184 = arith.muli %add3A_1182, %mul3A_1183 : i32
      %dma_start3A_1185 = tpu.memref_slice %arg5[%mul3A_1184] : memref<512xi32, #tpu.memory_space<vmem>> -> memref<128xi32, #tpu.memory_space<vmem>>
      %dma_start3A_1186 = arith.constant 0 : i32
      %dma_start3A_1187 = tpu.memref_slice %arg2[%dma_start3A_1186, %add3A_1] : memref<15504x1024xf32, #tpu.memory_space<hbm>> -> memref<15504x128xf32, #tpu.memory_space<hbm>>
      tpu.enqueue_indirect_dma source(%dma_start3A_1187 : memref<15504x128xf32, #tpu.memory_space<hbm>>) target(%arg7 : memref<128x128xf32, #tpu.memory_space<vmem>>) offsets(%dma_start3A_1185 : memref<128xi32, #tpu.memory_space<vmem>>) semaphore(%arg12 : memref<!tpu.dma_semaphore, #tpu.memory_space<semaphore_mem>>)
      %scan3A_1188 = arith.constant 0 : i32
      %scan3A_1189 = arith.constant 0 : i32
      %scan3A_1190 = arith.constant 8 : i32
      %scan3A_1191 = arith.addi %scan3A_1189, %scan3A_1190 : i32
      %scan3A_1192 = arith.constant 1 : i32
      scf.for %scan3A_1214 = %scan3A_1189 to %scan3A_1191 step %scan3A_1192  : i32 {
        %mul3A_1215 = arith.constant 16 : i32
        %mul3A_1216 = arith.muli %scan3A_1214, %mul3A_1215 : i32
        %get3A_1217 = arith.constant 0 : i32
        %get3A_1218 = arith.index_cast %get3A_1217 : i32 to index
        %get3A_1219 = arith.index_cast %mul3A_1216 : i32 to index
        %get3A_1220 = tpu.vector_load %arg6[%get3A_1218, %get3A_1219] {strides = array<i32>} : memref<128x128xf32, #tpu.memory_space<vmem>>, vector<16xf32>,
        %get3A_1221 = arith.constant 1 : i32
        %get3A_1222 = arith.index_cast %get3A_1221 : i32 to index
        %get3A_1223 = arith.index_cast %mul3A_1216 : i32 to index
        %get3A_1224 = tpu.vector_load %arg6[%get3A_1222, %get3A_1223] {strides = array<i32>} : memref<128x128xf32, #tpu.memory_space<vmem>>, vector<16xf32>,
        %add3A_1225 = arith.addf %get3A_1220, %get3A_1224 : vector<16xf32>
        %get3A_1226 = arith.constant 2 : i32
        %get3A_1227 = arith.index_cast %get3A_1226 : i32 to index
        %get3A_1228 = arith.index_cast %mul3A_1216 : i32 to index
        %get3A_1229 = tpu.vector_load %arg6[%get3A_1227, %get3A_1228] {strides = array<i32>} : memref<128x128xf32, #tpu.memory_space<vmem>>, vector<16xf32>,
        %add3A_1230 = arith.addf %add3A_1225, %get3A_1229 : vector<16xf32>
        %get3A_1231 = arith.constant 3 : i32
        %get3A_1232 = arith.index_cast %get3A_1231 : i32 to index
        %get3A_1233 = arith.index_cast %mul3A_1216 : i32 to index
        %get3A_1234 = tpu.vector_load %arg6[%get3A_1232, %get3A_1233] {strides = array<i32>} : memref<128x128xf32, #tpu.memory_space<vmem>>, vector<16xf32>,
        %add3A_1235 = arith.addf %add3A_1230, %get3A_1234 : vector<16xf32>
        %get3A_1236 = arith.constant 4 : i32
        %get3A_1237 = arith.index_cast %get3A_1236 : i32 to index
        %get3A_1238 = arith.index_cast %mul3A_1216 : i32 to index
        %get3A_1239 = tpu.vector_load %arg6[%get3A_1237, %get3A_1238] {strides = array<i32>} : memref<128x128xf32, #tpu.memory_space<vmem>>, vector<16xf32>,
        %add3A_1240 = arith.addf %add3A_1235, %get3A_1239 : vector<16xf32>
        %get3A_1241 = arith.constant 5 : i32
        %get3A_1242 = arith.index_cast %get3A_1241 : i32 to index
        %get3A_1243 = arith.index_cast %mul3A_1216 : i32 to index
        %get3A_1244 = tpu.vector_load %arg6[%get3A_1242, %get3A_1243] {strides = array<i32>} : memref<128x128xf32, #tpu.memory_space<vmem>>, vector<16xf32>,
        %add3A_1245 = arith.addf %add3A_1240, %get3A_1244 : vector<16xf32>
        %get3A_1246 = arith.constant 6 : i32
        %get3A_1247 = arith.index_cast %get3A_1246 : i32 to index
        %get3A_1248 = arith.index_cast %mul3A_1216 : i32 to index
        %get3A_1249 = tpu.vector_load %arg6[%get3A_1247, %get3A_1248] {strides = array<i32>} : memref<128x128xf32, #tpu.memory_space<vmem>>, vector<16xf32>,
        %add3A_1250 = arith.addf %add3A_1245, %get3A_1249 : vector<16xf32>
        %get3A_1251 = arith.constant 7 : i32
        %get3A_1252 = arith.index_cast %get3A_1251 : i32 to index
        %get3A_1253 = arith.index_cast %mul3A_1216 : i32 to index
        %get3A_1254 = tpu.vector_load %arg6[%get3A_1252, %get3A_1253] {strides = array<i32>} : memref<128x128xf32, #tpu.memory_space<vmem>>, vector<16xf32>,
        %add3A_1255 = arith.addf %add3A_1250, %get3A_1254 : vector<16xf32>
        %get3A_1256 = arith.constant 8 : i32
        %get3A_1257 = arith.index_cast %get3A_1256 : i32 to index
        %get3A_1258 = arith.index_cast %mul3A_1216 : i32 to index
        %get3A_1259 = tpu.vector_load %arg6[%get3A_1257, %get3A_1258] {strides = array<i32>} : memref<128x128xf32, #tpu.memory_space<vmem>>, vector<16xf32>,
        %add3A_1260 = arith.addf %add3A_1255, %get3A_1259 : vector<16xf32>
        %get3A_1261 = arith.constant 9 : i32
        %get3A_1262 = arith.index_cast %get3A_1261 : i32 to index
        %get3A_1263 = arith.index_cast %mul3A_1216 : i32 to index
        %get3A_1264 = tpu.vector_load %arg6[%get3A_1262, %get3A_1263] {strides = array<i32>} : memref<128x128xf32, #tpu.memory_space<vmem>>, vector<16xf32>,
        %add3A_1265 = arith.addf %add3A_1260, %get3A_1264 : vector<16xf32>
        %get3A_1266 = arith.constant 10 : i32
        %get3A_1267 = arith.index_cast %get3A_1266 : i32 to index
        %get3A_1268 = arith.index_cast %mul3A_1216 : i32 to index
        %get3A_1269 = tpu.vector_load %arg6[%get3A_1267, %get3A_1268] {strides = array<i32>} : memref<128x128xf32, #tpu.memory_space<vmem>>, vector<16xf32>,
        %add3A_1270 = arith.addf %add3A_1265, %get3A_1269 : vector<16xf32>
        %get3A_1271 = arith.constant 11 : i32
        %get3A_1272 = arith.index_cast %get3A_1271 : i32 to index
        %get3A_1273 = arith.index_cast %mul3A_1216 : i32 to index
        %get3A_1274 = tpu.vector_load %arg6[%get3A_1272, %get3A_1273] {strides = array<i32>} : memref<128x128xf32, #tpu.memory_space<vmem>>, vector<16xf32>,
        %add3A_1275 = arith.addf %add3A_1270, %get3A_1274 : vector<16xf32>
        %get3A_1276 = arith.constant 12 : i32
        %get3A_1277 = arith.index_cast %get3A_1276 : i32 to index
        %get3A_1278 = arith.index_cast %mul3A_1216 : i32 to index
        %get3A_1279 = tpu.vector_load %arg6[%get3A_1277, %get3A_1278] {strides = array<i32>} : memref<128x128xf32, #tpu.memory_space<vmem>>, vector<16xf32>,
        %add3A_1280 = arith.addf %add3A_1275, %get3A_1279 : vector<16xf32>
        %get3A_1281 = arith.constant 13 : i32
        %get3A_1282 = arith.index_cast %get3A_1281 : i32 to index
        %get3A_1283 = arith.index_cast %mul3A_1216 : i32 to index
        %get3A_1284 = tpu.vector_load %arg6[%get3A_1282, %get3A_1283] {strides = array<i32>} : memref<128x128xf32, #tpu.memory_space<vmem>>, vector<16xf32>,
        %add3A_1285 = arith.addf %add3A_1280, %get3A_1284 : vector<16xf32>
        %get3A_1286 = arith.constant 14 : i32
        %get3A_1287 = arith.index_cast %get3A_1286 : i32 to index
        %get3A_1288 = arith.index_cast %mul3A_1216 : i32 to index
        %get3A_1289 = tpu.vector_load %arg6[%get3A_1287, %get3A_1288] {strides = array<i32>} : memref<128x128xf32, #tpu.memory_space<vmem>>, vector<16xf32>,
        %add3A_1290 = arith.addf %add3A_1285, %get3A_1289 : vector<16xf32>
        %get3A_1291 = arith.constant 15 : i32
        %get3A_1292 = arith.index_cast %get3A_1291 : i32 to index
        %get3A_1293 = arith.index_cast %mul3A_1216 : i32 to index
        %get3A_1294 = tpu.vector_load %arg6[%get3A_1292, %get3A_1293] {strides = array<i32>} : memref<128x128xf32, #tpu.memory_space<vmem>>, vector<16xf32>,
        %add3A_1295 = arith.addf %add3A_1290, %get3A_1294 : vector<16xf32>
        %get3A_1296 = arith.constant 16 : i32
        %get3A_1297 = arith.index_cast %get3A_1296 : i32 to index
        %get3A_1298 = arith.index_cast %mul3A_1216 : i32 to index
        %get3A_1299 = tpu.vector_load %arg6[%get3A_1297, %get3A_1298] {strides = array<i32>} : memref<128x128xf32, #tpu.memory_space<vmem>>, vector<16xf32>,
        %add3A_1300 = arith.addf %add3A_1295, %get3A_1299 : vector<16xf32>
        %get3A_1301 = arith.constant 17 : i32
        %get3A_1302 = arith.index_cast %get3A_1301 : i32 to index
        %get3A_1303 = arith.index_cast %mul3A_1216 : i32 to index
        %get3A_1304 = tpu.vector_load %arg6[%get3A_1302, %get3A_1303] {strides = array<i32>} : memref<128x128xf32, #tpu.memory_space<vmem>>, vector<16xf32>,
        %add3A_1305 = arith.addf %add3A_1300, %get3A_1304 : vector<16xf32>
        %get3A_1306 = arith.constant 18 : i32
        %get3A_1307 = arith.index_cast %get3A_1306 : i32 to index
        %get3A_1308 = arith.index_cast %mul3A_1216 : i32 to index
        %get3A_1309 = tpu.vector_load %arg6[%get3A_1307, %get3A_1308] {strides = array<i32>} : memref<128x128xf32, #tpu.memory_space<vmem>>, vector<16xf32>,
        %add3A_1310 = arith.addf %add3A_1305, %get3A_1309 : vector<16xf32>
        %get3A_1311 = arith.constant 19 : i32
        %get3A_1312 = arith.index_cast %get3A_1311 : i32 to index
        %get3A_1313 = arith.index_cast %mul3A_1216 : i32 to index
        %get3A_1314 = tpu.vector_load %arg6[%get3A_1312, %get3A_1313] {strides = array<i32>} : memref<128x128xf32, #tpu.memory_space<vmem>>, vector<16xf32>,
        %add3A_1315 = arith.addf %add3A_1310, %get3A_1314 : vector<16xf32>
        %get3A_1316 = arith.constant 20 : i32
        %get3A_1317 = arith.index_cast %get3A_1316 : i32 to index
        %get3A_1318 = arith.index_cast %mul3A_1216 : i32 to index
        %get3A_1319 = tpu.vector_load %arg6[%get3A_1317, %get3A_1318] {strides = array<i32>} : memref<128x128xf32, #tpu.memory_space<vmem>>, vector<16xf32>,
        %add3A_1320 = arith.addf %add3A_1315, %get3A_1319 : vector<16xf32>
        %get3A_1321 = arith.constant 21 : i32
        %get3A_1322 = arith.index_cast %get3A_1321 : i32 to index
        %get3A_1323 = arith.index_cast %mul3A_1216 : i32 to index
        %get3A_1324 = tpu.vector_load %arg6[%get3A_1322, %get3A_1323] {strides = array<i32>} : memref<128x128xf32, #tpu.memory_space<vmem>>, vector<16xf32>,
        %add3A_1325 = arith.addf %add3A_1320, %get3A_1324 : vector<16xf32>
        %get3A_1326 = arith.constant 22 : i32
        %get3A_1327 = arith.index_cast %get3A_1326 : i32 to index
        %get3A_1328 = arith.index_cast %mul3A_1216 : i32 to index
        %get3A_1329 = tpu.vector_load %arg6[%get3A_1327, %get3A_1328] {strides = array<i32>} : memref<128x128xf32, #tpu.memory_space<vmem>>, vector<16xf32>,
        %add3A_1330 = arith.addf %add3A_1325, %get3A_1329 : vector<16xf32>
        %get3A_1331 = arith.constant 23 : i32
        %get3A_1332 = arith.index_cast %get3A_1331 : i32 to index
        %get3A_1333 = arith.index_cast %mul3A_1216 : i32 to index
        %get3A_1334 = tpu.vector_load %arg6[%get3A_1332, %get3A_1333] {strides = array<i32>} : memref<128x128xf32, #tpu.memory_space<vmem>>, vector<16xf32>,
        %add3A_1335 = arith.addf %add3A_1330, %get3A_1334 : vector<16xf32>
        %get3A_1336 = arith.constant 24 : i32
        %get3A_1337 = arith.index_cast %get3A_1336 : i32 to index
        %get3A_1338 = arith.index_cast %mul3A_1216 : i32 to index
        %get3A_1339 = tpu.vector_load %arg6[%get3A_1337, %get3A_1338] {strides = array<i32>} : memref<128x128xf32, #tpu.memory_space<vmem>>, vector<16xf32>,
        %add3A_1340 = arith.addf %add3A_1335, %get3A_1339 : vector<16xf32>
        %get3A_1341 = arith.constant 25 : i32
        %get3A_1342 = arith.index_cast %get3A_1341 : i32 to index
        %get3A_1343 = arith.index_cast %mul3A_1216 : i32 to index
        %get3A_1344 = tpu.vector_load %arg6[%get3A_1342, %get3A_1343] {strides = array<i32>} : memref<128x128xf32, #tpu.memory_space<vmem>>, vector<16xf32>,
        %add3A_1345 = arith.addf %add3A_1340, %get3A_1344 : vector<16xf32>
        %get3A_1346 = arith.constant 26 : i32
        %get3A_1347 = arith.index_cast %get3A_1346 : i32 to index
        %get3A_1348 = arith.index_cast %mul3A_1216 : i32 to index
        %get3A_1349 = tpu.vector_load %arg6[%get3A_1347, %get3A_1348] {strides = array<i32>} : memref<128x128xf32, #tpu.memory_space<vmem>>, vector<16xf32>,
        %add3A_1350 = arith.addf %add3A_1345, %get3A_1349 : vector<16xf32>
        %get3A_1351 = arith.constant 27 : i32
        %get3A_1352 = arith.index_cast %get3A_1351 : i32 to index
        %get3A_1353 = arith.index_cast %mul3A_1216 : i32 to index
        %get3A_1354 = tpu.vector_load %arg6[%get3A_1352, %get3A_1353] {strides = array<i32>} : memref<128x128xf32, #tpu.memory_space<vmem>>, vector<16xf32>,
        %add3A_1355 = arith.addf %add3A_1350, %get3A_1354 : vector<16xf32>
        %get3A_1356 = arith.constant 28 : i32
        %get3A_1357 = arith.index_cast %get3A_1356 : i32 to index
        %get3A_1358 = arith.index_cast %mul3A_1216 : i32 to index
        %get3A_1359 = tpu.vector_load %arg6[%get3A_1357, %get3A_1358] {strides = array<i32>} : memref<128x128xf32, #tpu.memory_space<vmem>>, vector<16xf32>,
        %add3A_1360 = arith.addf %add3A_1355, %get3A_1359 : vector<16xf32>
        %get3A_1361 = arith.constant 29 : i32
        %get3A_1362 = arith.index_cast %get3A_1361 : i32 to index
        %get3A_1363 = arith.index_cast %mul3A_1216 : i32 to index
        %get3A_1364 = tpu.vector_load %arg6[%get3A_1362, %get3A_1363] {strides = array<i32>} : memref<128x128xf32, #tpu.memory_space<vmem>>, vector<16xf32>,
        %add3A_1365 = arith.addf %add3A_1360, %get3A_1364 : vector<16xf32>
        %get3A_1366 = arith.constant 30 : i32
        %get3A_1367 = arith.index_cast %get3A_1366 : i32 to index
        %get3A_1368 = arith.index_cast %mul3A_1216 : i32 to index
        %get3A_1369 = tpu.vector_load %arg6[%get3A_1367, %get3A_1368] {strides = array<i32>} : memref<128x128xf32, #tpu.memory_space<vmem>>, vector<16xf32>,
        %add3A_1370 = arith.addf %add3A_1365, %get3A_1369 : vector<16xf32>
        %get3A_1371 = arith.constant 31 : i32
        %get3A_1372 = arith.index_cast %get3A_1371 : i32 to index
        %get3A_1373 = arith.index_cast %mul3A_1216 : i32 to index
        %get3A_1374 = tpu.vector_load %arg6[%get3A_1372, %get3A_1373] {strides = array<i32>} : memref<128x128xf32, #tpu.memory_space<vmem>>, vector<16xf32>,
        %add3A_1375 = arith.addf %add3A_1370, %get3A_1374 : vector<16xf32>
        %mul3A_1376 = arith.constant 4 : i32
        %mul3A_1377 = arith.muli %mul3A_1176, %mul3A_1376 : i32
        %add3A_1378 = arith.constant 0 : i32
        %add3A_1379 = arith.addi %mul3A_1377, %add3A_1378 : i32
        %swap3A_1380 = arith.index_cast %add3A_1379 : i32 to index
        %swap3A_1381 = arith.index_cast %mul3A_1216 : i32 to index
        %swap3A_1382 = tpu.vector_load %arg8[%swap3A_1380, %swap3A_1381] {strides = array<i32>} : memref<16x128xf32, #tpu.memory_space<vmem>>, vector<16xf32>,
        tpu.vector_store %arg8[%swap3A_1380, %swap3A_1381], %add3A_1375 {strides = array<i32>} : memref<16x128xf32, #tpu.memory_space<vmem>>, vector<16xf32>,
        %get3A_1383 = arith.constant 32 : i32
        %get3A_1384 = arith.index_cast %get3A_1383 : i32 to index
        %get3A_1385 = arith.index_cast %mul3A_1216 : i32 to index
        %get3A_1386 = tpu.vector_load %arg6[%get3A_1384, %get3A_1385] {strides = array<i32>} : memref<128x128xf32, #tpu.memory_space<vmem>>, vector<16xf32>,
        %get3A_1387 = arith.constant 33 : i32
        %get3A_1388 = arith.index_cast %get3A_1387 : i32 to index
        %get3A_1389 = arith.index_cast %mul3A_1216 : i32 to index
        %get3A_1390 = tpu.vector_load %arg6[%get3A_1388, %get3A_1389] {strides = array<i32>} : memref<128x128xf32, #tpu.memory_space<vmem>>, vector<16xf32>,
        %add3A_1391 = arith.addf %get3A_1386, %get3A_1390 : vector<16xf32>
        %get3A_1392 = arith.constant 34 : i32
        %get3A_1393 = arith.index_cast %get3A_1392 : i32 to index
        %get3A_1394 = arith.index_cast %mul3A_1216 : i32 to index
        %get3A_1395 = tpu.vector_load %arg6[%get3A_1393, %get3A_1394] {strides = array<i32>} : memref<128x128xf32, #tpu.memory_space<vmem>>, vector<16xf32>,
        %add3A_1396 = arith.addf %add3A_1391, %get3A_1395 : vector<16xf32>
        %get3A_1397 = arith.constant 35 : i32
        %get3A_1398 = arith.index_cast %get3A_1397 : i32 to index
        %get3A_1399 = arith.index_cast %mul3A_1216 : i32 to index
        %get3A_1400 = tpu.vector_load %arg6[%get3A_1398, %get3A_1399] {strides = array<i32>} : memref<128x128xf32, #tpu.memory_space<vmem>>, vector<16xf32>,
        %add3A_1401 = arith.addf %add3A_1396, %get3A_1400 : vector<16xf32>
        %get3A_1402 = arith.constant 36 : i32
        %get3A_1403 = arith.index_cast %get3A_1402 : i32 to index
        %get3A_1404 = arith.index_cast %mul3A_1216 : i32 to index
        %get3A_1405 = tpu.vector_load %arg6[%get3A_1403, %get3A_1404] {strides = array<i32>} : memref<128x128xf32, #tpu.memory_space<vmem>>, vector<16xf32>,
        %add3A_1406 = arith.addf %add3A_1401, %get3A_1405 : vector<16xf32>
        %get3A_1407 = arith.constant 37 : i32
        %get3A_1408 = arith.index_cast %get3A_1407 : i32 to index
        %get3A_1409 = arith.index_cast %mul3A_1216 : i32 to index
        %get3A_1410 = tpu.vector_load %arg6[%get3A_1408, %get3A_1409] {strides = array<i32>} : memref<128x128xf32, #tpu.memory_space<vmem>>, vector<16xf32>,
        %add3A_1411 = arith.addf %add3A_1406, %get3A_1410 : vector<16xf32>
        %get3A_1412 = arith.constant 38 : i32
        %get3A_1413 = arith.index_cast %get3A_1412 : i32 to index
        %get3A_1414 = arith.index_cast %mul3A_1216 : i32 to index
        %get3A_1415 = tpu.vector_load %arg6[%get3A_1413, %get3A_1414] {strides = array<i32>} : memref<128x128xf32, #tpu.memory_space<vmem>>, vector<16xf32>,
        %add3A_1416 = arith.addf %add3A_1411, %get3A_1415 : vector<16xf32>
        %get3A_1417 = arith.constant 39 : i32
        %get3A_1418 = arith.index_cast %get3A_1417 : i32 to index
        %get3A_1419 = arith.index_cast %mul3A_1216 : i32 to index
        %get3A_1420 = tpu.vector_load %arg6[%get3A_1418, %get3A_1419] {strides = array<i32>} : memref<128x128xf32, #tpu.memory_space<vmem>>, vector<16xf32>,
        %add3A_1421 = arith.addf %add3A_1416, %get3A_1420 : vector<16xf32>
        %get3A_1422 = arith.constant 40 : i32
        %get3A_1423 = arith.index_cast %get3A_1422 : i32 to index
        %get3A_1424 = arith.index_cast %mul3A_1216 : i32 to index
        %get3A_1425 = tpu.vector_load %arg6[%get3A_1423, %get3A_1424] {strides = array<i32>} : memref<128x128xf32, #tpu.memory_space<vmem>>, vector<16xf32>,
        %add3A_1426 = arith.addf %add3A_1421, %get3A_1425 : vector<16xf32>
        %get3A_1427 = arith.constant 41 : i32
        %get3A_1428 = arith.index_cast %get3A_1427 : i32 to index
        %get3A_1429 = arith.index_cast %mul3A_1216 : i32 to index
        %get3A_1430 = tpu.vector_load %arg6[%get3A_1428, %get3A_1429] {strides = array<i32>} : memref<128x128xf32, #tpu.memory_space<vmem>>, vector<16xf32>,
        %add3A_1431 = arith.addf %add3A_1426, %get3A_1430 : vector<16xf32>
        %get3A_1432 = arith.constant 42 : i32
        %get3A_1433 = arith.index_cast %get3A_1432 : i32 to index
        %get3A_1434 = arith.index_cast %mul3A_1216 : i32 to index
        %get3A_1435 = tpu.vector_load %arg6[%get3A_1433, %get3A_1434] {strides = array<i32>} : memref<128x128xf32, #tpu.memory_space<vmem>>, vector<16xf32>,
        %add3A_1436 = arith.addf %add3A_1431, %get3A_1435 : vector<16xf32>
        %get3A_1437 = arith.constant 43 : i32
        %get3A_1438 = arith.index_cast %get3A_1437 : i32 to index
        %get3A_1439 = arith.index_cast %mul3A_1216 : i32 to index
        %get3A_1440 = tpu.vector_load %arg6[%get3A_1438, %get3A_1439] {strides = array<i32>} : memref<128x128xf32, #tpu.memory_space<vmem>>, vector<16xf32>,
        %add3A_1441 = arith.addf %add3A_1436, %get3A_1440 : vector<16xf32>
        %get3A_1442 = arith.constant 44 : i32
        %get3A_1443 = arith.index_cast %get3A_1442 : i32 to index
        %get3A_1444 = arith.index_cast %mul3A_1216 : i32 to index
        %get3A_1445 = tpu.vector_load %arg6[%get3A_1443, %get3A_1444] {strides = array<i32>} : memref<128x128xf32, #tpu.memory_space<vmem>>, vector<16xf32>,
        %add3A_1446 = arith.addf %add3A_1441, %get3A_1445 : vector<16xf32>
        %get3A_1447 = arith.constant 45 : i32
        %get3A_1448 = arith.index_cast %get3A_1447 : i32 to index
        %get3A_1449 = arith.index_cast %mul3A_1216 : i32 to index
        %get3A_1450 = tpu.vector_load %arg6[%get3A_1448, %get3A_1449] {strides = array<i32>} : memref<128x128xf32, #tpu.memory_space<vmem>>, vector<16xf32>,
        %add3A_1451 = arith.addf %add3A_1446, %get3A_1450 : vector<16xf32>
        %get3A_1452 = arith.constant 46 : i32
        %get3A_1453 = arith.index_cast %get3A_1452 : i32 to index
        %get3A_1454 = arith.index_cast %mul3A_1216 : i32 to index
        %get3A_1455 = tpu.vector_load %arg6[%get3A_1453, %get3A_1454] {strides = array<i32>} : memref<128x128xf32, #tpu.memory_space<vmem>>, vector<16xf32>,
        %add3A_1456 = arith.addf %add3A_1451, %get3A_1455 : vector<16xf32>
        %get3A_1457 = arith.constant 47 : i32
        %get3A_1458 = arith.index_cast %get3A_1457 : i32 to index
        %get3A_1459 = arith.index_cast %mul3A_1216 : i32 to index
        %get3A_1460 = tpu.vector_load %arg6[%get3A_1458, %get3A_1459] {strides = array<i32>} : memref<128x128xf32, #tpu.memory_space<vmem>>, vector<16xf32>,
        %add3A_1461 = arith.addf %add3A_1456, %get3A_1460 : vector<16xf32>
        %get3A_1462 = arith.constant 48 : i32
        %get3A_1463 = arith.index_cast %get3A_1462 : i32 to index
        %get3A_1464 = arith.index_cast %mul3A_1216 : i32 to index
        %get3A_1465 = tpu.vector_load %arg6[%get3A_1463, %get3A_1464] {strides = array<i32>} : memref<128x128xf32, #tpu.memory_space<vmem>>, vector<16xf32>,
        %add3A_1466 = arith.addf %add3A_1461, %get3A_1465 : vector<16xf32>
        %get3A_1467 = arith.constant 49 : i32
        %get3A_1468 = arith.index_cast %get3A_1467 : i32 to index
        %get3A_1469 = arith.index_cast %mul3A_1216 : i32 to index
        %get3A_1470 = tpu.vector_load %arg6[%get3A_1468, %get3A_1469] {strides = array<i32>} : memref<128x128xf32, #tpu.memory_space<vmem>>, vector<16xf32>,
        %add3A_1471 = arith.addf %add3A_1466, %get3A_1470 : vector<16xf32>
        %get3A_1472 = arith.constant 50 : i32
        %get3A_1473 = arith.index_cast %get3A_1472 : i32 to index
        %get3A_1474 = arith.index_cast %mul3A_1216 : i32 to index
        %get3A_1475 = tpu.vector_load %arg6[%get3A_1473, %get3A_1474] {strides = array<i32>} : memref<128x128xf32, #tpu.memory_space<vmem>>, vector<16xf32>,
        %add3A_1476 = arith.addf %add3A_1471, %get3A_1475 : vector<16xf32>
        %get3A_1477 = arith.constant 51 : i32
        %get3A_1478 = arith.index_cast %get3A_1477 : i32 to index
        %get3A_1479 = arith.index_cast %mul3A_1216 : i32 to index
        %get3A_1480 = tpu.vector_load %arg6[%get3A_1478, %get3A_1479] {strides = array<i32>} : memref<128x128xf32, #tpu.memory_space<vmem>>, vector<16xf32>,
        %add3A_1481 = arith.addf %add3A_1476, %get3A_1480 : vector<16xf32>
        %get3A_1482 = arith.constant 52 : i32
        %get3A_1483 = arith.index_cast %get3A_1482 : i32 to index
        %get3A_1484 = arith.index_cast %mul3A_1216 : i32 to index
        %get3A_1485 = tpu.vector_load %arg6[%get3A_1483, %get3A_1484] {strides = array<i32>} : memref<128x128xf32, #tpu.memory_space<vmem>>, vector<16xf32>,
        %add3A_1486 = arith.addf %add3A_1481, %get3A_1485 : vector<16xf32>
        %get3A_1487 = arith.constant 53 : i32
        %get3A_1488 = arith.index_cast %get3A_1487 : i32 to index
        %get3A_1489 = arith.index_cast %mul3A_1216 : i32 to index
        %get3A_1490 = tpu.vector_load %arg6[%get3A_1488, %get3A_1489] {strides = array<i32>} : memref<128x128xf32, #tpu.memory_space<vmem>>, vector<16xf32>,
        %add3A_1491 = arith.addf %add3A_1486, %get3A_1490 : vector<16xf32>
        %get3A_1492 = arith.constant 54 : i32
        %get3A_1493 = arith.index_cast %get3A_1492 : i32 to index
        %get3A_1494 = arith.index_cast %mul3A_1216 : i32 to index
        %get3A_1495 = tpu.vector_load %arg6[%get3A_1493, %get3A_1494] {strides = array<i32>} : memref<128x128xf32, #tpu.memory_space<vmem>>, vector<16xf32>,
        %add3A_1496 = arith.addf %add3A_1491, %get3A_1495 : vector<16xf32>
        %get3A_1497 = arith.constant 55 : i32
        %get3A_1498 = arith.index_cast %get3A_1497 : i32 to index
        %get3A_1499 = arith.index_cast %mul3A_1216 : i32 to index
        %get3A_1500 = tpu.vector_load %arg6[%get3A_1498, %get3A_1499] {strides = array<i32>} : memref<128x128xf32, #tpu.memory_space<vmem>>, vector<16xf32>,
        %add3A_1501 = arith.addf %add3A_1496, %get3A_1500 : vector<16xf32>
        %get3A_1502 = arith.constant 56 : i32
        %get3A_1503 = arith.index_cast %get3A_1502 : i32 to index
        %get3A_1504 = arith.index_cast %mul3A_1216 : i32 to index
        %get3A_1505 = tpu.vector_load %arg6[%get3A_1503, %get3A_1504] {strides = array<i32>} : memref<128x128xf32, #tpu.memory_space<vmem>>, vector<16xf32>,
        %add3A_1506 = arith.addf %add3A_1501, %get3A_1505 : vector<16xf32>
        %get3A_1507 = arith.constant 57 : i32
        %get3A_1508 = arith.index_cast %get3A_1507 : i32 to index
        %get3A_1509 = arith.index_cast %mul3A_1216 : i32 to index
        %get3A_1510 = tpu.vector_load %arg6[%get3A_1508, %get3A_1509] {strides = array<i32>} : memref<128x128xf32, #tpu.memory_space<vmem>>, vector<16xf32>,
        %add3A_1511 = arith.addf %add3A_1506, %get3A_1510 : vector<16xf32>
        %get3A_1512 = arith.constant 58 : i32
        %get3A_1513 = arith.index_cast %get3A_1512 : i32 to index
        %get3A_1514 = arith.index_cast %mul3A_1216 : i32 to index
        %get3A_1515 = tpu.vector_load %arg6[%get3A_1513, %get3A_1514] {strides = array<i32>} : memref<128x128xf32, #tpu.memory_space<vmem>>, vector<16xf32>,
        %add3A_1516 = arith.addf %add3A_1511, %get3A_1515 : vector<16xf32>
        %get3A_1517 = arith.constant 59 : i32
        %get3A_1518 = arith.index_cast %get3A_1517 : i32 to index
        %get3A_1519 = arith.index_cast %mul3A_1216 : i32 to index
        %get3A_1520 = tpu.vector_load %arg6[%get3A_1518, %get3A_1519] {strides = array<i32>} : memref<128x128xf32, #tpu.memory_space<vmem>>, vector<16xf32>,
        %add3A_1521 = arith.addf %add3A_1516, %get3A_1520 : vector<16xf32>
        %get3A_1522 = arith.constant 60 : i32
        %get3A_1523 = arith.index_cast %get3A_1522 : i32 to index
        %get3A_1524 = arith.index_cast %mul3A_1216 : i32 to index
        %get3A_1525 = tpu.vector_load %arg6[%get3A_1523, %get3A_1524] {strides = array<i32>} : memref<128x128xf32, #tpu.memory_space<vmem>>, vector<16xf32>,
        %add3A_1526 = arith.addf %add3A_1521, %get3A_1525 : vector<16xf32>
        %get3A_1527 = arith.constant 61 : i32
        %get3A_1528 = arith.index_cast %get3A_1527 : i32 to index
        %get3A_1529 = arith.index_cast %mul3A_1216 : i32 to index
        %get3A_1530 = tpu.vector_load %arg6[%get3A_1528, %get3A_1529] {strides = array<i32>} : memref<128x128xf32, #tpu.memory_space<vmem>>, vector<16xf32>,
        %add3A_1531 = arith.addf %add3A_1526, %get3A_1530 : vector<16xf32>
        %get3A_1532 = arith.constant 62 : i32
        %get3A_1533 = arith.index_cast %get3A_1532 : i32 to index
        %get3A_1534 = arith.index_cast %mul3A_1216 : i32 to index
        %get3A_1535 = tpu.vector_load %arg6[%get3A_1533, %get3A_1534] {strides = array<i32>} : memref<128x128xf32, #tpu.memory_space<vmem>>, vector<16xf32>,
        %add3A_1536 = arith.addf %add3A_1531, %get3A_1535 : vector<16xf32>
        %get3A_1537 = arith.constant 63 : i32
        %get3A_1538 = arith.index_cast %get3A_1537 : i32 to index
        %get3A_1539 = arith.index_cast %mul3A_1216 : i32 to index
        %get3A_1540 = tpu.vector_load %arg6[%get3A_1538, %get3A_1539] {strides = array<i32>} : memref<128x128xf32, #tpu.memory_space<vmem>>, vector<16xf32>,
        %add3A_1541 = arith.addf %add3A_1536, %get3A_1540 : vector<16xf32>
        %mul3A_1542 = arith.constant 4 : i32
        %mul3A_1543 = arith.muli %mul3A_1176, %mul3A_1542 : i32
        %add3A_1544 = arith.constant 1 : i32
        %add3A_1545 = arith.addi %mul3A_1543, %add3A_1544 : i32
        %swap3A_1546 = arith.index_cast %add3A_1545 : i32 to index
        %swap3A_1547 = arith.index_cast %mul3A_1216 : i32 to index
        %swap3A_1548 = tpu.vector_load %arg8[%swap3A_1546, %swap3A_1547] {strides = array<i32>} : memref<16x128xf32, #tpu.memory_space<vmem>>, vector<16xf32>,
        tpu.vector_store %arg8[%swap3A_1546, %swap3A_1547], %add3A_1541 {strides = array<i32>} : memref<16x128xf32, #tpu.memory_space<vmem>>, vector<16xf32>,
        %get3A_1549 = arith.constant 64 : i32
        %get3A_1550 = arith.index_cast %get3A_1549 : i32 to index
        %get3A_1551 = arith.index_cast %mul3A_1216 : i32 to index
        %get3A_1552 = tpu.vector_load %arg6[%get3A_1550, %get3A_1551] {strides = array<i32>} : memref<128x128xf32, #tpu.memory_space<vmem>>, vector<16xf32>,
        %get3A_1553 = arith.constant 65 : i32
        %get3A_1554 = arith.index_cast %get3A_1553 : i32 to index
        %get3A_1555 = arith.index_cast %mul3A_1216 : i32 to index
        %get3A_1556 = tpu.vector_load %arg6[%get3A_1554, %get3A_1555] {strides = array<i32>} : memref<128x128xf32, #tpu.memory_space<vmem>>, vector<16xf32>,
        %add3A_1557 = arith.addf %get3A_1552, %get3A_1556 : vector<16xf32>
        %get3A_1558 = arith.constant 66 : i32
        %get3A_1559 = arith.index_cast %get3A_1558 : i32 to index
        %get3A_1560 = arith.index_cast %mul3A_1216 : i32 to index
        %get3A_1561 = tpu.vector_load %arg6[%get3A_1559, %get3A_1560] {strides = array<i32>} : memref<128x128xf32, #tpu.memory_space<vmem>>, vector<16xf32>,
        %add3A_1562 = arith.addf %add3A_1557, %get3A_1561 : vector<16xf32>
        %get3A_1563 = arith.constant 67 : i32
        %get3A_1564 = arith.index_cast %get3A_1563 : i32 to index
        %get3A_1565 = arith.index_cast %mul3A_1216 : i32 to index
        %get3A_1566 = tpu.vector_load %arg6[%get3A_1564, %get3A_1565] {strides = array<i32>} : memref<128x128xf32, #tpu.memory_space<vmem>>, vector<16xf32>,
        %add3A_1567 = arith.addf %add3A_1562, %get3A_1566 : vector<16xf32>
        %get3A_1568 = arith.constant 68 : i32
        %get3A_1569 = arith.index_cast %get3A_1568 : i32 to index
        %get3A_1570 = arith.index_cast %mul3A_1216 : i32 to index
        %get3A_1571 = tpu.vector_load %arg6[%get3A_1569, %get3A_1570] {strides = array<i32>} : memref<128x128xf32, #tpu.memory_space<vmem>>, vector<16xf32>,
        %add3A_1572 = arith.addf %add3A_1567, %get3A_1571 : vector<16xf32>
        %get3A_1573 = arith.constant 69 : i32
        %get3A_1574 = arith.index_cast %get3A_1573 : i32 to index
        %get3A_1575 = arith.index_cast %mul3A_1216 : i32 to index
        %get3A_1576 = tpu.vector_load %arg6[%get3A_1574, %get3A_1575] {strides = array<i32>} : memref<128x128xf32, #tpu.memory_space<vmem>>, vector<16xf32>,
        %add3A_1577 = arith.addf %add3A_1572, %get3A_1576 : vector<16xf32>
        %get3A_1578 = arith.constant 70 : i32
        %get3A_1579 = arith.index_cast %get3A_1578 : i32 to index
        %get3A_1580 = arith.index_cast %mul3A_1216 : i32 to index
        %get3A_1581 = tpu.vector_load %arg6[%get3A_1579, %get3A_1580] {strides = array<i32>} : memref<128x128xf32, #tpu.memory_space<vmem>>, vector<16xf32>,
        %add3A_1582 = arith.addf %add3A_1577, %get3A_1581 : vector<16xf32>
        %get3A_1583 = arith.constant 71 : i32
        %get3A_1584 = arith.index_cast %get3A_1583 : i32 to index
        %get3A_1585 = arith.index_cast %mul3A_1216 : i32 to index
        %get3A_1586 = tpu.vector_load %arg6[%get3A_1584, %get3A_1585] {strides = array<i32>} : memref<128x128xf32, #tpu.memory_space<vmem>>, vector<16xf32>,
        %add3A_1587 = arith.addf %add3A_1582, %get3A_1586 : vector<16xf32>
        %get3A_1588 = arith.constant 72 : i32
        %get3A_1589 = arith.index_cast %get3A_1588 : i32 to index
        %get3A_1590 = arith.index_cast %mul3A_1216 : i32 to index
        %get3A_1591 = tpu.vector_load %arg6[%get3A_1589, %get3A_1590] {strides = array<i32>} : memref<128x128xf32, #tpu.memory_space<vmem>>, vector<16xf32>,
        %add3A_1592 = arith.addf %add3A_1587, %get3A_1591 : vector<16xf32>
        %get3A_1593 = arith.constant 73 : i32
        %get3A_1594 = arith.index_cast %get3A_1593 : i32 to index
        %get3A_1595 = arith.index_cast %mul3A_1216 : i32 to index
        %get3A_1596 = tpu.vector_load %arg6[%get3A_1594, %get3A_1595] {strides = array<i32>} : memref<128x128xf32, #tpu.memory_space<vmem>>, vector<16xf32>,
        %add3A_1597 = arith.addf %add3A_1592, %get3A_1596 : vector<16xf32>
        %get3A_1598 = arith.constant 74 : i32
        %get3A_1599 = arith.index_cast %get3A_1598 : i32 to index
        %get3A_1600 = arith.index_cast %mul3A_1216 : i32 to index
        %get3A_1601 = tpu.vector_load %arg6[%get3A_1599, %get3A_1600] {strides = array<i32>} : memref<128x128xf32, #tpu.memory_space<vmem>>, vector<16xf32>,
        %add3A_1602 = arith.addf %add3A_1597, %get3A_1601 : vector<16xf32>
        %get3A_1603 = arith.constant 75 : i32
        %get3A_1604 = arith.index_cast %get3A_1603 : i32 to index
        %get3A_1605 = arith.index_cast %mul3A_1216 : i32 to index
        %get3A_1606 = tpu.vector_load %arg6[%get3A_1604, %get3A_1605] {strides = array<i32>} : memref<128x128xf32, #tpu.memory_space<vmem>>, vector<16xf32>,
        %add3A_1607 = arith.addf %add3A_1602, %get3A_1606 : vector<16xf32>
        %get3A_1608 = arith.constant 76 : i32
        %get3A_1609 = arith.index_cast %get3A_1608 : i32 to index
        %get3A_1610 = arith.index_cast %mul3A_1216 : i32 to index
        %get3A_1611 = tpu.vector_load %arg6[%get3A_1609, %get3A_1610] {strides = array<i32>} : memref<128x128xf32, #tpu.memory_space<vmem>>, vector<16xf32>,
        %add3A_1612 = arith.addf %add3A_1607, %get3A_1611 : vector<16xf32>
        %get3A_1613 = arith.constant 77 : i32
        %get3A_1614 = arith.index_cast %get3A_1613 : i32 to index
        %get3A_1615 = arith.index_cast %mul3A_1216 : i32 to index
        %get3A_1616 = tpu.vector_load %arg6[%get3A_1614, %get3A_1615] {strides = array<i32>} : memref<128x128xf32, #tpu.memory_space<vmem>>, vector<16xf32>,
        %add3A_1617 = arith.addf %add3A_1612, %get3A_1616 : vector<16xf32>
        %get3A_1618 = arith.constant 78 : i32
        %get3A_1619 = arith.index_cast %get3A_1618 : i32 to index
        %get3A_1620 = arith.index_cast %mul3A_1216 : i32 to index
        %get3A_1621 = tpu.vector_load %arg6[%get3A_1619, %get3A_1620] {strides = array<i32>} : memref<128x128xf32, #tpu.memory_space<vmem>>, vector<16xf32>,
        %add3A_1622 = arith.addf %add3A_1617, %get3A_1621 : vector<16xf32>
        %get3A_1623 = arith.constant 79 : i32
        %get3A_1624 = arith.index_cast %get3A_1623 : i32 to index
        %get3A_1625 = arith.index_cast %mul3A_1216 : i32 to index
        %get3A_1626 = tpu.vector_load %arg6[%get3A_1624, %get3A_1625] {strides = array<i32>} : memref<128x128xf32, #tpu.memory_space<vmem>>, vector<16xf32>,
        %add3A_1627 = arith.addf %add3A_1622, %get3A_1626 : vector<16xf32>
        %get3A_1628 = arith.constant 80 : i32
        %get3A_1629 = arith.index_cast %get3A_1628 : i32 to index
        %get3A_1630 = arith.index_cast %mul3A_1216 : i32 to index
        %get3A_1631 = tpu.vector_load %arg6[%get3A_1629, %get3A_1630] {strides = array<i32>} : memref<128x128xf32, #tpu.memory_space<vmem>>, vector<16xf32>,
        %add3A_1632 = arith.addf %add3A_1627, %get3A_1631 : vector<16xf32>
        %get3A_1633 = arith.constant 81 : i32
        %get3A_1634 = arith.index_cast %get3A_1633 : i32 to index
        %get3A_1635 = arith.index_cast %mul3A_1216 : i32 to index
        %get3A_1636 = tpu.vector_load %arg6[%get3A_1634, %get3A_1635] {strides = array<i32>} : memref<128x128xf32, #tpu.memory_space<vmem>>, vector<16xf32>,
        %add3A_1637 = arith.addf %add3A_1632, %get3A_1636 : vector<16xf32>
        %get3A_1638 = arith.constant 82 : i32
        %get3A_1639 = arith.index_cast %get3A_1638 : i32 to index
        %get3A_1640 = arith.index_cast %mul3A_1216 : i32 to index
        %get3A_1641 = tpu.vector_load %arg6[%get3A_1639, %get3A_1640] {strides = array<i32>} : memref<128x128xf32, #tpu.memory_space<vmem>>, vector<16xf32>,
        %add3A_1642 = arith.addf %add3A_1637, %get3A_1641 : vector<16xf32>
        %get3A_1643 = arith.constant 83 : i32
        %get3A_1644 = arith.index_cast %get3A_1643 : i32 to index
        %get3A_1645 = arith.index_cast %mul3A_1216 : i32 to index
        %get3A_1646 = tpu.vector_load %arg6[%get3A_1644, %get3A_1645] {strides = array<i32>} : memref<128x128xf32, #tpu.memory_space<vmem>>, vector<16xf32>,
        %add3A_1647 = arith.addf %add3A_1642, %get3A_1646 : vector<16xf32>
        %get3A_1648 = arith.constant 84 : i32
        %get3A_1649 = arith.index_cast %get3A_1648 : i32 to index
        %get3A_1650 = arith.index_cast %mul3A_1216 : i32 to index
        %get3A_1651 = tpu.vector_load %arg6[%get3A_1649, %get3A_1650] {strides = array<i32>} : memref<128x128xf32, #tpu.memory_space<vmem>>, vector<16xf32>,
        %add3A_1652 = arith.addf %add3A_1647, %get3A_1651 : vector<16xf32>
        %get3A_1653 = arith.constant 85 : i32
        %get3A_1654 = arith.index_cast %get3A_1653 : i32 to index
        %get3A_1655 = arith.index_cast %mul3A_1216 : i32 to index
        %get3A_1656 = tpu.vector_load %arg6[%get3A_1654, %get3A_1655] {strides = array<i32>} : memref<128x128xf32, #tpu.memory_space<vmem>>, vector<16xf32>,
        %add3A_1657 = arith.addf %add3A_1652, %get3A_1656 : vector<16xf32>
        %get3A_1658 = arith.constant 86 : i32
        %get3A_1659 = arith.index_cast %get3A_1658 : i32 to index
        %get3A_1660 = arith.index_cast %mul3A_1216 : i32 to index
        %get3A_1661 = tpu.vector_load %arg6[%get3A_1659, %get3A_1660] {strides = array<i32>} : memref<128x128xf32, #tpu.memory_space<vmem>>, vector<16xf32>,
        %add3A_1662 = arith.addf %add3A_1657, %get3A_1661 : vector<16xf32>
        %get3A_1663 = arith.constant 87 : i32
        %get3A_1664 = arith.index_cast %get3A_1663 : i32 to index
        %get3A_1665 = arith.index_cast %mul3A_1216 : i32 to index
        %get3A_1666 = tpu.vector_load %arg6[%get3A_1664, %get3A_1665] {strides = array<i32>} : memref<128x128xf32, #tpu.memory_space<vmem>>, vector<16xf32>,
        %add3A_1667 = arith.addf %add3A_1662, %get3A_1666 : vector<16xf32>
        %get3A_1668 = arith.constant 88 : i32
        %get3A_1669 = arith.index_cast %get3A_1668 : i32 to index
        %get3A_1670 = arith.index_cast %mul3A_1216 : i32 to index
        %get3A_1671 = tpu.vector_load %arg6[%get3A_1669, %get3A_1670] {strides = array<i32>} : memref<128x128xf32, #tpu.memory_space<vmem>>, vector<16xf32>,
        %add3A_1672 = arith.addf %add3A_1667, %get3A_1671 : vector<16xf32>
        %get3A_1673 = arith.constant 89 : i32
        %get3A_1674 = arith.index_cast %get3A_1673 : i32 to index
        %get3A_1675 = arith.index_cast %mul3A_1216 : i32 to index
        %get3A_1676 = tpu.vector_load %arg6[%get3A_1674, %get3A_1675] {strides = array<i32>} : memref<128x128xf32, #tpu.memory_space<vmem>>, vector<16xf32>,
        %add3A_1677 = arith.addf %add3A_1672, %get3A_1676 : vector<16xf32>
        %get3A_1678 = arith.constant 90 : i32
        %get3A_1679 = arith.index_cast %get3A_1678 : i32 to index
        %get3A_1680 = arith.index_cast %mul3A_1216 : i32 to index
        %get3A_1681 = tpu.vector_load %arg6[%get3A_1679, %get3A_1680] {strides = array<i32>} : memref<128x128xf32, #tpu.memory_space<vmem>>, vector<16xf32>,
        %add3A_1682 = arith.addf %add3A_1677, %get3A_1681 : vector<16xf32>
        %get3A_1683 = arith.constant 91 : i32
        %get3A_1684 = arith.index_cast %get3A_1683 : i32 to index
        %get3A_1685 = arith.index_cast %mul3A_1216 : i32 to index
        %get3A_1686 = tpu.vector_load %arg6[%get3A_1684, %get3A_1685] {strides = array<i32>} : memref<128x128xf32, #tpu.memory_space<vmem>>, vector<16xf32>,
        %add3A_1687 = arith.addf %add3A_1682, %get3A_1686 : vector<16xf32>
        %get3A_1688 = arith.constant 92 : i32
        %get3A_1689 = arith.index_cast %get3A_1688 : i32 to index
        %get3A_1690 = arith.index_cast %mul3A_1216 : i32 to index
        %get3A_1691 = tpu.vector_load %arg6[%get3A_1689, %get3A_1690] {strides = array<i32>} : memref<128x128xf32, #tpu.memory_space<vmem>>, vector<16xf32>,
        %add3A_1692 = arith.addf %add3A_1687, %get3A_1691 : vector<16xf32>
        %get3A_1693 = arith.constant 93 : i32
        %get3A_1694 = arith.index_cast %get3A_1693 : i32 to index
        %get3A_1695 = arith.index_cast %mul3A_1216 : i32 to index
        %get3A_1696 = tpu.vector_load %arg6[%get3A_1694, %get3A_1695] {strides = array<i32>} : memref<128x128xf32, #tpu.memory_space<vmem>>, vector<16xf32>,
        %add3A_1697 = arith.addf %add3A_1692, %get3A_1696 : vector<16xf32>
        %get3A_1698 = arith.constant 94 : i32
        %get3A_1699 = arith.index_cast %get3A_1698 : i32 to index
        %get3A_1700 = arith.index_cast %mul3A_1216 : i32 to index
        %get3A_1701 = tpu.vector_load %arg6[%get3A_1699, %get3A_1700] {strides = array<i32>} : memref<128x128xf32, #tpu.memory_space<vmem>>, vector<16xf32>,
        %add3A_1702 = arith.addf %add3A_1697, %get3A_1701 : vector<16xf32>
        %get3A_1703 = arith.constant 95 : i32
        %get3A_1704 = arith.index_cast %get3A_1703 : i32 to index
        %get3A_1705 = arith.index_cast %mul3A_1216 : i32 to index
        %get3A_1706 = tpu.vector_load %arg6[%get3A_1704, %get3A_1705] {strides = array<i32>} : memref<128x128xf32, #tpu.memory_space<vmem>>, vector<16xf32>,
        %add3A_1707 = arith.addf %add3A_1702, %get3A_1706 : vector<16xf32>
        %mul3A_1708 = arith.constant 4 : i32
        %mul3A_1709 = arith.muli %mul3A_1176, %mul3A_1708 : i32
        %add3A_1710 = arith.constant 2 : i32
        %add3A_1711 = arith.addi %mul3A_1709, %add3A_1710 : i32
        %swap3A_1712 = arith.index_cast %add3A_1711 : i32 to index
        %swap3A_1713 = arith.index_cast %mul3A_1216 : i32 to index
        %swap3A_1714 = tpu.vector_load %arg8[%swap3A_1712, %swap3A_1713] {strides = array<i32>} : memref<16x128xf32, #tpu.memory_space<vmem>>, vector<16xf32>,
        tpu.vector_store %arg8[%swap3A_1712, %swap3A_1713], %add3A_1707 {strides = array<i32>} : memref<16x128xf32, #tpu.memory_space<vmem>>, vector<16xf32>,
        %get3A_1715 = arith.constant 96 : i32
        %get3A_1716 = arith.index_cast %get3A_1715 : i32 to index
        %get3A_1717 = arith.index_cast %mul3A_1216 : i32 to index
        %get3A_1718 = tpu.vector_load %arg6[%get3A_1716, %get3A_1717] {strides = array<i32>} : memref<128x128xf32, #tpu.memory_space<vmem>>, vector<16xf32>,
        %get3A_1719 = arith.constant 97 : i32
        %get3A_1720 = arith.index_cast %get3A_1719 : i32 to index
        %get3A_1721 = arith.index_cast %mul3A_1216 : i32 to index
        %get3A_1722 = tpu.vector_load %arg6[%get3A_1720, %get3A_1721] {strides = array<i32>} : memref<128x128xf32, #tpu.memory_space<vmem>>, vector<16xf32>,
        %add3A_1723 = arith.addf %get3A_1718, %get3A_1722 : vector<16xf32>
        %get3A_1724 = arith.constant 98 : i32
        %get3A_1725 = arith.index_cast %get3A_1724 : i32 to index
        %get3A_1726 = arith.index_cast %mul3A_1216 : i32 to index
        %get3A_1727 = tpu.vector_load %arg6[%get3A_1725, %get3A_1726] {strides = array<i32>} : memref<128x128xf32, #tpu.memory_space<vmem>>, vector<16xf32>,
        %add3A_1728 = arith.addf %add3A_1723, %get3A_1727 : vector<16xf32>
        %get3A_1729 = arith.constant 99 : i32
        %get3A_1730 = arith.index_cast %get3A_1729 : i32 to index
        %get3A_1731 = arith.index_cast %mul3A_1216 : i32 to index
        %get3A_1732 = tpu.vector_load %arg6[%get3A_1730, %get3A_1731] {strides = array<i32>} : memref<128x128xf32, #tpu.memory_space<vmem>>, vector<16xf32>,
        %add3A_1733 = arith.addf %add3A_1728, %get3A_1732 : vector<16xf32>
        %get3A_1734 = arith.constant 100 : i32
        %get3A_1735 = arith.index_cast %get3A_1734 : i32 to index
        %get3A_1736 = arith.index_cast %mul3A_1216 : i32 to index
        %get3A_1737 = tpu.vector_load %arg6[%get3A_1735, %get3A_1736] {strides = array<i32>} : memref<128x128xf32, #tpu.memory_space<vmem>>, vector<16xf32>,
        %add3A_1738 = arith.addf %add3A_1733, %get3A_1737 : vector<16xf32>
        %get3A_1739 = arith.constant 101 : i32
        %get3A_1740 = arith.index_cast %get3A_1739 : i32 to index
        %get3A_1741 = arith.index_cast %mul3A_1216 : i32 to index
        %get3A_1742 = tpu.vector_load %arg6[%get3A_1740, %get3A_1741] {strides = array<i32>} : memref<128x128xf32, #tpu.memory_space<vmem>>, vector<16xf32>,
        %add3A_1743 = arith.addf %add3A_1738, %get3A_1742 : vector<16xf32>
        %get3A_1744 = arith.constant 102 : i32
        %get3A_1745 = arith.index_cast %get3A_1744 : i32 to index
        %get3A_1746 = arith.index_cast %mul3A_1216 : i32 to index
        %get3A_1747 = tpu.vector_load %arg6[%get3A_1745, %get3A_1746] {strides = array<i32>} : memref<128x128xf32, #tpu.memory_space<vmem>>, vector<16xf32>,
        %add3A_1748 = arith.addf %add3A_1743, %get3A_1747 : vector<16xf32>
        %get3A_1749 = arith.constant 103 : i32
        %get3A_1750 = arith.index_cast %get3A_1749 : i32 to index
        %get3A_1751 = arith.index_cast %mul3A_1216 : i32 to index
        %get3A_1752 = tpu.vector_load %arg6[%get3A_1750, %get3A_1751] {strides = array<i32>} : memref<128x128xf32, #tpu.memory_space<vmem>>, vector<16xf32>,
        %add3A_1753 = arith.addf %add3A_1748, %get3A_1752 : vector<16xf32>
        %get3A_1754 = arith.constant 104 : i32
        %get3A_1755 = arith.index_cast %get3A_1754 : i32 to index
        %get3A_1756 = arith.index_cast %mul3A_1216 : i32 to index
        %get3A_1757 = tpu.vector_load %arg6[%get3A_1755, %get3A_1756] {strides = array<i32>} : memref<128x128xf32, #tpu.memory_space<vmem>>, vector<16xf32>,
        %add3A_1758 = arith.addf %add3A_1753, %get3A_1757 : vector<16xf32>
        %get3A_1759 = arith.constant 105 : i32
        %get3A_1760 = arith.index_cast %get3A_1759 : i32 to index
        %get3A_1761 = arith.index_cast %mul3A_1216 : i32 to index
        %get3A_1762 = tpu.vector_load %arg6[%get3A_1760, %get3A_1761] {strides = array<i32>} : memref<128x128xf32, #tpu.memory_space<vmem>>, vector<16xf32>,
        %add3A_1763 = arith.addf %add3A_1758, %get3A_1762 : vector<16xf32>
        %get3A_1764 = arith.constant 106 : i32
        %get3A_1765 = arith.index_cast %get3A_1764 : i32 to index
        %get3A_1766 = arith.index_cast %mul3A_1216 : i32 to index
        %get3A_1767 = tpu.vector_load %arg6[%get3A_1765, %get3A_1766] {strides = array<i32>} : memref<128x128xf32, #tpu.memory_space<vmem>>, vector<16xf32>,
        %add3A_1768 = arith.addf %add3A_1763, %get3A_1767 : vector<16xf32>
        %get3A_1769 = arith.constant 107 : i32
        %get3A_1770 = arith.index_cast %get3A_1769 : i32 to index
        %get3A_1771 = arith.index_cast %mul3A_1216 : i32 to index
        %get3A_1772 = tpu.vector_load %arg6[%get3A_1770, %get3A_1771] {strides = array<i32>} : memref<128x128xf32, #tpu.memory_space<vmem>>, vector<16xf32>,
        %add3A_1773 = arith.addf %add3A_1768, %get3A_1772 : vector<16xf32>
        %get3A_1774 = arith.constant 108 : i32
        %get3A_1775 = arith.index_cast %get3A_1774 : i32 to index
        %get3A_1776 = arith.index_cast %mul3A_1216 : i32 to index
        %get3A_1777 = tpu.vector_load %arg6[%get3A_1775, %get3A_1776] {strides = array<i32>} : memref<128x128xf32, #tpu.memory_space<vmem>>, vector<16xf32>,
        %add3A_1778 = arith.addf %add3A_1773, %get3A_1777 : vector<16xf32>
        %get3A_1779 = arith.constant 109 : i32
        %get3A_1780 = arith.index_cast %get3A_1779 : i32 to index
        %get3A_1781 = arith.index_cast %mul3A_1216 : i32 to index
        %get3A_1782 = tpu.vector_load %arg6[%get3A_1780, %get3A_1781] {strides = array<i32>} : memref<128x128xf32, #tpu.memory_space<vmem>>, vector<16xf32>,
        %add3A_1783 = arith.addf %add3A_1778, %get3A_1782 : vector<16xf32>
        %get3A_1784 = arith.constant 110 : i32
        %get3A_1785 = arith.index_cast %get3A_1784 : i32 to index
        %get3A_1786 = arith.index_cast %mul3A_1216 : i32 to index
        %get3A_1787 = tpu.vector_load %arg6[%get3A_1785, %get3A_1786] {strides = array<i32>} : memref<128x128xf32, #tpu.memory_space<vmem>>, vector<16xf32>,
        %add3A_1788 = arith.addf %add3A_1783, %get3A_1787 : vector<16xf32>
        %get3A_1789 = arith.constant 111 : i32
        %get3A_1790 = arith.index_cast %get3A_1789 : i32 to index
        %get3A_1791 = arith.index_cast %mul3A_1216 : i32 to index
        %get3A_1792 = tpu.vector_load %arg6[%get3A_1790, %get3A_1791] {strides = array<i32>} : memref<128x128xf32, #tpu.memory_space<vmem>>, vector<16xf32>,
        %add3A_1793 = arith.addf %add3A_1788, %get3A_1792 : vector<16xf32>
        %get3A_1794 = arith.constant 112 : i32
        %get3A_1795 = arith.index_cast %get3A_1794 : i32 to index
        %get3A_1796 = arith.index_cast %mul3A_1216 : i32 to index
        %get3A_1797 = tpu.vector_load %arg6[%get3A_1795, %get3A_1796] {strides = array<i32>} : memref<128x128xf32, #tpu.memory_space<vmem>>, vector<16xf32>,
        %add3A_1798 = arith.addf %add3A_1793, %get3A_1797 : vector<16xf32>
        %get3A_1799 = arith.constant 113 : i32
        %get3A_1800 = arith.index_cast %get3A_1799 : i32 to index
        %get3A_1801 = arith.index_cast %mul3A_1216 : i32 to index
        %get3A_1802 = tpu.vector_load %arg6[%get3A_1800, %get3A_1801] {strides = array<i32>} : memref<128x128xf32, #tpu.memory_space<vmem>>, vector<16xf32>,
        %add3A_1803 = arith.addf %add3A_1798, %get3A_1802 : vector<16xf32>
        %get3A_1804 = arith.constant 114 : i32
        %get3A_1805 = arith.index_cast %get3A_1804 : i32 to index
        %get3A_1806 = arith.index_cast %mul3A_1216 : i32 to index
        %get3A_1807 = tpu.vector_load %arg6[%get3A_1805, %get3A_1806] {strides = array<i32>} : memref<128x128xf32, #tpu.memory_space<vmem>>, vector<16xf32>,
        %add3A_1808 = arith.addf %add3A_1803, %get3A_1807 : vector<16xf32>
        %get3A_1809 = arith.constant 115 : i32
        %get3A_1810 = arith.index_cast %get3A_1809 : i32 to index
        %get3A_1811 = arith.index_cast %mul3A_1216 : i32 to index
        %get3A_1812 = tpu.vector_load %arg6[%get3A_1810, %get3A_1811] {strides = array<i32>} : memref<128x128xf32, #tpu.memory_space<vmem>>, vector<16xf32>,
        %add3A_1813 = arith.addf %add3A_1808, %get3A_1812 : vector<16xf32>
        %get3A_1814 = arith.constant 116 : i32
        %get3A_1815 = arith.index_cast %get3A_1814 : i32 to index
        %get3A_1816 = arith.index_cast %mul3A_1216 : i32 to index
        %get3A_1817 = tpu.vector_load %arg6[%get3A_1815, %get3A_1816] {strides = array<i32>} : memref<128x128xf32, #tpu.memory_space<vmem>>, vector<16xf32>,
        %add3A_1818 = arith.addf %add3A_1813, %get3A_1817 : vector<16xf32>
        %get3A_1819 = arith.constant 117 : i32
        %get3A_1820 = arith.index_cast %get3A_1819 : i32 to index
        %get3A_1821 = arith.index_cast %mul3A_1216 : i32 to index
        %get3A_1822 = tpu.vector_load %arg6[%get3A_1820, %get3A_1821] {strides = array<i32>} : memref<128x128xf32, #tpu.memory_space<vmem>>, vector<16xf32>,
        %add3A_1823 = arith.addf %add3A_1818, %get3A_1822 : vector<16xf32>
        %get3A_1824 = arith.constant 118 : i32
        %get3A_1825 = arith.index_cast %get3A_1824 : i32 to index
        %get3A_1826 = arith.index_cast %mul3A_1216 : i32 to index
        %get3A_1827 = tpu.vector_load %arg6[%get3A_1825, %get3A_1826] {strides = array<i32>} : memref<128x128xf32, #tpu.memory_space<vmem>>, vector<16xf32>,
        %add3A_1828 = arith.addf %add3A_1823, %get3A_1827 : vector<16xf32>
        %get3A_1829 = arith.constant 119 : i32
        %get3A_1830 = arith.index_cast %get3A_1829 : i32 to index
        %get3A_1831 = arith.index_cast %mul3A_1216 : i32 to index
        %get3A_1832 = tpu.vector_load %arg6[%get3A_1830, %get3A_1831] {strides = array<i32>} : memref<128x128xf32, #tpu.memory_space<vmem>>, vector<16xf32>,
        %add3A_1833 = arith.addf %add3A_1828, %get3A_1832 : vector<16xf32>
        %get3A_1834 = arith.constant 120 : i32
        %get3A_1835 = arith.index_cast %get3A_1834 : i32 to index
        %get3A_1836 = arith.index_cast %mul3A_1216 : i32 to index
        %get3A_1837 = tpu.vector_load %arg6[%get3A_1835, %get3A_1836] {strides = array<i32>} : memref<128x128xf32, #tpu.memory_space<vmem>>, vector<16xf32>,
        %add3A_1838 = arith.addf %add3A_1833, %get3A_1837 : vector<16xf32>
        %get3A_1839 = arith.constant 121 : i32
        %get3A_1840 = arith.index_cast %get3A_1839 : i32 to index
        %get3A_1841 = arith.index_cast %mul3A_1216 : i32 to index
        %get3A_1842 = tpu.vector_load %arg6[%get3A_1840, %get3A_1841] {strides = array<i32>} : memref<128x128xf32, #tpu.memory_space<vmem>>, vector<16xf32>,
        %add3A_1843 = arith.addf %add3A_1838, %get3A_1842 : vector<16xf32>
        %get3A_1844 = arith.constant 122 : i32
        %get3A_1845 = arith.index_cast %get3A_1844 : i32 to index
        %get3A_1846 = arith.index_cast %mul3A_1216 : i32 to index
        %get3A_1847 = tpu.vector_load %arg6[%get3A_1845, %get3A_1846] {strides = array<i32>} : memref<128x128xf32, #tpu.memory_space<vmem>>, vector<16xf32>,
        %add3A_1848 = arith.addf %add3A_1843, %get3A_1847 : vector<16xf32>
        %get3A_1849 = arith.constant 123 : i32
        %get3A_1850 = arith.index_cast %get3A_1849 : i32 to index
        %get3A_1851 = arith.index_cast %mul3A_1216 : i32 to index
        %get3A_1852 = tpu.vector_load %arg6[%get3A_1850, %get3A_1851] {strides = array<i32>} : memref<128x128xf32, #tpu.memory_space<vmem>>, vector<16xf32>,
        %add3A_1853 = arith.addf %add3A_1848, %get3A_1852 : vector<16xf32>
        %get3A_1854 = arith.constant 124 : i32
        %get3A_1855 = arith.index_cast %get3A_1854 : i32 to index
        %get3A_1856 = arith.index_cast %mul3A_1216 : i32 to index
        %get3A_1857 = tpu.vector_load %arg6[%get3A_1855, %get3A_1856] {strides = array<i32>} : memref<128x128xf32, #tpu.memory_space<vmem>>, vector<16xf32>,
        %add3A_1858 = arith.addf %add3A_1853, %get3A_1857 : vector<16xf32>
        %get3A_1859 = arith.constant 125 : i32
        %get3A_1860 = arith.index_cast %get3A_1859 : i32 to index
        %get3A_1861 = arith.index_cast %mul3A_1216 : i32 to index
        %get3A_1862 = tpu.vector_load %arg6[%get3A_1860, %get3A_1861] {strides = array<i32>} : memref<128x128xf32, #tpu.memory_space<vmem>>, vector<16xf32>,
        %add3A_1863 = arith.addf %add3A_1858, %get3A_1862 : vector<16xf32>
        %get3A_1864 = arith.constant 126 : i32
        %get3A_1865 = arith.index_cast %get3A_1864 : i32 to index
        %get3A_1866 = arith.index_cast %mul3A_1216 : i32 to index
        %get3A_1867 = tpu.vector_load %arg6[%get3A_1865, %get3A_1866] {strides = array<i32>} : memref<128x128xf32, #tpu.memory_space<vmem>>, vector<16xf32>,
        %add3A_1868 = arith.addf %add3A_1863, %get3A_1867 : vector<16xf32>
        %get3A_1869 = arith.constant 127 : i32
        %get3A_1870 = arith.index_cast %get3A_1869 : i32 to index
        %get3A_1871 = arith.index_cast %mul3A_1216 : i32 to index
        %get3A_1872 = tpu.vector_load %arg6[%get3A_1870, %get3A_1871] {strides = array<i32>} : memref<128x128xf32, #tpu.memory_space<vmem>>, vector<16xf32>,
        %add3A_1873 = arith.addf %add3A_1868, %get3A_1872 : vector<16xf32>
        %mul3A_1874 = arith.constant 4 : i32
        %mul3A_1875 = arith.muli %mul3A_1176, %mul3A_1874 : i32
        %add3A_1876 = arith.constant 3 : i32
        %add3A_1877 = arith.addi %mul3A_1875, %add3A_1876 : i32
        %swap3A_1878 = arith.index_cast %add3A_1877 : i32 to index
        %swap3A_1879 = arith.index_cast %mul3A_1216 : i32 to index
        %swap3A_1880 = tpu.vector_load %arg8[%swap3A_1878, %swap3A_1879] {strides = array<i32>} : memref<16x128xf32, #tpu.memory_space<vmem>>, vector<16xf32>,
        tpu.vector_store %arg8[%swap3A_1878, %swap3A_1879], %add3A_1873 {strides = array<i32>} : memref<16x128xf32, #tpu.memory_space<vmem>>, vector<16xf32>,
      }
      %scan3A_1193 = arith.constant 8 : i32
      %dma_wait3A_1194 = arith.constant 0 : i32
      %dma_wait3A_1195 = tpu.memref_slice %arg5[%dma_wait3A_1194] : memref<512xi32, #tpu.memory_space<vmem>> -> memref<128xi32, #tpu.memory_space<vmem>>
      %dma_wait3A_1196 = arith.constant 0 : i32
      %dma_wait3A_1197 = tpu.memref_slice %arg2[%dma_wait3A_1196, %add3A_1] : memref<15504x1024xf32, #tpu.memory_space<hbm>> -> memref<15504x128xf32, #tpu.memory_space<hbm>>
      tpu.wait_indirect_dma semaphore(%arg12 : memref<!tpu.dma_semaphore, #tpu.memory_space<semaphore_mem>>) src(%dma_wait3A_1197 : memref<15504x128xf32, #tpu.memory_space<hbm>>) dst(%arg7 : memref<128x128xf32, #tpu.memory_space<vmem>>)
      %add3A_1198 = arith.constant 2 : i32
      %add3A_1199 = arith.addi %mul3A_1176, %add3A_1198 : i32
      %mul3A_1200 = arith.constant 128 : i32
      %mul3A_1201 = arith.muli %add3A_1199, %mul3A_1200 : i32
      %min3A = arith.constant 384 : i32
      %min3A_1202 = arith.minsi %mul3A_1201, %min3A : i32
      %dma_start3A_1203 = tpu.memref_slice %arg5[%min3A_1202] : memref<512xi32, #tpu.memory_space<vmem>> -> memref<128xi32, #tpu.memory_space<vmem>>
      %dma_start3A_1204 = arith.constant 0 : i32
      %dma_start3A_1205 = tpu.memref_slice %arg2[%dma_start3A_1204, %add3A_1] : memref<15504x1024xf32, #tpu.memory_space<hbm>> -> memref<15504x128xf32, #tpu.memory_space<hbm>>
      tpu.enqueue_indirect_dma source(%dma_start3A_1205 : memref<15504x128xf32, #tpu.memory_space<hbm>>) target(%arg6 : memref<128x128xf32, #tpu.memory_space<vmem>>) offsets(%dma_start3A_1203 : memref<128xi32, #tpu.memory_space<vmem>>) semaphore(%arg11 : memref<!tpu.dma_semaphore, #tpu.memory_space<semaphore_mem>>)
      %add3A_1206 = arith.constant 1 : i32
      %add3A_1207 = arith.addi %mul3A_1176, %add3A_1206 : i32
      %scan3A_1208 = arith.constant 0 : i32
      %scan3A_1209 = arith.constant 0 : i32
      %scan3A_1210 = arith.constant 8 : i32
      %scan3A_1211 = arith.addi %scan3A_1209, %scan3A_1210 : i32
      %scan3A_1212 = arith.constant 1 : i32
      scf.for %scan3A_1214 = %scan3A_1209 to %scan3A_1211 step %scan3A_1212  : i32 {
        %mul3A_1215 = arith.constant 16 : i32
        %mul3A_1216 = arith.muli %scan3A_1214, %mul3A_1215 : i32
        %get3A_1217 = arith.constant 0 : i32
        %get3A_1218 = arith.index_cast %get3A_1217 : i32 to index
        %get3A_1219 = arith.index_cast %mul3A_1216 : i32 to index
        %get3A_1220 = tpu.vector_load %arg7[%get3A_1218, %get3A_1219] {strides = array<i32>} : memref<128x128xf32, #tpu.memory_space<vmem>>, vector<16xf32>,
        %get3A_1221 = arith.constant 1 : i32
        %get3A_1222 = arith.index_cast %get3A_1221 : i32 to index
        %get3A_1223 = arith.index_cast %mul3A_1216 : i32 to index
        %get3A_1224 = tpu.vector_load %arg7[%get3A_1222, %get3A_1223] {strides = array<i32>} : memref<128x128xf32, #tpu.memory_space<vmem>>, vector<16xf32>,
        %add3A_1225 = arith.addf %get3A_1220, %get3A_1224 : vector<16xf32>
        %get3A_1226 = arith.constant 2 : i32
        %get3A_1227 = arith.index_cast %get3A_1226 : i32 to index
        %get3A_1228 = arith.index_cast %mul3A_1216 : i32 to index
        %get3A_1229 = tpu.vector_load %arg7[%get3A_1227, %get3A_1228] {strides = array<i32>} : memref<128x128xf32, #tpu.memory_space<vmem>>, vector<16xf32>,
        %add3A_1230 = arith.addf %add3A_1225, %get3A_1229 : vector<16xf32>
        %get3A_1231 = arith.constant 3 : i32
        %get3A_1232 = arith.index_cast %get3A_1231 : i32 to index
        %get3A_1233 = arith.index_cast %mul3A_1216 : i32 to index
        %get3A_1234 = tpu.vector_load %arg7[%get3A_1232, %get3A_1233] {strides = array<i32>} : memref<128x128xf32, #tpu.memory_space<vmem>>, vector<16xf32>,
        %add3A_1235 = arith.addf %add3A_1230, %get3A_1234 : vector<16xf32>
        %get3A_1236 = arith.constant 4 : i32
        %get3A_1237 = arith.index_cast %get3A_1236 : i32 to index
        %get3A_1238 = arith.index_cast %mul3A_1216 : i32 to index
        %get3A_1239 = tpu.vector_load %arg7[%get3A_1237, %get3A_1238] {strides = array<i32>} : memref<128x128xf32, #tpu.memory_space<vmem>>, vector<16xf32>,
        %add3A_1240 = arith.addf %add3A_1235, %get3A_1239 : vector<16xf32>
        %get3A_1241 = arith.constant 5 : i32
        %get3A_1242 = arith.index_cast %get3A_1241 : i32 to index
        %get3A_1243 = arith.index_cast %mul3A_1216 : i32 to index
        %get3A_1244 = tpu.vector_load %arg7[%get3A_1242, %get3A_1243] {strides = array<i32>} : memref<128x128xf32, #tpu.memory_space<vmem>>, vector<16xf32>,
        %add3A_1245 = arith.addf %add3A_1240, %get3A_1244 : vector<16xf32>
        %get3A_1246 = arith.constant 6 : i32
        %get3A_1247 = arith.index_cast %get3A_1246 : i32 to index
        %get3A_1248 = arith.index_cast %mul3A_1216 : i32 to index
        %get3A_1249 = tpu.vector_load %arg7[%get3A_1247, %get3A_1248] {strides = array<i32>} : memref<128x128xf32, #tpu.memory_space<vmem>>, vector<16xf32>,
        %add3A_1250 = arith.addf %add3A_1245, %get3A_1249 : vector<16xf32>
        %get3A_1251 = arith.constant 7 : i32
        %get3A_1252 = arith.index_cast %get3A_1251 : i32 to index
        %get3A_1253 = arith.index_cast %mul3A_1216 : i32 to index
        %get3A_1254 = tpu.vector_load %arg7[%get3A_1252, %get3A_1253] {strides = array<i32>} : memref<128x128xf32, #tpu.memory_space<vmem>>, vector<16xf32>,
        %add3A_1255 = arith.addf %add3A_1250, %get3A_1254 : vector<16xf32>
        %get3A_1256 = arith.constant 8 : i32
        %get3A_1257 = arith.index_cast %get3A_1256 : i32 to index
        %get3A_1258 = arith.index_cast %mul3A_1216 : i32 to index
        %get3A_1259 = tpu.vector_load %arg7[%get3A_1257, %get3A_1258] {strides = array<i32>} : memref<128x128xf32, #tpu.memory_space<vmem>>, vector<16xf32>,
        %add3A_1260 = arith.addf %add3A_1255, %get3A_1259 : vector<16xf32>
        %get3A_1261 = arith.constant 9 : i32
        %get3A_1262 = arith.index_cast %get3A_1261 : i32 to index
        %get3A_1263 = arith.index_cast %mul3A_1216 : i32 to index
        %get3A_1264 = tpu.vector_load %arg7[%get3A_1262, %get3A_1263] {strides = array<i32>} : memref<128x128xf32, #tpu.memory_space<vmem>>, vector<16xf32>,
        %add3A_1265 = arith.addf %add3A_1260, %get3A_1264 : vector<16xf32>
        %get3A_1266 = arith.constant 10 : i32
        %get3A_1267 = arith.index_cast %get3A_1266 : i32 to index
        %get3A_1268 = arith.index_cast %mul3A_1216 : i32 to index
        %get3A_1269 = tpu.vector_load %arg7[%get3A_1267, %get3A_1268] {strides = array<i32>} : memref<128x128xf32, #tpu.memory_space<vmem>>, vector<16xf32>,
        %add3A_1270 = arith.addf %add3A_1265, %get3A_1269 : vector<16xf32>
        %get3A_1271 = arith.constant 11 : i32
        %get3A_1272 = arith.index_cast %get3A_1271 : i32 to index
        %get3A_1273 = arith.index_cast %mul3A_1216 : i32 to index
        %get3A_1274 = tpu.vector_load %arg7[%get3A_1272, %get3A_1273] {strides = array<i32>} : memref<128x128xf32, #tpu.memory_space<vmem>>, vector<16xf32>,
        %add3A_1275 = arith.addf %add3A_1270, %get3A_1274 : vector<16xf32>
        %get3A_1276 = arith.constant 12 : i32
        %get3A_1277 = arith.index_cast %get3A_1276 : i32 to index
        %get3A_1278 = arith.index_cast %mul3A_1216 : i32 to index
        %get3A_1279 = tpu.vector_load %arg7[%get3A_1277, %get3A_1278] {strides = array<i32>} : memref<128x128xf32, #tpu.memory_space<vmem>>, vector<16xf32>,
        %add3A_1280 = arith.addf %add3A_1275, %get3A_1279 : vector<16xf32>
        %get3A_1281 = arith.constant 13 : i32
        %get3A_1282 = arith.index_cast %get3A_1281 : i32 to index
        %get3A_1283 = arith.index_cast %mul3A_1216 : i32 to index
        %get3A_1284 = tpu.vector_load %arg7[%get3A_1282, %get3A_1283] {strides = array<i32>} : memref<128x128xf32, #tpu.memory_space<vmem>>, vector<16xf32>,
        %add3A_1285 = arith.addf %add3A_1280, %get3A_1284 : vector<16xf32>
        %get3A_1286 = arith.constant 14 : i32
        %get3A_1287 = arith.index_cast %get3A_1286 : i32 to index
        %get3A_1288 = arith.index_cast %mul3A_1216 : i32 to index
        %get3A_1289 = tpu.vector_load %arg7[%get3A_1287, %get3A_1288] {strides = array<i32>} : memref<128x128xf32, #tpu.memory_space<vmem>>, vector<16xf32>,
        %add3A_1290 = arith.addf %add3A_1285, %get3A_1289 : vector<16xf32>
        %get3A_1291 = arith.constant 15 : i32
        %get3A_1292 = arith.index_cast %get3A_1291 : i32 to index
        %get3A_1293 = arith.index_cast %mul3A_1216 : i32 to index
        %get3A_1294 = tpu.vector_load %arg7[%get3A_1292, %get3A_1293] {strides = array<i32>} : memref<128x128xf32, #tpu.memory_space<vmem>>, vector<16xf32>,
        %add3A_1295 = arith.addf %add3A_1290, %get3A_1294 : vector<16xf32>
        %get3A_1296 = arith.constant 16 : i32
        %get3A_1297 = arith.index_cast %get3A_1296 : i32 to index
        %get3A_1298 = arith.index_cast %mul3A_1216 : i32 to index
        %get3A_1299 = tpu.vector_load %arg7[%get3A_1297, %get3A_1298] {strides = array<i32>} : memref<128x128xf32, #tpu.memory_space<vmem>>, vector<16xf32>,
        %add3A_1300 = arith.addf %add3A_1295, %get3A_1299 : vector<16xf32>
        %get3A_1301 = arith.constant 17 : i32
        %get3A_1302 = arith.index_cast %get3A_1301 : i32 to index
        %get3A_1303 = arith.index_cast %mul3A_1216 : i32 to index
        %get3A_1304 = tpu.vector_load %arg7[%get3A_1302, %get3A_1303] {strides = array<i32>} : memref<128x128xf32, #tpu.memory_space<vmem>>, vector<16xf32>,
        %add3A_1305 = arith.addf %add3A_1300, %get3A_1304 : vector<16xf32>
        %get3A_1306 = arith.constant 18 : i32
        %get3A_1307 = arith.index_cast %get3A_1306 : i32 to index
        %get3A_1308 = arith.index_cast %mul3A_1216 : i32 to index
        %get3A_1309 = tpu.vector_load %arg7[%get3A_1307, %get3A_1308] {strides = array<i32>} : memref<128x128xf32, #tpu.memory_space<vmem>>, vector<16xf32>,
        %add3A_1310 = arith.addf %add3A_1305, %get3A_1309 : vector<16xf32>
        %get3A_1311 = arith.constant 19 : i32
        %get3A_1312 = arith.index_cast %get3A_1311 : i32 to index
        %get3A_1313 = arith.index_cast %mul3A_1216 : i32 to index
        %get3A_1314 = tpu.vector_load %arg7[%get3A_1312, %get3A_1313] {strides = array<i32>} : memref<128x128xf32, #tpu.memory_space<vmem>>, vector<16xf32>,
        %add3A_1315 = arith.addf %add3A_1310, %get3A_1314 : vector<16xf32>
        %get3A_1316 = arith.constant 20 : i32
        %get3A_1317 = arith.index_cast %get3A_1316 : i32 to index
        %get3A_1318 = arith.index_cast %mul3A_1216 : i32 to index
        %get3A_1319 = tpu.vector_load %arg7[%get3A_1317, %get3A_1318] {strides = array<i32>} : memref<128x128xf32, #tpu.memory_space<vmem>>, vector<16xf32>,
        %add3A_1320 = arith.addf %add3A_1315, %get3A_1319 : vector<16xf32>
        %get3A_1321 = arith.constant 21 : i32
        %get3A_1322 = arith.index_cast %get3A_1321 : i32 to index
        %get3A_1323 = arith.index_cast %mul3A_1216 : i32 to index
        %get3A_1324 = tpu.vector_load %arg7[%get3A_1322, %get3A_1323] {strides = array<i32>} : memref<128x128xf32, #tpu.memory_space<vmem>>, vector<16xf32>,
        %add3A_1325 = arith.addf %add3A_1320, %get3A_1324 : vector<16xf32>
        %get3A_1326 = arith.constant 22 : i32
        %get3A_1327 = arith.index_cast %get3A_1326 : i32 to index
        %get3A_1328 = arith.index_cast %mul3A_1216 : i32 to index
        %get3A_1329 = tpu.vector_load %arg7[%get3A_1327, %get3A_1328] {strides = array<i32>} : memref<128x128xf32, #tpu.memory_space<vmem>>, vector<16xf32>,
        %add3A_1330 = arith.addf %add3A_1325, %get3A_1329 : vector<16xf32>
        %get3A_1331 = arith.constant 23 : i32
        %get3A_1332 = arith.index_cast %get3A_1331 : i32 to index
        %get3A_1333 = arith.index_cast %mul3A_1216 : i32 to index
        %get3A_1334 = tpu.vector_load %arg7[%get3A_1332, %get3A_1333] {strides = array<i32>} : memref<128x128xf32, #tpu.memory_space<vmem>>, vector<16xf32>,
        %add3A_1335 = arith.addf %add3A_1330, %get3A_1334 : vector<16xf32>
        %get3A_1336 = arith.constant 24 : i32
        %get3A_1337 = arith.index_cast %get3A_1336 : i32 to index
        %get3A_1338 = arith.index_cast %mul3A_1216 : i32 to index
        %get3A_1339 = tpu.vector_load %arg7[%get3A_1337, %get3A_1338] {strides = array<i32>} : memref<128x128xf32, #tpu.memory_space<vmem>>, vector<16xf32>,
        %add3A_1340 = arith.addf %add3A_1335, %get3A_1339 : vector<16xf32>
        %get3A_1341 = arith.constant 25 : i32
        %get3A_1342 = arith.index_cast %get3A_1341 : i32 to index
        %get3A_1343 = arith.index_cast %mul3A_1216 : i32 to index
        %get3A_1344 = tpu.vector_load %arg7[%get3A_1342, %get3A_1343] {strides = array<i32>} : memref<128x128xf32, #tpu.memory_space<vmem>>, vector<16xf32>,
        %add3A_1345 = arith.addf %add3A_1340, %get3A_1344 : vector<16xf32>
        %get3A_1346 = arith.constant 26 : i32
        %get3A_1347 = arith.index_cast %get3A_1346 : i32 to index
        %get3A_1348 = arith.index_cast %mul3A_1216 : i32 to index
        %get3A_1349 = tpu.vector_load %arg7[%get3A_1347, %get3A_1348] {strides = array<i32>} : memref<128x128xf32, #tpu.memory_space<vmem>>, vector<16xf32>,
        %add3A_1350 = arith.addf %add3A_1345, %get3A_1349 : vector<16xf32>
        %get3A_1351 = arith.constant 27 : i32
        %get3A_1352 = arith.index_cast %get3A_1351 : i32 to index
        %get3A_1353 = arith.index_cast %mul3A_1216 : i32 to index
        %get3A_1354 = tpu.vector_load %arg7[%get3A_1352, %get3A_1353] {strides = array<i32>} : memref<128x128xf32, #tpu.memory_space<vmem>>, vector<16xf32>,
        %add3A_1355 = arith.addf %add3A_1350, %get3A_1354 : vector<16xf32>
        %get3A_1356 = arith.constant 28 : i32
        %get3A_1357 = arith.index_cast %get3A_1356 : i32 to index
        %get3A_1358 = arith.index_cast %mul3A_1216 : i32 to index
        %get3A_1359 = tpu.vector_load %arg7[%get3A_1357, %get3A_1358] {strides = array<i32>} : memref<128x128xf32, #tpu.memory_space<vmem>>, vector<16xf32>,
        %add3A_1360 = arith.addf %add3A_1355, %get3A_1359 : vector<16xf32>
        %get3A_1361 = arith.constant 29 : i32
        %get3A_1362 = arith.index_cast %get3A_1361 : i32 to index
        %get3A_1363 = arith.index_cast %mul3A_1216 : i32 to index
        %get3A_1364 = tpu.vector_load %arg7[%get3A_1362, %get3A_1363] {strides = array<i32>} : memref<128x128xf32, #tpu.memory_space<vmem>>, vector<16xf32>,
        %add3A_1365 = arith.addf %add3A_1360, %get3A_1364 : vector<16xf32>
        %get3A_1366 = arith.constant 30 : i32
        %get3A_1367 = arith.index_cast %get3A_1366 : i32 to index
        %get3A_1368 = arith.index_cast %mul3A_1216 : i32 to index
        %get3A_1369 = tpu.vector_load %arg7[%get3A_1367, %get3A_1368] {strides = array<i32>} : memref<128x128xf32, #tpu.memory_space<vmem>>, vector<16xf32>,
        %add3A_1370 = arith.addf %add3A_1365, %get3A_1369 : vector<16xf32>
        %get3A_1371 = arith.constant 31 : i32
        %get3A_1372 = arith.index_cast %get3A_1371 : i32 to index
        %get3A_1373 = arith.index_cast %mul3A_1216 : i32 to index
        %get3A_1374 = tpu.vector_load %arg7[%get3A_1372, %get3A_1373] {strides = array<i32>} : memref<128x128xf32, #tpu.memory_space<vmem>>, vector<16xf32>,
        %add3A_1375 = arith.addf %add3A_1370, %get3A_1374 : vector<16xf32>
        %mul3A_1376 = arith.constant 4 : i32
        %mul3A_1377 = arith.muli %add3A_1207, %mul3A_1376 : i32
        %add3A_1378 = arith.constant 0 : i32
        %add3A_1379 = arith.addi %mul3A_1377, %add3A_1378 : i32
        %swap3A_1380 = arith.index_cast %add3A_1379 : i32 to index
        %swap3A_1381 = arith.index_cast %mul3A_1216 : i32 to index
        %swap3A_1382 = tpu.vector_load %arg8[%swap3A_1380, %swap3A_1381] {strides = array<i32>} : memref<16x128xf32, #tpu.memory_space<vmem>>, vector<16xf32>,
        tpu.vector_store %arg8[%swap3A_1380, %swap3A_1381], %add3A_1375 {strides = array<i32>} : memref<16x128xf32, #tpu.memory_space<vmem>>, vector<16xf32>,
        %get3A_1383 = arith.constant 32 : i32
        %get3A_1384 = arith.index_cast %get3A_1383 : i32 to index
        %get3A_1385 = arith.index_cast %mul3A_1216 : i32 to index
        %get3A_1386 = tpu.vector_load %arg7[%get3A_1384, %get3A_1385] {strides = array<i32>} : memref<128x128xf32, #tpu.memory_space<vmem>>, vector<16xf32>,
        %get3A_1387 = arith.constant 33 : i32
        %get3A_1388 = arith.index_cast %get3A_1387 : i32 to index
        %get3A_1389 = arith.index_cast %mul3A_1216 : i32 to index
        %get3A_1390 = tpu.vector_load %arg7[%get3A_1388, %get3A_1389] {strides = array<i32>} : memref<128x128xf32, #tpu.memory_space<vmem>>, vector<16xf32>,
        %add3A_1391 = arith.addf %get3A_1386, %get3A_1390 : vector<16xf32>
        %get3A_1392 = arith.constant 34 : i32
        %get3A_1393 = arith.index_cast %get3A_1392 : i32 to index
        %get3A_1394 = arith.index_cast %mul3A_1216 : i32 to index
        %get3A_1395 = tpu.vector_load %arg7[%get3A_1393, %get3A_1394] {strides = array<i32>} : memref<128x128xf32, #tpu.memory_space<vmem>>, vector<16xf32>,
        %add3A_1396 = arith.addf %add3A_1391, %get3A_1395 : vector<16xf32>
        %get3A_1397 = arith.constant 35 : i32
        %get3A_1398 = arith.index_cast %get3A_1397 : i32 to index
        %get3A_1399 = arith.index_cast %mul3A_1216 : i32 to index
        %get3A_1400 = tpu.vector_load %arg7[%get3A_1398, %get3A_1399] {strides = array<i32>} : memref<128x128xf32, #tpu.memory_space<vmem>>, vector<16xf32>,
        %add3A_1401 = arith.addf %add3A_1396, %get3A_1400 : vector<16xf32>
        %get3A_1402 = arith.constant 36 : i32
        %get3A_1403 = arith.index_cast %get3A_1402 : i32 to index
        %get3A_1404 = arith.index_cast %mul3A_1216 : i32 to index
        %get3A_1405 = tpu.vector_load %arg7[%get3A_1403, %get3A_1404] {strides = array<i32>} : memref<128x128xf32, #tpu.memory_space<vmem>>, vector<16xf32>,
        %add3A_1406 = arith.addf %add3A_1401, %get3A_1405 : vector<16xf32>
        %get3A_1407 = arith.constant 37 : i32
        %get3A_1408 = arith.index_cast %get3A_1407 : i32 to index
        %get3A_1409 = arith.index_cast %mul3A_1216 : i32 to index
        %get3A_1410 = tpu.vector_load %arg7[%get3A_1408, %get3A_1409] {strides = array<i32>} : memref<128x128xf32, #tpu.memory_space<vmem>>, vector<16xf32>,
        %add3A_1411 = arith.addf %add3A_1406, %get3A_1410 : vector<16xf32>
        %get3A_1412 = arith.constant 38 : i32
        %get3A_1413 = arith.index_cast %get3A_1412 : i32 to index
        %get3A_1414 = arith.index_cast %mul3A_1216 : i32 to index
        %get3A_1415 = tpu.vector_load %arg7[%get3A_1413, %get3A_1414] {strides = array<i32>} : memref<128x128xf32, #tpu.memory_space<vmem>>, vector<16xf32>,
        %add3A_1416 = arith.addf %add3A_1411, %get3A_1415 : vector<16xf32>
        %get3A_1417 = arith.constant 39 : i32
        %get3A_1418 = arith.index_cast %get3A_1417 : i32 to index
        %get3A_1419 = arith.index_cast %mul3A_1216 : i32 to index
        %get3A_1420 = tpu.vector_load %arg7[%get3A_1418, %get3A_1419] {strides = array<i32>} : memref<128x128xf32, #tpu.memory_space<vmem>>, vector<16xf32>,
        %add3A_1421 = arith.addf %add3A_1416, %get3A_1420 : vector<16xf32>
        %get3A_1422 = arith.constant 40 : i32
        %get3A_1423 = arith.index_cast %get3A_1422 : i32 to index
        %get3A_1424 = arith.index_cast %mul3A_1216 : i32 to index
        %get3A_1425 = tpu.vector_load %arg7[%get3A_1423, %get3A_1424] {strides = array<i32>} : memref<128x128xf32, #tpu.memory_space<vmem>>, vector<16xf32>,
        %add3A_1426 = arith.addf %add3A_1421, %get3A_1425 : vector<16xf32>
        %get3A_1427 = arith.constant 41 : i32
        %get3A_1428 = arith.index_cast %get3A_1427 : i32 to index
        %get3A_1429 = arith.index_cast %mul3A_1216 : i32 to index
        %get3A_1430 = tpu.vector_load %arg7[%get3A_1428, %get3A_1429] {strides = array<i32>} : memref<128x128xf32, #tpu.memory_space<vmem>>, vector<16xf32>,
        %add3A_1431 = arith.addf %add3A_1426, %get3A_1430 : vector<16xf32>
        %get3A_1432 = arith.constant 42 : i32
        %get3A_1433 = arith.index_cast %get3A_1432 : i32 to index
        %get3A_1434 = arith.index_cast %mul3A_1216 : i32 to index
        %get3A_1435 = tpu.vector_load %arg7[%get3A_1433, %get3A_1434] {strides = array<i32>} : memref<128x128xf32, #tpu.memory_space<vmem>>, vector<16xf32>,
        %add3A_1436 = arith.addf %add3A_1431, %get3A_1435 : vector<16xf32>
        %get3A_1437 = arith.constant 43 : i32
        %get3A_1438 = arith.index_cast %get3A_1437 : i32 to index
        %get3A_1439 = arith.index_cast %mul3A_1216 : i32 to index
        %get3A_1440 = tpu.vector_load %arg7[%get3A_1438, %get3A_1439] {strides = array<i32>} : memref<128x128xf32, #tpu.memory_space<vmem>>, vector<16xf32>,
        %add3A_1441 = arith.addf %add3A_1436, %get3A_1440 : vector<16xf32>
        %get3A_1442 = arith.constant 44 : i32
        %get3A_1443 = arith.index_cast %get3A_1442 : i32 to index
        %get3A_1444 = arith.index_cast %mul3A_1216 : i32 to index
        %get3A_1445 = tpu.vector_load %arg7[%get3A_1443, %get3A_1444] {strides = array<i32>} : memref<128x128xf32, #tpu.memory_space<vmem>>, vector<16xf32>,
        %add3A_1446 = arith.addf %add3A_1441, %get3A_1445 : vector<16xf32>
        %get3A_1447 = arith.constant 45 : i32
        %get3A_1448 = arith.index_cast %get3A_1447 : i32 to index
        %get3A_1449 = arith.index_cast %mul3A_1216 : i32 to index
        %get3A_1450 = tpu.vector_load %arg7[%get3A_1448, %get3A_1449] {strides = array<i32>} : memref<128x128xf32, #tpu.memory_space<vmem>>, vector<16xf32>,
        %add3A_1451 = arith.addf %add3A_1446, %get3A_1450 : vector<16xf32>
        %get3A_1452 = arith.constant 46 : i32
        %get3A_1453 = arith.index_cast %get3A_1452 : i32 to index
        %get3A_1454 = arith.index_cast %mul3A_1216 : i32 to index
        %get3A_1455 = tpu.vector_load %arg7[%get3A_1453, %get3A_1454] {strides = array<i32>} : memref<128x128xf32, #tpu.memory_space<vmem>>, vector<16xf32>,
        %add3A_1456 = arith.addf %add3A_1451, %get3A_1455 : vector<16xf32>
        %get3A_1457 = arith.constant 47 : i32
        %get3A_1458 = arith.index_cast %get3A_1457 : i32 to index
        %get3A_1459 = arith.index_cast %mul3A_1216 : i32 to index
        %get3A_1460 = tpu.vector_load %arg7[%get3A_1458, %get3A_1459] {strides = array<i32>} : memref<128x128xf32, #tpu.memory_space<vmem>>, vector<16xf32>,
        %add3A_1461 = arith.addf %add3A_1456, %get3A_1460 : vector<16xf32>
        %get3A_1462 = arith.constant 48 : i32
        %get3A_1463 = arith.index_cast %get3A_1462 : i32 to index
        %get3A_1464 = arith.index_cast %mul3A_1216 : i32 to index
        %get3A_1465 = tpu.vector_load %arg7[%get3A_1463, %get3A_1464] {strides = array<i32>} : memref<128x128xf32, #tpu.memory_space<vmem>>, vector<16xf32>,
        %add3A_1466 = arith.addf %add3A_1461, %get3A_1465 : vector<16xf32>
        %get3A_1467 = arith.constant 49 : i32
        %get3A_1468 = arith.index_cast %get3A_1467 : i32 to index
        %get3A_1469 = arith.index_cast %mul3A_1216 : i32 to index
        %get3A_1470 = tpu.vector_load %arg7[%get3A_1468, %get3A_1469] {strides = array<i32>} : memref<128x128xf32, #tpu.memory_space<vmem>>, vector<16xf32>,
        %add3A_1471 = arith.addf %add3A_1466, %get3A_1470 : vector<16xf32>
        %get3A_1472 = arith.constant 50 : i32
        %get3A_1473 = arith.index_cast %get3A_1472 : i32 to index
        %get3A_1474 = arith.index_cast %mul3A_1216 : i32 to index
        %get3A_1475 = tpu.vector_load %arg7[%get3A_1473, %get3A_1474] {strides = array<i32>} : memref<128x128xf32, #tpu.memory_space<vmem>>, vector<16xf32>,
        %add3A_1476 = arith.addf %add3A_1471, %get3A_1475 : vector<16xf32>
        %get3A_1477 = arith.constant 51 : i32
        %get3A_1478 = arith.index_cast %get3A_1477 : i32 to index
        %get3A_1479 = arith.index_cast %mul3A_1216 : i32 to index
        %get3A_1480 = tpu.vector_load %arg7[%get3A_1478, %get3A_1479] {strides = array<i32>} : memref<128x128xf32, #tpu.memory_space<vmem>>, vector<16xf32>,
        %add3A_1481 = arith.addf %add3A_1476, %get3A_1480 : vector<16xf32>
        %get3A_1482 = arith.constant 52 : i32
        %get3A_1483 = arith.index_cast %get3A_1482 : i32 to index
        %get3A_1484 = arith.index_cast %mul3A_1216 : i32 to index
        %get3A_1485 = tpu.vector_load %arg7[%get3A_1483, %get3A_1484] {strides = array<i32>} : memref<128x128xf32, #tpu.memory_space<vmem>>, vector<16xf32>,
        %add3A_1486 = arith.addf %add3A_1481, %get3A_1485 : vector<16xf32>
        %get3A_1487 = arith.constant 53 : i32
        %get3A_1488 = arith.index_cast %get3A_1487 : i32 to index
        %get3A_1489 = arith.index_cast %mul3A_1216 : i32 to index
        %get3A_1490 = tpu.vector_load %arg7[%get3A_1488, %get3A_1489] {strides = array<i32>} : memref<128x128xf32, #tpu.memory_space<vmem>>, vector<16xf32>,
        %add3A_1491 = arith.addf %add3A_1486, %get3A_1490 : vector<16xf32>
        %get3A_1492 = arith.constant 54 : i32
        %get3A_1493 = arith.index_cast %get3A_1492 : i32 to index
        %get3A_1494 = arith.index_cast %mul3A_1216 : i32 to index
        %get3A_1495 = tpu.vector_load %arg7[%get3A_1493, %get3A_1494] {strides = array<i32>} : memref<128x128xf32, #tpu.memory_space<vmem>>, vector<16xf32>,
        %add3A_1496 = arith.addf %add3A_1491, %get3A_1495 : vector<16xf32>
        %get3A_1497 = arith.constant 55 : i32
        %get3A_1498 = arith.index_cast %get3A_1497 : i32 to index
        %get3A_1499 = arith.index_cast %mul3A_1216 : i32 to index
        %get3A_1500 = tpu.vector_load %arg7[%get3A_1498, %get3A_1499] {strides = array<i32>} : memref<128x128xf32, #tpu.memory_space<vmem>>, vector<16xf32>,
        %add3A_1501 = arith.addf %add3A_1496, %get3A_1500 : vector<16xf32>
        %get3A_1502 = arith.constant 56 : i32
        %get3A_1503 = arith.index_cast %get3A_1502 : i32 to index
        %get3A_1504 = arith.index_cast %mul3A_1216 : i32 to index
        %get3A_1505 = tpu.vector_load %arg7[%get3A_1503, %get3A_1504] {strides = array<i32>} : memref<128x128xf32, #tpu.memory_space<vmem>>, vector<16xf32>,
        %add3A_1506 = arith.addf %add3A_1501, %get3A_1505 : vector<16xf32>
        %get3A_1507 = arith.constant 57 : i32
        %get3A_1508 = arith.index_cast %get3A_1507 : i32 to index
        %get3A_1509 = arith.index_cast %mul3A_1216 : i32 to index
        %get3A_1510 = tpu.vector_load %arg7[%get3A_1508, %get3A_1509] {strides = array<i32>} : memref<128x128xf32, #tpu.memory_space<vmem>>, vector<16xf32>,
        %add3A_1511 = arith.addf %add3A_1506, %get3A_1510 : vector<16xf32>
        %get3A_1512 = arith.constant 58 : i32
        %get3A_1513 = arith.index_cast %get3A_1512 : i32 to index
        %get3A_1514 = arith.index_cast %mul3A_1216 : i32 to index
        %get3A_1515 = tpu.vector_load %arg7[%get3A_1513, %get3A_1514] {strides = array<i32>} : memref<128x128xf32, #tpu.memory_space<vmem>>, vector<16xf32>,
        %add3A_1516 = arith.addf %add3A_1511, %get3A_1515 : vector<16xf32>
        %get3A_1517 = arith.constant 59 : i32
        %get3A_1518 = arith.index_cast %get3A_1517 : i32 to index
        %get3A_1519 = arith.index_cast %mul3A_1216 : i32 to index
        %get3A_1520 = tpu.vector_load %arg7[%get3A_1518, %get3A_1519] {strides = array<i32>} : memref<128x128xf32, #tpu.memory_space<vmem>>, vector<16xf32>,
        %add3A_1521 = arith.addf %add3A_1516, %get3A_1520 : vector<16xf32>
        %get3A_1522 = arith.constant 60 : i32
        %get3A_1523 = arith.index_cast %get3A_1522 : i32 to index
        %get3A_1524 = arith.index_cast %mul3A_1216 : i32 to index
        %get3A_1525 = tpu.vector_load %arg7[%get3A_1523, %get3A_1524] {strides = array<i32>} : memref<128x128xf32, #tpu.memory_space<vmem>>, vector<16xf32>,
        %add3A_1526 = arith.addf %add3A_1521, %get3A_1525 : vector<16xf32>
        %get3A_1527 = arith.constant 61 : i32
        %get3A_1528 = arith.index_cast %get3A_1527 : i32 to index
        %get3A_1529 = arith.index_cast %mul3A_1216 : i32 to index
        %get3A_1530 = tpu.vector_load %arg7[%get3A_1528, %get3A_1529] {strides = array<i32>} : memref<128x128xf32, #tpu.memory_space<vmem>>, vector<16xf32>,
        %add3A_1531 = arith.addf %add3A_1526, %get3A_1530 : vector<16xf32>
        %get3A_1532 = arith.constant 62 : i32
        %get3A_1533 = arith.index_cast %get3A_1532 : i32 to index
        %get3A_1534 = arith.index_cast %mul3A_1216 : i32 to index
        %get3A_1535 = tpu.vector_load %arg7[%get3A_1533, %get3A_1534] {strides = array<i32>} : memref<128x128xf32, #tpu.memory_space<vmem>>, vector<16xf32>,
        %add3A_1536 = arith.addf %add3A_1531, %get3A_1535 : vector<16xf32>
        %get3A_1537 = arith.constant 63 : i32
        %get3A_1538 = arith.index_cast %get3A_1537 : i32 to index
        %get3A_1539 = arith.index_cast %mul3A_1216 : i32 to index
        %get3A_1540 = tpu.vector_load %arg7[%get3A_1538, %get3A_1539] {strides = array<i32>} : memref<128x128xf32, #tpu.memory_space<vmem>>, vector<16xf32>,
        %add3A_1541 = arith.addf %add3A_1536, %get3A_1540 : vector<16xf32>
        %mul3A_1542 = arith.constant 4 : i32
        %mul3A_1543 = arith.muli %add3A_1207, %mul3A_1542 : i32
        %add3A_1544 = arith.constant 1 : i32
        %add3A_1545 = arith.addi %mul3A_1543, %add3A_1544 : i32
        %swap3A_1546 = arith.index_cast %add3A_1545 : i32 to index
        %swap3A_1547 = arith.index_cast %mul3A_1216 : i32 to index
        %swap3A_1548 = tpu.vector_load %arg8[%swap3A_1546, %swap3A_1547] {strides = array<i32>} : memref<16x128xf32, #tpu.memory_space<vmem>>, vector<16xf32>,
        tpu.vector_store %arg8[%swap3A_1546, %swap3A_1547], %add3A_1541 {strides = array<i32>} : memref<16x128xf32, #tpu.memory_space<vmem>>, vector<16xf32>,
        %get3A_1549 = arith.constant 64 : i32
        %get3A_1550 = arith.index_cast %get3A_1549 : i32 to index
        %get3A_1551 = arith.index_cast %mul3A_1216 : i32 to index
        %get3A_1552 = tpu.vector_load %arg7[%get3A_1550, %get3A_1551] {strides = array<i32>} : memref<128x128xf32, #tpu.memory_space<vmem>>, vector<16xf32>,
        %get3A_1553 = arith.constant 65 : i32
        %get3A_1554 = arith.index_cast %get3A_1553 : i32 to index
        %get3A_1555 = arith.index_cast %mul3A_1216 : i32 to index
        %get3A_1556 = tpu.vector_load %arg7[%get3A_1554, %get3A_1555] {strides = array<i32>} : memref<128x128xf32, #tpu.memory_space<vmem>>, vector<16xf32>,
        %add3A_1557 = arith.addf %get3A_1552, %get3A_1556 : vector<16xf32>
        %get3A_1558 = arith.constant 66 : i32
        %get3A_1559 = arith.index_cast %get3A_1558 : i32 to index
        %get3A_1560 = arith.index_cast %mul3A_1216 : i32 to index
        %get3A_1561 = tpu.vector_load %arg7[%get3A_1559, %get3A_1560] {strides = array<i32>} : memref<128x128xf32, #tpu.memory_space<vmem>>, vector<16xf32>,
        %add3A_1562 = arith.addf %add3A_1557, %get3A_1561 : vector<16xf32>
        %get3A_1563 = arith.constant 67 : i32
        %get3A_1564 = arith.index_cast %get3A_1563 : i32 to index
        %get3A_1565 = arith.index_cast %mul3A_1216 : i32 to index
        %get3A_1566 = tpu.vector_load %arg7[%get3A_1564, %get3A_1565] {strides = array<i32>} : memref<128x128xf32, #tpu.memory_space<vmem>>, vector<16xf32>,
        %add3A_1567 = arith.addf %add3A_1562, %get3A_1566 : vector<16xf32>
        %get3A_1568 = arith.constant 68 : i32
        %get3A_1569 = arith.index_cast %get3A_1568 : i32 to index
        %get3A_1570 = arith.index_cast %mul3A_1216 : i32 to index
        %get3A_1571 = tpu.vector_load %arg7[%get3A_1569, %get3A_1570] {strides = array<i32>} : memref<128x128xf32, #tpu.memory_space<vmem>>, vector<16xf32>,
        %add3A_1572 = arith.addf %add3A_1567, %get3A_1571 : vector<16xf32>
        %get3A_1573 = arith.constant 69 : i32
        %get3A_1574 = arith.index_cast %get3A_1573 : i32 to index
        %get3A_1575 = arith.index_cast %mul3A_1216 : i32 to index
        %get3A_1576 = tpu.vector_load %arg7[%get3A_1574, %get3A_1575] {strides = array<i32>} : memref<128x128xf32, #tpu.memory_space<vmem>>, vector<16xf32>,
        %add3A_1577 = arith.addf %add3A_1572, %get3A_1576 : vector<16xf32>
        %get3A_1578 = arith.constant 70 : i32
        %get3A_1579 = arith.index_cast %get3A_1578 : i32 to index
        %get3A_1580 = arith.index_cast %mul3A_1216 : i32 to index
        %get3A_1581 = tpu.vector_load %arg7[%get3A_1579, %get3A_1580] {strides = array<i32>} : memref<128x128xf32, #tpu.memory_space<vmem>>, vector<16xf32>,
        %add3A_1582 = arith.addf %add3A_1577, %get3A_1581 : vector<16xf32>
        %get3A_1583 = arith.constant 71 : i32
        %get3A_1584 = arith.index_cast %get3A_1583 : i32 to index
        %get3A_1585 = arith.index_cast %mul3A_1216 : i32 to index
        %get3A_1586 = tpu.vector_load %arg7[%get3A_1584, %get3A_1585] {strides = array<i32>} : memref<128x128xf32, #tpu.memory_space<vmem>>, vector<16xf32>,
        %add3A_1587 = arith.addf %add3A_1582, %get3A_1586 : vector<16xf32>
        %get3A_1588 = arith.constant 72 : i32
        %get3A_1589 = arith.index_cast %get3A_1588 : i32 to index
        %get3A_1590 = arith.index_cast %mul3A_1216 : i32 to index
        %get3A_1591 = tpu.vector_load %arg7[%get3A_1589, %get3A_1590] {strides = array<i32>} : memref<128x128xf32, #tpu.memory_space<vmem>>, vector<16xf32>,
        %add3A_1592 = arith.addf %add3A_1587, %get3A_1591 : vector<16xf32>
        %get3A_1593 = arith.constant 73 : i32
        %get3A_1594 = arith.index_cast %get3A_1593 : i32 to index
        %get3A_1595 = arith.index_cast %mul3A_1216 : i32 to index
        %get3A_1596 = tpu.vector_load %arg7[%get3A_1594, %get3A_1595] {strides = array<i32>} : memref<128x128xf32, #tpu.memory_space<vmem>>, vector<16xf32>,
        %add3A_1597 = arith.addf %add3A_1592, %get3A_1596 : vector<16xf32>
        %get3A_1598 = arith.constant 74 : i32
        %get3A_1599 = arith.index_cast %get3A_1598 : i32 to index
        %get3A_1600 = arith.index_cast %mul3A_1216 : i32 to index
        %get3A_1601 = tpu.vector_load %arg7[%get3A_1599, %get3A_1600] {strides = array<i32>} : memref<128x128xf32, #tpu.memory_space<vmem>>, vector<16xf32>,
        %add3A_1602 = arith.addf %add3A_1597, %get3A_1601 : vector<16xf32>
        %get3A_1603 = arith.constant 75 : i32
        %get3A_1604 = arith.index_cast %get3A_1603 : i32 to index
        %get3A_1605 = arith.index_cast %mul3A_1216 : i32 to index
        %get3A_1606 = tpu.vector_load %arg7[%get3A_1604, %get3A_1605] {strides = array<i32>} : memref<128x128xf32, #tpu.memory_space<vmem>>, vector<16xf32>,
        %add3A_1607 = arith.addf %add3A_1602, %get3A_1606 : vector<16xf32>
        %get3A_1608 = arith.constant 76 : i32
        %get3A_1609 = arith.index_cast %get3A_1608 : i32 to index
        %get3A_1610 = arith.index_cast %mul3A_1216 : i32 to index
        %get3A_1611 = tpu.vector_load %arg7[%get3A_1609, %get3A_1610] {strides = array<i32>} : memref<128x128xf32, #tpu.memory_space<vmem>>, vector<16xf32>,
        %add3A_1612 = arith.addf %add3A_1607, %get3A_1611 : vector<16xf32>
        %get3A_1613 = arith.constant 77 : i32
        %get3A_1614 = arith.index_cast %get3A_1613 : i32 to index
        %get3A_1615 = arith.index_cast %mul3A_1216 : i32 to index
        %get3A_1616 = tpu.vector_load %arg7[%get3A_1614, %get3A_1615] {strides = array<i32>} : memref<128x128xf32, #tpu.memory_space<vmem>>, vector<16xf32>,
        %add3A_1617 = arith.addf %add3A_1612, %get3A_1616 : vector<16xf32>
        %get3A_1618 = arith.constant 78 : i32
        %get3A_1619 = arith.index_cast %get3A_1618 : i32 to index
        %get3A_1620 = arith.index_cast %mul3A_1216 : i32 to index
        %get3A_1621 = tpu.vector_load %arg7[%get3A_1619, %get3A_1620] {strides = array<i32>} : memref<128x128xf32, #tpu.memory_space<vmem>>, vector<16xf32>,
        %add3A_1622 = arith.addf %add3A_1617, %get3A_1621 : vector<16xf32>
        %get3A_1623 = arith.constant 79 : i32
        %get3A_1624 = arith.index_cast %get3A_1623 : i32 to index
        %get3A_1625 = arith.index_cast %mul3A_1216 : i32 to index
        %get3A_1626 = tpu.vector_load %arg7[%get3A_1624, %get3A_1625] {strides = array<i32>} : memref<128x128xf32, #tpu.memory_space<vmem>>, vector<16xf32>,
        %add3A_1627 = arith.addf %add3A_1622, %get3A_1626 : vector<16xf32>
        %get3A_1628 = arith.constant 80 : i32
        %get3A_1629 = arith.index_cast %get3A_1628 : i32 to index
        %get3A_1630 = arith.index_cast %mul3A_1216 : i32 to index
        %get3A_1631 = tpu.vector_load %arg7[%get3A_1629, %get3A_1630] {strides = array<i32>} : memref<128x128xf32, #tpu.memory_space<vmem>>, vector<16xf32>,
        %add3A_1632 = arith.addf %add3A_1627, %get3A_1631 : vector<16xf32>
        %get3A_1633 = arith.constant 81 : i32
        %get3A_1634 = arith.index_cast %get3A_1633 : i32 to index
        %get3A_1635 = arith.index_cast %mul3A_1216 : i32 to index
        %get3A_1636 = tpu.vector_load %arg7[%get3A_1634, %get3A_1635] {strides = array<i32>} : memref<128x128xf32, #tpu.memory_space<vmem>>, vector<16xf32>,
        %add3A_1637 = arith.addf %add3A_1632, %get3A_1636 : vector<16xf32>
        %get3A_1638 = arith.constant 82 : i32
        %get3A_1639 = arith.index_cast %get3A_1638 : i32 to index
        %get3A_1640 = arith.index_cast %mul3A_1216 : i32 to index
        %get3A_1641 = tpu.vector_load %arg7[%get3A_1639, %get3A_1640] {strides = array<i32>} : memref<128x128xf32, #tpu.memory_space<vmem>>, vector<16xf32>,
        %add3A_1642 = arith.addf %add3A_1637, %get3A_1641 : vector<16xf32>
        %get3A_1643 = arith.constant 83 : i32
        %get3A_1644 = arith.index_cast %get3A_1643 : i32 to index
        %get3A_1645 = arith.index_cast %mul3A_1216 : i32 to index
        %get3A_1646 = tpu.vector_load %arg7[%get3A_1644, %get3A_1645] {strides = array<i32>} : memref<128x128xf32, #tpu.memory_space<vmem>>, vector<16xf32>,
        %add3A_1647 = arith.addf %add3A_1642, %get3A_1646 : vector<16xf32>
        %get3A_1648 = arith.constant 84 : i32
        %get3A_1649 = arith.index_cast %get3A_1648 : i32 to index
        %get3A_1650 = arith.index_cast %mul3A_1216 : i32 to index
        %get3A_1651 = tpu.vector_load %arg7[%get3A_1649, %get3A_1650] {strides = array<i32>} : memref<128x128xf32, #tpu.memory_space<vmem>>, vector<16xf32>,
        %add3A_1652 = arith.addf %add3A_1647, %get3A_1651 : vector<16xf32>
        %get3A_1653 = arith.constant 85 : i32
        %get3A_1654 = arith.index_cast %get3A_1653 : i32 to index
        %get3A_1655 = arith.index_cast %mul3A_1216 : i32 to index
        %get3A_1656 = tpu.vector_load %arg7[%get3A_1654, %get3A_1655] {strides = array<i32>} : memref<128x128xf32, #tpu.memory_space<vmem>>, vector<16xf32>,
        %add3A_1657 = arith.addf %add3A_1652, %get3A_1656 : vector<16xf32>
        %get3A_1658 = arith.constant 86 : i32
        %get3A_1659 = arith.index_cast %get3A_1658 : i32 to index
        %get3A_1660 = arith.index_cast %mul3A_1216 : i32 to index
        %get3A_1661 = tpu.vector_load %arg7[%get3A_1659, %get3A_1660] {strides = array<i32>} : memref<128x128xf32, #tpu.memory_space<vmem>>, vector<16xf32>,
        %add3A_1662 = arith.addf %add3A_1657, %get3A_1661 : vector<16xf32>
        %get3A_1663 = arith.constant 87 : i32
        %get3A_1664 = arith.index_cast %get3A_1663 : i32 to index
        %get3A_1665 = arith.index_cast %mul3A_1216 : i32 to index
        %get3A_1666 = tpu.vector_load %arg7[%get3A_1664, %get3A_1665] {strides = array<i32>} : memref<128x128xf32, #tpu.memory_space<vmem>>, vector<16xf32>,
        %add3A_1667 = arith.addf %add3A_1662, %get3A_1666 : vector<16xf32>
        %get3A_1668 = arith.constant 88 : i32
        %get3A_1669 = arith.index_cast %get3A_1668 : i32 to index
        %get3A_1670 = arith.index_cast %mul3A_1216 : i32 to index
        %get3A_1671 = tpu.vector_load %arg7[%get3A_1669, %get3A_1670] {strides = array<i32>} : memref<128x128xf32, #tpu.memory_space<vmem>>, vector<16xf32>,
        %add3A_1672 = arith.addf %add3A_1667, %get3A_1671 : vector<16xf32>
        %get3A_1673 = arith.constant 89 : i32
        %get3A_1674 = arith.index_cast %get3A_1673 : i32 to index
        %get3A_1675 = arith.index_cast %mul3A_1216 : i32 to index
        %get3A_1676 = tpu.vector_load %arg7[%get3A_1674, %get3A_1675] {strides = array<i32>} : memref<128x128xf32, #tpu.memory_space<vmem>>, vector<16xf32>,
        %add3A_1677 = arith.addf %add3A_1672, %get3A_1676 : vector<16xf32>
        %get3A_1678 = arith.constant 90 : i32
        %get3A_1679 = arith.index_cast %get3A_1678 : i32 to index
        %get3A_1680 = arith.index_cast %mul3A_1216 : i32 to index
        %get3A_1681 = tpu.vector_load %arg7[%get3A_1679, %get3A_1680] {strides = array<i32>} : memref<128x128xf32, #tpu.memory_space<vmem>>, vector<16xf32>,
        %add3A_1682 = arith.addf %add3A_1677, %get3A_1681 : vector<16xf32>
        %get3A_1683 = arith.constant 91 : i32
        %get3A_1684 = arith.index_cast %get3A_1683 : i32 to index
        %get3A_1685 = arith.index_cast %mul3A_1216 : i32 to index
        %get3A_1686 = tpu.vector_load %arg7[%get3A_1684, %get3A_1685] {strides = array<i32>} : memref<128x128xf32, #tpu.memory_space<vmem>>, vector<16xf32>,
        %add3A_1687 = arith.addf %add3A_1682, %get3A_1686 : vector<16xf32>
        %get3A_1688 = arith.constant 92 : i32
        %get3A_1689 = arith.index_cast %get3A_1688 : i32 to index
        %get3A_1690 = arith.index_cast %mul3A_1216 : i32 to index
        %get3A_1691 = tpu.vector_load %arg7[%get3A_1689, %get3A_1690] {strides = array<i32>} : memref<128x128xf32, #tpu.memory_space<vmem>>, vector<16xf32>,
        %add3A_1692 = arith.addf %add3A_1687, %get3A_1691 : vector<16xf32>
        %get3A_1693 = arith.constant 93 : i32
        %get3A_1694 = arith.index_cast %get3A_1693 : i32 to index
        %get3A_1695 = arith.index_cast %mul3A_1216 : i32 to index
        %get3A_1696 = tpu.vector_load %arg7[%get3A_1694, %get3A_1695] {strides = array<i32>} : memref<128x128xf32, #tpu.memory_space<vmem>>, vector<16xf32>,
        %add3A_1697 = arith.addf %add3A_1692, %get3A_1696 : vector<16xf32>
        %get3A_1698 = arith.constant 94 : i32
        %get3A_1699 = arith.index_cast %get3A_1698 : i32 to index
        %get3A_1700 = arith.index_cast %mul3A_1216 : i32 to index
        %get3A_1701 = tpu.vector_load %arg7[%get3A_1699, %get3A_1700] {strides = array<i32>} : memref<128x128xf32, #tpu.memory_space<vmem>>, vector<16xf32>,
        %add3A_1702 = arith.addf %add3A_1697, %get3A_1701 : vector<16xf32>
        %get3A_1703 = arith.constant 95 : i32
        %get3A_1704 = arith.index_cast %get3A_1703 : i32 to index
        %get3A_1705 = arith.index_cast %mul3A_1216 : i32 to index
        %get3A_1706 = tpu.vector_load %arg7[%get3A_1704, %get3A_1705] {strides = array<i32>} : memref<128x128xf32, #tpu.memory_space<vmem>>, vector<16xf32>,
        %add3A_1707 = arith.addf %add3A_1702, %get3A_1706 : vector<16xf32>
        %mul3A_1708 = arith.constant 4 : i32
        %mul3A_1709 = arith.muli %add3A_1207, %mul3A_1708 : i32
        %add3A_1710 = arith.constant 2 : i32
        %add3A_1711 = arith.addi %mul3A_1709, %add3A_1710 : i32
        %swap3A_1712 = arith.index_cast %add3A_1711 : i32 to index
        %swap3A_1713 = arith.index_cast %mul3A_1216 : i32 to index
        %swap3A_1714 = tpu.vector_load %arg8[%swap3A_1712, %swap3A_1713] {strides = array<i32>} : memref<16x128xf32, #tpu.memory_space<vmem>>, vector<16xf32>,
        tpu.vector_store %arg8[%swap3A_1712, %swap3A_1713], %add3A_1707 {strides = array<i32>} : memref<16x128xf32, #tpu.memory_space<vmem>>, vector<16xf32>,
        %get3A_1715 = arith.constant 96 : i32
        %get3A_1716 = arith.index_cast %get3A_1715 : i32 to index
        %get3A_1717 = arith.index_cast %mul3A_1216 : i32 to index
        %get3A_1718 = tpu.vector_load %arg7[%get3A_1716, %get3A_1717] {strides = array<i32>} : memref<128x128xf32, #tpu.memory_space<vmem>>, vector<16xf32>,
        %get3A_1719 = arith.constant 97 : i32
        %get3A_1720 = arith.index_cast %get3A_1719 : i32 to index
        %get3A_1721 = arith.index_cast %mul3A_1216 : i32 to index
        %get3A_1722 = tpu.vector_load %arg7[%get3A_1720, %get3A_1721] {strides = array<i32>} : memref<128x128xf32, #tpu.memory_space<vmem>>, vector<16xf32>,
        %add3A_1723 = arith.addf %get3A_1718, %get3A_1722 : vector<16xf32>
        %get3A_1724 = arith.constant 98 : i32
        %get3A_1725 = arith.index_cast %get3A_1724 : i32 to index
        %get3A_1726 = arith.index_cast %mul3A_1216 : i32 to index
        %get3A_1727 = tpu.vector_load %arg7[%get3A_1725, %get3A_1726] {strides = array<i32>} : memref<128x128xf32, #tpu.memory_space<vmem>>, vector<16xf32>,
        %add3A_1728 = arith.addf %add3A_1723, %get3A_1727 : vector<16xf32>
        %get3A_1729 = arith.constant 99 : i32
        %get3A_1730 = arith.index_cast %get3A_1729 : i32 to index
        %get3A_1731 = arith.index_cast %mul3A_1216 : i32 to index
        %get3A_1732 = tpu.vector_load %arg7[%get3A_1730, %get3A_1731] {strides = array<i32>} : memref<128x128xf32, #tpu.memory_space<vmem>>, vector<16xf32>,
        %add3A_1733 = arith.addf %add3A_1728, %get3A_1732 : vector<16xf32>
        %get3A_1734 = arith.constant 100 : i32
        %get3A_1735 = arith.index_cast %get3A_1734 : i32 to index
        %get3A_1736 = arith.index_cast %mul3A_1216 : i32 to index
        %get3A_1737 = tpu.vector_load %arg7[%get3A_1735, %get3A_1736] {strides = array<i32>} : memref<128x128xf32, #tpu.memory_space<vmem>>, vector<16xf32>,
        %add3A_1738 = arith.addf %add3A_1733, %get3A_1737 : vector<16xf32>
        %get3A_1739 = arith.constant 101 : i32
        %get3A_1740 = arith.index_cast %get3A_1739 : i32 to index
        %get3A_1741 = arith.index_cast %mul3A_1216 : i32 to index
        %get3A_1742 = tpu.vector_load %arg7[%get3A_1740, %get3A_1741] {strides = array<i32>} : memref<128x128xf32, #tpu.memory_space<vmem>>, vector<16xf32>,
        %add3A_1743 = arith.addf %add3A_1738, %get3A_1742 : vector<16xf32>
        %get3A_1744 = arith.constant 102 : i32
        %get3A_1745 = arith.index_cast %get3A_1744 : i32 to index
        %get3A_1746 = arith.index_cast %mul3A_1216 : i32 to index
        %get3A_1747 = tpu.vector_load %arg7[%get3A_1745, %get3A_1746] {strides = array<i32>} : memref<128x128xf32, #tpu.memory_space<vmem>>, vector<16xf32>,
        %add3A_1748 = arith.addf %add3A_1743, %get3A_1747 : vector<16xf32>
        %get3A_1749 = arith.constant 103 : i32
        %get3A_1750 = arith.index_cast %get3A_1749 : i32 to index
        %get3A_1751 = arith.index_cast %mul3A_1216 : i32 to index
        %get3A_1752 = tpu.vector_load %arg7[%get3A_1750, %get3A_1751] {strides = array<i32>} : memref<128x128xf32, #tpu.memory_space<vmem>>, vector<16xf32>,
        %add3A_1753 = arith.addf %add3A_1748, %get3A_1752 : vector<16xf32>
        %get3A_1754 = arith.constant 104 : i32
        %get3A_1755 = arith.index_cast %get3A_1754 : i32 to index
        %get3A_1756 = arith.index_cast %mul3A_1216 : i32 to index
        %get3A_1757 = tpu.vector_load %arg7[%get3A_1755, %get3A_1756] {strides = array<i32>} : memref<128x128xf32, #tpu.memory_space<vmem>>, vector<16xf32>,
        %add3A_1758 = arith.addf %add3A_1753, %get3A_1757 : vector<16xf32>
        %get3A_1759 = arith.constant 105 : i32
        %get3A_1760 = arith.index_cast %get3A_1759 : i32 to index
        %get3A_1761 = arith.index_cast %mul3A_1216 : i32 to index
        %get3A_1762 = tpu.vector_load %arg7[%get3A_1760, %get3A_1761] {strides = array<i32>} : memref<128x128xf32, #tpu.memory_space<vmem>>, vector<16xf32>,
        %add3A_1763 = arith.addf %add3A_1758, %get3A_1762 : vector<16xf32>
        %get3A_1764 = arith.constant 106 : i32
        %get3A_1765 = arith.index_cast %get3A_1764 : i32 to index
        %get3A_1766 = arith.index_cast %mul3A_1216 : i32 to index
        %get3A_1767 = tpu.vector_load %arg7[%get3A_1765, %get3A_1766] {strides = array<i32>} : memref<128x128xf32, #tpu.memory_space<vmem>>, vector<16xf32>,
        %add3A_1768 = arith.addf %add3A_1763, %get3A_1767 : vector<16xf32>
        %get3A_1769 = arith.constant 107 : i32
        %get3A_1770 = arith.index_cast %get3A_1769 : i32 to index
        %get3A_1771 = arith.index_cast %mul3A_1216 : i32 to index
        %get3A_1772 = tpu.vector_load %arg7[%get3A_1770, %get3A_1771] {strides = array<i32>} : memref<128x128xf32, #tpu.memory_space<vmem>>, vector<16xf32>,
        %add3A_1773 = arith.addf %add3A_1768, %get3A_1772 : vector<16xf32>
        %get3A_1774 = arith.constant 108 : i32
        %get3A_1775 = arith.index_cast %get3A_1774 : i32 to index
        %get3A_1776 = arith.index_cast %mul3A_1216 : i32 to index
        %get3A_1777 = tpu.vector_load %arg7[%get3A_1775, %get3A_1776] {strides = array<i32>} : memref<128x128xf32, #tpu.memory_space<vmem>>, vector<16xf32>,
        %add3A_1778 = arith.addf %add3A_1773, %get3A_1777 : vector<16xf32>
        %get3A_1779 = arith.constant 109 : i32
        %get3A_1780 = arith.index_cast %get3A_1779 : i32 to index
        %get3A_1781 = arith.index_cast %mul3A_1216 : i32 to index
        %get3A_1782 = tpu.vector_load %arg7[%get3A_1780, %get3A_1781] {strides = array<i32>} : memref<128x128xf32, #tpu.memory_space<vmem>>, vector<16xf32>,
        %add3A_1783 = arith.addf %add3A_1778, %get3A_1782 : vector<16xf32>
        %get3A_1784 = arith.constant 110 : i32
        %get3A_1785 = arith.index_cast %get3A_1784 : i32 to index
        %get3A_1786 = arith.index_cast %mul3A_1216 : i32 to index
        %get3A_1787 = tpu.vector_load %arg7[%get3A_1785, %get3A_1786] {strides = array<i32>} : memref<128x128xf32, #tpu.memory_space<vmem>>, vector<16xf32>,
        %add3A_1788 = arith.addf %add3A_1783, %get3A_1787 : vector<16xf32>
        %get3A_1789 = arith.constant 111 : i32
        %get3A_1790 = arith.index_cast %get3A_1789 : i32 to index
        %get3A_1791 = arith.index_cast %mul3A_1216 : i32 to index
        %get3A_1792 = tpu.vector_load %arg7[%get3A_1790, %get3A_1791] {strides = array<i32>} : memref<128x128xf32, #tpu.memory_space<vmem>>, vector<16xf32>,
        %add3A_1793 = arith.addf %add3A_1788, %get3A_1792 : vector<16xf32>
        %get3A_1794 = arith.constant 112 : i32
        %get3A_1795 = arith.index_cast %get3A_1794 : i32 to index
        %get3A_1796 = arith.index_cast %mul3A_1216 : i32 to index
        %get3A_1797 = tpu.vector_load %arg7[%get3A_1795, %get3A_1796] {strides = array<i32>} : memref<128x128xf32, #tpu.memory_space<vmem>>, vector<16xf32>,
        %add3A_1798 = arith.addf %add3A_1793, %get3A_1797 : vector<16xf32>
        %get3A_1799 = arith.constant 113 : i32
        %get3A_1800 = arith.index_cast %get3A_1799 : i32 to index
        %get3A_1801 = arith.index_cast %mul3A_1216 : i32 to index
        %get3A_1802 = tpu.vector_load %arg7[%get3A_1800, %get3A_1801] {strides = array<i32>} : memref<128x128xf32, #tpu.memory_space<vmem>>, vector<16xf32>,
        %add3A_1803 = arith.addf %add3A_1798, %get3A_1802 : vector<16xf32>
        %get3A_1804 = arith.constant 114 : i32
        %get3A_1805 = arith.index_cast %get3A_1804 : i32 to index
        %get3A_1806 = arith.index_cast %mul3A_1216 : i32 to index
        %get3A_1807 = tpu.vector_load %arg7[%get3A_1805, %get3A_1806] {strides = array<i32>} : memref<128x128xf32, #tpu.memory_space<vmem>>, vector<16xf32>,
        %add3A_1808 = arith.addf %add3A_1803, %get3A_1807 : vector<16xf32>
        %get3A_1809 = arith.constant 115 : i32
        %get3A_1810 = arith.index_cast %get3A_1809 : i32 to index
        %get3A_1811 = arith.index_cast %mul3A_1216 : i32 to index
        %get3A_1812 = tpu.vector_load %arg7[%get3A_1810, %get3A_1811] {strides = array<i32>} : memref<128x128xf32, #tpu.memory_space<vmem>>, vector<16xf32>,
        %add3A_1813 = arith.addf %add3A_1808, %get3A_1812 : vector<16xf32>
        %get3A_1814 = arith.constant 116 : i32
        %get3A_1815 = arith.index_cast %get3A_1814 : i32 to index
        %get3A_1816 = arith.index_cast %mul3A_1216 : i32 to index
        %get3A_1817 = tpu.vector_load %arg7[%get3A_1815, %get3A_1816] {strides = array<i32>} : memref<128x128xf32, #tpu.memory_space<vmem>>, vector<16xf32>,
        %add3A_1818 = arith.addf %add3A_1813, %get3A_1817 : vector<16xf32>
        %get3A_1819 = arith.constant 117 : i32
        %get3A_1820 = arith.index_cast %get3A_1819 : i32 to index
        %get3A_1821 = arith.index_cast %mul3A_1216 : i32 to index
        %get3A_1822 = tpu.vector_load %arg7[%get3A_1820, %get3A_1821] {strides = array<i32>} : memref<128x128xf32, #tpu.memory_space<vmem>>, vector<16xf32>,
        %add3A_1823 = arith.addf %add3A_1818, %get3A_1822 : vector<16xf32>
        %get3A_1824 = arith.constant 118 : i32
        %get3A_1825 = arith.index_cast %get3A_1824 : i32 to index
        %get3A_1826 = arith.index_cast %mul3A_1216 : i32 to index
        %get3A_1827 = tpu.vector_load %arg7[%get3A_1825, %get3A_1826] {strides = array<i32>} : memref<128x128xf32, #tpu.memory_space<vmem>>, vector<16xf32>,
        %add3A_1828 = arith.addf %add3A_1823, %get3A_1827 : vector<16xf32>
        %get3A_1829 = arith.constant 119 : i32
        %get3A_1830 = arith.index_cast %get3A_1829 : i32 to index
        %get3A_1831 = arith.index_cast %mul3A_1216 : i32 to index
        %get3A_1832 = tpu.vector_load %arg7[%get3A_1830, %get3A_1831] {strides = array<i32>} : memref<128x128xf32, #tpu.memory_space<vmem>>, vector<16xf32>,
        %add3A_1833 = arith.addf %add3A_1828, %get3A_1832 : vector<16xf32>
        %get3A_1834 = arith.constant 120 : i32
        %get3A_1835 = arith.index_cast %get3A_1834 : i32 to index
        %get3A_1836 = arith.index_cast %mul3A_1216 : i32 to index
        %get3A_1837 = tpu.vector_load %arg7[%get3A_1835, %get3A_1836] {strides = array<i32>} : memref<128x128xf32, #tpu.memory_space<vmem>>, vector<16xf32>,
        %add3A_1838 = arith.addf %add3A_1833, %get3A_1837 : vector<16xf32>
        %get3A_1839 = arith.constant 121 : i32
        %get3A_1840 = arith.index_cast %get3A_1839 : i32 to index
        %get3A_1841 = arith.index_cast %mul3A_1216 : i32 to index
        %get3A_1842 = tpu.vector_load %arg7[%get3A_1840, %get3A_1841] {strides = array<i32>} : memref<128x128xf32, #tpu.memory_space<vmem>>, vector<16xf32>,
        %add3A_1843 = arith.addf %add3A_1838, %get3A_1842 : vector<16xf32>
        %get3A_1844 = arith.constant 122 : i32
        %get3A_1845 = arith.index_cast %get3A_1844 : i32 to index
        %get3A_1846 = arith.index_cast %mul3A_1216 : i32 to index
        %get3A_1847 = tpu.vector_load %arg7[%get3A_1845, %get3A_1846] {strides = array<i32>} : memref<128x128xf32, #tpu.memory_space<vmem>>, vector<16xf32>,
        %add3A_1848 = arith.addf %add3A_1843, %get3A_1847 : vector<16xf32>
        %get3A_1849 = arith.constant 123 : i32
        %get3A_1850 = arith.index_cast %get3A_1849 : i32 to index
        %get3A_1851 = arith.index_cast %mul3A_1216 : i32 to index
        %get3A_1852 = tpu.vector_load %arg7[%get3A_1850, %get3A_1851] {strides = array<i32>} : memref<128x128xf32, #tpu.memory_space<vmem>>, vector<16xf32>,
        %add3A_1853 = arith.addf %add3A_1848, %get3A_1852 : vector<16xf32>
        %get3A_1854 = arith.constant 124 : i32
        %get3A_1855 = arith.index_cast %get3A_1854 : i32 to index
        %get3A_1856 = arith.index_cast %mul3A_1216 : i32 to index
        %get3A_1857 = tpu.vector_load %arg7[%get3A_1855, %get3A_1856] {strides = array<i32>} : memref<128x128xf32, #tpu.memory_space<vmem>>, vector<16xf32>,
        %add3A_1858 = arith.addf %add3A_1853, %get3A_1857 : vector<16xf32>
        %get3A_1859 = arith.constant 125 : i32
        %get3A_1860 = arith.index_cast %get3A_1859 : i32 to index
        %get3A_1861 = arith.index_cast %mul3A_1216 : i32 to index
        %get3A_1862 = tpu.vector_load %arg7[%get3A_1860, %get3A_1861] {strides = array<i32>} : memref<128x128xf32, #tpu.memory_space<vmem>>, vector<16xf32>,
        %add3A_1863 = arith.addf %add3A_1858, %get3A_1862 : vector<16xf32>
        %get3A_1864 = arith.constant 126 : i32
        %get3A_1865 = arith.index_cast %get3A_1864 : i32 to index
        %get3A_1866 = arith.index_cast %mul3A_1216 : i32 to index
        %get3A_1867 = tpu.vector_load %arg7[%get3A_1865, %get3A_1866] {strides = array<i32>} : memref<128x128xf32, #tpu.memory_space<vmem>>, vector<16xf32>,
        %add3A_1868 = arith.addf %add3A_1863, %get3A_1867 : vector<16xf32>
        %get3A_1869 = arith.constant 127 : i32
        %get3A_1870 = arith.index_cast %get3A_1869 : i32 to index
        %get3A_1871 = arith.index_cast %mul3A_1216 : i32 to index
        %get3A_1872 = tpu.vector_load %arg7[%get3A_1870, %get3A_1871] {strides = array<i32>} : memref<128x128xf32, #tpu.memory_space<vmem>>, vector<16xf32>,
        %add3A_1873 = arith.addf %add3A_1868, %get3A_1872 : vector<16xf32>
        %mul3A_1874 = arith.constant 4 : i32
        %mul3A_1875 = arith.muli %add3A_1207, %mul3A_1874 : i32
        %add3A_1876 = arith.constant 3 : i32
        %add3A_1877 = arith.addi %mul3A_1875, %add3A_1876 : i32
        %swap3A_1878 = arith.index_cast %add3A_1877 : i32 to index
        %swap3A_1879 = arith.index_cast %mul3A_1216 : i32 to index
        %swap3A_1880 = tpu.vector_load %arg8[%swap3A_1878, %swap3A_1879] {strides = array<i32>} : memref<16x128xf32, #tpu.memory_space<vmem>>, vector<16xf32>,
        tpu.vector_store %arg8[%swap3A_1878, %swap3A_1879], %add3A_1873 {strides = array<i32>} : memref<16x128xf32, #tpu.memory_space<vmem>>, vector<16xf32>,
      }
      %scan3A_1213 = arith.constant 8 : i32
    }
    %scan3A_13 = arith.constant 2 : i32
    %dma_wait3A = arith.constant 0 : i32
    %dma_wait3A_14 = tpu.memref_slice %arg5[%dma_wait3A] : memref<512xi32, #tpu.memory_space<vmem>> -> memref<128xi32, #tpu.memory_space<vmem>>
    %dma_wait3A_15 = arith.constant 0 : i32
    %dma_wait3A_16 = tpu.memref_slice %arg2[%dma_wait3A_15, %add3A_1] : memref<15504x1024xf32, #tpu.memory_space<hbm>> -> memref<15504x128xf32, #tpu.memory_space<hbm>>
    tpu.wait_indirect_dma semaphore(%arg11 : memref<!tpu.dma_semaphore, #tpu.memory_space<semaphore_mem>>) src(%dma_wait3A_16 : memref<15504x128xf32, #tpu.memory_space<hbm>>) dst(%arg6 : memref<128x128xf32, #tpu.memory_space<vmem>>)
    %eq3A = arith.constant 15 : i32
    %eq3A_17 = arith.cmpi eq, %arg1, %eq3A : i32
    %jit3A = arith.constant 12 : i32
    %jit3A_18 = arith.constant 16 : i32
    %select_n3A = arith.select %eq3A_17, %jit3A, %jit3A_18 : i32
    %broadcast_in_dim3A = arith.constant 0.000000e+00 : f32
    %broadcast_in_dim3A_19 = vector.broadcast %broadcast_in_dim3A : f32 to vector<16xf32>
    %while3A = arith.constant 0 : i32
    %while3A_20 = arith.subi %select_n3A, %while3A : i32
    %while3A_21 = arith.addi %while3A, %while3A_20 : i32
    %while3A_22 = arith.constant 1 : i32
    %while3A_23 = arith.divsi %while3A_20, %while3A_22 : i32
    %while3A_24 = arith.muli %while3A_23, %while3A_22 : i32
    %while3A_25 = arith.addi %while3A, %while3A_24 : i32
    %while3A_26 = arith.constant 1 : i32
    %while3A_27 = scf.for %while3A_1174 = %while3A to %while3A_25 step %while3A_26 iter_args(%while3A_1175 = %broadcast_in_dim3A_19) -> (vector<16xf32>)  : i32 {
      %get3A_1176 = arith.index_cast %while3A_1174 : i32 to index
      %get3A_1177 = arith.constant 0 : index
      %get3A_1178 = tpu.vector_load %arg8[%get3A_1176, %get3A_1177] {strides = array<i32>} : memref<16x128xf32, #tpu.memory_space<vmem>>, vector<16xf32>,
      %mul3A_1179 = arith.mulf %get3A_1178, %get3A_1178 : vector<16xf32>
      %add3A_1180 = arith.addf %while3A_1175, %mul3A_1179 : vector<16xf32>
      scf.yield %add3A_1180 : vector<16xf32>
    }
    %while3A_28 = arith.constant 1 : i32
    %while3A_29 = scf.for %while3A_1174 = %while3A_25 to %while3A_21 step %while3A_28 iter_args(%while3A_1175 = %while3A_27) -> (vector<16xf32>)  : i32 {
      %get3A_1176 = arith.index_cast %while3A_1174 : i32 to index
      %get3A_1177 = arith.constant 0 : index
      %get3A_1178 = tpu.vector_load %arg8[%get3A_1176, %get3A_1177] {strides = array<i32>} : memref<16x128xf32, #tpu.memory_space<vmem>>, vector<16xf32>,
      %mul3A_1179 = arith.mulf %get3A_1178, %get3A_1178 : vector<16xf32>
      %add3A_1180 = arith.addf %while3A_1175, %mul3A_1179 : vector<16xf32>
      scf.yield %add3A_1180 : vector<16xf32>
    }
    %swap3A = arith.constant 0 : i32
    %swap3A_30 = arith.index_cast %swap3A : i32 to index
    %swap3A_31 = arith.constant 0 : index
    %swap3A_32 = tpu.vector_load %arg9[%swap3A_30, %swap3A_31] {strides = array<i32>} : memref<17x128xf32, #tpu.memory_space<vmem>>, vector<16xf32>,
    tpu.vector_store %arg9[%swap3A_30, %swap3A_31], %while3A_29 {strides = array<i32>} : memref<17x128xf32, #tpu.memory_space<vmem>>, vector<16xf32>,
    %broadcast_in_dim3A_33 = arith.constant 0.000000e+00 : f32
    %broadcast_in_dim3A_34 = vector.broadcast %broadcast_in_dim3A_33 : f32 to vector<16xf32>
    %while3A_35 = arith.constant 0 : i32
    %while3A_36 = arith.subi %select_n3A, %while3A_35 : i32
    %while3A_37 = arith.addi %while3A_35, %while3A_36 : i32
    %while3A_38 = arith.constant 1 : i32
    %while3A_39 = arith.divsi %while3A_36, %while3A_38 : i32
    %while3A_40 = arith.muli %while3A_39, %while3A_38 : i32
    %while3A_41 = arith.addi %while3A_35, %while3A_40 : i32
    %while3A_42 = arith.constant 1 : i32
    %while3A_43 = scf.for %while3A_1174 = %while3A_35 to %while3A_41 step %while3A_42 iter_args(%while3A_1175 = %broadcast_in_dim3A_34) -> (vector<16xf32>)  : i32 {
      %get3A_1176 = arith.index_cast %while3A_1174 : i32 to index
      %get3A_1177 = arith.constant 16 : index
      %get3A_1178 = tpu.vector_load %arg8[%get3A_1176, %get3A_1177] {strides = array<i32>} : memref<16x128xf32, #tpu.memory_space<vmem>>, vector<16xf32>,
      %mul3A_1179 = arith.mulf %get3A_1178, %get3A_1178 : vector<16xf32>
      %add3A_1180 = arith.addf %while3A_1175, %mul3A_1179 : vector<16xf32>
      scf.yield %add3A_1180 : vector<16xf32>
    }
    %while3A_44 = arith.constant 1 : i32
    %while3A_45 = scf.for %while3A_1174 = %while3A_41 to %while3A_37 step %while3A_44 iter_args(%while3A_1175 = %while3A_43) -> (vector<16xf32>)  : i32 {
      %get3A_1176 = arith.index_cast %while3A_1174 : i32 to index
      %get3A_1177 = arith.constant 16 : index
      %get3A_1178 = tpu.vector_load %arg8[%get3A_1176, %get3A_1177] {strides = array<i32>} : memref<16x128xf32, #tpu.memory_space<vmem>>, vector<16xf32>,
      %mul3A_1179 = arith.mulf %get3A_1178, %get3A_1178 : vector<16xf32>
      %add3A_1180 = arith.addf %while3A_1175, %mul3A_1179 : vector<16xf32>
      scf.yield %add3A_1180 : vector<16xf32>
    }
    %swap3A_46 = arith.constant 0 : i32
    %swap3A_47 = arith.index_cast %swap3A_46 : i32 to index
    %swap3A_48 = arith.constant 16 : index
    %swap3A_49 = tpu.vector_load %arg9[%swap3A_47, %swap3A_48] {strides = array<i32>} : memref<17x128xf32, #tpu.memory_space<vmem>>, vector<16xf32>,
    tpu.vector_store %arg9[%swap3A_47, %swap3A_48], %while3A_45 {strides = array<i32>} : memref<17x128xf32, #tpu.memory_space<vmem>>, vector<16xf32>,
    %broadcast_in_dim3A_50 = arith.constant 0.000000e+00 : f32
    %broadcast_in_dim3A_51 = vector.broadcast %broadcast_in_dim3A_50 : f32 to vector<16xf32>
    %while3A_52 = arith.constant 0 : i32
    %while3A_53 = arith.subi %select_n3A, %while3A_52 : i32
    %while3A_54 = arith.addi %while3A_52, %while3A_53 : i32
    %while3A_55 = arith.constant 1 : i32
    %while3A_56 = arith.divsi %while3A_53, %while3A_55 : i32
    %while3A_57 = arith.muli %while3A_56, %while3A_55 : i32
    %while3A_58 = arith.addi %while3A_52, %while3A_57 : i32
    %while3A_59 = arith.constant 1 : i32
    %while3A_60 = scf.for %while3A_1174 = %while3A_52 to %while3A_58 step %while3A_59 iter_args(%while3A_1175 = %broadcast_in_dim3A_51) -> (vector<16xf32>)  : i32 {
      %get3A_1176 = arith.index_cast %while3A_1174 : i32 to index
      %get3A_1177 = arith.constant 32 : index
      %get3A_1178 = tpu.vector_load %arg8[%get3A_1176, %get3A_1177] {strides = array<i32>} : memref<16x128xf32, #tpu.memory_space<vmem>>, vector<16xf32>,
      %mul3A_1179 = arith.mulf %get3A_1178, %get3A_1178 : vector<16xf32>
      %add3A_1180 = arith.addf %while3A_1175, %mul3A_1179 : vector<16xf32>
      scf.yield %add3A_1180 : vector<16xf32>
    }
    %while3A_61 = arith.constant 1 : i32
    %while3A_62 = scf.for %while3A_1174 = %while3A_58 to %while3A_54 step %while3A_61 iter_args(%while3A_1175 = %while3A_60) -> (vector<16xf32>)  : i32 {
      %get3A_1176 = arith.index_cast %while3A_1174 : i32 to index
      %get3A_1177 = arith.constant 32 : index
      %get3A_1178 = tpu.vector_load %arg8[%get3A_1176, %get3A_1177] {strides = array<i32>} : memref<16x128xf32, #tpu.memory_space<vmem>>, vector<16xf32>,
      %mul3A_1179 = arith.mulf %get3A_1178, %get3A_1178 : vector<16xf32>
      %add3A_1180 = arith.addf %while3A_1175, %mul3A_1179 : vector<16xf32>
      scf.yield %add3A_1180 : vector<16xf32>
    }
    %swap3A_63 = arith.constant 0 : i32
    %swap3A_64 = arith.index_cast %swap3A_63 : i32 to index
    %swap3A_65 = arith.constant 32 : index
    %swap3A_66 = tpu.vector_load %arg9[%swap3A_64, %swap3A_65] {strides = array<i32>} : memref<17x128xf32, #tpu.memory_space<vmem>>, vector<16xf32>,
    tpu.vector_store %arg9[%swap3A_64, %swap3A_65], %while3A_62 {strides = array<i32>} : memref<17x128xf32, #tpu.memory_space<vmem>>, vector<16xf32>,
    %broadcast_in_dim3A_67 = arith.constant 0.000000e+00 : f32
    %broadcast_in_dim3A_68 = vector.broadcast %broadcast_in_dim3A_67 : f32 to vector<16xf32>
    %while3A_69 = arith.constant 0 : i32
    %while3A_70 = arith.subi %select_n3A, %while3A_69 : i32
    %while3A_71 = arith.addi %while3A_69, %while3A_70 : i32
    %while3A_72 = arith.constant 1 : i32
    %while3A_73 = arith.divsi %while3A_70, %while3A_72 : i32
    %while3A_74 = arith.muli %while3A_73, %while3A_72 : i32
    %while3A_75 = arith.addi %while3A_69, %while3A_74 : i32
    %while3A_76 = arith.constant 1 : i32
    %while3A_77 = scf.for %while3A_1174 = %while3A_69 to %while3A_75 step %while3A_76 iter_args(%while3A_1175 = %broadcast_in_dim3A_68) -> (vector<16xf32>)  : i32 {
      %get3A_1176 = arith.index_cast %while3A_1174 : i32 to index
      %get3A_1177 = arith.constant 48 : index
      %get3A_1178 = tpu.vector_load %arg8[%get3A_1176, %get3A_1177] {strides = array<i32>} : memref<16x128xf32, #tpu.memory_space<vmem>>, vector<16xf32>,
      %mul3A_1179 = arith.mulf %get3A_1178, %get3A_1178 : vector<16xf32>
      %add3A_1180 = arith.addf %while3A_1175, %mul3A_1179 : vector<16xf32>
      scf.yield %add3A_1180 : vector<16xf32>
    }
    %while3A_78 = arith.constant 1 : i32
    %while3A_79 = scf.for %while3A_1174 = %while3A_75 to %while3A_71 step %while3A_78 iter_args(%while3A_1175 = %while3A_77) -> (vector<16xf32>)  : i32 {
      %get3A_1176 = arith.index_cast %while3A_1174 : i32 to index
      %get3A_1177 = arith.constant 48 : index
      %get3A_1178 = tpu.vector_load %arg8[%get3A_1176, %get3A_1177] {strides = array<i32>} : memref<16x128xf32, #tpu.memory_space<vmem>>, vector<16xf32>,
      %mul3A_1179 = arith.mulf %get3A_1178, %get3A_1178 : vector<16xf32>
      %add3A_1180 = arith.addf %while3A_1175, %mul3A_1179 : vector<16xf32>
      scf.yield %add3A_1180 : vector<16xf32>
    }
    %swap3A_80 = arith.constant 0 : i32
    %swap3A_81 = arith.index_cast %swap3A_80 : i32 to index
    %swap3A_82 = arith.constant 48 : index
    %swap3A_83 = tpu.vector_load %arg9[%swap3A_81, %swap3A_82] {strides = array<i32>} : memref<17x128xf32, #tpu.memory_space<vmem>>, vector<16xf32>,
    tpu.vector_store %arg9[%swap3A_81, %swap3A_82], %while3A_79 {strides = array<i32>} : memref<17x128xf32, #tpu.memory_space<vmem>>, vector<16xf32>,
    %broadcast_in_dim3A_84 = arith.constant 0.000000e+00 : f32
    %broadcast_in_dim3A_85 = vector.broadcast %broadcast_in_dim3A_84 : f32 to vector<16xf32>
    %while3A_86 = arith.constant 0 : i32
    %while3A_87 = arith.subi %select_n3A, %while3A_86 : i32
    %while3A_88 = arith.addi %while3A_86, %while3A_87 : i32
    %while3A_89 = arith.constant 1 : i32
    %while3A_90 = arith.divsi %while3A_87, %while3A_89 : i32
    %while3A_91 = arith.muli %while3A_90, %while3A_89 : i32
    %while3A_92 = arith.addi %while3A_86, %while3A_91 : i32
    %while3A_93 = arith.constant 1 : i32
    %while3A_94 = scf.for %while3A_1174 = %while3A_86 to %while3A_92 step %while3A_93 iter_args(%while3A_1175 = %broadcast_in_dim3A_85) -> (vector<16xf32>)  : i32 {
      %get3A_1176 = arith.index_cast %while3A_1174 : i32 to index
      %get3A_1177 = arith.constant 64 : index
      %get3A_1178 = tpu.vector_load %arg8[%get3A_1176, %get3A_1177] {strides = array<i32>} : memref<16x128xf32, #tpu.memory_space<vmem>>, vector<16xf32>,
      %mul3A_1179 = arith.mulf %get3A_1178, %get3A_1178 : vector<16xf32>
      %add3A_1180 = arith.addf %while3A_1175, %mul3A_1179 : vector<16xf32>
      scf.yield %add3A_1180 : vector<16xf32>
    }
    %while3A_95 = arith.constant 1 : i32
    %while3A_96 = scf.for %while3A_1174 = %while3A_92 to %while3A_88 step %while3A_95 iter_args(%while3A_1175 = %while3A_94) -> (vector<16xf32>)  : i32 {
      %get3A_1176 = arith.index_cast %while3A_1174 : i32 to index
      %get3A_1177 = arith.constant 64 : index
      %get3A_1178 = tpu.vector_load %arg8[%get3A_1176, %get3A_1177] {strides = array<i32>} : memref<16x128xf32, #tpu.memory_space<vmem>>, vector<16xf32>,
      %mul3A_1179 = arith.mulf %get3A_1178, %get3A_1178 : vector<16xf32>
      %add3A_1180 = arith.addf %while3A_1175, %mul3A_1179 : vector<16xf32>
      scf.yield %add3A_1180 : vector<16xf32>
    }
    %swap3A_97 = arith.constant 0 : i32
    %swap3A_98 = arith.index_cast %swap3A_97 : i32 to index
    %swap3A_99 = arith.constant 64 : index
    %swap3A_100 = tpu.vector_load %arg9[%swap3A_98, %swap3A_99] {strides = array<i32>} : memref<17x128xf32, #tpu.memory_space<vmem>>, vector<16xf32>,
    tpu.vector_store %arg9[%swap3A_98, %swap3A_99], %while3A_96 {strides = array<i32>} : memref<17x128xf32, #tpu.memory_space<vmem>>, vector<16xf32>,
    %broadcast_in_dim3A_101 = arith.constant 0.000000e+00 : f32
    %broadcast_in_dim3A_102 = vector.broadcast %broadcast_in_dim3A_101 : f32 to vector<16xf32>
    %while3A_103 = arith.constant 0 : i32
    %while3A_104 = arith.subi %select_n3A, %while3A_103 : i32
    %while3A_105 = arith.addi %while3A_103, %while3A_104 : i32
    %while3A_106 = arith.constant 1 : i32
    %while3A_107 = arith.divsi %while3A_104, %while3A_106 : i32
    %while3A_108 = arith.muli %while3A_107, %while3A_106 : i32
    %while3A_109 = arith.addi %while3A_103, %while3A_108 : i32
    %while3A_110 = arith.constant 1 : i32
    %while3A_111 = scf.for %while3A_1174 = %while3A_103 to %while3A_109 step %while3A_110 iter_args(%while3A_1175 = %broadcast_in_dim3A_102) -> (vector<16xf32>)  : i32 {
      %get3A_1176 = arith.index_cast %while3A_1174 : i32 to index
      %get3A_1177 = arith.constant 80 : index
      %get3A_1178 = tpu.vector_load %arg8[%get3A_1176, %get3A_1177] {strides = array<i32>} : memref<16x128xf32, #tpu.memory_space<vmem>>, vector<16xf32>,
      %mul3A_1179 = arith.mulf %get3A_1178, %get3A_1178 : vector<16xf32>
      %add3A_1180 = arith.addf %while3A_1175, %mul3A_1179 : vector<16xf32>
      scf.yield %add3A_1180 : vector<16xf32>
    }
    %while3A_112 = arith.constant 1 : i32
    %while3A_113 = scf.for %while3A_1174 = %while3A_109 to %while3A_105 step %while3A_112 iter_args(%while3A_1175 = %while3A_111) -> (vector<16xf32>)  : i32 {
      %get3A_1176 = arith.index_cast %while3A_1174 : i32 to index
      %get3A_1177 = arith.constant 80 : index
      %get3A_1178 = tpu.vector_load %arg8[%get3A_1176, %get3A_1177] {strides = array<i32>} : memref<16x128xf32, #tpu.memory_space<vmem>>, vector<16xf32>,
      %mul3A_1179 = arith.mulf %get3A_1178, %get3A_1178 : vector<16xf32>
      %add3A_1180 = arith.addf %while3A_1175, %mul3A_1179 : vector<16xf32>
      scf.yield %add3A_1180 : vector<16xf32>
    }
    %swap3A_114 = arith.constant 0 : i32
    %swap3A_115 = arith.index_cast %swap3A_114 : i32 to index
    %swap3A_116 = arith.constant 80 : index
    %swap3A_117 = tpu.vector_load %arg9[%swap3A_115, %swap3A_116] {strides = array<i32>} : memref<17x128xf32, #tpu.memory_space<vmem>>, vector<16xf32>,
    tpu.vector_store %arg9[%swap3A_115, %swap3A_116], %while3A_113 {strides = array<i32>} : memref<17x128xf32, #tpu.memory_space<vmem>>, vector<16xf32>,
    %broadcast_in_dim3A_118 = arith.constant 0.000000e+00 : f32
    %broadcast_in_dim3A_119 = vector.broadcast %broadcast_in_dim3A_118 : f32 to vector<16xf32>
    %while3A_120 = arith.constant 0 : i32
    %while3A_121 = arith.subi %select_n3A, %while3A_120 : i32
    %while3A_122 = arith.addi %while3A_120, %while3A_121 : i32
    %while3A_123 = arith.constant 1 : i32
    %while3A_124 = arith.divsi %while3A_121, %while3A_123 : i32
    %while3A_125 = arith.muli %while3A_124, %while3A_123 : i32
    %while3A_126 = arith.addi %while3A_120, %while3A_125 : i32
    %while3A_127 = arith.constant 1 : i32
    %while3A_128 = scf.for %while3A_1174 = %while3A_120 to %while3A_126 step %while3A_127 iter_args(%while3A_1175 = %broadcast_in_dim3A_119) -> (vector<16xf32>)  : i32 {
      %get3A_1176 = arith.index_cast %while3A_1174 : i32 to index
      %get3A_1177 = arith.constant 96 : index
      %get3A_1178 = tpu.vector_load %arg8[%get3A_1176, %get3A_1177] {strides = array<i32>} : memref<16x128xf32, #tpu.memory_space<vmem>>, vector<16xf32>,
      %mul3A_1179 = arith.mulf %get3A_1178, %get3A_1178 : vector<16xf32>
      %add3A_1180 = arith.addf %while3A_1175, %mul3A_1179 : vector<16xf32>
      scf.yield %add3A_1180 : vector<16xf32>
    }
    %while3A_129 = arith.constant 1 : i32
    %while3A_130 = scf.for %while3A_1174 = %while3A_126 to %while3A_122 step %while3A_129 iter_args(%while3A_1175 = %while3A_128) -> (vector<16xf32>)  : i32 {
      %get3A_1176 = arith.index_cast %while3A_1174 : i32 to index
      %get3A_1177 = arith.constant 96 : index
      %get3A_1178 = tpu.vector_load %arg8[%get3A_1176, %get3A_1177] {strides = array<i32>} : memref<16x128xf32, #tpu.memory_space<vmem>>, vector<16xf32>,
      %mul3A_1179 = arith.mulf %get3A_1178, %get3A_1178 : vector<16xf32>
      %add3A_1180 = arith.addf %while3A_1175, %mul3A_1179 : vector<16xf32>
      scf.yield %add3A_1180 : vector<16xf32>
    }
    %swap3A_131 = arith.constant 0 : i32
    %swap3A_132 = arith.index_cast %swap3A_131 : i32 to index
    %swap3A_133 = arith.constant 96 : index
    %swap3A_134 = tpu.vector_load %arg9[%swap3A_132, %swap3A_133] {strides = array<i32>} : memref<17x128xf32, #tpu.memory_space<vmem>>, vector<16xf32>,
    tpu.vector_store %arg9[%swap3A_132, %swap3A_133], %while3A_130 {strides = array<i32>} : memref<17x128xf32, #tpu.memory_space<vmem>>, vector<16xf32>,
    %broadcast_in_dim3A_135 = arith.constant 0.000000e+00 : f32
    %broadcast_in_dim3A_136 = vector.broadcast %broadcast_in_dim3A_135 : f32 to vector<16xf32>
    %while3A_137 = arith.constant 0 : i32
    %while3A_138 = arith.subi %select_n3A, %while3A_137 : i32
    %while3A_139 = arith.addi %while3A_137, %while3A_138 : i32
    %while3A_140 = arith.constant 1 : i32
    %while3A_141 = arith.divsi %while3A_138, %while3A_140 : i32
    %while3A_142 = arith.muli %while3A_141, %while3A_140 : i32
    %while3A_143 = arith.addi %while3A_137, %while3A_142 : i32
    %while3A_144 = arith.constant 1 : i32
    %while3A_145 = scf.for %while3A_1174 = %while3A_137 to %while3A_143 step %while3A_144 iter_args(%while3A_1175 = %broadcast_in_dim3A_136) -> (vector<16xf32>)  : i32 {
      %get3A_1176 = arith.index_cast %while3A_1174 : i32 to index
      %get3A_1177 = arith.constant 112 : index
      %get3A_1178 = tpu.vector_load %arg8[%get3A_1176, %get3A_1177] {strides = array<i32>} : memref<16x128xf32, #tpu.memory_space<vmem>>, vector<16xf32>,
      %mul3A_1179 = arith.mulf %get3A_1178, %get3A_1178 : vector<16xf32>
      %add3A_1180 = arith.addf %while3A_1175, %mul3A_1179 : vector<16xf32>
      scf.yield %add3A_1180 : vector<16xf32>
    }
    %while3A_146 = arith.constant 1 : i32
    %while3A_147 = scf.for %while3A_1174 = %while3A_143 to %while3A_139 step %while3A_146 iter_args(%while3A_1175 = %while3A_145) -> (vector<16xf32>)  : i32 {
      %get3A_1176 = arith.index_cast %while3A_1174 : i32 to index
      %get3A_1177 = arith.constant 112 : index
      %get3A_1178 = tpu.vector_load %arg8[%get3A_1176, %get3A_1177] {strides = array<i32>} : memref<16x128xf32, #tpu.memory_space<vmem>>, vector<16xf32>,
      %mul3A_1179 = arith.mulf %get3A_1178, %get3A_1178 : vector<16xf32>
      %add3A_1180 = arith.addf %while3A_1175, %mul3A_1179 : vector<16xf32>
      scf.yield %add3A_1180 : vector<16xf32>
    }
    %swap3A_148 = arith.constant 0 : i32
    %swap3A_149 = arith.index_cast %swap3A_148 : i32 to index
    %swap3A_150 = arith.constant 112 : index
    %swap3A_151 = tpu.vector_load %arg9[%swap3A_149, %swap3A_150] {strides = array<i32>} : memref<17x128xf32, #tpu.memory_space<vmem>>, vector<16xf32>,
    tpu.vector_store %arg9[%swap3A_149, %swap3A_150], %while3A_147 {strides = array<i32>} : memref<17x128xf32, #tpu.memory_space<vmem>>, vector<16xf32>,
    %run_scoped3A = arith.constant 0 : i32
    "tpu.region"() ({
      %run_scoped3A_1174 = tpu.sem_alloc : memref<!tpu.dma_semaphore, #tpu.memory_space<semaphore_mem>>
      %dma_start3A_1175 = arith.constant 0 : i32
      %dma_start3A_1176 = tpu.memref_slice %arg9[%run_scoped3A, %dma_start3A_1175] : memref<17x128xf32, #tpu.memory_space<vmem>> -> memref<1x128xf32, #tpu.memory_space<vmem>>
      %dma_start3A_1177 = tpu.memref_squeeze %dma_start3A_1176 : memref<1x128xf32, #tpu.memory_space<vmem>> -> memref<128xf32, #tpu.memory_space<vmem>>
      %dma_start3A_1178 = arith.constant 0 : i32
      %dma_start3A_1179 = tpu.memref_slice %arg10[%arg1, %dma_start3A_1178] : memref<16x128xf32, #tpu.memory_space<vmem_shared>> -> memref<1x128xf32, #tpu.memory_space<vmem_shared>>
      %dma_start3A_1180 = tpu.memref_squeeze %dma_start3A_1179 : memref<1x128xf32, #tpu.memory_space<vmem_shared>> -> memref<128xf32, #tpu.memory_space<vmem_shared>>
      %dma_start3A_1181 = arith.constant 0 : i32
      %dma_start3A_1182 = tpu.memref_slice %arg10[%arg1, %dma_start3A_1181] : memref<16x128xf32, #tpu.memory_space<vmem_shared>> -> memref<1x128xf32, #tpu.memory_space<vmem_shared>>
      %dma_start3A_1183 = tpu.memref_squeeze %dma_start3A_1182 : memref<1x128xf32, #tpu.memory_space<vmem_shared>> -> memref<128xf32, #tpu.memory_space<vmem_shared>>
      %dma_start3A_1184 = arith.constant 0 : i32
      %dma_start3A_1185 = tpu.memref_slice %arg9[%run_scoped3A, %dma_start3A_1184] : memref<17x128xf32, #tpu.memory_space<vmem>> -> memref<1x128xf32, #tpu.memory_space<vmem>>
      %dma_start3A_1186 = tpu.memref_squeeze %dma_start3A_1185 : memref<1x128xf32, #tpu.memory_space<vmem>> -> memref<128xf32, #tpu.memory_space<vmem>>
      tpu.enqueue_dma source(%dma_start3A_1186 : memref<128xf32, #tpu.memory_space<vmem>>) target(%dma_start3A_1183 : memref<128xf32, #tpu.memory_space<vmem_shared>>) target_semaphore(%run_scoped3A_1174 : memref<!tpu.dma_semaphore, #tpu.memory_space<semaphore_mem>>)
      %dma_wait3A_1187 = arith.constant 0 : i32
      %dma_wait3A_1188 = tpu.memref_slice %arg9[%run_scoped3A, %dma_wait3A_1187] : memref<17x128xf32, #tpu.memory_space<vmem>> -> memref<1x128xf32, #tpu.memory_space<vmem>>
      %dma_wait3A_1189 = tpu.memref_squeeze %dma_wait3A_1188 : memref<1x128xf32, #tpu.memory_space<vmem>> -> memref<128xf32, #tpu.memory_space<vmem>>
      %dma_wait3A_1190 = arith.constant 0 : i32
      %dma_wait3A_1191 = tpu.memref_slice %arg10[%arg1, %dma_wait3A_1190] : memref<16x128xf32, #tpu.memory_space<vmem_shared>> -> memref<1x128xf32, #tpu.memory_space<vmem_shared>>
      %dma_wait3A_1192 = tpu.memref_squeeze %dma_wait3A_1191 : memref<1x128xf32, #tpu.memory_space<vmem_shared>> -> memref<128xf32, #tpu.memory_space<vmem_shared>>
      %dma_wait3A_1193 = arith.constant 0 : i32
      %dma_wait3A_1194 = tpu.memref_slice %arg10[%arg1, %dma_wait3A_1193] : memref<16x128xf32, #tpu.memory_space<vmem_shared>> -> memref<1x128xf32, #tpu.memory_space<vmem_shared>>
      %dma_wait3A_1195 = tpu.memref_squeeze %dma_wait3A_1194 : memref<1x128xf32, #tpu.memory_space<vmem_shared>> -> memref<128xf32, #tpu.memory_space<vmem_shared>>
      %dma_wait3A_1196 = arith.constant 0 : i32
      %dma_wait3A_1197 = tpu.memref_slice %arg9[%run_scoped3A, %dma_wait3A_1196] : memref<17x128xf32, #tpu.memory_space<vmem>> -> memref<1x128xf32, #tpu.memory_space<vmem>>
      %dma_wait3A_1198 = tpu.memref_squeeze %dma_wait3A_1197 : memref<1x128xf32, #tpu.memory_space<vmem>> -> memref<128xf32, #tpu.memory_space<vmem>>
      tpu.wait_dma2 semaphore(%run_scoped3A_1174 : memref<!tpu.dma_semaphore, #tpu.memory_space<semaphore_mem>>) src(%dma_wait3A_1198 : memref<128xf32, #tpu.memory_space<vmem>>) dst(%dma_wait3A_1195 : memref<128xf32, #tpu.memory_space<vmem_shared>>)
      tpu.yield
    }) : () -> ()
    %barrier3A = arith.constant 0 : index
    tpu.barrier barrier_id(%barrier3A)
    %jit3A_152 = arith.constant 16 : i32
    %div3A = arith.divsi %arg1, %jit3A_152 : i32
    %sign3A = arith.constant 0 : i32
    %sign3A_153 = arith.cmpi sgt, %arg1, %sign3A : i32
    %sign3A_154 = arith.extui %sign3A_153 : i1 to i32
    %sign3A_155 = arith.constant 0 : i32
    %sign3A_156 = arith.cmpi slt, %arg1, %sign3A_155 : i32
    %sign3A_157 = arith.extui %sign3A_156 : i1 to i32
    %sign3A_158 = arith.subi %sign3A_154, %sign3A_157 : i32
    %sign3A_159 = arith.constant 0 : i32
    %sign3A_160 = arith.cmpi sgt, %jit3A_152, %sign3A_159 : i32
    %sign3A_161 = arith.extui %sign3A_160 : i1 to i32
    %sign3A_162 = arith.constant 0 : i32
    %sign3A_163 = arith.cmpi slt, %jit3A_152, %sign3A_162 : i32
    %sign3A_164 = arith.extui %sign3A_163 : i1 to i32
    %sign3A_165 = arith.subi %sign3A_161, %sign3A_164 : i32
    %ne3A = arith.cmpi ne, %sign3A_158, %sign3A_165 : i32
    %rem3A = arith.remsi %arg1, %jit3A_152 : i32
    %ne3A_166 = arith.constant 0 : i32
    %ne3A_167 = arith.cmpi ne, %rem3A, %ne3A_166 : i32
    %and3A = arith.andi %ne3A, %ne3A_167 : i1
    %sub3A = arith.constant 1 : i32
    %sub3A_168 = arith.subi %div3A, %sub3A : i32
    %select_n3A_169 = arith.select %and3A, %sub3A_168, %div3A : i32
    %mul3A_170 = arith.constant 16 : i32
    %mul3A_171 = arith.muli %select_n3A_169, %mul3A_170 : i32
    %add3A_172 = arith.constant 0 : i32
    %add3A_173 = arith.addi %mul3A_171, %add3A_172 : i32
    %run_scoped3A_174 = arith.constant 1 : i32
    "tpu.region"() ({
      %run_scoped3A_1174 = tpu.sem_alloc : memref<!tpu.dma_semaphore, #tpu.memory_space<semaphore_mem>>
      %dma_start3A_1175 = arith.constant 0 : i32
      %dma_start3A_1176 = tpu.memref_slice %arg9[%run_scoped3A_174, %dma_start3A_1175] : memref<17x128xf32, #tpu.memory_space<vmem>> -> memref<1x128xf32, #tpu.memory_space<vmem>>
      %dma_start3A_1177 = tpu.memref_squeeze %dma_start3A_1176 : memref<1x128xf32, #tpu.memory_space<vmem>> -> memref<128xf32, #tpu.memory_space<vmem>>
      %dma_start3A_1178 = arith.constant 0 : i32
      %dma_start3A_1179 = tpu.memref_slice %arg10[%add3A_173, %dma_start3A_1178] : memref<16x128xf32, #tpu.memory_space<vmem_shared>> -> memref<1x128xf32, #tpu.memory_space<vmem_shared>>
      %dma_start3A_1180 = tpu.memref_squeeze %dma_start3A_1179 : memref<1x128xf32, #tpu.memory_space<vmem_shared>> -> memref<128xf32, #tpu.memory_space<vmem_shared>>
      %dma_start3A_1181 = arith.constant 0 : i32
      %dma_start3A_1182 = tpu.memref_slice %arg9[%run_scoped3A_174, %dma_start3A_1181] : memref<17x128xf32, #tpu.memory_space<vmem>> -> memref<1x128xf32, #tpu.memory_space<vmem>>
      %dma_start3A_1183 = tpu.memref_squeeze %dma_start3A_1182 : memref<1x128xf32, #tpu.memory_space<vmem>> -> memref<128xf32, #tpu.memory_space<vmem>>
      %dma_start3A_1184 = arith.constant 0 : i32
      %dma_start3A_1185 = tpu.memref_slice %arg10[%add3A_173, %dma_start3A_1184] : memref<16x128xf32, #tpu.memory_space<vmem_shared>> -> memref<1x128xf32, #tpu.memory_space<vmem_shared>>
      %dma_start3A_1186 = tpu.memref_squeeze %dma_start3A_1185 : memref<1x128xf32, #tpu.memory_space<vmem_shared>> -> memref<128xf32, #tpu.memory_space<vmem_shared>>
      tpu.enqueue_dma source(%dma_start3A_1186 : memref<128xf32, #tpu.memory_space<vmem_shared>>) target(%dma_start3A_1183 : memref<128xf32, #tpu.memory_space<vmem>>) target_semaphore(%run_scoped3A_1174 : memref<!tpu.dma_semaphore, #tpu.memory_space<semaphore_mem>>)
      %dma_wait3A_1187 = arith.constant 0 : i32
      %dma_wait3A_1188 = tpu.memref_slice %arg9[%run_scoped3A_174, %dma_wait3A_1187] : memref<17x128xf32, #tpu.memory_space<vmem>> -> memref<1x128xf32, #tpu.memory_space<vmem>>
      %dma_wait3A_1189 = tpu.memref_squeeze %dma_wait3A_1188 : memref<1x128xf32, #tpu.memory_space<vmem>> -> memref<128xf32, #tpu.memory_space<vmem>>
      %dma_wait3A_1190 = arith.constant 0 : i32
      %dma_wait3A_1191 = tpu.memref_slice %arg10[%add3A_173, %dma_wait3A_1190] : memref<16x128xf32, #tpu.memory_space<vmem_shared>> -> memref<1x128xf32, #tpu.memory_space<vmem_shared>>
      %dma_wait3A_1192 = tpu.memref_squeeze %dma_wait3A_1191 : memref<1x128xf32, #tpu.memory_space<vmem_shared>> -> memref<128xf32, #tpu.memory_space<vmem_shared>>
      %dma_wait3A_1193 = arith.constant 0 : i32
      %dma_wait3A_1194 = tpu.memref_slice %arg9[%run_scoped3A_174, %dma_wait3A_1193] : memref<17x128xf32, #tpu.memory_space<vmem>> -> memref<1x128xf32, #tpu.memory_space<vmem>>
      %dma_wait3A_1195 = tpu.memref_squeeze %dma_wait3A_1194 : memref<1x128xf32, #tpu.memory_space<vmem>> -> memref<128xf32, #tpu.memory_space<vmem>>
      %dma_wait3A_1196 = arith.constant 0 : i32
      %dma_wait3A_1197 = tpu.memref_slice %arg10[%add3A_173, %dma_wait3A_1196] : memref<16x128xf32, #tpu.memory_space<vmem_shared>> -> memref<1x128xf32, #tpu.memory_space<vmem_shared>>
      %dma_wait3A_1198 = tpu.memref_squeeze %dma_wait3A_1197 : memref<1x128xf32, #tpu.memory_space<vmem_shared>> -> memref<128xf32, #tpu.memory_space<vmem_shared>>
      tpu.wait_dma2 semaphore(%run_scoped3A_1174 : memref<!tpu.dma_semaphore, #tpu.memory_space<semaphore_mem>>) src(%dma_wait3A_1198 : memref<128xf32, #tpu.memory_space<vmem_shared>>) dst(%dma_wait3A_1195 : memref<128xf32, #tpu.memory_space<vmem>>)
      tpu.yield
    }) : () -> ()
    %add3A_175 = arith.constant 1 : i32
    %add3A_176 = arith.addi %mul3A_171, %add3A_175 : i32
    %run_scoped3A_177 = arith.constant 2 : i32
    "tpu.region"() ({
      %run_scoped3A_1174 = tpu.sem_alloc : memref<!tpu.dma_semaphore, #tpu.memory_space<semaphore_mem>>
      %dma_start3A_1175 = arith.constant 0 : i32
      %dma_start3A_1176 = tpu.memref_slice %arg9[%run_scoped3A_177, %dma_start3A_1175] : memref<17x128xf32, #tpu.memory_space<vmem>> -> memref<1x128xf32, #tpu.memory_space<vmem>>
      %dma_start3A_1177 = tpu.memref_squeeze %dma_start3A_1176 : memref<1x128xf32, #tpu.memory_space<vmem>> -> memref<128xf32, #tpu.memory_space<vmem>>
      %dma_start3A_1178 = arith.constant 0 : i32
      %dma_start3A_1179 = tpu.memref_slice %arg10[%add3A_176, %dma_start3A_1178] : memref<16x128xf32, #tpu.memory_space<vmem_shared>> -> memref<1x128xf32, #tpu.memory_space<vmem_shared>>
      %dma_start3A_1180 = tpu.memref_squeeze %dma_start3A_1179 : memref<1x128xf32, #tpu.memory_space<vmem_shared>> -> memref<128xf32, #tpu.memory_space<vmem_shared>>
      %dma_start3A_1181 = arith.constant 0 : i32
      %dma_start3A_1182 = tpu.memref_slice %arg9[%run_scoped3A_177, %dma_start3A_1181] : memref<17x128xf32, #tpu.memory_space<vmem>> -> memref<1x128xf32, #tpu.memory_space<vmem>>
      %dma_start3A_1183 = tpu.memref_squeeze %dma_start3A_1182 : memref<1x128xf32, #tpu.memory_space<vmem>> -> memref<128xf32, #tpu.memory_space<vmem>>
      %dma_start3A_1184 = arith.constant 0 : i32
      %dma_start3A_1185 = tpu.memref_slice %arg10[%add3A_176, %dma_start3A_1184] : memref<16x128xf32, #tpu.memory_space<vmem_shared>> -> memref<1x128xf32, #tpu.memory_space<vmem_shared>>
      %dma_start3A_1186 = tpu.memref_squeeze %dma_start3A_1185 : memref<1x128xf32, #tpu.memory_space<vmem_shared>> -> memref<128xf32, #tpu.memory_space<vmem_shared>>
      tpu.enqueue_dma source(%dma_start3A_1186 : memref<128xf32, #tpu.memory_space<vmem_shared>>) target(%dma_start3A_1183 : memref<128xf32, #tpu.memory_space<vmem>>) target_semaphore(%run_scoped3A_1174 : memref<!tpu.dma_semaphore, #tpu.memory_space<semaphore_mem>>)
      %dma_wait3A_1187 = arith.constant 0 : i32
      %dma_wait3A_1188 = tpu.memref_slice %arg9[%run_scoped3A_177, %dma_wait3A_1187] : memref<17x128xf32, #tpu.memory_space<vmem>> -> memref<1x128xf32, #tpu.memory_space<vmem>>
      %dma_wait3A_1189 = tpu.memref_squeeze %dma_wait3A_1188 : memref<1x128xf32, #tpu.memory_space<vmem>> -> memref<128xf32, #tpu.memory_space<vmem>>
      %dma_wait3A_1190 = arith.constant 0 : i32
      %dma_wait3A_1191 = tpu.memref_slice %arg10[%add3A_176, %dma_wait3A_1190] : memref<16x128xf32, #tpu.memory_space<vmem_shared>> -> memref<1x128xf32, #tpu.memory_space<vmem_shared>>
      %dma_wait3A_1192 = tpu.memref_squeeze %dma_wait3A_1191 : memref<1x128xf32, #tpu.memory_space<vmem_shared>> -> memref<128xf32, #tpu.memory_space<vmem_shared>>
      %dma_wait3A_1193 = arith.constant 0 : i32
      %dma_wait3A_1194 = tpu.memref_slice %arg9[%run_scoped3A_177, %dma_wait3A_1193] : memref<17x128xf32, #tpu.memory_space<vmem>> -> memref<1x128xf32, #tpu.memory_space<vmem>>
      %dma_wait3A_1195 = tpu.memref_squeeze %dma_wait3A_1194 : memref<1x128xf32, #tpu.memory_space<vmem>> -> memref<128xf32, #tpu.memory_space<vmem>>
      %dma_wait3A_1196 = arith.constant 0 : i32
      %dma_wait3A_1197 = tpu.memref_slice %arg10[%add3A_176, %dma_wait3A_1196] : memref<16x128xf32, #tpu.memory_space<vmem_shared>> -> memref<1x128xf32, #tpu.memory_space<vmem_shared>>
      %dma_wait3A_1198 = tpu.memref_squeeze %dma_wait3A_1197 : memref<1x128xf32, #tpu.memory_space<vmem_shared>> -> memref<128xf32, #tpu.memory_space<vmem_shared>>
      tpu.wait_dma2 semaphore(%run_scoped3A_1174 : memref<!tpu.dma_semaphore, #tpu.memory_space<semaphore_mem>>) src(%dma_wait3A_1198 : memref<128xf32, #tpu.memory_space<vmem_shared>>) dst(%dma_wait3A_1195 : memref<128xf32, #tpu.memory_space<vmem>>)
      tpu.yield
    }) : () -> ()
    %add3A_178 = arith.constant 2 : i32
    %add3A_179 = arith.addi %mul3A_171, %add3A_178 : i32
    %run_scoped3A_180 = arith.constant 3 : i32
    "tpu.region"() ({
      %run_scoped3A_1174 = tpu.sem_alloc : memref<!tpu.dma_semaphore, #tpu.memory_space<semaphore_mem>>
      %dma_start3A_1175 = arith.constant 0 : i32
      %dma_start3A_1176 = tpu.memref_slice %arg9[%run_scoped3A_180, %dma_start3A_1175] : memref<17x128xf32, #tpu.memory_space<vmem>> -> memref<1x128xf32, #tpu.memory_space<vmem>>
      %dma_start3A_1177 = tpu.memref_squeeze %dma_start3A_1176 : memref<1x128xf32, #tpu.memory_space<vmem>> -> memref<128xf32, #tpu.memory_space<vmem>>
      %dma_start3A_1178 = arith.constant 0 : i32
      %dma_start3A_1179 = tpu.memref_slice %arg10[%add3A_179, %dma_start3A_1178] : memref<16x128xf32, #tpu.memory_space<vmem_shared>> -> memref<1x128xf32, #tpu.memory_space<vmem_shared>>
      %dma_start3A_1180 = tpu.memref_squeeze %dma_start3A_1179 : memref<1x128xf32, #tpu.memory_space<vmem_shared>> -> memref<128xf32, #tpu.memory_space<vmem_shared>>
      %dma_start3A_1181 = arith.constant 0 : i32
      %dma_start3A_1182 = tpu.memref_slice %arg9[%run_scoped3A_180, %dma_start3A_1181] : memref<17x128xf32, #tpu.memory_space<vmem>> -> memref<1x128xf32, #tpu.memory_space<vmem>>
      %dma_start3A_1183 = tpu.memref_squeeze %dma_start3A_1182 : memref<1x128xf32, #tpu.memory_space<vmem>> -> memref<128xf32, #tpu.memory_space<vmem>>
      %dma_start3A_1184 = arith.constant 0 : i32
      %dma_start3A_1185 = tpu.memref_slice %arg10[%add3A_179, %dma_start3A_1184] : memref<16x128xf32, #tpu.memory_space<vmem_shared>> -> memref<1x128xf32, #tpu.memory_space<vmem_shared>>
      %dma_start3A_1186 = tpu.memref_squeeze %dma_start3A_1185 : memref<1x128xf32, #tpu.memory_space<vmem_shared>> -> memref<128xf32, #tpu.memory_space<vmem_shared>>
      tpu.enqueue_dma source(%dma_start3A_1186 : memref<128xf32, #tpu.memory_space<vmem_shared>>) target(%dma_start3A_1183 : memref<128xf32, #tpu.memory_space<vmem>>) target_semaphore(%run_scoped3A_1174 : memref<!tpu.dma_semaphore, #tpu.memory_space<semaphore_mem>>)
      %dma_wait3A_1187 = arith.constant 0 : i32
      %dma_wait3A_1188 = tpu.memref_slice %arg9[%run_scoped3A_180, %dma_wait3A_1187] : memref<17x128xf32, #tpu.memory_space<vmem>> -> memref<1x128xf32, #tpu.memory_space<vmem>>
      %dma_wait3A_1189 = tpu.memref_squeeze %dma_wait3A_1188 : memref<1x128xf32, #tpu.memory_space<vmem>> -> memref<128xf32, #tpu.memory_space<vmem>>
      %dma_wait3A_1190 = arith.constant 0 : i32
      %dma_wait3A_1191 = tpu.memref_slice %arg10[%add3A_179, %dma_wait3A_1190] : memref<16x128xf32, #tpu.memory_space<vmem_shared>> -> memref<1x128xf32, #tpu.memory_space<vmem_shared>>
      %dma_wait3A_1192 = tpu.memref_squeeze %dma_wait3A_1191 : memref<1x128xf32, #tpu.memory_space<vmem_shared>> -> memref<128xf32, #tpu.memory_space<vmem_shared>>
      %dma_wait3A_1193 = arith.constant 0 : i32
      %dma_wait3A_1194 = tpu.memref_slice %arg9[%run_scoped3A_180, %dma_wait3A_1193] : memref<17x128xf32, #tpu.memory_space<vmem>> -> memref<1x128xf32, #tpu.memory_space<vmem>>
      %dma_wait3A_1195 = tpu.memref_squeeze %dma_wait3A_1194 : memref<1x128xf32, #tpu.memory_space<vmem>> -> memref<128xf32, #tpu.memory_space<vmem>>
      %dma_wait3A_1196 = arith.constant 0 : i32
      %dma_wait3A_1197 = tpu.memref_slice %arg10[%add3A_179, %dma_wait3A_1196] : memref<16x128xf32, #tpu.memory_space<vmem_shared>> -> memref<1x128xf32, #tpu.memory_space<vmem_shared>>
      %dma_wait3A_1198 = tpu.memref_squeeze %dma_wait3A_1197 : memref<1x128xf32, #tpu.memory_space<vmem_shared>> -> memref<128xf32, #tpu.memory_space<vmem_shared>>
      tpu.wait_dma2 semaphore(%run_scoped3A_1174 : memref<!tpu.dma_semaphore, #tpu.memory_space<semaphore_mem>>) src(%dma_wait3A_1198 : memref<128xf32, #tpu.memory_space<vmem_shared>>) dst(%dma_wait3A_1195 : memref<128xf32, #tpu.memory_space<vmem>>)
      tpu.yield
    }) : () -> ()
    %add3A_181 = arith.constant 3 : i32
    %add3A_182 = arith.addi %mul3A_171, %add3A_181 : i32
    %run_scoped3A_183 = arith.constant 4 : i32
    "tpu.region"() ({
      %run_scoped3A_1174 = tpu.sem_alloc : memref<!tpu.dma_semaphore, #tpu.memory_space<semaphore_mem>>
      %dma_start3A_1175 = arith.constant 0 : i32
      %dma_start3A_1176 = tpu.memref_slice %arg9[%run_scoped3A_183, %dma_start3A_1175] : memref<17x128xf32, #tpu.memory_space<vmem>> -> memref<1x128xf32, #tpu.memory_space<vmem>>
      %dma_start3A_1177 = tpu.memref_squeeze %dma_start3A_1176 : memref<1x128xf32, #tpu.memory_space<vmem>> -> memref<128xf32, #tpu.memory_space<vmem>>
      %dma_start3A_1178 = arith.constant 0 : i32
      %dma_start3A_1179 = tpu.memref_slice %arg10[%add3A_182, %dma_start3A_1178] : memref<16x128xf32, #tpu.memory_space<vmem_shared>> -> memref<1x128xf32, #tpu.memory_space<vmem_shared>>
      %dma_start3A_1180 = tpu.memref_squeeze %dma_start3A_1179 : memref<1x128xf32, #tpu.memory_space<vmem_shared>> -> memref<128xf32, #tpu.memory_space<vmem_shared>>
      %dma_start3A_1181 = arith.constant 0 : i32
      %dma_start3A_1182 = tpu.memref_slice %arg9[%run_scoped3A_183, %dma_start3A_1181] : memref<17x128xf32, #tpu.memory_space<vmem>> -> memref<1x128xf32, #tpu.memory_space<vmem>>
      %dma_start3A_1183 = tpu.memref_squeeze %dma_start3A_1182 : memref<1x128xf32, #tpu.memory_space<vmem>> -> memref<128xf32, #tpu.memory_space<vmem>>
      %dma_start3A_1184 = arith.constant 0 : i32
      %dma_start3A_1185 = tpu.memref_slice %arg10[%add3A_182, %dma_start3A_1184] : memref<16x128xf32, #tpu.memory_space<vmem_shared>> -> memref<1x128xf32, #tpu.memory_space<vmem_shared>>
      %dma_start3A_1186 = tpu.memref_squeeze %dma_start3A_1185 : memref<1x128xf32, #tpu.memory_space<vmem_shared>> -> memref<128xf32, #tpu.memory_space<vmem_shared>>
      tpu.enqueue_dma source(%dma_start3A_1186 : memref<128xf32, #tpu.memory_space<vmem_shared>>) target(%dma_start3A_1183 : memref<128xf32, #tpu.memory_space<vmem>>) target_semaphore(%run_scoped3A_1174 : memref<!tpu.dma_semaphore, #tpu.memory_space<semaphore_mem>>)
      %dma_wait3A_1187 = arith.constant 0 : i32
      %dma_wait3A_1188 = tpu.memref_slice %arg9[%run_scoped3A_183, %dma_wait3A_1187] : memref<17x128xf32, #tpu.memory_space<vmem>> -> memref<1x128xf32, #tpu.memory_space<vmem>>
      %dma_wait3A_1189 = tpu.memref_squeeze %dma_wait3A_1188 : memref<1x128xf32, #tpu.memory_space<vmem>> -> memref<128xf32, #tpu.memory_space<vmem>>
      %dma_wait3A_1190 = arith.constant 0 : i32
      %dma_wait3A_1191 = tpu.memref_slice %arg10[%add3A_182, %dma_wait3A_1190] : memref<16x128xf32, #tpu.memory_space<vmem_shared>> -> memref<1x128xf32, #tpu.memory_space<vmem_shared>>
      %dma_wait3A_1192 = tpu.memref_squeeze %dma_wait3A_1191 : memref<1x128xf32, #tpu.memory_space<vmem_shared>> -> memref<128xf32, #tpu.memory_space<vmem_shared>>
      %dma_wait3A_1193 = arith.constant 0 : i32
      %dma_wait3A_1194 = tpu.memref_slice %arg9[%run_scoped3A_183, %dma_wait3A_1193] : memref<17x128xf32, #tpu.memory_space<vmem>> -> memref<1x128xf32, #tpu.memory_space<vmem>>
      %dma_wait3A_1195 = tpu.memref_squeeze %dma_wait3A_1194 : memref<1x128xf32, #tpu.memory_space<vmem>> -> memref<128xf32, #tpu.memory_space<vmem>>
      %dma_wait3A_1196 = arith.constant 0 : i32
      %dma_wait3A_1197 = tpu.memref_slice %arg10[%add3A_182, %dma_wait3A_1196] : memref<16x128xf32, #tpu.memory_space<vmem_shared>> -> memref<1x128xf32, #tpu.memory_space<vmem_shared>>
      %dma_wait3A_1198 = tpu.memref_squeeze %dma_wait3A_1197 : memref<1x128xf32, #tpu.memory_space<vmem_shared>> -> memref<128xf32, #tpu.memory_space<vmem_shared>>
      tpu.wait_dma2 semaphore(%run_scoped3A_1174 : memref<!tpu.dma_semaphore, #tpu.memory_space<semaphore_mem>>) src(%dma_wait3A_1198 : memref<128xf32, #tpu.memory_space<vmem_shared>>) dst(%dma_wait3A_1195 : memref<128xf32, #tpu.memory_space<vmem>>)
      tpu.yield
    }) : () -> ()
    %add3A_184 = arith.constant 4 : i32
    %add3A_185 = arith.addi %mul3A_171, %add3A_184 : i32
    %run_scoped3A_186 = arith.constant 5 : i32
    "tpu.region"() ({
      %run_scoped3A_1174 = tpu.sem_alloc : memref<!tpu.dma_semaphore, #tpu.memory_space<semaphore_mem>>
      %dma_start3A_1175 = arith.constant 0 : i32
      %dma_start3A_1176 = tpu.memref_slice %arg9[%run_scoped3A_186, %dma_start3A_1175] : memref<17x128xf32, #tpu.memory_space<vmem>> -> memref<1x128xf32, #tpu.memory_space<vmem>>
      %dma_start3A_1177 = tpu.memref_squeeze %dma_start3A_1176 : memref<1x128xf32, #tpu.memory_space<vmem>> -> memref<128xf32, #tpu.memory_space<vmem>>
      %dma_start3A_1178 = arith.constant 0 : i32
      %dma_start3A_1179 = tpu.memref_slice %arg10[%add3A_185, %dma_start3A_1178] : memref<16x128xf32, #tpu.memory_space<vmem_shared>> -> memref<1x128xf32, #tpu.memory_space<vmem_shared>>
      %dma_start3A_1180 = tpu.memref_squeeze %dma_start3A_1179 : memref<1x128xf32, #tpu.memory_space<vmem_shared>> -> memref<128xf32, #tpu.memory_space<vmem_shared>>
      %dma_start3A_1181 = arith.constant 0 : i32
      %dma_start3A_1182 = tpu.memref_slice %arg9[%run_scoped3A_186, %dma_start3A_1181] : memref<17x128xf32, #tpu.memory_space<vmem>> -> memref<1x128xf32, #tpu.memory_space<vmem>>
      %dma_start3A_1183 = tpu.memref_squeeze %dma_start3A_1182 : memref<1x128xf32, #tpu.memory_space<vmem>> -> memref<128xf32, #tpu.memory_space<vmem>>
      %dma_start3A_1184 = arith.constant 0 : i32
      %dma_start3A_1185 = tpu.memref_slice %arg10[%add3A_185, %dma_start3A_1184] : memref<16x128xf32, #tpu.memory_space<vmem_shared>> -> memref<1x128xf32, #tpu.memory_space<vmem_shared>>
      %dma_start3A_1186 = tpu.memref_squeeze %dma_start3A_1185 : memref<1x128xf32, #tpu.memory_space<vmem_shared>> -> memref<128xf32, #tpu.memory_space<vmem_shared>>
      tpu.enqueue_dma source(%dma_start3A_1186 : memref<128xf32, #tpu.memory_space<vmem_shared>>) target(%dma_start3A_1183 : memref<128xf32, #tpu.memory_space<vmem>>) target_semaphore(%run_scoped3A_1174 : memref<!tpu.dma_semaphore, #tpu.memory_space<semaphore_mem>>)
      %dma_wait3A_1187 = arith.constant 0 : i32
      %dma_wait3A_1188 = tpu.memref_slice %arg9[%run_scoped3A_186, %dma_wait3A_1187] : memref<17x128xf32, #tpu.memory_space<vmem>> -> memref<1x128xf32, #tpu.memory_space<vmem>>
      %dma_wait3A_1189 = tpu.memref_squeeze %dma_wait3A_1188 : memref<1x128xf32, #tpu.memory_space<vmem>> -> memref<128xf32, #tpu.memory_space<vmem>>
      %dma_wait3A_1190 = arith.constant 0 : i32
      %dma_wait3A_1191 = tpu.memref_slice %arg10[%add3A_185, %dma_wait3A_1190] : memref<16x128xf32, #tpu.memory_space<vmem_shared>> -> memref<1x128xf32, #tpu.memory_space<vmem_shared>>
      %dma_wait3A_1192 = tpu.memref_squeeze %dma_wait3A_1191 : memref<1x128xf32, #tpu.memory_space<vmem_shared>> -> memref<128xf32, #tpu.memory_space<vmem_shared>>
      %dma_wait3A_1193 = arith.constant 0 : i32
      %dma_wait3A_1194 = tpu.memref_slice %arg9[%run_scoped3A_186, %dma_wait3A_1193] : memref<17x128xf32, #tpu.memory_space<vmem>> -> memref<1x128xf32, #tpu.memory_space<vmem>>
      %dma_wait3A_1195 = tpu.memref_squeeze %dma_wait3A_1194 : memref<1x128xf32, #tpu.memory_space<vmem>> -> memref<128xf32, #tpu.memory_space<vmem>>
      %dma_wait3A_1196 = arith.constant 0 : i32
      %dma_wait3A_1197 = tpu.memref_slice %arg10[%add3A_185, %dma_wait3A_1196] : memref<16x128xf32, #tpu.memory_space<vmem_shared>> -> memref<1x128xf32, #tpu.memory_space<vmem_shared>>
      %dma_wait3A_1198 = tpu.memref_squeeze %dma_wait3A_1197 : memref<1x128xf32, #tpu.memory_space<vmem_shared>> -> memref<128xf32, #tpu.memory_space<vmem_shared>>
      tpu.wait_dma2 semaphore(%run_scoped3A_1174 : memref<!tpu.dma_semaphore, #tpu.memory_space<semaphore_mem>>) src(%dma_wait3A_1198 : memref<128xf32, #tpu.memory_space<vmem_shared>>) dst(%dma_wait3A_1195 : memref<128xf32, #tpu.memory_space<vmem>>)
      tpu.yield
    }) : () -> ()
    %add3A_187 = arith.constant 5 : i32
    %add3A_188 = arith.addi %mul3A_171, %add3A_187 : i32
    %run_scoped3A_189 = arith.constant 6 : i32
    "tpu.region"() ({
      %run_scoped3A_1174 = tpu.sem_alloc : memref<!tpu.dma_semaphore, #tpu.memory_space<semaphore_mem>>
      %dma_start3A_1175 = arith.constant 0 : i32
      %dma_start3A_1176 = tpu.memref_slice %arg9[%run_scoped3A_189, %dma_start3A_1175] : memref<17x128xf32, #tpu.memory_space<vmem>> -> memref<1x128xf32, #tpu.memory_space<vmem>>
      %dma_start3A_1177 = tpu.memref_squeeze %dma_start3A_1176 : memref<1x128xf32, #tpu.memory_space<vmem>> -> memref<128xf32, #tpu.memory_space<vmem>>
      %dma_start3A_1178 = arith.constant 0 : i32
      %dma_start3A_1179 = tpu.memref_slice %arg10[%add3A_188, %dma_start3A_1178] : memref<16x128xf32, #tpu.memory_space<vmem_shared>> -> memref<1x128xf32, #tpu.memory_space<vmem_shared>>
      %dma_start3A_1180 = tpu.memref_squeeze %dma_start3A_1179 : memref<1x128xf32, #tpu.memory_space<vmem_shared>> -> memref<128xf32, #tpu.memory_space<vmem_shared>>
      %dma_start3A_1181 = arith.constant 0 : i32
      %dma_start3A_1182 = tpu.memref_slice %arg9[%run_scoped3A_189, %dma_start3A_1181] : memref<17x128xf32, #tpu.memory_space<vmem>> -> memref<1x128xf32, #tpu.memory_space<vmem>>
      %dma_start3A_1183 = tpu.memref_squeeze %dma_start3A_1182 : memref<1x128xf32, #tpu.memory_space<vmem>> -> memref<128xf32, #tpu.memory_space<vmem>>
      %dma_start3A_1184 = arith.constant 0 : i32
      %dma_start3A_1185 = tpu.memref_slice %arg10[%add3A_188, %dma_start3A_1184] : memref<16x128xf32, #tpu.memory_space<vmem_shared>> -> memref<1x128xf32, #tpu.memory_space<vmem_shared>>
      %dma_start3A_1186 = tpu.memref_squeeze %dma_start3A_1185 : memref<1x128xf32, #tpu.memory_space<vmem_shared>> -> memref<128xf32, #tpu.memory_space<vmem_shared>>
      tpu.enqueue_dma source(%dma_start3A_1186 : memref<128xf32, #tpu.memory_space<vmem_shared>>) target(%dma_start3A_1183 : memref<128xf32, #tpu.memory_space<vmem>>) target_semaphore(%run_scoped3A_1174 : memref<!tpu.dma_semaphore, #tpu.memory_space<semaphore_mem>>)
      %dma_wait3A_1187 = arith.constant 0 : i32
      %dma_wait3A_1188 = tpu.memref_slice %arg9[%run_scoped3A_189, %dma_wait3A_1187] : memref<17x128xf32, #tpu.memory_space<vmem>> -> memref<1x128xf32, #tpu.memory_space<vmem>>
      %dma_wait3A_1189 = tpu.memref_squeeze %dma_wait3A_1188 : memref<1x128xf32, #tpu.memory_space<vmem>> -> memref<128xf32, #tpu.memory_space<vmem>>
      %dma_wait3A_1190 = arith.constant 0 : i32
      %dma_wait3A_1191 = tpu.memref_slice %arg10[%add3A_188, %dma_wait3A_1190] : memref<16x128xf32, #tpu.memory_space<vmem_shared>> -> memref<1x128xf32, #tpu.memory_space<vmem_shared>>
      %dma_wait3A_1192 = tpu.memref_squeeze %dma_wait3A_1191 : memref<1x128xf32, #tpu.memory_space<vmem_shared>> -> memref<128xf32, #tpu.memory_space<vmem_shared>>
      %dma_wait3A_1193 = arith.constant 0 : i32
      %dma_wait3A_1194 = tpu.memref_slice %arg9[%run_scoped3A_189, %dma_wait3A_1193] : memref<17x128xf32, #tpu.memory_space<vmem>> -> memref<1x128xf32, #tpu.memory_space<vmem>>
      %dma_wait3A_1195 = tpu.memref_squeeze %dma_wait3A_1194 : memref<1x128xf32, #tpu.memory_space<vmem>> -> memref<128xf32, #tpu.memory_space<vmem>>
      %dma_wait3A_1196 = arith.constant 0 : i32
      %dma_wait3A_1197 = tpu.memref_slice %arg10[%add3A_188, %dma_wait3A_1196] : memref<16x128xf32, #tpu.memory_space<vmem_shared>> -> memref<1x128xf32, #tpu.memory_space<vmem_shared>>
      %dma_wait3A_1198 = tpu.memref_squeeze %dma_wait3A_1197 : memref<1x128xf32, #tpu.memory_space<vmem_shared>> -> memref<128xf32, #tpu.memory_space<vmem_shared>>
      tpu.wait_dma2 semaphore(%run_scoped3A_1174 : memref<!tpu.dma_semaphore, #tpu.memory_space<semaphore_mem>>) src(%dma_wait3A_1198 : memref<128xf32, #tpu.memory_space<vmem_shared>>) dst(%dma_wait3A_1195 : memref<128xf32, #tpu.memory_space<vmem>>)
      tpu.yield
    }) : () -> ()
    %add3A_190 = arith.constant 6 : i32
    %add3A_191 = arith.addi %mul3A_171, %add3A_190 : i32
    %run_scoped3A_192 = arith.constant 7 : i32
    "tpu.region"() ({
      %run_scoped3A_1174 = tpu.sem_alloc : memref<!tpu.dma_semaphore, #tpu.memory_space<semaphore_mem>>
      %dma_start3A_1175 = arith.constant 0 : i32
      %dma_start3A_1176 = tpu.memref_slice %arg9[%run_scoped3A_192, %dma_start3A_1175] : memref<17x128xf32, #tpu.memory_space<vmem>> -> memref<1x128xf32, #tpu.memory_space<vmem>>
      %dma_start3A_1177 = tpu.memref_squeeze %dma_start3A_1176 : memref<1x128xf32, #tpu.memory_space<vmem>> -> memref<128xf32, #tpu.memory_space<vmem>>
      %dma_start3A_1178 = arith.constant 0 : i32
      %dma_start3A_1179 = tpu.memref_slice %arg10[%add3A_191, %dma_start3A_1178] : memref<16x128xf32, #tpu.memory_space<vmem_shared>> -> memref<1x128xf32, #tpu.memory_space<vmem_shared>>
      %dma_start3A_1180 = tpu.memref_squeeze %dma_start3A_1179 : memref<1x128xf32, #tpu.memory_space<vmem_shared>> -> memref<128xf32, #tpu.memory_space<vmem_shared>>
      %dma_start3A_1181 = arith.constant 0 : i32
      %dma_start3A_1182 = tpu.memref_slice %arg9[%run_scoped3A_192, %dma_start3A_1181] : memref<17x128xf32, #tpu.memory_space<vmem>> -> memref<1x128xf32, #tpu.memory_space<vmem>>
      %dma_start3A_1183 = tpu.memref_squeeze %dma_start3A_1182 : memref<1x128xf32, #tpu.memory_space<vmem>> -> memref<128xf32, #tpu.memory_space<vmem>>
      %dma_start3A_1184 = arith.constant 0 : i32
      %dma_start3A_1185 = tpu.memref_slice %arg10[%add3A_191, %dma_start3A_1184] : memref<16x128xf32, #tpu.memory_space<vmem_shared>> -> memref<1x128xf32, #tpu.memory_space<vmem_shared>>
      %dma_start3A_1186 = tpu.memref_squeeze %dma_start3A_1185 : memref<1x128xf32, #tpu.memory_space<vmem_shared>> -> memref<128xf32, #tpu.memory_space<vmem_shared>>
      tpu.enqueue_dma source(%dma_start3A_1186 : memref<128xf32, #tpu.memory_space<vmem_shared>>) target(%dma_start3A_1183 : memref<128xf32, #tpu.memory_space<vmem>>) target_semaphore(%run_scoped3A_1174 : memref<!tpu.dma_semaphore, #tpu.memory_space<semaphore_mem>>)
      %dma_wait3A_1187 = arith.constant 0 : i32
      %dma_wait3A_1188 = tpu.memref_slice %arg9[%run_scoped3A_192, %dma_wait3A_1187] : memref<17x128xf32, #tpu.memory_space<vmem>> -> memref<1x128xf32, #tpu.memory_space<vmem>>
      %dma_wait3A_1189 = tpu.memref_squeeze %dma_wait3A_1188 : memref<1x128xf32, #tpu.memory_space<vmem>> -> memref<128xf32, #tpu.memory_space<vmem>>
      %dma_wait3A_1190 = arith.constant 0 : i32
      %dma_wait3A_1191 = tpu.memref_slice %arg10[%add3A_191, %dma_wait3A_1190] : memref<16x128xf32, #tpu.memory_space<vmem_shared>> -> memref<1x128xf32, #tpu.memory_space<vmem_shared>>
      %dma_wait3A_1192 = tpu.memref_squeeze %dma_wait3A_1191 : memref<1x128xf32, #tpu.memory_space<vmem_shared>> -> memref<128xf32, #tpu.memory_space<vmem_shared>>
      %dma_wait3A_1193 = arith.constant 0 : i32
      %dma_wait3A_1194 = tpu.memref_slice %arg9[%run_scoped3A_192, %dma_wait3A_1193] : memref<17x128xf32, #tpu.memory_space<vmem>> -> memref<1x128xf32, #tpu.memory_space<vmem>>
      %dma_wait3A_1195 = tpu.memref_squeeze %dma_wait3A_1194 : memref<1x128xf32, #tpu.memory_space<vmem>> -> memref<128xf32, #tpu.memory_space<vmem>>
      %dma_wait3A_1196 = arith.constant 0 : i32
      %dma_wait3A_1197 = tpu.memref_slice %arg10[%add3A_191, %dma_wait3A_1196] : memref<16x128xf32, #tpu.memory_space<vmem_shared>> -> memref<1x128xf32, #tpu.memory_space<vmem_shared>>
      %dma_wait3A_1198 = tpu.memref_squeeze %dma_wait3A_1197 : memref<1x128xf32, #tpu.memory_space<vmem_shared>> -> memref<128xf32, #tpu.memory_space<vmem_shared>>
      tpu.wait_dma2 semaphore(%run_scoped3A_1174 : memref<!tpu.dma_semaphore, #tpu.memory_space<semaphore_mem>>) src(%dma_wait3A_1198 : memref<128xf32, #tpu.memory_space<vmem_shared>>) dst(%dma_wait3A_1195 : memref<128xf32, #tpu.memory_space<vmem>>)
      tpu.yield
    }) : () -> ()
    %add3A_193 = arith.constant 7 : i32
    %add3A_194 = arith.addi %mul3A_171, %add3A_193 : i32
    %run_scoped3A_195 = arith.constant 8 : i32
    "tpu.region"() ({
      %run_scoped3A_1174 = tpu.sem_alloc : memref<!tpu.dma_semaphore, #tpu.memory_space<semaphore_mem>>
      %dma_start3A_1175 = arith.constant 0 : i32
      %dma_start3A_1176 = tpu.memref_slice %arg9[%run_scoped3A_195, %dma_start3A_1175] : memref<17x128xf32, #tpu.memory_space<vmem>> -> memref<1x128xf32, #tpu.memory_space<vmem>>
      %dma_start3A_1177 = tpu.memref_squeeze %dma_start3A_1176 : memref<1x128xf32, #tpu.memory_space<vmem>> -> memref<128xf32, #tpu.memory_space<vmem>>
      %dma_start3A_1178 = arith.constant 0 : i32
      %dma_start3A_1179 = tpu.memref_slice %arg10[%add3A_194, %dma_start3A_1178] : memref<16x128xf32, #tpu.memory_space<vmem_shared>> -> memref<1x128xf32, #tpu.memory_space<vmem_shared>>
      %dma_start3A_1180 = tpu.memref_squeeze %dma_start3A_1179 : memref<1x128xf32, #tpu.memory_space<vmem_shared>> -> memref<128xf32, #tpu.memory_space<vmem_shared>>
      %dma_start3A_1181 = arith.constant 0 : i32
      %dma_start3A_1182 = tpu.memref_slice %arg9[%run_scoped3A_195, %dma_start3A_1181] : memref<17x128xf32, #tpu.memory_space<vmem>> -> memref<1x128xf32, #tpu.memory_space<vmem>>
      %dma_start3A_1183 = tpu.memref_squeeze %dma_start3A_1182 : memref<1x128xf32, #tpu.memory_space<vmem>> -> memref<128xf32, #tpu.memory_space<vmem>>
      %dma_start3A_1184 = arith.constant 0 : i32
      %dma_start3A_1185 = tpu.memref_slice %arg10[%add3A_194, %dma_start3A_1184] : memref<16x128xf32, #tpu.memory_space<vmem_shared>> -> memref<1x128xf32, #tpu.memory_space<vmem_shared>>
      %dma_start3A_1186 = tpu.memref_squeeze %dma_start3A_1185 : memref<1x128xf32, #tpu.memory_space<vmem_shared>> -> memref<128xf32, #tpu.memory_space<vmem_shared>>
      tpu.enqueue_dma source(%dma_start3A_1186 : memref<128xf32, #tpu.memory_space<vmem_shared>>) target(%dma_start3A_1183 : memref<128xf32, #tpu.memory_space<vmem>>) target_semaphore(%run_scoped3A_1174 : memref<!tpu.dma_semaphore, #tpu.memory_space<semaphore_mem>>)
      %dma_wait3A_1187 = arith.constant 0 : i32
      %dma_wait3A_1188 = tpu.memref_slice %arg9[%run_scoped3A_195, %dma_wait3A_1187] : memref<17x128xf32, #tpu.memory_space<vmem>> -> memref<1x128xf32, #tpu.memory_space<vmem>>
      %dma_wait3A_1189 = tpu.memref_squeeze %dma_wait3A_1188 : memref<1x128xf32, #tpu.memory_space<vmem>> -> memref<128xf32, #tpu.memory_space<vmem>>
      %dma_wait3A_1190 = arith.constant 0 : i32
      %dma_wait3A_1191 = tpu.memref_slice %arg10[%add3A_194, %dma_wait3A_1190] : memref<16x128xf32, #tpu.memory_space<vmem_shared>> -> memref<1x128xf32, #tpu.memory_space<vmem_shared>>
      %dma_wait3A_1192 = tpu.memref_squeeze %dma_wait3A_1191 : memref<1x128xf32, #tpu.memory_space<vmem_shared>> -> memref<128xf32, #tpu.memory_space<vmem_shared>>
      %dma_wait3A_1193 = arith.constant 0 : i32
      %dma_wait3A_1194 = tpu.memref_slice %arg9[%run_scoped3A_195, %dma_wait3A_1193] : memref<17x128xf32, #tpu.memory_space<vmem>> -> memref<1x128xf32, #tpu.memory_space<vmem>>
      %dma_wait3A_1195 = tpu.memref_squeeze %dma_wait3A_1194 : memref<1x128xf32, #tpu.memory_space<vmem>> -> memref<128xf32, #tpu.memory_space<vmem>>
      %dma_wait3A_1196 = arith.constant 0 : i32
      %dma_wait3A_1197 = tpu.memref_slice %arg10[%add3A_194, %dma_wait3A_1196] : memref<16x128xf32, #tpu.memory_space<vmem_shared>> -> memref<1x128xf32, #tpu.memory_space<vmem_shared>>
      %dma_wait3A_1198 = tpu.memref_squeeze %dma_wait3A_1197 : memref<1x128xf32, #tpu.memory_space<vmem_shared>> -> memref<128xf32, #tpu.memory_space<vmem_shared>>
      tpu.wait_dma2 semaphore(%run_scoped3A_1174 : memref<!tpu.dma_semaphore, #tpu.memory_space<semaphore_mem>>) src(%dma_wait3A_1198 : memref<128xf32, #tpu.memory_space<vmem_shared>>) dst(%dma_wait3A_1195 : memref<128xf32, #tpu.memory_space<vmem>>)
      tpu.yield
    }) : () -> ()
    %add3A_196 = arith.constant 8 : i32
    %add3A_197 = arith.addi %mul3A_171, %add3A_196 : i32
    %run_scoped3A_198 = arith.constant 9 : i32
    "tpu.region"() ({
      %run_scoped3A_1174 = tpu.sem_alloc : memref<!tpu.dma_semaphore, #tpu.memory_space<semaphore_mem>>
      %dma_start3A_1175 = arith.constant 0 : i32
      %dma_start3A_1176 = tpu.memref_slice %arg9[%run_scoped3A_198, %dma_start3A_1175] : memref<17x128xf32, #tpu.memory_space<vmem>> -> memref<1x128xf32, #tpu.memory_space<vmem>>
      %dma_start3A_1177 = tpu.memref_squeeze %dma_start3A_1176 : memref<1x128xf32, #tpu.memory_space<vmem>> -> memref<128xf32, #tpu.memory_space<vmem>>
      %dma_start3A_1178 = arith.constant 0 : i32
      %dma_start3A_1179 = tpu.memref_slice %arg10[%add3A_197, %dma_start3A_1178] : memref<16x128xf32, #tpu.memory_space<vmem_shared>> -> memref<1x128xf32, #tpu.memory_space<vmem_shared>>
      %dma_start3A_1180 = tpu.memref_squeeze %dma_start3A_1179 : memref<1x128xf32, #tpu.memory_space<vmem_shared>> -> memref<128xf32, #tpu.memory_space<vmem_shared>>
      %dma_start3A_1181 = arith.constant 0 : i32
      %dma_start3A_1182 = tpu.memref_slice %arg9[%run_scoped3A_198, %dma_start3A_1181] : memref<17x128xf32, #tpu.memory_space<vmem>> -> memref<1x128xf32, #tpu.memory_space<vmem>>
      %dma_start3A_1183 = tpu.memref_squeeze %dma_start3A_1182 : memref<1x128xf32, #tpu.memory_space<vmem>> -> memref<128xf32, #tpu.memory_space<vmem>>
      %dma_start3A_1184 = arith.constant 0 : i32
      %dma_start3A_1185 = tpu.memref_slice %arg10[%add3A_197, %dma_start3A_1184] : memref<16x128xf32, #tpu.memory_space<vmem_shared>> -> memref<1x128xf32, #tpu.memory_space<vmem_shared>>
      %dma_start3A_1186 = tpu.memref_squeeze %dma_start3A_1185 : memref<1x128xf32, #tpu.memory_space<vmem_shared>> -> memref<128xf32, #tpu.memory_space<vmem_shared>>
      tpu.enqueue_dma source(%dma_start3A_1186 : memref<128xf32, #tpu.memory_space<vmem_shared>>) target(%dma_start3A_1183 : memref<128xf32, #tpu.memory_space<vmem>>) target_semaphore(%run_scoped3A_1174 : memref<!tpu.dma_semaphore, #tpu.memory_space<semaphore_mem>>)
      %dma_wait3A_1187 = arith.constant 0 : i32
      %dma_wait3A_1188 = tpu.memref_slice %arg9[%run_scoped3A_198, %dma_wait3A_1187] : memref<17x128xf32, #tpu.memory_space<vmem>> -> memref<1x128xf32, #tpu.memory_space<vmem>>
      %dma_wait3A_1189 = tpu.memref_squeeze %dma_wait3A_1188 : memref<1x128xf32, #tpu.memory_space<vmem>> -> memref<128xf32, #tpu.memory_space<vmem>>
      %dma_wait3A_1190 = arith.constant 0 : i32
      %dma_wait3A_1191 = tpu.memref_slice %arg10[%add3A_197, %dma_wait3A_1190] : memref<16x128xf32, #tpu.memory_space<vmem_shared>> -> memref<1x128xf32, #tpu.memory_space<vmem_shared>>
      %dma_wait3A_1192 = tpu.memref_squeeze %dma_wait3A_1191 : memref<1x128xf32, #tpu.memory_space<vmem_shared>> -> memref<128xf32, #tpu.memory_space<vmem_shared>>
      %dma_wait3A_1193 = arith.constant 0 : i32
      %dma_wait3A_1194 = tpu.memref_slice %arg9[%run_scoped3A_198, %dma_wait3A_1193] : memref<17x128xf32, #tpu.memory_space<vmem>> -> memref<1x128xf32, #tpu.memory_space<vmem>>
      %dma_wait3A_1195 = tpu.memref_squeeze %dma_wait3A_1194 : memref<1x128xf32, #tpu.memory_space<vmem>> -> memref<128xf32, #tpu.memory_space<vmem>>
      %dma_wait3A_1196 = arith.constant 0 : i32
      %dma_wait3A_1197 = tpu.memref_slice %arg10[%add3A_197, %dma_wait3A_1196] : memref<16x128xf32, #tpu.memory_space<vmem_shared>> -> memref<1x128xf32, #tpu.memory_space<vmem_shared>>
      %dma_wait3A_1198 = tpu.memref_squeeze %dma_wait3A_1197 : memref<1x128xf32, #tpu.memory_space<vmem_shared>> -> memref<128xf32, #tpu.memory_space<vmem_shared>>
      tpu.wait_dma2 semaphore(%run_scoped3A_1174 : memref<!tpu.dma_semaphore, #tpu.memory_space<semaphore_mem>>) src(%dma_wait3A_1198 : memref<128xf32, #tpu.memory_space<vmem_shared>>) dst(%dma_wait3A_1195 : memref<128xf32, #tpu.memory_space<vmem>>)
      tpu.yield
    }) : () -> ()
    %add3A_199 = arith.constant 9 : i32
    %add3A_200 = arith.addi %mul3A_171, %add3A_199 : i32
    %run_scoped3A_201 = arith.constant 10 : i32
    "tpu.region"() ({
      %run_scoped3A_1174 = tpu.sem_alloc : memref<!tpu.dma_semaphore, #tpu.memory_space<semaphore_mem>>
      %dma_start3A_1175 = arith.constant 0 : i32
      %dma_start3A_1176 = tpu.memref_slice %arg9[%run_scoped3A_201, %dma_start3A_1175] : memref<17x128xf32, #tpu.memory_space<vmem>> -> memref<1x128xf32, #tpu.memory_space<vmem>>
      %dma_start3A_1177 = tpu.memref_squeeze %dma_start3A_1176 : memref<1x128xf32, #tpu.memory_space<vmem>> -> memref<128xf32, #tpu.memory_space<vmem>>
      %dma_start3A_1178 = arith.constant 0 : i32
      %dma_start3A_1179 = tpu.memref_slice %arg10[%add3A_200, %dma_start3A_1178] : memref<16x128xf32, #tpu.memory_space<vmem_shared>> -> memref<1x128xf32, #tpu.memory_space<vmem_shared>>
      %dma_start3A_1180 = tpu.memref_squeeze %dma_start3A_1179 : memref<1x128xf32, #tpu.memory_space<vmem_shared>> -> memref<128xf32, #tpu.memory_space<vmem_shared>>
      %dma_start3A_1181 = arith.constant 0 : i32
      %dma_start3A_1182 = tpu.memref_slice %arg9[%run_scoped3A_201, %dma_start3A_1181] : memref<17x128xf32, #tpu.memory_space<vmem>> -> memref<1x128xf32, #tpu.memory_space<vmem>>
      %dma_start3A_1183 = tpu.memref_squeeze %dma_start3A_1182 : memref<1x128xf32, #tpu.memory_space<vmem>> -> memref<128xf32, #tpu.memory_space<vmem>>
      %dma_start3A_1184 = arith.constant 0 : i32
      %dma_start3A_1185 = tpu.memref_slice %arg10[%add3A_200, %dma_start3A_1184] : memref<16x128xf32, #tpu.memory_space<vmem_shared>> -> memref<1x128xf32, #tpu.memory_space<vmem_shared>>
      %dma_start3A_1186 = tpu.memref_squeeze %dma_start3A_1185 : memref<1x128xf32, #tpu.memory_space<vmem_shared>> -> memref<128xf32, #tpu.memory_space<vmem_shared>>
      tpu.enqueue_dma source(%dma_start3A_1186 : memref<128xf32, #tpu.memory_space<vmem_shared>>) target(%dma_start3A_1183 : memref<128xf32, #tpu.memory_space<vmem>>) target_semaphore(%run_scoped3A_1174 : memref<!tpu.dma_semaphore, #tpu.memory_space<semaphore_mem>>)
      %dma_wait3A_1187 = arith.constant 0 : i32
      %dma_wait3A_1188 = tpu.memref_slice %arg9[%run_scoped3A_201, %dma_wait3A_1187] : memref<17x128xf32, #tpu.memory_space<vmem>> -> memref<1x128xf32, #tpu.memory_space<vmem>>
      %dma_wait3A_1189 = tpu.memref_squeeze %dma_wait3A_1188 : memref<1x128xf32, #tpu.memory_space<vmem>> -> memref<128xf32, #tpu.memory_space<vmem>>
      %dma_wait3A_1190 = arith.constant 0 : i32
      %dma_wait3A_1191 = tpu.memref_slice %arg10[%add3A_200, %dma_wait3A_1190] : memref<16x128xf32, #tpu.memory_space<vmem_shared>> -> memref<1x128xf32, #tpu.memory_space<vmem_shared>>
      %dma_wait3A_1192 = tpu.memref_squeeze %dma_wait3A_1191 : memref<1x128xf32, #tpu.memory_space<vmem_shared>> -> memref<128xf32, #tpu.memory_space<vmem_shared>>
      %dma_wait3A_1193 = arith.constant 0 : i32
      %dma_wait3A_1194 = tpu.memref_slice %arg9[%run_scoped3A_201, %dma_wait3A_1193] : memref<17x128xf32, #tpu.memory_space<vmem>> -> memref<1x128xf32, #tpu.memory_space<vmem>>
      %dma_wait3A_1195 = tpu.memref_squeeze %dma_wait3A_1194 : memref<1x128xf32, #tpu.memory_space<vmem>> -> memref<128xf32, #tpu.memory_space<vmem>>
      %dma_wait3A_1196 = arith.constant 0 : i32
      %dma_wait3A_1197 = tpu.memref_slice %arg10[%add3A_200, %dma_wait3A_1196] : memref<16x128xf32, #tpu.memory_space<vmem_shared>> -> memref<1x128xf32, #tpu.memory_space<vmem_shared>>
      %dma_wait3A_1198 = tpu.memref_squeeze %dma_wait3A_1197 : memref<1x128xf32, #tpu.memory_space<vmem_shared>> -> memref<128xf32, #tpu.memory_space<vmem_shared>>
      tpu.wait_dma2 semaphore(%run_scoped3A_1174 : memref<!tpu.dma_semaphore, #tpu.memory_space<semaphore_mem>>) src(%dma_wait3A_1198 : memref<128xf32, #tpu.memory_space<vmem_shared>>) dst(%dma_wait3A_1195 : memref<128xf32, #tpu.memory_space<vmem>>)
      tpu.yield
    }) : () -> ()
    %add3A_202 = arith.constant 10 : i32
    %add3A_203 = arith.addi %mul3A_171, %add3A_202 : i32
    %run_scoped3A_204 = arith.constant 11 : i32
    "tpu.region"() ({
      %run_scoped3A_1174 = tpu.sem_alloc : memref<!tpu.dma_semaphore, #tpu.memory_space<semaphore_mem>>
      %dma_start3A_1175 = arith.constant 0 : i32
      %dma_start3A_1176 = tpu.memref_slice %arg9[%run_scoped3A_204, %dma_start3A_1175] : memref<17x128xf32, #tpu.memory_space<vmem>> -> memref<1x128xf32, #tpu.memory_space<vmem>>
      %dma_start3A_1177 = tpu.memref_squeeze %dma_start3A_1176 : memref<1x128xf32, #tpu.memory_space<vmem>> -> memref<128xf32, #tpu.memory_space<vmem>>
      %dma_start3A_1178 = arith.constant 0 : i32
      %dma_start3A_1179 = tpu.memref_slice %arg10[%add3A_203, %dma_start3A_1178] : memref<16x128xf32, #tpu.memory_space<vmem_shared>> -> memref<1x128xf32, #tpu.memory_space<vmem_shared>>
      %dma_start3A_1180 = tpu.memref_squeeze %dma_start3A_1179 : memref<1x128xf32, #tpu.memory_space<vmem_shared>> -> memref<128xf32, #tpu.memory_space<vmem_shared>>
      %dma_start3A_1181 = arith.constant 0 : i32
      %dma_start3A_1182 = tpu.memref_slice %arg9[%run_scoped3A_204, %dma_start3A_1181] : memref<17x128xf32, #tpu.memory_space<vmem>> -> memref<1x128xf32, #tpu.memory_space<vmem>>
      %dma_start3A_1183 = tpu.memref_squeeze %dma_start3A_1182 : memref<1x128xf32, #tpu.memory_space<vmem>> -> memref<128xf32, #tpu.memory_space<vmem>>
      %dma_start3A_1184 = arith.constant 0 : i32
      %dma_start3A_1185 = tpu.memref_slice %arg10[%add3A_203, %dma_start3A_1184] : memref<16x128xf32, #tpu.memory_space<vmem_shared>> -> memref<1x128xf32, #tpu.memory_space<vmem_shared>>
      %dma_start3A_1186 = tpu.memref_squeeze %dma_start3A_1185 : memref<1x128xf32, #tpu.memory_space<vmem_shared>> -> memref<128xf32, #tpu.memory_space<vmem_shared>>
      tpu.enqueue_dma source(%dma_start3A_1186 : memref<128xf32, #tpu.memory_space<vmem_shared>>) target(%dma_start3A_1183 : memref<128xf32, #tpu.memory_space<vmem>>) target_semaphore(%run_scoped3A_1174 : memref<!tpu.dma_semaphore, #tpu.memory_space<semaphore_mem>>)
      %dma_wait3A_1187 = arith.constant 0 : i32
      %dma_wait3A_1188 = tpu.memref_slice %arg9[%run_scoped3A_204, %dma_wait3A_1187] : memref<17x128xf32, #tpu.memory_space<vmem>> -> memref<1x128xf32, #tpu.memory_space<vmem>>
      %dma_wait3A_1189 = tpu.memref_squeeze %dma_wait3A_1188 : memref<1x128xf32, #tpu.memory_space<vmem>> -> memref<128xf32, #tpu.memory_space<vmem>>
      %dma_wait3A_1190 = arith.constant 0 : i32
      %dma_wait3A_1191 = tpu.memref_slice %arg10[%add3A_203, %dma_wait3A_1190] : memref<16x128xf32, #tpu.memory_space<vmem_shared>> -> memref<1x128xf32, #tpu.memory_space<vmem_shared>>
      %dma_wait3A_1192 = tpu.memref_squeeze %dma_wait3A_1191 : memref<1x128xf32, #tpu.memory_space<vmem_shared>> -> memref<128xf32, #tpu.memory_space<vmem_shared>>
      %dma_wait3A_1193 = arith.constant 0 : i32
      %dma_wait3A_1194 = tpu.memref_slice %arg9[%run_scoped3A_204, %dma_wait3A_1193] : memref<17x128xf32, #tpu.memory_space<vmem>> -> memref<1x128xf32, #tpu.memory_space<vmem>>
      %dma_wait3A_1195 = tpu.memref_squeeze %dma_wait3A_1194 : memref<1x128xf32, #tpu.memory_space<vmem>> -> memref<128xf32, #tpu.memory_space<vmem>>
      %dma_wait3A_1196 = arith.constant 0 : i32
      %dma_wait3A_1197 = tpu.memref_slice %arg10[%add3A_203, %dma_wait3A_1196] : memref<16x128xf32, #tpu.memory_space<vmem_shared>> -> memref<1x128xf32, #tpu.memory_space<vmem_shared>>
      %dma_wait3A_1198 = tpu.memref_squeeze %dma_wait3A_1197 : memref<1x128xf32, #tpu.memory_space<vmem_shared>> -> memref<128xf32, #tpu.memory_space<vmem_shared>>
      tpu.wait_dma2 semaphore(%run_scoped3A_1174 : memref<!tpu.dma_semaphore, #tpu.memory_space<semaphore_mem>>) src(%dma_wait3A_1198 : memref<128xf32, #tpu.memory_space<vmem_shared>>) dst(%dma_wait3A_1195 : memref<128xf32, #tpu.memory_space<vmem>>)
      tpu.yield
    }) : () -> ()
    %add3A_205 = arith.constant 11 : i32
    %add3A_206 = arith.addi %mul3A_171, %add3A_205 : i32
    %run_scoped3A_207 = arith.constant 12 : i32
    "tpu.region"() ({
      %run_scoped3A_1174 = tpu.sem_alloc : memref<!tpu.dma_semaphore, #tpu.memory_space<semaphore_mem>>
      %dma_start3A_1175 = arith.constant 0 : i32
      %dma_start3A_1176 = tpu.memref_slice %arg9[%run_scoped3A_207, %dma_start3A_1175] : memref<17x128xf32, #tpu.memory_space<vmem>> -> memref<1x128xf32, #tpu.memory_space<vmem>>
      %dma_start3A_1177 = tpu.memref_squeeze %dma_start3A_1176 : memref<1x128xf32, #tpu.memory_space<vmem>> -> memref<128xf32, #tpu.memory_space<vmem>>
      %dma_start3A_1178 = arith.constant 0 : i32
      %dma_start3A_1179 = tpu.memref_slice %arg10[%add3A_206, %dma_start3A_1178] : memref<16x128xf32, #tpu.memory_space<vmem_shared>> -> memref<1x128xf32, #tpu.memory_space<vmem_shared>>
      %dma_start3A_1180 = tpu.memref_squeeze %dma_start3A_1179 : memref<1x128xf32, #tpu.memory_space<vmem_shared>> -> memref<128xf32, #tpu.memory_space<vmem_shared>>
      %dma_start3A_1181 = arith.constant 0 : i32
      %dma_start3A_1182 = tpu.memref_slice %arg9[%run_scoped3A_207, %dma_start3A_1181] : memref<17x128xf32, #tpu.memory_space<vmem>> -> memref<1x128xf32, #tpu.memory_space<vmem>>
      %dma_start3A_1183 = tpu.memref_squeeze %dma_start3A_1182 : memref<1x128xf32, #tpu.memory_space<vmem>> -> memref<128xf32, #tpu.memory_space<vmem>>
      %dma_start3A_1184 = arith.constant 0 : i32
      %dma_start3A_1185 = tpu.memref_slice %arg10[%add3A_206, %dma_start3A_1184] : memref<16x128xf32, #tpu.memory_space<vmem_shared>> -> memref<1x128xf32, #tpu.memory_space<vmem_shared>>
      %dma_start3A_1186 = tpu.memref_squeeze %dma_start3A_1185 : memref<1x128xf32, #tpu.memory_space<vmem_shared>> -> memref<128xf32, #tpu.memory_space<vmem_shared>>
      tpu.enqueue_dma source(%dma_start3A_1186 : memref<128xf32, #tpu.memory_space<vmem_shared>>) target(%dma_start3A_1183 : memref<128xf32, #tpu.memory_space<vmem>>) target_semaphore(%run_scoped3A_1174 : memref<!tpu.dma_semaphore, #tpu.memory_space<semaphore_mem>>)
      %dma_wait3A_1187 = arith.constant 0 : i32
      %dma_wait3A_1188 = tpu.memref_slice %arg9[%run_scoped3A_207, %dma_wait3A_1187] : memref<17x128xf32, #tpu.memory_space<vmem>> -> memref<1x128xf32, #tpu.memory_space<vmem>>
      %dma_wait3A_1189 = tpu.memref_squeeze %dma_wait3A_1188 : memref<1x128xf32, #tpu.memory_space<vmem>> -> memref<128xf32, #tpu.memory_space<vmem>>
      %dma_wait3A_1190 = arith.constant 0 : i32
      %dma_wait3A_1191 = tpu.memref_slice %arg10[%add3A_206, %dma_wait3A_1190] : memref<16x128xf32, #tpu.memory_space<vmem_shared>> -> memref<1x128xf32, #tpu.memory_space<vmem_shared>>
      %dma_wait3A_1192 = tpu.memref_squeeze %dma_wait3A_1191 : memref<1x128xf32, #tpu.memory_space<vmem_shared>> -> memref<128xf32, #tpu.memory_space<vmem_shared>>
      %dma_wait3A_1193 = arith.constant 0 : i32
      %dma_wait3A_1194 = tpu.memref_slice %arg9[%run_scoped3A_207, %dma_wait3A_1193] : memref<17x128xf32, #tpu.memory_space<vmem>> -> memref<1x128xf32, #tpu.memory_space<vmem>>
      %dma_wait3A_1195 = tpu.memref_squeeze %dma_wait3A_1194 : memref<1x128xf32, #tpu.memory_space<vmem>> -> memref<128xf32, #tpu.memory_space<vmem>>
      %dma_wait3A_1196 = arith.constant 0 : i32
      %dma_wait3A_1197 = tpu.memref_slice %arg10[%add3A_206, %dma_wait3A_1196] : memref<16x128xf32, #tpu.memory_space<vmem_shared>> -> memref<1x128xf32, #tpu.memory_space<vmem_shared>>
      %dma_wait3A_1198 = tpu.memref_squeeze %dma_wait3A_1197 : memref<1x128xf32, #tpu.memory_space<vmem_shared>> -> memref<128xf32, #tpu.memory_space<vmem_shared>>
      tpu.wait_dma2 semaphore(%run_scoped3A_1174 : memref<!tpu.dma_semaphore, #tpu.memory_space<semaphore_mem>>) src(%dma_wait3A_1198 : memref<128xf32, #tpu.memory_space<vmem_shared>>) dst(%dma_wait3A_1195 : memref<128xf32, #tpu.memory_space<vmem>>)
      tpu.yield
    }) : () -> ()
    %add3A_208 = arith.constant 12 : i32
    %add3A_209 = arith.addi %mul3A_171, %add3A_208 : i32
    %run_scoped3A_210 = arith.constant 13 : i32
    "tpu.region"() ({
      %run_scoped3A_1174 = tpu.sem_alloc : memref<!tpu.dma_semaphore, #tpu.memory_space<semaphore_mem>>
      %dma_start3A_1175 = arith.constant 0 : i32
      %dma_start3A_1176 = tpu.memref_slice %arg9[%run_scoped3A_210, %dma_start3A_1175] : memref<17x128xf32, #tpu.memory_space<vmem>> -> memref<1x128xf32, #tpu.memory_space<vmem>>
      %dma_start3A_1177 = tpu.memref_squeeze %dma_start3A_1176 : memref<1x128xf32, #tpu.memory_space<vmem>> -> memref<128xf32, #tpu.memory_space<vmem>>
      %dma_start3A_1178 = arith.constant 0 : i32
      %dma_start3A_1179 = tpu.memref_slice %arg10[%add3A_209, %dma_start3A_1178] : memref<16x128xf32, #tpu.memory_space<vmem_shared>> -> memref<1x128xf32, #tpu.memory_space<vmem_shared>>
      %dma_start3A_1180 = tpu.memref_squeeze %dma_start3A_1179 : memref<1x128xf32, #tpu.memory_space<vmem_shared>> -> memref<128xf32, #tpu.memory_space<vmem_shared>>
      %dma_start3A_1181 = arith.constant 0 : i32
      %dma_start3A_1182 = tpu.memref_slice %arg9[%run_scoped3A_210, %dma_start3A_1181] : memref<17x128xf32, #tpu.memory_space<vmem>> -> memref<1x128xf32, #tpu.memory_space<vmem>>
      %dma_start3A_1183 = tpu.memref_squeeze %dma_start3A_1182 : memref<1x128xf32, #tpu.memory_space<vmem>> -> memref<128xf32, #tpu.memory_space<vmem>>
      %dma_start3A_1184 = arith.constant 0 : i32
      %dma_start3A_1185 = tpu.memref_slice %arg10[%add3A_209, %dma_start3A_1184] : memref<16x128xf32, #tpu.memory_space<vmem_shared>> -> memref<1x128xf32, #tpu.memory_space<vmem_shared>>
      %dma_start3A_1186 = tpu.memref_squeeze %dma_start3A_1185 : memref<1x128xf32, #tpu.memory_space<vmem_shared>> -> memref<128xf32, #tpu.memory_space<vmem_shared>>
      tpu.enqueue_dma source(%dma_start3A_1186 : memref<128xf32, #tpu.memory_space<vmem_shared>>) target(%dma_start3A_1183 : memref<128xf32, #tpu.memory_space<vmem>>) target_semaphore(%run_scoped3A_1174 : memref<!tpu.dma_semaphore, #tpu.memory_space<semaphore_mem>>)
      %dma_wait3A_1187 = arith.constant 0 : i32
      %dma_wait3A_1188 = tpu.memref_slice %arg9[%run_scoped3A_210, %dma_wait3A_1187] : memref<17x128xf32, #tpu.memory_space<vmem>> -> memref<1x128xf32, #tpu.memory_space<vmem>>
      %dma_wait3A_1189 = tpu.memref_squeeze %dma_wait3A_1188 : memref<1x128xf32, #tpu.memory_space<vmem>> -> memref<128xf32, #tpu.memory_space<vmem>>
      %dma_wait3A_1190 = arith.constant 0 : i32
      %dma_wait3A_1191 = tpu.memref_slice %arg10[%add3A_209, %dma_wait3A_1190] : memref<16x128xf32, #tpu.memory_space<vmem_shared>> -> memref<1x128xf32, #tpu.memory_space<vmem_shared>>
      %dma_wait3A_1192 = tpu.memref_squeeze %dma_wait3A_1191 : memref<1x128xf32, #tpu.memory_space<vmem_shared>> -> memref<128xf32, #tpu.memory_space<vmem_shared>>
      %dma_wait3A_1193 = arith.constant 0 : i32
      %dma_wait3A_1194 = tpu.memref_slice %arg9[%run_scoped3A_210, %dma_wait3A_1193] : memref<17x128xf32, #tpu.memory_space<vmem>> -> memref<1x128xf32, #tpu.memory_space<vmem>>
      %dma_wait3A_1195 = tpu.memref_squeeze %dma_wait3A_1194 : memref<1x128xf32, #tpu.memory_space<vmem>> -> memref<128xf32, #tpu.memory_space<vmem>>
      %dma_wait3A_1196 = arith.constant 0 : i32
      %dma_wait3A_1197 = tpu.memref_slice %arg10[%add3A_209, %dma_wait3A_1196] : memref<16x128xf32, #tpu.memory_space<vmem_shared>> -> memref<1x128xf32, #tpu.memory_space<vmem_shared>>
      %dma_wait3A_1198 = tpu.memref_squeeze %dma_wait3A_1197 : memref<1x128xf32, #tpu.memory_space<vmem_shared>> -> memref<128xf32, #tpu.memory_space<vmem_shared>>
      tpu.wait_dma2 semaphore(%run_scoped3A_1174 : memref<!tpu.dma_semaphore, #tpu.memory_space<semaphore_mem>>) src(%dma_wait3A_1198 : memref<128xf32, #tpu.memory_space<vmem_shared>>) dst(%dma_wait3A_1195 : memref<128xf32, #tpu.memory_space<vmem>>)
      tpu.yield
    }) : () -> ()
    %add3A_211 = arith.constant 13 : i32
    %add3A_212 = arith.addi %mul3A_171, %add3A_211 : i32
    %run_scoped3A_213 = arith.constant 14 : i32
    "tpu.region"() ({
      %run_scoped3A_1174 = tpu.sem_alloc : memref<!tpu.dma_semaphore, #tpu.memory_space<semaphore_mem>>
      %dma_start3A_1175 = arith.constant 0 : i32
      %dma_start3A_1176 = tpu.memref_slice %arg9[%run_scoped3A_213, %dma_start3A_1175] : memref<17x128xf32, #tpu.memory_space<vmem>> -> memref<1x128xf32, #tpu.memory_space<vmem>>
      %dma_start3A_1177 = tpu.memref_squeeze %dma_start3A_1176 : memref<1x128xf32, #tpu.memory_space<vmem>> -> memref<128xf32, #tpu.memory_space<vmem>>
      %dma_start3A_1178 = arith.constant 0 : i32
      %dma_start3A_1179 = tpu.memref_slice %arg10[%add3A_212, %dma_start3A_1178] : memref<16x128xf32, #tpu.memory_space<vmem_shared>> -> memref<1x128xf32, #tpu.memory_space<vmem_shared>>
      %dma_start3A_1180 = tpu.memref_squeeze %dma_start3A_1179 : memref<1x128xf32, #tpu.memory_space<vmem_shared>> -> memref<128xf32, #tpu.memory_space<vmem_shared>>
      %dma_start3A_1181 = arith.constant 0 : i32
      %dma_start3A_1182 = tpu.memref_slice %arg9[%run_scoped3A_213, %dma_start3A_1181] : memref<17x128xf32, #tpu.memory_space<vmem>> -> memref<1x128xf32, #tpu.memory_space<vmem>>
      %dma_start3A_1183 = tpu.memref_squeeze %dma_start3A_1182 : memref<1x128xf32, #tpu.memory_space<vmem>> -> memref<128xf32, #tpu.memory_space<vmem>>
      %dma_start3A_1184 = arith.constant 0 : i32
      %dma_start3A_1185 = tpu.memref_slice %arg10[%add3A_212, %dma_start3A_1184] : memref<16x128xf32, #tpu.memory_space<vmem_shared>> -> memref<1x128xf32, #tpu.memory_space<vmem_shared>>
      %dma_start3A_1186 = tpu.memref_squeeze %dma_start3A_1185 : memref<1x128xf32, #tpu.memory_space<vmem_shared>> -> memref<128xf32, #tpu.memory_space<vmem_shared>>
      tpu.enqueue_dma source(%dma_start3A_1186 : memref<128xf32, #tpu.memory_space<vmem_shared>>) target(%dma_start3A_1183 : memref<128xf32, #tpu.memory_space<vmem>>) target_semaphore(%run_scoped3A_1174 : memref<!tpu.dma_semaphore, #tpu.memory_space<semaphore_mem>>)
      %dma_wait3A_1187 = arith.constant 0 : i32
      %dma_wait3A_1188 = tpu.memref_slice %arg9[%run_scoped3A_213, %dma_wait3A_1187] : memref<17x128xf32, #tpu.memory_space<vmem>> -> memref<1x128xf32, #tpu.memory_space<vmem>>
      %dma_wait3A_1189 = tpu.memref_squeeze %dma_wait3A_1188 : memref<1x128xf32, #tpu.memory_space<vmem>> -> memref<128xf32, #tpu.memory_space<vmem>>
      %dma_wait3A_1190 = arith.constant 0 : i32
      %dma_wait3A_1191 = tpu.memref_slice %arg10[%add3A_212, %dma_wait3A_1190] : memref<16x128xf32, #tpu.memory_space<vmem_shared>> -> memref<1x128xf32, #tpu.memory_space<vmem_shared>>
      %dma_wait3A_1192 = tpu.memref_squeeze %dma_wait3A_1191 : memref<1x128xf32, #tpu.memory_space<vmem_shared>> -> memref<128xf32, #tpu.memory_space<vmem_shared>>
      %dma_wait3A_1193 = arith.constant 0 : i32
      %dma_wait3A_1194 = tpu.memref_slice %arg9[%run_scoped3A_213, %dma_wait3A_1193] : memref<17x128xf32, #tpu.memory_space<vmem>> -> memref<1x128xf32, #tpu.memory_space<vmem>>
      %dma_wait3A_1195 = tpu.memref_squeeze %dma_wait3A_1194 : memref<1x128xf32, #tpu.memory_space<vmem>> -> memref<128xf32, #tpu.memory_space<vmem>>
      %dma_wait3A_1196 = arith.constant 0 : i32
      %dma_wait3A_1197 = tpu.memref_slice %arg10[%add3A_212, %dma_wait3A_1196] : memref<16x128xf32, #tpu.memory_space<vmem_shared>> -> memref<1x128xf32, #tpu.memory_space<vmem_shared>>
      %dma_wait3A_1198 = tpu.memref_squeeze %dma_wait3A_1197 : memref<1x128xf32, #tpu.memory_space<vmem_shared>> -> memref<128xf32, #tpu.memory_space<vmem_shared>>
      tpu.wait_dma2 semaphore(%run_scoped3A_1174 : memref<!tpu.dma_semaphore, #tpu.memory_space<semaphore_mem>>) src(%dma_wait3A_1198 : memref<128xf32, #tpu.memory_space<vmem_shared>>) dst(%dma_wait3A_1195 : memref<128xf32, #tpu.memory_space<vmem>>)
      tpu.yield
    }) : () -> ()
    %add3A_214 = arith.constant 14 : i32
    %add3A_215 = arith.addi %mul3A_171, %add3A_214 : i32
    %run_scoped3A_216 = arith.constant 15 : i32
    "tpu.region"() ({
      %run_scoped3A_1174 = tpu.sem_alloc : memref<!tpu.dma_semaphore, #tpu.memory_space<semaphore_mem>>
      %dma_start3A_1175 = arith.constant 0 : i32
      %dma_start3A_1176 = tpu.memref_slice %arg9[%run_scoped3A_216, %dma_start3A_1175] : memref<17x128xf32, #tpu.memory_space<vmem>> -> memref<1x128xf32, #tpu.memory_space<vmem>>
      %dma_start3A_1177 = tpu.memref_squeeze %dma_start3A_1176 : memref<1x128xf32, #tpu.memory_space<vmem>> -> memref<128xf32, #tpu.memory_space<vmem>>
      %dma_start3A_1178 = arith.constant 0 : i32
      %dma_start3A_1179 = tpu.memref_slice %arg10[%add3A_215, %dma_start3A_1178] : memref<16x128xf32, #tpu.memory_space<vmem_shared>> -> memref<1x128xf32, #tpu.memory_space<vmem_shared>>
      %dma_start3A_1180 = tpu.memref_squeeze %dma_start3A_1179 : memref<1x128xf32, #tpu.memory_space<vmem_shared>> -> memref<128xf32, #tpu.memory_space<vmem_shared>>
      %dma_start3A_1181 = arith.constant 0 : i32
      %dma_start3A_1182 = tpu.memref_slice %arg9[%run_scoped3A_216, %dma_start3A_1181] : memref<17x128xf32, #tpu.memory_space<vmem>> -> memref<1x128xf32, #tpu.memory_space<vmem>>
      %dma_start3A_1183 = tpu.memref_squeeze %dma_start3A_1182 : memref<1x128xf32, #tpu.memory_space<vmem>> -> memref<128xf32, #tpu.memory_space<vmem>>
      %dma_start3A_1184 = arith.constant 0 : i32
      %dma_start3A_1185 = tpu.memref_slice %arg10[%add3A_215, %dma_start3A_1184] : memref<16x128xf32, #tpu.memory_space<vmem_shared>> -> memref<1x128xf32, #tpu.memory_space<vmem_shared>>
      %dma_start3A_1186 = tpu.memref_squeeze %dma_start3A_1185 : memref<1x128xf32, #tpu.memory_space<vmem_shared>> -> memref<128xf32, #tpu.memory_space<vmem_shared>>
      tpu.enqueue_dma source(%dma_start3A_1186 : memref<128xf32, #tpu.memory_space<vmem_shared>>) target(%dma_start3A_1183 : memref<128xf32, #tpu.memory_space<vmem>>) target_semaphore(%run_scoped3A_1174 : memref<!tpu.dma_semaphore, #tpu.memory_space<semaphore_mem>>)
      %dma_wait3A_1187 = arith.constant 0 : i32
      %dma_wait3A_1188 = tpu.memref_slice %arg9[%run_scoped3A_216, %dma_wait3A_1187] : memref<17x128xf32, #tpu.memory_space<vmem>> -> memref<1x128xf32, #tpu.memory_space<vmem>>
      %dma_wait3A_1189 = tpu.memref_squeeze %dma_wait3A_1188 : memref<1x128xf32, #tpu.memory_space<vmem>> -> memref<128xf32, #tpu.memory_space<vmem>>
      %dma_wait3A_1190 = arith.constant 0 : i32
      %dma_wait3A_1191 = tpu.memref_slice %arg10[%add3A_215, %dma_wait3A_1190] : memref<16x128xf32, #tpu.memory_space<vmem_shared>> -> memref<1x128xf32, #tpu.memory_space<vmem_shared>>
      %dma_wait3A_1192 = tpu.memref_squeeze %dma_wait3A_1191 : memref<1x128xf32, #tpu.memory_space<vmem_shared>> -> memref<128xf32, #tpu.memory_space<vmem_shared>>
      %dma_wait3A_1193 = arith.constant 0 : i32
      %dma_wait3A_1194 = tpu.memref_slice %arg9[%run_scoped3A_216, %dma_wait3A_1193] : memref<17x128xf32, #tpu.memory_space<vmem>> -> memref<1x128xf32, #tpu.memory_space<vmem>>
      %dma_wait3A_1195 = tpu.memref_squeeze %dma_wait3A_1194 : memref<1x128xf32, #tpu.memory_space<vmem>> -> memref<128xf32, #tpu.memory_space<vmem>>
      %dma_wait3A_1196 = arith.constant 0 : i32
      %dma_wait3A_1197 = tpu.memref_slice %arg10[%add3A_215, %dma_wait3A_1196] : memref<16x128xf32, #tpu.memory_space<vmem_shared>> -> memref<1x128xf32, #tpu.memory_space<vmem_shared>>
      %dma_wait3A_1198 = tpu.memref_squeeze %dma_wait3A_1197 : memref<1x128xf32, #tpu.memory_space<vmem_shared>> -> memref<128xf32, #tpu.memory_space<vmem_shared>>
      tpu.wait_dma2 semaphore(%run_scoped3A_1174 : memref<!tpu.dma_semaphore, #tpu.memory_space<semaphore_mem>>) src(%dma_wait3A_1198 : memref<128xf32, #tpu.memory_space<vmem_shared>>) dst(%dma_wait3A_1195 : memref<128xf32, #tpu.memory_space<vmem>>)
      tpu.yield
    }) : () -> ()
    %add3A_217 = arith.constant 15 : i32
    %add3A_218 = arith.addi %mul3A_171, %add3A_217 : i32
    %run_scoped3A_219 = arith.constant 16 : i32
    "tpu.region"() ({
      %run_scoped3A_1174 = tpu.sem_alloc : memref<!tpu.dma_semaphore, #tpu.memory_space<semaphore_mem>>
      %dma_start3A_1175 = arith.constant 0 : i32
      %dma_start3A_1176 = tpu.memref_slice %arg9[%run_scoped3A_219, %dma_start3A_1175] : memref<17x128xf32, #tpu.memory_space<vmem>> -> memref<1x128xf32, #tpu.memory_space<vmem>>
      %dma_start3A_1177 = tpu.memref_squeeze %dma_start3A_1176 : memref<1x128xf32, #tpu.memory_space<vmem>> -> memref<128xf32, #tpu.memory_space<vmem>>
      %dma_start3A_1178 = arith.constant 0 : i32
      %dma_start3A_1179 = tpu.memref_slice %arg10[%add3A_218, %dma_start3A_1178] : memref<16x128xf32, #tpu.memory_space<vmem_shared>> -> memref<1x128xf32, #tpu.memory_space<vmem_shared>>
      %dma_start3A_1180 = tpu.memref_squeeze %dma_start3A_1179 : memref<1x128xf32, #tpu.memory_space<vmem_shared>> -> memref<128xf32, #tpu.memory_space<vmem_shared>>
      %dma_start3A_1181 = arith.constant 0 : i32
      %dma_start3A_1182 = tpu.memref_slice %arg9[%run_scoped3A_219, %dma_start3A_1181] : memref<17x128xf32, #tpu.memory_space<vmem>> -> memref<1x128xf32, #tpu.memory_space<vmem>>
      %dma_start3A_1183 = tpu.memref_squeeze %dma_start3A_1182 : memref<1x128xf32, #tpu.memory_space<vmem>> -> memref<128xf32, #tpu.memory_space<vmem>>
      %dma_start3A_1184 = arith.constant 0 : i32
      %dma_start3A_1185 = tpu.memref_slice %arg10[%add3A_218, %dma_start3A_1184] : memref<16x128xf32, #tpu.memory_space<vmem_shared>> -> memref<1x128xf32, #tpu.memory_space<vmem_shared>>
      %dma_start3A_1186 = tpu.memref_squeeze %dma_start3A_1185 : memref<1x128xf32, #tpu.memory_space<vmem_shared>> -> memref<128xf32, #tpu.memory_space<vmem_shared>>
      tpu.enqueue_dma source(%dma_start3A_1186 : memref<128xf32, #tpu.memory_space<vmem_shared>>) target(%dma_start3A_1183 : memref<128xf32, #tpu.memory_space<vmem>>) target_semaphore(%run_scoped3A_1174 : memref<!tpu.dma_semaphore, #tpu.memory_space<semaphore_mem>>)
      %dma_wait3A_1187 = arith.constant 0 : i32
      %dma_wait3A_1188 = tpu.memref_slice %arg9[%run_scoped3A_219, %dma_wait3A_1187] : memref<17x128xf32, #tpu.memory_space<vmem>> -> memref<1x128xf32, #tpu.memory_space<vmem>>
      %dma_wait3A_1189 = tpu.memref_squeeze %dma_wait3A_1188 : memref<1x128xf32, #tpu.memory_space<vmem>> -> memref<128xf32, #tpu.memory_space<vmem>>
      %dma_wait3A_1190 = arith.constant 0 : i32
      %dma_wait3A_1191 = tpu.memref_slice %arg10[%add3A_218, %dma_wait3A_1190] : memref<16x128xf32, #tpu.memory_space<vmem_shared>> -> memref<1x128xf32, #tpu.memory_space<vmem_shared>>
      %dma_wait3A_1192 = tpu.memref_squeeze %dma_wait3A_1191 : memref<1x128xf32, #tpu.memory_space<vmem_shared>> -> memref<128xf32, #tpu.memory_space<vmem_shared>>
      %dma_wait3A_1193 = arith.constant 0 : i32
      %dma_wait3A_1194 = tpu.memref_slice %arg9[%run_scoped3A_219, %dma_wait3A_1193] : memref<17x128xf32, #tpu.memory_space<vmem>> -> memref<1x128xf32, #tpu.memory_space<vmem>>
      %dma_wait3A_1195 = tpu.memref_squeeze %dma_wait3A_1194 : memref<1x128xf32, #tpu.memory_space<vmem>> -> memref<128xf32, #tpu.memory_space<vmem>>
      %dma_wait3A_1196 = arith.constant 0 : i32
      %dma_wait3A_1197 = tpu.memref_slice %arg10[%add3A_218, %dma_wait3A_1196] : memref<16x128xf32, #tpu.memory_space<vmem_shared>> -> memref<1x128xf32, #tpu.memory_space<vmem_shared>>
      %dma_wait3A_1198 = tpu.memref_squeeze %dma_wait3A_1197 : memref<1x128xf32, #tpu.memory_space<vmem_shared>> -> memref<128xf32, #tpu.memory_space<vmem_shared>>
      tpu.wait_dma2 semaphore(%run_scoped3A_1174 : memref<!tpu.dma_semaphore, #tpu.memory_space<semaphore_mem>>) src(%dma_wait3A_1198 : memref<128xf32, #tpu.memory_space<vmem_shared>>) dst(%dma_wait3A_1195 : memref<128xf32, #tpu.memory_space<vmem>>)
      tpu.yield
    }) : () -> ()
    %get3A = arith.constant 1 : i32
    %get3A_220 = arith.index_cast %get3A : i32 to index
    %get3A_221 = arith.constant 0 : index
    %get3A_222 = tpu.vector_load %arg9[%get3A_220, %get3A_221] {strides = array<i32>} : memref<17x128xf32, #tpu.memory_space<vmem>>, vector<16xf32>,
    %get3A_223 = arith.constant 2 : i32
    %get3A_224 = arith.index_cast %get3A_223 : i32 to index
    %get3A_225 = arith.constant 0 : index
    %get3A_226 = tpu.vector_load %arg9[%get3A_224, %get3A_225] {strides = array<i32>} : memref<17x128xf32, #tpu.memory_space<vmem>>, vector<16xf32>,
    %add3A_227 = arith.addf %get3A_222, %get3A_226 : vector<16xf32>
    %get3A_228 = arith.constant 3 : i32
    %get3A_229 = arith.index_cast %get3A_228 : i32 to index
    %get3A_230 = arith.constant 0 : index
    %get3A_231 = tpu.vector_load %arg9[%get3A_229, %get3A_230] {strides = array<i32>} : memref<17x128xf32, #tpu.memory_space<vmem>>, vector<16xf32>,
    %add3A_232 = arith.addf %add3A_227, %get3A_231 : vector<16xf32>
    %get3A_233 = arith.constant 4 : i32
    %get3A_234 = arith.index_cast %get3A_233 : i32 to index
    %get3A_235 = arith.constant 0 : index
    %get3A_236 = tpu.vector_load %arg9[%get3A_234, %get3A_235] {strides = array<i32>} : memref<17x128xf32, #tpu.memory_space<vmem>>, vector<16xf32>,
    %add3A_237 = arith.addf %add3A_232, %get3A_236 : vector<16xf32>
    %get3A_238 = arith.constant 5 : i32
    %get3A_239 = arith.index_cast %get3A_238 : i32 to index
    %get3A_240 = arith.constant 0 : index
    %get3A_241 = tpu.vector_load %arg9[%get3A_239, %get3A_240] {strides = array<i32>} : memref<17x128xf32, #tpu.memory_space<vmem>>, vector<16xf32>,
    %add3A_242 = arith.addf %add3A_237, %get3A_241 : vector<16xf32>
    %get3A_243 = arith.constant 6 : i32
    %get3A_244 = arith.index_cast %get3A_243 : i32 to index
    %get3A_245 = arith.constant 0 : index
    %get3A_246 = tpu.vector_load %arg9[%get3A_244, %get3A_245] {strides = array<i32>} : memref<17x128xf32, #tpu.memory_space<vmem>>, vector<16xf32>,
    %add3A_247 = arith.addf %add3A_242, %get3A_246 : vector<16xf32>
    %get3A_248 = arith.constant 7 : i32
    %get3A_249 = arith.index_cast %get3A_248 : i32 to index
    %get3A_250 = arith.constant 0 : index
    %get3A_251 = tpu.vector_load %arg9[%get3A_249, %get3A_250] {strides = array<i32>} : memref<17x128xf32, #tpu.memory_space<vmem>>, vector<16xf32>,
    %add3A_252 = arith.addf %add3A_247, %get3A_251 : vector<16xf32>
    %get3A_253 = arith.constant 8 : i32
    %get3A_254 = arith.index_cast %get3A_253 : i32 to index
    %get3A_255 = arith.constant 0 : index
    %get3A_256 = tpu.vector_load %arg9[%get3A_254, %get3A_255] {strides = array<i32>} : memref<17x128xf32, #tpu.memory_space<vmem>>, vector<16xf32>,
    %add3A_257 = arith.addf %add3A_252, %get3A_256 : vector<16xf32>
    %get3A_258 = arith.constant 9 : i32
    %get3A_259 = arith.index_cast %get3A_258 : i32 to index
    %get3A_260 = arith.constant 0 : index
    %get3A_261 = tpu.vector_load %arg9[%get3A_259, %get3A_260] {strides = array<i32>} : memref<17x128xf32, #tpu.memory_space<vmem>>, vector<16xf32>,
    %add3A_262 = arith.addf %add3A_257, %get3A_261 : vector<16xf32>
    %get3A_263 = arith.constant 10 : i32
    %get3A_264 = arith.index_cast %get3A_263 : i32 to index
    %get3A_265 = arith.constant 0 : index
    %get3A_266 = tpu.vector_load %arg9[%get3A_264, %get3A_265] {strides = array<i32>} : memref<17x128xf32, #tpu.memory_space<vmem>>, vector<16xf32>,
    %add3A_267 = arith.addf %add3A_262, %get3A_266 : vector<16xf32>
    %get3A_268 = arith.constant 11 : i32
    %get3A_269 = arith.index_cast %get3A_268 : i32 to index
    %get3A_270 = arith.constant 0 : index
    %get3A_271 = tpu.vector_load %arg9[%get3A_269, %get3A_270] {strides = array<i32>} : memref<17x128xf32, #tpu.memory_space<vmem>>, vector<16xf32>,
    %add3A_272 = arith.addf %add3A_267, %get3A_271 : vector<16xf32>
    %get3A_273 = arith.constant 12 : i32
    %get3A_274 = arith.index_cast %get3A_273 : i32 to index
    %get3A_275 = arith.constant 0 : index
    %get3A_276 = tpu.vector_load %arg9[%get3A_274, %get3A_275] {strides = array<i32>} : memref<17x128xf32, #tpu.memory_space<vmem>>, vector<16xf32>,
    %add3A_277 = arith.addf %add3A_272, %get3A_276 : vector<16xf32>
    %get3A_278 = arith.constant 13 : i32
    %get3A_279 = arith.index_cast %get3A_278 : i32 to index
    %get3A_280 = arith.constant 0 : index
    %get3A_281 = tpu.vector_load %arg9[%get3A_279, %get3A_280] {strides = array<i32>} : memref<17x128xf32, #tpu.memory_space<vmem>>, vector<16xf32>,
    %add3A_282 = arith.addf %add3A_277, %get3A_281 : vector<16xf32>
    %get3A_283 = arith.constant 14 : i32
    %get3A_284 = arith.index_cast %get3A_283 : i32 to index
    %get3A_285 = arith.constant 0 : index
    %get3A_286 = tpu.vector_load %arg9[%get3A_284, %get3A_285] {strides = array<i32>} : memref<17x128xf32, #tpu.memory_space<vmem>>, vector<16xf32>,
    %add3A_287 = arith.addf %add3A_282, %get3A_286 : vector<16xf32>
    %get3A_288 = arith.constant 15 : i32
    %get3A_289 = arith.index_cast %get3A_288 : i32 to index
    %get3A_290 = arith.constant 0 : index
    %get3A_291 = tpu.vector_load %arg9[%get3A_289, %get3A_290] {strides = array<i32>} : memref<17x128xf32, #tpu.memory_space<vmem>>, vector<16xf32>,
    %add3A_292 = arith.addf %add3A_287, %get3A_291 : vector<16xf32>
    %get3A_293 = arith.constant 16 : i32
    %get3A_294 = arith.index_cast %get3A_293 : i32 to index
    %get3A_295 = arith.constant 0 : index
    %get3A_296 = tpu.vector_load %arg9[%get3A_294, %get3A_295] {strides = array<i32>} : memref<17x128xf32, #tpu.memory_space<vmem>>, vector<16xf32>,
    %add3A_297 = arith.addf %add3A_292, %get3A_296 : vector<16xf32>
    %bitcast3A = vector.bitcast %add3A_297 : vector<16xf32> to vector<16xi32>
    %shift_right_arithmetic3A = arith.constant 1 : i32
    %shift_right_arithmetic3A_298 = vector.broadcast %shift_right_arithmetic3A : i32 to vector<16xi32>
    %shift_right_arithmetic3A_299 = arith.shrsi %bitcast3A, %shift_right_arithmetic3A_298 : vector<16xi32>
    %sub3A_300 = arith.constant 1597463007 : i32
    %sub3A_301 = vector.broadcast %sub3A_300 : i32 to vector<16xi32>
    %sub3A_302 = arith.subi %sub3A_301, %shift_right_arithmetic3A_299 : vector<16xi32>
    %bitcast3A_303 = vector.bitcast %sub3A_302 : vector<16xi32> to vector<16xf32>
    %mul3A_304 = arith.constant 5.000000e-01 : f32
    %mul3A_305 = vector.broadcast %mul3A_304 : f32 to vector<16xf32>
    %mul3A_306 = arith.mulf %mul3A_305, %add3A_297 : vector<16xf32>
    %mul3A_307 = arith.mulf %mul3A_306, %bitcast3A_303 : vector<16xf32>
    %mul3A_308 = arith.mulf %mul3A_307, %bitcast3A_303 : vector<16xf32>
    %sub3A_309 = arith.constant 1.500000e+00 : f32
    %sub3A_310 = vector.broadcast %sub3A_309 : f32 to vector<16xf32>
    %sub3A_311 = arith.subf %sub3A_310, %mul3A_308 : vector<16xf32>
    %mul3A_312 = arith.mulf %bitcast3A_303, %sub3A_311 : vector<16xf32>
    %mul3A_313 = arith.constant 5.000000e-01 : f32
    %mul3A_314 = vector.broadcast %mul3A_313 : f32 to vector<16xf32>
    %mul3A_315 = arith.mulf %mul3A_314, %add3A_297 : vector<16xf32>
    %mul3A_316 = arith.mulf %mul3A_315, %mul3A_312 : vector<16xf32>
    %mul3A_317 = arith.mulf %mul3A_316, %mul3A_312 : vector<16xf32>
    %sub3A_318 = arith.constant 1.500000e+00 : f32
    %sub3A_319 = vector.broadcast %sub3A_318 : f32 to vector<16xf32>
    %sub3A_320 = arith.subf %sub3A_319, %mul3A_317 : vector<16xf32>
    %mul3A_321 = arith.mulf %mul3A_312, %sub3A_320 : vector<16xf32>
    %mul3A_322 = arith.constant 5.000000e-01 : f32
    %mul3A_323 = vector.broadcast %mul3A_322 : f32 to vector<16xf32>
    %mul3A_324 = arith.mulf %mul3A_323, %add3A_297 : vector<16xf32>
    %mul3A_325 = arith.mulf %mul3A_324, %mul3A_321 : vector<16xf32>
    %mul3A_326 = arith.mulf %mul3A_325, %mul3A_321 : vector<16xf32>
    %sub3A_327 = arith.constant 1.500000e+00 : f32
    %sub3A_328 = vector.broadcast %sub3A_327 : f32 to vector<16xf32>
    %sub3A_329 = arith.subf %sub3A_328, %mul3A_326 : vector<16xf32>
    %mul3A_330 = arith.mulf %mul3A_321, %sub3A_329 : vector<16xf32>
    %swap3A_331 = arith.constant 0 : i32
    %swap3A_332 = arith.index_cast %swap3A_331 : i32 to index
    %swap3A_333 = arith.constant 0 : index
    %swap3A_334 = tpu.vector_load %arg9[%swap3A_332, %swap3A_333] {strides = array<i32>} : memref<17x128xf32, #tpu.memory_space<vmem>>, vector<16xf32>,
    tpu.vector_store %arg9[%swap3A_332, %swap3A_333], %mul3A_330 {strides = array<i32>} : memref<17x128xf32, #tpu.memory_space<vmem>>, vector<16xf32>,
    %get3A_335 = arith.constant 1 : i32
    %get3A_336 = arith.index_cast %get3A_335 : i32 to index
    %get3A_337 = arith.constant 16 : index
    %get3A_338 = tpu.vector_load %arg9[%get3A_336, %get3A_337] {strides = array<i32>} : memref<17x128xf32, #tpu.memory_space<vmem>>, vector<16xf32>,
    %get3A_339 = arith.constant 2 : i32
    %get3A_340 = arith.index_cast %get3A_339 : i32 to index
    %get3A_341 = arith.constant 16 : index
    %get3A_342 = tpu.vector_load %arg9[%get3A_340, %get3A_341] {strides = array<i32>} : memref<17x128xf32, #tpu.memory_space<vmem>>, vector<16xf32>,
    %add3A_343 = arith.addf %get3A_338, %get3A_342 : vector<16xf32>
    %get3A_344 = arith.constant 3 : i32
    %get3A_345 = arith.index_cast %get3A_344 : i32 to index
    %get3A_346 = arith.constant 16 : index
    %get3A_347 = tpu.vector_load %arg9[%get3A_345, %get3A_346] {strides = array<i32>} : memref<17x128xf32, #tpu.memory_space<vmem>>, vector<16xf32>,
    %add3A_348 = arith.addf %add3A_343, %get3A_347 : vector<16xf32>
    %get3A_349 = arith.constant 4 : i32
    %get3A_350 = arith.index_cast %get3A_349 : i32 to index
    %get3A_351 = arith.constant 16 : index
    %get3A_352 = tpu.vector_load %arg9[%get3A_350, %get3A_351] {strides = array<i32>} : memref<17x128xf32, #tpu.memory_space<vmem>>, vector<16xf32>,
    %add3A_353 = arith.addf %add3A_348, %get3A_352 : vector<16xf32>
    %get3A_354 = arith.constant 5 : i32
    %get3A_355 = arith.index_cast %get3A_354 : i32 to index
    %get3A_356 = arith.constant 16 : index
    %get3A_357 = tpu.vector_load %arg9[%get3A_355, %get3A_356] {strides = array<i32>} : memref<17x128xf32, #tpu.memory_space<vmem>>, vector<16xf32>,
    %add3A_358 = arith.addf %add3A_353, %get3A_357 : vector<16xf32>
    %get3A_359 = arith.constant 6 : i32
    %get3A_360 = arith.index_cast %get3A_359 : i32 to index
    %get3A_361 = arith.constant 16 : index
    %get3A_362 = tpu.vector_load %arg9[%get3A_360, %get3A_361] {strides = array<i32>} : memref<17x128xf32, #tpu.memory_space<vmem>>, vector<16xf32>,
    %add3A_363 = arith.addf %add3A_358, %get3A_362 : vector<16xf32>
    %get3A_364 = arith.constant 7 : i32
    %get3A_365 = arith.index_cast %get3A_364 : i32 to index
    %get3A_366 = arith.constant 16 : index
    %get3A_367 = tpu.vector_load %arg9[%get3A_365, %get3A_366] {strides = array<i32>} : memref<17x128xf32, #tpu.memory_space<vmem>>, vector<16xf32>,
    %add3A_368 = arith.addf %add3A_363, %get3A_367 : vector<16xf32>
    %get3A_369 = arith.constant 8 : i32
    %get3A_370 = arith.index_cast %get3A_369 : i32 to index
    %get3A_371 = arith.constant 16 : index
    %get3A_372 = tpu.vector_load %arg9[%get3A_370, %get3A_371] {strides = array<i32>} : memref<17x128xf32, #tpu.memory_space<vmem>>, vector<16xf32>,
    %add3A_373 = arith.addf %add3A_368, %get3A_372 : vector<16xf32>
    %get3A_374 = arith.constant 9 : i32
    %get3A_375 = arith.index_cast %get3A_374 : i32 to index
    %get3A_376 = arith.constant 16 : index
    %get3A_377 = tpu.vector_load %arg9[%get3A_375, %get3A_376] {strides = array<i32>} : memref<17x128xf32, #tpu.memory_space<vmem>>, vector<16xf32>,
    %add3A_378 = arith.addf %add3A_373, %get3A_377 : vector<16xf32>
    %get3A_379 = arith.constant 10 : i32
    %get3A_380 = arith.index_cast %get3A_379 : i32 to index
    %get3A_381 = arith.constant 16 : index
    %get3A_382 = tpu.vector_load %arg9[%get3A_380, %get3A_381] {strides = array<i32>} : memref<17x128xf32, #tpu.memory_space<vmem>>, vector<16xf32>,
    %add3A_383 = arith.addf %add3A_378, %get3A_382 : vector<16xf32>
    %get3A_384 = arith.constant 11 : i32
    %get3A_385 = arith.index_cast %get3A_384 : i32 to index
    %get3A_386 = arith.constant 16 : index
    %get3A_387 = tpu.vector_load %arg9[%get3A_385, %get3A_386] {strides = array<i32>} : memref<17x128xf32, #tpu.memory_space<vmem>>, vector<16xf32>,
    %add3A_388 = arith.addf %add3A_383, %get3A_387 : vector<16xf32>
    %get3A_389 = arith.constant 12 : i32
    %get3A_390 = arith.index_cast %get3A_389 : i32 to index
    %get3A_391 = arith.constant 16 : index
    %get3A_392 = tpu.vector_load %arg9[%get3A_390, %get3A_391] {strides = array<i32>} : memref<17x128xf32, #tpu.memory_space<vmem>>, vector<16xf32>,
    %add3A_393 = arith.addf %add3A_388, %get3A_392 : vector<16xf32>
    %get3A_394 = arith.constant 13 : i32
    %get3A_395 = arith.index_cast %get3A_394 : i32 to index
    %get3A_396 = arith.constant 16 : index
    %get3A_397 = tpu.vector_load %arg9[%get3A_395, %get3A_396] {strides = array<i32>} : memref<17x128xf32, #tpu.memory_space<vmem>>, vector<16xf32>,
    %add3A_398 = arith.addf %add3A_393, %get3A_397 : vector<16xf32>
    %get3A_399 = arith.constant 14 : i32
    %get3A_400 = arith.index_cast %get3A_399 : i32 to index
    %get3A_401 = arith.constant 16 : index
    %get3A_402 = tpu.vector_load %arg9[%get3A_400, %get3A_401] {strides = array<i32>} : memref<17x128xf32, #tpu.memory_space<vmem>>, vector<16xf32>,
    %add3A_403 = arith.addf %add3A_398, %get3A_402 : vector<16xf32>
    %get3A_404 = arith.constant 15 : i32
    %get3A_405 = arith.index_cast %get3A_404 : i32 to index
    %get3A_406 = arith.constant 16 : index
    %get3A_407 = tpu.vector_load %arg9[%get3A_405, %get3A_406] {strides = array<i32>} : memref<17x128xf32, #tpu.memory_space<vmem>>, vector<16xf32>,
    %add3A_408 = arith.addf %add3A_403, %get3A_407 : vector<16xf32>
    %get3A_409 = arith.constant 16 : i32
    %get3A_410 = arith.index_cast %get3A_409 : i32 to index
    %get3A_411 = arith.constant 16 : index
    %get3A_412 = tpu.vector_load %arg9[%get3A_410, %get3A_411] {strides = array<i32>} : memref<17x128xf32, #tpu.memory_space<vmem>>, vector<16xf32>,
    %add3A_413 = arith.addf %add3A_408, %get3A_412 : vector<16xf32>
    %bitcast3A_414 = vector.bitcast %add3A_413 : vector<16xf32> to vector<16xi32>
    %shift_right_arithmetic3A_415 = arith.constant 1 : i32
    %shift_right_arithmetic3A_416 = vector.broadcast %shift_right_arithmetic3A_415 : i32 to vector<16xi32>
    %shift_right_arithmetic3A_417 = arith.shrsi %bitcast3A_414, %shift_right_arithmetic3A_416 : vector<16xi32>
    %sub3A_418 = arith.constant 1597463007 : i32
    %sub3A_419 = vector.broadcast %sub3A_418 : i32 to vector<16xi32>
    %sub3A_420 = arith.subi %sub3A_419, %shift_right_arithmetic3A_417 : vector<16xi32>
    %bitcast3A_421 = vector.bitcast %sub3A_420 : vector<16xi32> to vector<16xf32>
    %mul3A_422 = arith.constant 5.000000e-01 : f32
    %mul3A_423 = vector.broadcast %mul3A_422 : f32 to vector<16xf32>
    %mul3A_424 = arith.mulf %mul3A_423, %add3A_413 : vector<16xf32>
    %mul3A_425 = arith.mulf %mul3A_424, %bitcast3A_421 : vector<16xf32>
    %mul3A_426 = arith.mulf %mul3A_425, %bitcast3A_421 : vector<16xf32>
    %sub3A_427 = arith.constant 1.500000e+00 : f32
    %sub3A_428 = vector.broadcast %sub3A_427 : f32 to vector<16xf32>
    %sub3A_429 = arith.subf %sub3A_428, %mul3A_426 : vector<16xf32>
    %mul3A_430 = arith.mulf %bitcast3A_421, %sub3A_429 : vector<16xf32>
    %mul3A_431 = arith.constant 5.000000e-01 : f32
    %mul3A_432 = vector.broadcast %mul3A_431 : f32 to vector<16xf32>
    %mul3A_433 = arith.mulf %mul3A_432, %add3A_413 : vector<16xf32>
    %mul3A_434 = arith.mulf %mul3A_433, %mul3A_430 : vector<16xf32>
    %mul3A_435 = arith.mulf %mul3A_434, %mul3A_430 : vector<16xf32>
    %sub3A_436 = arith.constant 1.500000e+00 : f32
    %sub3A_437 = vector.broadcast %sub3A_436 : f32 to vector<16xf32>
    %sub3A_438 = arith.subf %sub3A_437, %mul3A_435 : vector<16xf32>
    %mul3A_439 = arith.mulf %mul3A_430, %sub3A_438 : vector<16xf32>
    %mul3A_440 = arith.constant 5.000000e-01 : f32
    %mul3A_441 = vector.broadcast %mul3A_440 : f32 to vector<16xf32>
    %mul3A_442 = arith.mulf %mul3A_441, %add3A_413 : vector<16xf32>
    %mul3A_443 = arith.mulf %mul3A_442, %mul3A_439 : vector<16xf32>
    %mul3A_444 = arith.mulf %mul3A_443, %mul3A_439 : vector<16xf32>
    %sub3A_445 = arith.constant 1.500000e+00 : f32
    %sub3A_446 = vector.broadcast %sub3A_445 : f32 to vector<16xf32>
    %sub3A_447 = arith.subf %sub3A_446, %mul3A_444 : vector<16xf32>
    %mul3A_448 = arith.mulf %mul3A_439, %sub3A_447 : vector<16xf32>
    %swap3A_449 = arith.constant 0 : i32
    %swap3A_450 = arith.index_cast %swap3A_449 : i32 to index
    %swap3A_451 = arith.constant 16 : index
    %swap3A_452 = tpu.vector_load %arg9[%swap3A_450, %swap3A_451] {strides = array<i32>} : memref<17x128xf32, #tpu.memory_space<vmem>>, vector<16xf32>,
    tpu.vector_store %arg9[%swap3A_450, %swap3A_451], %mul3A_448 {strides = array<i32>} : memref<17x128xf32, #tpu.memory_space<vmem>>, vector<16xf32>,
    %get3A_453 = arith.constant 1 : i32
    %get3A_454 = arith.index_cast %get3A_453 : i32 to index
    %get3A_455 = arith.constant 32 : index
    %get3A_456 = tpu.vector_load %arg9[%get3A_454, %get3A_455] {strides = array<i32>} : memref<17x128xf32, #tpu.memory_space<vmem>>, vector<16xf32>,
    %get3A_457 = arith.constant 2 : i32
    %get3A_458 = arith.index_cast %get3A_457 : i32 to index
    %get3A_459 = arith.constant 32 : index
    %get3A_460 = tpu.vector_load %arg9[%get3A_458, %get3A_459] {strides = array<i32>} : memref<17x128xf32, #tpu.memory_space<vmem>>, vector<16xf32>,
    %add3A_461 = arith.addf %get3A_456, %get3A_460 : vector<16xf32>
    %get3A_462 = arith.constant 3 : i32
    %get3A_463 = arith.index_cast %get3A_462 : i32 to index
    %get3A_464 = arith.constant 32 : index
    %get3A_465 = tpu.vector_load %arg9[%get3A_463, %get3A_464] {strides = array<i32>} : memref<17x128xf32, #tpu.memory_space<vmem>>, vector<16xf32>,
    %add3A_466 = arith.addf %add3A_461, %get3A_465 : vector<16xf32>
    %get3A_467 = arith.constant 4 : i32
    %get3A_468 = arith.index_cast %get3A_467 : i32 to index
    %get3A_469 = arith.constant 32 : index
    %get3A_470 = tpu.vector_load %arg9[%get3A_468, %get3A_469] {strides = array<i32>} : memref<17x128xf32, #tpu.memory_space<vmem>>, vector<16xf32>,
    %add3A_471 = arith.addf %add3A_466, %get3A_470 : vector<16xf32>
    %get3A_472 = arith.constant 5 : i32
    %get3A_473 = arith.index_cast %get3A_472 : i32 to index
    %get3A_474 = arith.constant 32 : index
    %get3A_475 = tpu.vector_load %arg9[%get3A_473, %get3A_474] {strides = array<i32>} : memref<17x128xf32, #tpu.memory_space<vmem>>, vector<16xf32>,
    %add3A_476 = arith.addf %add3A_471, %get3A_475 : vector<16xf32>
    %get3A_477 = arith.constant 6 : i32
    %get3A_478 = arith.index_cast %get3A_477 : i32 to index
    %get3A_479 = arith.constant 32 : index
    %get3A_480 = tpu.vector_load %arg9[%get3A_478, %get3A_479] {strides = array<i32>} : memref<17x128xf32, #tpu.memory_space<vmem>>, vector<16xf32>,
    %add3A_481 = arith.addf %add3A_476, %get3A_480 : vector<16xf32>
    %get3A_482 = arith.constant 7 : i32
    %get3A_483 = arith.index_cast %get3A_482 : i32 to index
    %get3A_484 = arith.constant 32 : index
    %get3A_485 = tpu.vector_load %arg9[%get3A_483, %get3A_484] {strides = array<i32>} : memref<17x128xf32, #tpu.memory_space<vmem>>, vector<16xf32>,
    %add3A_486 = arith.addf %add3A_481, %get3A_485 : vector<16xf32>
    %get3A_487 = arith.constant 8 : i32
    %get3A_488 = arith.index_cast %get3A_487 : i32 to index
    %get3A_489 = arith.constant 32 : index
    %get3A_490 = tpu.vector_load %arg9[%get3A_488, %get3A_489] {strides = array<i32>} : memref<17x128xf32, #tpu.memory_space<vmem>>, vector<16xf32>,
    %add3A_491 = arith.addf %add3A_486, %get3A_490 : vector<16xf32>
    %get3A_492 = arith.constant 9 : i32
    %get3A_493 = arith.index_cast %get3A_492 : i32 to index
    %get3A_494 = arith.constant 32 : index
    %get3A_495 = tpu.vector_load %arg9[%get3A_493, %get3A_494] {strides = array<i32>} : memref<17x128xf32, #tpu.memory_space<vmem>>, vector<16xf32>,
    %add3A_496 = arith.addf %add3A_491, %get3A_495 : vector<16xf32>
    %get3A_497 = arith.constant 10 : i32
    %get3A_498 = arith.index_cast %get3A_497 : i32 to index
    %get3A_499 = arith.constant 32 : index
    %get3A_500 = tpu.vector_load %arg9[%get3A_498, %get3A_499] {strides = array<i32>} : memref<17x128xf32, #tpu.memory_space<vmem>>, vector<16xf32>,
    %add3A_501 = arith.addf %add3A_496, %get3A_500 : vector<16xf32>
    %get3A_502 = arith.constant 11 : i32
    %get3A_503 = arith.index_cast %get3A_502 : i32 to index
    %get3A_504 = arith.constant 32 : index
    %get3A_505 = tpu.vector_load %arg9[%get3A_503, %get3A_504] {strides = array<i32>} : memref<17x128xf32, #tpu.memory_space<vmem>>, vector<16xf32>,
    %add3A_506 = arith.addf %add3A_501, %get3A_505 : vector<16xf32>
    %get3A_507 = arith.constant 12 : i32
    %get3A_508 = arith.index_cast %get3A_507 : i32 to index
    %get3A_509 = arith.constant 32 : index
    %get3A_510 = tpu.vector_load %arg9[%get3A_508, %get3A_509] {strides = array<i32>} : memref<17x128xf32, #tpu.memory_space<vmem>>, vector<16xf32>,
    %add3A_511 = arith.addf %add3A_506, %get3A_510 : vector<16xf32>
    %get3A_512 = arith.constant 13 : i32
    %get3A_513 = arith.index_cast %get3A_512 : i32 to index
    %get3A_514 = arith.constant 32 : index
    %get3A_515 = tpu.vector_load %arg9[%get3A_513, %get3A_514] {strides = array<i32>} : memref<17x128xf32, #tpu.memory_space<vmem>>, vector<16xf32>,
    %add3A_516 = arith.addf %add3A_511, %get3A_515 : vector<16xf32>
    %get3A_517 = arith.constant 14 : i32
    %get3A_518 = arith.index_cast %get3A_517 : i32 to index
    %get3A_519 = arith.constant 32 : index
    %get3A_520 = tpu.vector_load %arg9[%get3A_518, %get3A_519] {strides = array<i32>} : memref<17x128xf32, #tpu.memory_space<vmem>>, vector<16xf32>,
    %add3A_521 = arith.addf %add3A_516, %get3A_520 : vector<16xf32>
    %get3A_522 = arith.constant 15 : i32
    %get3A_523 = arith.index_cast %get3A_522 : i32 to index
    %get3A_524 = arith.constant 32 : index
    %get3A_525 = tpu.vector_load %arg9[%get3A_523, %get3A_524] {strides = array<i32>} : memref<17x128xf32, #tpu.memory_space<vmem>>, vector<16xf32>,
    %add3A_526 = arith.addf %add3A_521, %get3A_525 : vector<16xf32>
    %get3A_527 = arith.constant 16 : i32
    %get3A_528 = arith.index_cast %get3A_527 : i32 to index
    %get3A_529 = arith.constant 32 : index
    %get3A_530 = tpu.vector_load %arg9[%get3A_528, %get3A_529] {strides = array<i32>} : memref<17x128xf32, #tpu.memory_space<vmem>>, vector<16xf32>,
    %add3A_531 = arith.addf %add3A_526, %get3A_530 : vector<16xf32>
    %bitcast3A_532 = vector.bitcast %add3A_531 : vector<16xf32> to vector<16xi32>
    %shift_right_arithmetic3A_533 = arith.constant 1 : i32
    %shift_right_arithmetic3A_534 = vector.broadcast %shift_right_arithmetic3A_533 : i32 to vector<16xi32>
    %shift_right_arithmetic3A_535 = arith.shrsi %bitcast3A_532, %shift_right_arithmetic3A_534 : vector<16xi32>
    %sub3A_536 = arith.constant 1597463007 : i32
    %sub3A_537 = vector.broadcast %sub3A_536 : i32 to vector<16xi32>
    %sub3A_538 = arith.subi %sub3A_537, %shift_right_arithmetic3A_535 : vector<16xi32>
    %bitcast3A_539 = vector.bitcast %sub3A_538 : vector<16xi32> to vector<16xf32>
    %mul3A_540 = arith.constant 5.000000e-01 : f32
    %mul3A_541 = vector.broadcast %mul3A_540 : f32 to vector<16xf32>
    %mul3A_542 = arith.mulf %mul3A_541, %add3A_531 : vector<16xf32>
    %mul3A_543 = arith.mulf %mul3A_542, %bitcast3A_539 : vector<16xf32>
    %mul3A_544 = arith.mulf %mul3A_543, %bitcast3A_539 : vector<16xf32>
    %sub3A_545 = arith.constant 1.500000e+00 : f32
    %sub3A_546 = vector.broadcast %sub3A_545 : f32 to vector<16xf32>
    %sub3A_547 = arith.subf %sub3A_546, %mul3A_544 : vector<16xf32>
    %mul3A_548 = arith.mulf %bitcast3A_539, %sub3A_547 : vector<16xf32>
    %mul3A_549 = arith.constant 5.000000e-01 : f32
    %mul3A_550 = vector.broadcast %mul3A_549 : f32 to vector<16xf32>
    %mul3A_551 = arith.mulf %mul3A_550, %add3A_531 : vector<16xf32>
    %mul3A_552 = arith.mulf %mul3A_551, %mul3A_548 : vector<16xf32>
    %mul3A_553 = arith.mulf %mul3A_552, %mul3A_548 : vector<16xf32>
    %sub3A_554 = arith.constant 1.500000e+00 : f32
    %sub3A_555 = vector.broadcast %sub3A_554 : f32 to vector<16xf32>
    %sub3A_556 = arith.subf %sub3A_555, %mul3A_553 : vector<16xf32>
    %mul3A_557 = arith.mulf %mul3A_548, %sub3A_556 : vector<16xf32>
    %mul3A_558 = arith.constant 5.000000e-01 : f32
    %mul3A_559 = vector.broadcast %mul3A_558 : f32 to vector<16xf32>
    %mul3A_560 = arith.mulf %mul3A_559, %add3A_531 : vector<16xf32>
    %mul3A_561 = arith.mulf %mul3A_560, %mul3A_557 : vector<16xf32>
    %mul3A_562 = arith.mulf %mul3A_561, %mul3A_557 : vector<16xf32>
    %sub3A_563 = arith.constant 1.500000e+00 : f32
    %sub3A_564 = vector.broadcast %sub3A_563 : f32 to vector<16xf32>
    %sub3A_565 = arith.subf %sub3A_564, %mul3A_562 : vector<16xf32>
    %mul3A_566 = arith.mulf %mul3A_557, %sub3A_565 : vector<16xf32>
    %swap3A_567 = arith.constant 0 : i32
    %swap3A_568 = arith.index_cast %swap3A_567 : i32 to index
    %swap3A_569 = arith.constant 32 : index
    %swap3A_570 = tpu.vector_load %arg9[%swap3A_568, %swap3A_569] {strides = array<i32>} : memref<17x128xf32, #tpu.memory_space<vmem>>, vector<16xf32>,
    tpu.vector_store %arg9[%swap3A_568, %swap3A_569], %mul3A_566 {strides = array<i32>} : memref<17x128xf32, #tpu.memory_space<vmem>>, vector<16xf32>,
    %get3A_571 = arith.constant 1 : i32
    %get3A_572 = arith.index_cast %get3A_571 : i32 to index
    %get3A_573 = arith.constant 48 : index
    %get3A_574 = tpu.vector_load %arg9[%get3A_572, %get3A_573] {strides = array<i32>} : memref<17x128xf32, #tpu.memory_space<vmem>>, vector<16xf32>,
    %get3A_575 = arith.constant 2 : i32
    %get3A_576 = arith.index_cast %get3A_575 : i32 to index
    %get3A_577 = arith.constant 48 : index
    %get3A_578 = tpu.vector_load %arg9[%get3A_576, %get3A_577] {strides = array<i32>} : memref<17x128xf32, #tpu.memory_space<vmem>>, vector<16xf32>,
    %add3A_579 = arith.addf %get3A_574, %get3A_578 : vector<16xf32>
    %get3A_580 = arith.constant 3 : i32
    %get3A_581 = arith.index_cast %get3A_580 : i32 to index
    %get3A_582 = arith.constant 48 : index
    %get3A_583 = tpu.vector_load %arg9[%get3A_581, %get3A_582] {strides = array<i32>} : memref<17x128xf32, #tpu.memory_space<vmem>>, vector<16xf32>,
    %add3A_584 = arith.addf %add3A_579, %get3A_583 : vector<16xf32>
    %get3A_585 = arith.constant 4 : i32
    %get3A_586 = arith.index_cast %get3A_585 : i32 to index
    %get3A_587 = arith.constant 48 : index
    %get3A_588 = tpu.vector_load %arg9[%get3A_586, %get3A_587] {strides = array<i32>} : memref<17x128xf32, #tpu.memory_space<vmem>>, vector<16xf32>,
    %add3A_589 = arith.addf %add3A_584, %get3A_588 : vector<16xf32>
    %get3A_590 = arith.constant 5 : i32
    %get3A_591 = arith.index_cast %get3A_590 : i32 to index
    %get3A_592 = arith.constant 48 : index
    %get3A_593 = tpu.vector_load %arg9[%get3A_591, %get3A_592] {strides = array<i32>} : memref<17x128xf32, #tpu.memory_space<vmem>>, vector<16xf32>,
    %add3A_594 = arith.addf %add3A_589, %get3A_593 : vector<16xf32>
    %get3A_595 = arith.constant 6 : i32
    %get3A_596 = arith.index_cast %get3A_595 : i32 to index
    %get3A_597 = arith.constant 48 : index
    %get3A_598 = tpu.vector_load %arg9[%get3A_596, %get3A_597] {strides = array<i32>} : memref<17x128xf32, #tpu.memory_space<vmem>>, vector<16xf32>,
    %add3A_599 = arith.addf %add3A_594, %get3A_598 : vector<16xf32>
    %get3A_600 = arith.constant 7 : i32
    %get3A_601 = arith.index_cast %get3A_600 : i32 to index
    %get3A_602 = arith.constant 48 : index
    %get3A_603 = tpu.vector_load %arg9[%get3A_601, %get3A_602] {strides = array<i32>} : memref<17x128xf32, #tpu.memory_space<vmem>>, vector<16xf32>,
    %add3A_604 = arith.addf %add3A_599, %get3A_603 : vector<16xf32>
    %get3A_605 = arith.constant 8 : i32
    %get3A_606 = arith.index_cast %get3A_605 : i32 to index
    %get3A_607 = arith.constant 48 : index
    %get3A_608 = tpu.vector_load %arg9[%get3A_606, %get3A_607] {strides = array<i32>} : memref<17x128xf32, #tpu.memory_space<vmem>>, vector<16xf32>,
    %add3A_609 = arith.addf %add3A_604, %get3A_608 : vector<16xf32>
    %get3A_610 = arith.constant 9 : i32
    %get3A_611 = arith.index_cast %get3A_610 : i32 to index
    %get3A_612 = arith.constant 48 : index
    %get3A_613 = tpu.vector_load %arg9[%get3A_611, %get3A_612] {strides = array<i32>} : memref<17x128xf32, #tpu.memory_space<vmem>>, vector<16xf32>,
    %add3A_614 = arith.addf %add3A_609, %get3A_613 : vector<16xf32>
    %get3A_615 = arith.constant 10 : i32
    %get3A_616 = arith.index_cast %get3A_615 : i32 to index
    %get3A_617 = arith.constant 48 : index
    %get3A_618 = tpu.vector_load %arg9[%get3A_616, %get3A_617] {strides = array<i32>} : memref<17x128xf32, #tpu.memory_space<vmem>>, vector<16xf32>,
    %add3A_619 = arith.addf %add3A_614, %get3A_618 : vector<16xf32>
    %get3A_620 = arith.constant 11 : i32
    %get3A_621 = arith.index_cast %get3A_620 : i32 to index
    %get3A_622 = arith.constant 48 : index
    %get3A_623 = tpu.vector_load %arg9[%get3A_621, %get3A_622] {strides = array<i32>} : memref<17x128xf32, #tpu.memory_space<vmem>>, vector<16xf32>,
    %add3A_624 = arith.addf %add3A_619, %get3A_623 : vector<16xf32>
    %get3A_625 = arith.constant 12 : i32
    %get3A_626 = arith.index_cast %get3A_625 : i32 to index
    %get3A_627 = arith.constant 48 : index
    %get3A_628 = tpu.vector_load %arg9[%get3A_626, %get3A_627] {strides = array<i32>} : memref<17x128xf32, #tpu.memory_space<vmem>>, vector<16xf32>,
    %add3A_629 = arith.addf %add3A_624, %get3A_628 : vector<16xf32>
    %get3A_630 = arith.constant 13 : i32
    %get3A_631 = arith.index_cast %get3A_630 : i32 to index
    %get3A_632 = arith.constant 48 : index
    %get3A_633 = tpu.vector_load %arg9[%get3A_631, %get3A_632] {strides = array<i32>} : memref<17x128xf32, #tpu.memory_space<vmem>>, vector<16xf32>,
    %add3A_634 = arith.addf %add3A_629, %get3A_633 : vector<16xf32>
    %get3A_635 = arith.constant 14 : i32
    %get3A_636 = arith.index_cast %get3A_635 : i32 to index
    %get3A_637 = arith.constant 48 : index
    %get3A_638 = tpu.vector_load %arg9[%get3A_636, %get3A_637] {strides = array<i32>} : memref<17x128xf32, #tpu.memory_space<vmem>>, vector<16xf32>,
    %add3A_639 = arith.addf %add3A_634, %get3A_638 : vector<16xf32>
    %get3A_640 = arith.constant 15 : i32
    %get3A_641 = arith.index_cast %get3A_640 : i32 to index
    %get3A_642 = arith.constant 48 : index
    %get3A_643 = tpu.vector_load %arg9[%get3A_641, %get3A_642] {strides = array<i32>} : memref<17x128xf32, #tpu.memory_space<vmem>>, vector<16xf32>,
    %add3A_644 = arith.addf %add3A_639, %get3A_643 : vector<16xf32>
    %get3A_645 = arith.constant 16 : i32
    %get3A_646 = arith.index_cast %get3A_645 : i32 to index
    %get3A_647 = arith.constant 48 : index
    %get3A_648 = tpu.vector_load %arg9[%get3A_646, %get3A_647] {strides = array<i32>} : memref<17x128xf32, #tpu.memory_space<vmem>>, vector<16xf32>,
    %add3A_649 = arith.addf %add3A_644, %get3A_648 : vector<16xf32>
    %bitcast3A_650 = vector.bitcast %add3A_649 : vector<16xf32> to vector<16xi32>
    %shift_right_arithmetic3A_651 = arith.constant 1 : i32
    %shift_right_arithmetic3A_652 = vector.broadcast %shift_right_arithmetic3A_651 : i32 to vector<16xi32>
    %shift_right_arithmetic3A_653 = arith.shrsi %bitcast3A_650, %shift_right_arithmetic3A_652 : vector<16xi32>
    %sub3A_654 = arith.constant 1597463007 : i32
    %sub3A_655 = vector.broadcast %sub3A_654 : i32 to vector<16xi32>
    %sub3A_656 = arith.subi %sub3A_655, %shift_right_arithmetic3A_653 : vector<16xi32>
    %bitcast3A_657 = vector.bitcast %sub3A_656 : vector<16xi32> to vector<16xf32>
    %mul3A_658 = arith.constant 5.000000e-01 : f32
    %mul3A_659 = vector.broadcast %mul3A_658 : f32 to vector<16xf32>
    %mul3A_660 = arith.mulf %mul3A_659, %add3A_649 : vector<16xf32>
    %mul3A_661 = arith.mulf %mul3A_660, %bitcast3A_657 : vector<16xf32>
    %mul3A_662 = arith.mulf %mul3A_661, %bitcast3A_657 : vector<16xf32>
    %sub3A_663 = arith.constant 1.500000e+00 : f32
    %sub3A_664 = vector.broadcast %sub3A_663 : f32 to vector<16xf32>
    %sub3A_665 = arith.subf %sub3A_664, %mul3A_662 : vector<16xf32>
    %mul3A_666 = arith.mulf %bitcast3A_657, %sub3A_665 : vector<16xf32>
    %mul3A_667 = arith.constant 5.000000e-01 : f32
    %mul3A_668 = vector.broadcast %mul3A_667 : f32 to vector<16xf32>
    %mul3A_669 = arith.mulf %mul3A_668, %add3A_649 : vector<16xf32>
    %mul3A_670 = arith.mulf %mul3A_669, %mul3A_666 : vector<16xf32>
    %mul3A_671 = arith.mulf %mul3A_670, %mul3A_666 : vector<16xf32>
    %sub3A_672 = arith.constant 1.500000e+00 : f32
    %sub3A_673 = vector.broadcast %sub3A_672 : f32 to vector<16xf32>
    %sub3A_674 = arith.subf %sub3A_673, %mul3A_671 : vector<16xf32>
    %mul3A_675 = arith.mulf %mul3A_666, %sub3A_674 : vector<16xf32>
    %mul3A_676 = arith.constant 5.000000e-01 : f32
    %mul3A_677 = vector.broadcast %mul3A_676 : f32 to vector<16xf32>
    %mul3A_678 = arith.mulf %mul3A_677, %add3A_649 : vector<16xf32>
    %mul3A_679 = arith.mulf %mul3A_678, %mul3A_675 : vector<16xf32>
    %mul3A_680 = arith.mulf %mul3A_679, %mul3A_675 : vector<16xf32>
    %sub3A_681 = arith.constant 1.500000e+00 : f32
    %sub3A_682 = vector.broadcast %sub3A_681 : f32 to vector<16xf32>
    %sub3A_683 = arith.subf %sub3A_682, %mul3A_680 : vector<16xf32>
    %mul3A_684 = arith.mulf %mul3A_675, %sub3A_683 : vector<16xf32>
    %swap3A_685 = arith.constant 0 : i32
    %swap3A_686 = arith.index_cast %swap3A_685 : i32 to index
    %swap3A_687 = arith.constant 48 : index
    %swap3A_688 = tpu.vector_load %arg9[%swap3A_686, %swap3A_687] {strides = array<i32>} : memref<17x128xf32, #tpu.memory_space<vmem>>, vector<16xf32>,
    tpu.vector_store %arg9[%swap3A_686, %swap3A_687], %mul3A_684 {strides = array<i32>} : memref<17x128xf32, #tpu.memory_space<vmem>>, vector<16xf32>,
    %get3A_689 = arith.constant 1 : i32
    %get3A_690 = arith.index_cast %get3A_689 : i32 to index
    %get3A_691 = arith.constant 64 : index
    %get3A_692 = tpu.vector_load %arg9[%get3A_690, %get3A_691] {strides = array<i32>} : memref<17x128xf32, #tpu.memory_space<vmem>>, vector<16xf32>,
    %get3A_693 = arith.constant 2 : i32
    %get3A_694 = arith.index_cast %get3A_693 : i32 to index
    %get3A_695 = arith.constant 64 : index
    %get3A_696 = tpu.vector_load %arg9[%get3A_694, %get3A_695] {strides = array<i32>} : memref<17x128xf32, #tpu.memory_space<vmem>>, vector<16xf32>,
    %add3A_697 = arith.addf %get3A_692, %get3A_696 : vector<16xf32>
    %get3A_698 = arith.constant 3 : i32
    %get3A_699 = arith.index_cast %get3A_698 : i32 to index
    %get3A_700 = arith.constant 64 : index
    %get3A_701 = tpu.vector_load %arg9[%get3A_699, %get3A_700] {strides = array<i32>} : memref<17x128xf32, #tpu.memory_space<vmem>>, vector<16xf32>,
    %add3A_702 = arith.addf %add3A_697, %get3A_701 : vector<16xf32>
    %get3A_703 = arith.constant 4 : i32
    %get3A_704 = arith.index_cast %get3A_703 : i32 to index
    %get3A_705 = arith.constant 64 : index
    %get3A_706 = tpu.vector_load %arg9[%get3A_704, %get3A_705] {strides = array<i32>} : memref<17x128xf32, #tpu.memory_space<vmem>>, vector<16xf32>,
    %add3A_707 = arith.addf %add3A_702, %get3A_706 : vector<16xf32>
    %get3A_708 = arith.constant 5 : i32
    %get3A_709 = arith.index_cast %get3A_708 : i32 to index
    %get3A_710 = arith.constant 64 : index
    %get3A_711 = tpu.vector_load %arg9[%get3A_709, %get3A_710] {strides = array<i32>} : memref<17x128xf32, #tpu.memory_space<vmem>>, vector<16xf32>,
    %add3A_712 = arith.addf %add3A_707, %get3A_711 : vector<16xf32>
    %get3A_713 = arith.constant 6 : i32
    %get3A_714 = arith.index_cast %get3A_713 : i32 to index
    %get3A_715 = arith.constant 64 : index
    %get3A_716 = tpu.vector_load %arg9[%get3A_714, %get3A_715] {strides = array<i32>} : memref<17x128xf32, #tpu.memory_space<vmem>>, vector<16xf32>,
    %add3A_717 = arith.addf %add3A_712, %get3A_716 : vector<16xf32>
    %get3A_718 = arith.constant 7 : i32
    %get3A_719 = arith.index_cast %get3A_718 : i32 to index
    %get3A_720 = arith.constant 64 : index
    %get3A_721 = tpu.vector_load %arg9[%get3A_719, %get3A_720] {strides = array<i32>} : memref<17x128xf32, #tpu.memory_space<vmem>>, vector<16xf32>,
    %add3A_722 = arith.addf %add3A_717, %get3A_721 : vector<16xf32>
    %get3A_723 = arith.constant 8 : i32
    %get3A_724 = arith.index_cast %get3A_723 : i32 to index
    %get3A_725 = arith.constant 64 : index
    %get3A_726 = tpu.vector_load %arg9[%get3A_724, %get3A_725] {strides = array<i32>} : memref<17x128xf32, #tpu.memory_space<vmem>>, vector<16xf32>,
    %add3A_727 = arith.addf %add3A_722, %get3A_726 : vector<16xf32>
    %get3A_728 = arith.constant 9 : i32
    %get3A_729 = arith.index_cast %get3A_728 : i32 to index
    %get3A_730 = arith.constant 64 : index
    %get3A_731 = tpu.vector_load %arg9[%get3A_729, %get3A_730] {strides = array<i32>} : memref<17x128xf32, #tpu.memory_space<vmem>>, vector<16xf32>,
    %add3A_732 = arith.addf %add3A_727, %get3A_731 : vector<16xf32>
    %get3A_733 = arith.constant 10 : i32
    %get3A_734 = arith.index_cast %get3A_733 : i32 to index
    %get3A_735 = arith.constant 64 : index
    %get3A_736 = tpu.vector_load %arg9[%get3A_734, %get3A_735] {strides = array<i32>} : memref<17x128xf32, #tpu.memory_space<vmem>>, vector<16xf32>,
    %add3A_737 = arith.addf %add3A_732, %get3A_736 : vector<16xf32>
    %get3A_738 = arith.constant 11 : i32
    %get3A_739 = arith.index_cast %get3A_738 : i32 to index
    %get3A_740 = arith.constant 64 : index
    %get3A_741 = tpu.vector_load %arg9[%get3A_739, %get3A_740] {strides = array<i32>} : memref<17x128xf32, #tpu.memory_space<vmem>>, vector<16xf32>,
    %add3A_742 = arith.addf %add3A_737, %get3A_741 : vector<16xf32>
    %get3A_743 = arith.constant 12 : i32
    %get3A_744 = arith.index_cast %get3A_743 : i32 to index
    %get3A_745 = arith.constant 64 : index
    %get3A_746 = tpu.vector_load %arg9[%get3A_744, %get3A_745] {strides = array<i32>} : memref<17x128xf32, #tpu.memory_space<vmem>>, vector<16xf32>,
    %add3A_747 = arith.addf %add3A_742, %get3A_746 : vector<16xf32>
    %get3A_748 = arith.constant 13 : i32
    %get3A_749 = arith.index_cast %get3A_748 : i32 to index
    %get3A_750 = arith.constant 64 : index
    %get3A_751 = tpu.vector_load %arg9[%get3A_749, %get3A_750] {strides = array<i32>} : memref<17x128xf32, #tpu.memory_space<vmem>>, vector<16xf32>,
    %add3A_752 = arith.addf %add3A_747, %get3A_751 : vector<16xf32>
    %get3A_753 = arith.constant 14 : i32
    %get3A_754 = arith.index_cast %get3A_753 : i32 to index
    %get3A_755 = arith.constant 64 : index
    %get3A_756 = tpu.vector_load %arg9[%get3A_754, %get3A_755] {strides = array<i32>} : memref<17x128xf32, #tpu.memory_space<vmem>>, vector<16xf32>,
    %add3A_757 = arith.addf %add3A_752, %get3A_756 : vector<16xf32>
    %get3A_758 = arith.constant 15 : i32
    %get3A_759 = arith.index_cast %get3A_758 : i32 to index
    %get3A_760 = arith.constant 64 : index
    %get3A_761 = tpu.vector_load %arg9[%get3A_759, %get3A_760] {strides = array<i32>} : memref<17x128xf32, #tpu.memory_space<vmem>>, vector<16xf32>,
    %add3A_762 = arith.addf %add3A_757, %get3A_761 : vector<16xf32>
    %get3A_763 = arith.constant 16 : i32
    %get3A_764 = arith.index_cast %get3A_763 : i32 to index
    %get3A_765 = arith.constant 64 : index
    %get3A_766 = tpu.vector_load %arg9[%get3A_764, %get3A_765] {strides = array<i32>} : memref<17x128xf32, #tpu.memory_space<vmem>>, vector<16xf32>,
    %add3A_767 = arith.addf %add3A_762, %get3A_766 : vector<16xf32>
    %bitcast3A_768 = vector.bitcast %add3A_767 : vector<16xf32> to vector<16xi32>
    %shift_right_arithmetic3A_769 = arith.constant 1 : i32
    %shift_right_arithmetic3A_770 = vector.broadcast %shift_right_arithmetic3A_769 : i32 to vector<16xi32>
    %shift_right_arithmetic3A_771 = arith.shrsi %bitcast3A_768, %shift_right_arithmetic3A_770 : vector<16xi32>
    %sub3A_772 = arith.constant 1597463007 : i32
    %sub3A_773 = vector.broadcast %sub3A_772 : i32 to vector<16xi32>
    %sub3A_774 = arith.subi %sub3A_773, %shift_right_arithmetic3A_771 : vector<16xi32>
    %bitcast3A_775 = vector.bitcast %sub3A_774 : vector<16xi32> to vector<16xf32>
    %mul3A_776 = arith.constant 5.000000e-01 : f32
    %mul3A_777 = vector.broadcast %mul3A_776 : f32 to vector<16xf32>
    %mul3A_778 = arith.mulf %mul3A_777, %add3A_767 : vector<16xf32>
    %mul3A_779 = arith.mulf %mul3A_778, %bitcast3A_775 : vector<16xf32>
    %mul3A_780 = arith.mulf %mul3A_779, %bitcast3A_775 : vector<16xf32>
    %sub3A_781 = arith.constant 1.500000e+00 : f32
    %sub3A_782 = vector.broadcast %sub3A_781 : f32 to vector<16xf32>
    %sub3A_783 = arith.subf %sub3A_782, %mul3A_780 : vector<16xf32>
    %mul3A_784 = arith.mulf %bitcast3A_775, %sub3A_783 : vector<16xf32>
    %mul3A_785 = arith.constant 5.000000e-01 : f32
    %mul3A_786 = vector.broadcast %mul3A_785 : f32 to vector<16xf32>
    %mul3A_787 = arith.mulf %mul3A_786, %add3A_767 : vector<16xf32>
    %mul3A_788 = arith.mulf %mul3A_787, %mul3A_784 : vector<16xf32>
    %mul3A_789 = arith.mulf %mul3A_788, %mul3A_784 : vector<16xf32>
    %sub3A_790 = arith.constant 1.500000e+00 : f32
    %sub3A_791 = vector.broadcast %sub3A_790 : f32 to vector<16xf32>
    %sub3A_792 = arith.subf %sub3A_791, %mul3A_789 : vector<16xf32>
    %mul3A_793 = arith.mulf %mul3A_784, %sub3A_792 : vector<16xf32>
    %mul3A_794 = arith.constant 5.000000e-01 : f32
    %mul3A_795 = vector.broadcast %mul3A_794 : f32 to vector<16xf32>
    %mul3A_796 = arith.mulf %mul3A_795, %add3A_767 : vector<16xf32>
    %mul3A_797 = arith.mulf %mul3A_796, %mul3A_793 : vector<16xf32>
    %mul3A_798 = arith.mulf %mul3A_797, %mul3A_793 : vector<16xf32>
    %sub3A_799 = arith.constant 1.500000e+00 : f32
    %sub3A_800 = vector.broadcast %sub3A_799 : f32 to vector<16xf32>
    %sub3A_801 = arith.subf %sub3A_800, %mul3A_798 : vector<16xf32>
    %mul3A_802 = arith.mulf %mul3A_793, %sub3A_801 : vector<16xf32>
    %swap3A_803 = arith.constant 0 : i32
    %swap3A_804 = arith.index_cast %swap3A_803 : i32 to index
    %swap3A_805 = arith.constant 64 : index
    %swap3A_806 = tpu.vector_load %arg9[%swap3A_804, %swap3A_805] {strides = array<i32>} : memref<17x128xf32, #tpu.memory_space<vmem>>, vector<16xf32>,
    tpu.vector_store %arg9[%swap3A_804, %swap3A_805], %mul3A_802 {strides = array<i32>} : memref<17x128xf32, #tpu.memory_space<vmem>>, vector<16xf32>,
    %get3A_807 = arith.constant 1 : i32
    %get3A_808 = arith.index_cast %get3A_807 : i32 to index
    %get3A_809 = arith.constant 80 : index
    %get3A_810 = tpu.vector_load %arg9[%get3A_808, %get3A_809] {strides = array<i32>} : memref<17x128xf32, #tpu.memory_space<vmem>>, vector<16xf32>,
    %get3A_811 = arith.constant 2 : i32
    %get3A_812 = arith.index_cast %get3A_811 : i32 to index
    %get3A_813 = arith.constant 80 : index
    %get3A_814 = tpu.vector_load %arg9[%get3A_812, %get3A_813] {strides = array<i32>} : memref<17x128xf32, #tpu.memory_space<vmem>>, vector<16xf32>,
    %add3A_815 = arith.addf %get3A_810, %get3A_814 : vector<16xf32>
    %get3A_816 = arith.constant 3 : i32
    %get3A_817 = arith.index_cast %get3A_816 : i32 to index
    %get3A_818 = arith.constant 80 : index
    %get3A_819 = tpu.vector_load %arg9[%get3A_817, %get3A_818] {strides = array<i32>} : memref<17x128xf32, #tpu.memory_space<vmem>>, vector<16xf32>,
    %add3A_820 = arith.addf %add3A_815, %get3A_819 : vector<16xf32>
    %get3A_821 = arith.constant 4 : i32
    %get3A_822 = arith.index_cast %get3A_821 : i32 to index
    %get3A_823 = arith.constant 80 : index
    %get3A_824 = tpu.vector_load %arg9[%get3A_822, %get3A_823] {strides = array<i32>} : memref<17x128xf32, #tpu.memory_space<vmem>>, vector<16xf32>,
    %add3A_825 = arith.addf %add3A_820, %get3A_824 : vector<16xf32>
    %get3A_826 = arith.constant 5 : i32
    %get3A_827 = arith.index_cast %get3A_826 : i32 to index
    %get3A_828 = arith.constant 80 : index
    %get3A_829 = tpu.vector_load %arg9[%get3A_827, %get3A_828] {strides = array<i32>} : memref<17x128xf32, #tpu.memory_space<vmem>>, vector<16xf32>,
    %add3A_830 = arith.addf %add3A_825, %get3A_829 : vector<16xf32>
    %get3A_831 = arith.constant 6 : i32
    %get3A_832 = arith.index_cast %get3A_831 : i32 to index
    %get3A_833 = arith.constant 80 : index
    %get3A_834 = tpu.vector_load %arg9[%get3A_832, %get3A_833] {strides = array<i32>} : memref<17x128xf32, #tpu.memory_space<vmem>>, vector<16xf32>,
    %add3A_835 = arith.addf %add3A_830, %get3A_834 : vector<16xf32>
    %get3A_836 = arith.constant 7 : i32
    %get3A_837 = arith.index_cast %get3A_836 : i32 to index
    %get3A_838 = arith.constant 80 : index
    %get3A_839 = tpu.vector_load %arg9[%get3A_837, %get3A_838] {strides = array<i32>} : memref<17x128xf32, #tpu.memory_space<vmem>>, vector<16xf32>,
    %add3A_840 = arith.addf %add3A_835, %get3A_839 : vector<16xf32>
    %get3A_841 = arith.constant 8 : i32
    %get3A_842 = arith.index_cast %get3A_841 : i32 to index
    %get3A_843 = arith.constant 80 : index
    %get3A_844 = tpu.vector_load %arg9[%get3A_842, %get3A_843] {strides = array<i32>} : memref<17x128xf32, #tpu.memory_space<vmem>>, vector<16xf32>,
    %add3A_845 = arith.addf %add3A_840, %get3A_844 : vector<16xf32>
    %get3A_846 = arith.constant 9 : i32
    %get3A_847 = arith.index_cast %get3A_846 : i32 to index
    %get3A_848 = arith.constant 80 : index
    %get3A_849 = tpu.vector_load %arg9[%get3A_847, %get3A_848] {strides = array<i32>} : memref<17x128xf32, #tpu.memory_space<vmem>>, vector<16xf32>,
    %add3A_850 = arith.addf %add3A_845, %get3A_849 : vector<16xf32>
    %get3A_851 = arith.constant 10 : i32
    %get3A_852 = arith.index_cast %get3A_851 : i32 to index
    %get3A_853 = arith.constant 80 : index
    %get3A_854 = tpu.vector_load %arg9[%get3A_852, %get3A_853] {strides = array<i32>} : memref<17x128xf32, #tpu.memory_space<vmem>>, vector<16xf32>,
    %add3A_855 = arith.addf %add3A_850, %get3A_854 : vector<16xf32>
    %get3A_856 = arith.constant 11 : i32
    %get3A_857 = arith.index_cast %get3A_856 : i32 to index
    %get3A_858 = arith.constant 80 : index
    %get3A_859 = tpu.vector_load %arg9[%get3A_857, %get3A_858] {strides = array<i32>} : memref<17x128xf32, #tpu.memory_space<vmem>>, vector<16xf32>,
    %add3A_860 = arith.addf %add3A_855, %get3A_859 : vector<16xf32>
    %get3A_861 = arith.constant 12 : i32
    %get3A_862 = arith.index_cast %get3A_861 : i32 to index
    %get3A_863 = arith.constant 80 : index
    %get3A_864 = tpu.vector_load %arg9[%get3A_862, %get3A_863] {strides = array<i32>} : memref<17x128xf32, #tpu.memory_space<vmem>>, vector<16xf32>,
    %add3A_865 = arith.addf %add3A_860, %get3A_864 : vector<16xf32>
    %get3A_866 = arith.constant 13 : i32
    %get3A_867 = arith.index_cast %get3A_866 : i32 to index
    %get3A_868 = arith.constant 80 : index
    %get3A_869 = tpu.vector_load %arg9[%get3A_867, %get3A_868] {strides = array<i32>} : memref<17x128xf32, #tpu.memory_space<vmem>>, vector<16xf32>,
    %add3A_870 = arith.addf %add3A_865, %get3A_869 : vector<16xf32>
    %get3A_871 = arith.constant 14 : i32
    %get3A_872 = arith.index_cast %get3A_871 : i32 to index
    %get3A_873 = arith.constant 80 : index
    %get3A_874 = tpu.vector_load %arg9[%get3A_872, %get3A_873] {strides = array<i32>} : memref<17x128xf32, #tpu.memory_space<vmem>>, vector<16xf32>,
    %add3A_875 = arith.addf %add3A_870, %get3A_874 : vector<16xf32>
    %get3A_876 = arith.constant 15 : i32
    %get3A_877 = arith.index_cast %get3A_876 : i32 to index
    %get3A_878 = arith.constant 80 : index
    %get3A_879 = tpu.vector_load %arg9[%get3A_877, %get3A_878] {strides = array<i32>} : memref<17x128xf32, #tpu.memory_space<vmem>>, vector<16xf32>,
    %add3A_880 = arith.addf %add3A_875, %get3A_879 : vector<16xf32>
    %get3A_881 = arith.constant 16 : i32
    %get3A_882 = arith.index_cast %get3A_881 : i32 to index
    %get3A_883 = arith.constant 80 : index
    %get3A_884 = tpu.vector_load %arg9[%get3A_882, %get3A_883] {strides = array<i32>} : memref<17x128xf32, #tpu.memory_space<vmem>>, vector<16xf32>,
    %add3A_885 = arith.addf %add3A_880, %get3A_884 : vector<16xf32>
    %bitcast3A_886 = vector.bitcast %add3A_885 : vector<16xf32> to vector<16xi32>
    %shift_right_arithmetic3A_887 = arith.constant 1 : i32
    %shift_right_arithmetic3A_888 = vector.broadcast %shift_right_arithmetic3A_887 : i32 to vector<16xi32>
    %shift_right_arithmetic3A_889 = arith.shrsi %bitcast3A_886, %shift_right_arithmetic3A_888 : vector<16xi32>
    %sub3A_890 = arith.constant 1597463007 : i32
    %sub3A_891 = vector.broadcast %sub3A_890 : i32 to vector<16xi32>
    %sub3A_892 = arith.subi %sub3A_891, %shift_right_arithmetic3A_889 : vector<16xi32>
    %bitcast3A_893 = vector.bitcast %sub3A_892 : vector<16xi32> to vector<16xf32>
    %mul3A_894 = arith.constant 5.000000e-01 : f32
    %mul3A_895 = vector.broadcast %mul3A_894 : f32 to vector<16xf32>
    %mul3A_896 = arith.mulf %mul3A_895, %add3A_885 : vector<16xf32>
    %mul3A_897 = arith.mulf %mul3A_896, %bitcast3A_893 : vector<16xf32>
    %mul3A_898 = arith.mulf %mul3A_897, %bitcast3A_893 : vector<16xf32>
    %sub3A_899 = arith.constant 1.500000e+00 : f32
    %sub3A_900 = vector.broadcast %sub3A_899 : f32 to vector<16xf32>
    %sub3A_901 = arith.subf %sub3A_900, %mul3A_898 : vector<16xf32>
    %mul3A_902 = arith.mulf %bitcast3A_893, %sub3A_901 : vector<16xf32>
    %mul3A_903 = arith.constant 5.000000e-01 : f32
    %mul3A_904 = vector.broadcast %mul3A_903 : f32 to vector<16xf32>
    %mul3A_905 = arith.mulf %mul3A_904, %add3A_885 : vector<16xf32>
    %mul3A_906 = arith.mulf %mul3A_905, %mul3A_902 : vector<16xf32>
    %mul3A_907 = arith.mulf %mul3A_906, %mul3A_902 : vector<16xf32>
    %sub3A_908 = arith.constant 1.500000e+00 : f32
    %sub3A_909 = vector.broadcast %sub3A_908 : f32 to vector<16xf32>
    %sub3A_910 = arith.subf %sub3A_909, %mul3A_907 : vector<16xf32>
    %mul3A_911 = arith.mulf %mul3A_902, %sub3A_910 : vector<16xf32>
    %mul3A_912 = arith.constant 5.000000e-01 : f32
    %mul3A_913 = vector.broadcast %mul3A_912 : f32 to vector<16xf32>
    %mul3A_914 = arith.mulf %mul3A_913, %add3A_885 : vector<16xf32>
    %mul3A_915 = arith.mulf %mul3A_914, %mul3A_911 : vector<16xf32>
    %mul3A_916 = arith.mulf %mul3A_915, %mul3A_911 : vector<16xf32>
    %sub3A_917 = arith.constant 1.500000e+00 : f32
    %sub3A_918 = vector.broadcast %sub3A_917 : f32 to vector<16xf32>
    %sub3A_919 = arith.subf %sub3A_918, %mul3A_916 : vector<16xf32>
    %mul3A_920 = arith.mulf %mul3A_911, %sub3A_919 : vector<16xf32>
    %swap3A_921 = arith.constant 0 : i32
    %swap3A_922 = arith.index_cast %swap3A_921 : i32 to index
    %swap3A_923 = arith.constant 80 : index
    %swap3A_924 = tpu.vector_load %arg9[%swap3A_922, %swap3A_923] {strides = array<i32>} : memref<17x128xf32, #tpu.memory_space<vmem>>, vector<16xf32>,
    tpu.vector_store %arg9[%swap3A_922, %swap3A_923], %mul3A_920 {strides = array<i32>} : memref<17x128xf32, #tpu.memory_space<vmem>>, vector<16xf32>,
    %get3A_925 = arith.constant 1 : i32
    %get3A_926 = arith.index_cast %get3A_925 : i32 to index
    %get3A_927 = arith.constant 96 : index
    %get3A_928 = tpu.vector_load %arg9[%get3A_926, %get3A_927] {strides = array<i32>} : memref<17x128xf32, #tpu.memory_space<vmem>>, vector<16xf32>,
    %get3A_929 = arith.constant 2 : i32
    %get3A_930 = arith.index_cast %get3A_929 : i32 to index
    %get3A_931 = arith.constant 96 : index
    %get3A_932 = tpu.vector_load %arg9[%get3A_930, %get3A_931] {strides = array<i32>} : memref<17x128xf32, #tpu.memory_space<vmem>>, vector<16xf32>,
    %add3A_933 = arith.addf %get3A_928, %get3A_932 : vector<16xf32>
    %get3A_934 = arith.constant 3 : i32
    %get3A_935 = arith.index_cast %get3A_934 : i32 to index
    %get3A_936 = arith.constant 96 : index
    %get3A_937 = tpu.vector_load %arg9[%get3A_935, %get3A_936] {strides = array<i32>} : memref<17x128xf32, #tpu.memory_space<vmem>>, vector<16xf32>,
    %add3A_938 = arith.addf %add3A_933, %get3A_937 : vector<16xf32>
    %get3A_939 = arith.constant 4 : i32
    %get3A_940 = arith.index_cast %get3A_939 : i32 to index
    %get3A_941 = arith.constant 96 : index
    %get3A_942 = tpu.vector_load %arg9[%get3A_940, %get3A_941] {strides = array<i32>} : memref<17x128xf32, #tpu.memory_space<vmem>>, vector<16xf32>,
    %add3A_943 = arith.addf %add3A_938, %get3A_942 : vector<16xf32>
    %get3A_944 = arith.constant 5 : i32
    %get3A_945 = arith.index_cast %get3A_944 : i32 to index
    %get3A_946 = arith.constant 96 : index
    %get3A_947 = tpu.vector_load %arg9[%get3A_945, %get3A_946] {strides = array<i32>} : memref<17x128xf32, #tpu.memory_space<vmem>>, vector<16xf32>,
    %add3A_948 = arith.addf %add3A_943, %get3A_947 : vector<16xf32>
    %get3A_949 = arith.constant 6 : i32
    %get3A_950 = arith.index_cast %get3A_949 : i32 to index
    %get3A_951 = arith.constant 96 : index
    %get3A_952 = tpu.vector_load %arg9[%get3A_950, %get3A_951] {strides = array<i32>} : memref<17x128xf32, #tpu.memory_space<vmem>>, vector<16xf32>,
    %add3A_953 = arith.addf %add3A_948, %get3A_952 : vector<16xf32>
    %get3A_954 = arith.constant 7 : i32
    %get3A_955 = arith.index_cast %get3A_954 : i32 to index
    %get3A_956 = arith.constant 96 : index
    %get3A_957 = tpu.vector_load %arg9[%get3A_955, %get3A_956] {strides = array<i32>} : memref<17x128xf32, #tpu.memory_space<vmem>>, vector<16xf32>,
    %add3A_958 = arith.addf %add3A_953, %get3A_957 : vector<16xf32>
    %get3A_959 = arith.constant 8 : i32
    %get3A_960 = arith.index_cast %get3A_959 : i32 to index
    %get3A_961 = arith.constant 96 : index
    %get3A_962 = tpu.vector_load %arg9[%get3A_960, %get3A_961] {strides = array<i32>} : memref<17x128xf32, #tpu.memory_space<vmem>>, vector<16xf32>,
    %add3A_963 = arith.addf %add3A_958, %get3A_962 : vector<16xf32>
    %get3A_964 = arith.constant 9 : i32
    %get3A_965 = arith.index_cast %get3A_964 : i32 to index
    %get3A_966 = arith.constant 96 : index
    %get3A_967 = tpu.vector_load %arg9[%get3A_965, %get3A_966] {strides = array<i32>} : memref<17x128xf32, #tpu.memory_space<vmem>>, vector<16xf32>,
    %add3A_968 = arith.addf %add3A_963, %get3A_967 : vector<16xf32>
    %get3A_969 = arith.constant 10 : i32
    %get3A_970 = arith.index_cast %get3A_969 : i32 to index
    %get3A_971 = arith.constant 96 : index
    %get3A_972 = tpu.vector_load %arg9[%get3A_970, %get3A_971] {strides = array<i32>} : memref<17x128xf32, #tpu.memory_space<vmem>>, vector<16xf32>,
    %add3A_973 = arith.addf %add3A_968, %get3A_972 : vector<16xf32>
    %get3A_974 = arith.constant 11 : i32
    %get3A_975 = arith.index_cast %get3A_974 : i32 to index
    %get3A_976 = arith.constant 96 : index
    %get3A_977 = tpu.vector_load %arg9[%get3A_975, %get3A_976] {strides = array<i32>} : memref<17x128xf32, #tpu.memory_space<vmem>>, vector<16xf32>,
    %add3A_978 = arith.addf %add3A_973, %get3A_977 : vector<16xf32>
    %get3A_979 = arith.constant 12 : i32
    %get3A_980 = arith.index_cast %get3A_979 : i32 to index
    %get3A_981 = arith.constant 96 : index
    %get3A_982 = tpu.vector_load %arg9[%get3A_980, %get3A_981] {strides = array<i32>} : memref<17x128xf32, #tpu.memory_space<vmem>>, vector<16xf32>,
    %add3A_983 = arith.addf %add3A_978, %get3A_982 : vector<16xf32>
    %get3A_984 = arith.constant 13 : i32
    %get3A_985 = arith.index_cast %get3A_984 : i32 to index
    %get3A_986 = arith.constant 96 : index
    %get3A_987 = tpu.vector_load %arg9[%get3A_985, %get3A_986] {strides = array<i32>} : memref<17x128xf32, #tpu.memory_space<vmem>>, vector<16xf32>,
    %add3A_988 = arith.addf %add3A_983, %get3A_987 : vector<16xf32>
    %get3A_989 = arith.constant 14 : i32
    %get3A_990 = arith.index_cast %get3A_989 : i32 to index
    %get3A_991 = arith.constant 96 : index
    %get3A_992 = tpu.vector_load %arg9[%get3A_990, %get3A_991] {strides = array<i32>} : memref<17x128xf32, #tpu.memory_space<vmem>>, vector<16xf32>,
    %add3A_993 = arith.addf %add3A_988, %get3A_992 : vector<16xf32>
    %get3A_994 = arith.constant 15 : i32
    %get3A_995 = arith.index_cast %get3A_994 : i32 to index
    %get3A_996 = arith.constant 96 : index
    %get3A_997 = tpu.vector_load %arg9[%get3A_995, %get3A_996] {strides = array<i32>} : memref<17x128xf32, #tpu.memory_space<vmem>>, vector<16xf32>,
    %add3A_998 = arith.addf %add3A_993, %get3A_997 : vector<16xf32>
    %get3A_999 = arith.constant 16 : i32
    %get3A_1000 = arith.index_cast %get3A_999 : i32 to index
    %get3A_1001 = arith.constant 96 : index
    %get3A_1002 = tpu.vector_load %arg9[%get3A_1000, %get3A_1001] {strides = array<i32>} : memref<17x128xf32, #tpu.memory_space<vmem>>, vector<16xf32>,
    %add3A_1003 = arith.addf %add3A_998, %get3A_1002 : vector<16xf32>
    %bitcast3A_1004 = vector.bitcast %add3A_1003 : vector<16xf32> to vector<16xi32>
    %shift_right_arithmetic3A_1005 = arith.constant 1 : i32
    %shift_right_arithmetic3A_1006 = vector.broadcast %shift_right_arithmetic3A_1005 : i32 to vector<16xi32>
    %shift_right_arithmetic3A_1007 = arith.shrsi %bitcast3A_1004, %shift_right_arithmetic3A_1006 : vector<16xi32>
    %sub3A_1008 = arith.constant 1597463007 : i32
    %sub3A_1009 = vector.broadcast %sub3A_1008 : i32 to vector<16xi32>
    %sub3A_1010 = arith.subi %sub3A_1009, %shift_right_arithmetic3A_1007 : vector<16xi32>
    %bitcast3A_1011 = vector.bitcast %sub3A_1010 : vector<16xi32> to vector<16xf32>
    %mul3A_1012 = arith.constant 5.000000e-01 : f32
    %mul3A_1013 = vector.broadcast %mul3A_1012 : f32 to vector<16xf32>
    %mul3A_1014 = arith.mulf %mul3A_1013, %add3A_1003 : vector<16xf32>
    %mul3A_1015 = arith.mulf %mul3A_1014, %bitcast3A_1011 : vector<16xf32>
    %mul3A_1016 = arith.mulf %mul3A_1015, %bitcast3A_1011 : vector<16xf32>
    %sub3A_1017 = arith.constant 1.500000e+00 : f32
    %sub3A_1018 = vector.broadcast %sub3A_1017 : f32 to vector<16xf32>
    %sub3A_1019 = arith.subf %sub3A_1018, %mul3A_1016 : vector<16xf32>
    %mul3A_1020 = arith.mulf %bitcast3A_1011, %sub3A_1019 : vector<16xf32>
    %mul3A_1021 = arith.constant 5.000000e-01 : f32
    %mul3A_1022 = vector.broadcast %mul3A_1021 : f32 to vector<16xf32>
    %mul3A_1023 = arith.mulf %mul3A_1022, %add3A_1003 : vector<16xf32>
    %mul3A_1024 = arith.mulf %mul3A_1023, %mul3A_1020 : vector<16xf32>
    %mul3A_1025 = arith.mulf %mul3A_1024, %mul3A_1020 : vector<16xf32>
    %sub3A_1026 = arith.constant 1.500000e+00 : f32
    %sub3A_1027 = vector.broadcast %sub3A_1026 : f32 to vector<16xf32>
    %sub3A_1028 = arith.subf %sub3A_1027, %mul3A_1025 : vector<16xf32>
    %mul3A_1029 = arith.mulf %mul3A_1020, %sub3A_1028 : vector<16xf32>
    %mul3A_1030 = arith.constant 5.000000e-01 : f32
    %mul3A_1031 = vector.broadcast %mul3A_1030 : f32 to vector<16xf32>
    %mul3A_1032 = arith.mulf %mul3A_1031, %add3A_1003 : vector<16xf32>
    %mul3A_1033 = arith.mulf %mul3A_1032, %mul3A_1029 : vector<16xf32>
    %mul3A_1034 = arith.mulf %mul3A_1033, %mul3A_1029 : vector<16xf32>
    %sub3A_1035 = arith.constant 1.500000e+00 : f32
    %sub3A_1036 = vector.broadcast %sub3A_1035 : f32 to vector<16xf32>
    %sub3A_1037 = arith.subf %sub3A_1036, %mul3A_1034 : vector<16xf32>
    %mul3A_1038 = arith.mulf %mul3A_1029, %sub3A_1037 : vector<16xf32>
    %swap3A_1039 = arith.constant 0 : i32
    %swap3A_1040 = arith.index_cast %swap3A_1039 : i32 to index
    %swap3A_1041 = arith.constant 96 : index
    %swap3A_1042 = tpu.vector_load %arg9[%swap3A_1040, %swap3A_1041] {strides = array<i32>} : memref<17x128xf32, #tpu.memory_space<vmem>>, vector<16xf32>,
    tpu.vector_store %arg9[%swap3A_1040, %swap3A_1041], %mul3A_1038 {strides = array<i32>} : memref<17x128xf32, #tpu.memory_space<vmem>>, vector<16xf32>,
    %get3A_1043 = arith.constant 1 : i32
    %get3A_1044 = arith.index_cast %get3A_1043 : i32 to index
    %get3A_1045 = arith.constant 112 : index
    %get3A_1046 = tpu.vector_load %arg9[%get3A_1044, %get3A_1045] {strides = array<i32>} : memref<17x128xf32, #tpu.memory_space<vmem>>, vector<16xf32>,
    %get3A_1047 = arith.constant 2 : i32
    %get3A_1048 = arith.index_cast %get3A_1047 : i32 to index
    %get3A_1049 = arith.constant 112 : index
    %get3A_1050 = tpu.vector_load %arg9[%get3A_1048, %get3A_1049] {strides = array<i32>} : memref<17x128xf32, #tpu.memory_space<vmem>>, vector<16xf32>,
    %add3A_1051 = arith.addf %get3A_1046, %get3A_1050 : vector<16xf32>
    %get3A_1052 = arith.constant 3 : i32
    %get3A_1053 = arith.index_cast %get3A_1052 : i32 to index
    %get3A_1054 = arith.constant 112 : index
    %get3A_1055 = tpu.vector_load %arg9[%get3A_1053, %get3A_1054] {strides = array<i32>} : memref<17x128xf32, #tpu.memory_space<vmem>>, vector<16xf32>,
    %add3A_1056 = arith.addf %add3A_1051, %get3A_1055 : vector<16xf32>
    %get3A_1057 = arith.constant 4 : i32
    %get3A_1058 = arith.index_cast %get3A_1057 : i32 to index
    %get3A_1059 = arith.constant 112 : index
    %get3A_1060 = tpu.vector_load %arg9[%get3A_1058, %get3A_1059] {strides = array<i32>} : memref<17x128xf32, #tpu.memory_space<vmem>>, vector<16xf32>,
    %add3A_1061 = arith.addf %add3A_1056, %get3A_1060 : vector<16xf32>
    %get3A_1062 = arith.constant 5 : i32
    %get3A_1063 = arith.index_cast %get3A_1062 : i32 to index
    %get3A_1064 = arith.constant 112 : index
    %get3A_1065 = tpu.vector_load %arg9[%get3A_1063, %get3A_1064] {strides = array<i32>} : memref<17x128xf32, #tpu.memory_space<vmem>>, vector<16xf32>,
    %add3A_1066 = arith.addf %add3A_1061, %get3A_1065 : vector<16xf32>
    %get3A_1067 = arith.constant 6 : i32
    %get3A_1068 = arith.index_cast %get3A_1067 : i32 to index
    %get3A_1069 = arith.constant 112 : index
    %get3A_1070 = tpu.vector_load %arg9[%get3A_1068, %get3A_1069] {strides = array<i32>} : memref<17x128xf32, #tpu.memory_space<vmem>>, vector<16xf32>,
    %add3A_1071 = arith.addf %add3A_1066, %get3A_1070 : vector<16xf32>
    %get3A_1072 = arith.constant 7 : i32
    %get3A_1073 = arith.index_cast %get3A_1072 : i32 to index
    %get3A_1074 = arith.constant 112 : index
    %get3A_1075 = tpu.vector_load %arg9[%get3A_1073, %get3A_1074] {strides = array<i32>} : memref<17x128xf32, #tpu.memory_space<vmem>>, vector<16xf32>,
    %add3A_1076 = arith.addf %add3A_1071, %get3A_1075 : vector<16xf32>
    %get3A_1077 = arith.constant 8 : i32
    %get3A_1078 = arith.index_cast %get3A_1077 : i32 to index
    %get3A_1079 = arith.constant 112 : index
    %get3A_1080 = tpu.vector_load %arg9[%get3A_1078, %get3A_1079] {strides = array<i32>} : memref<17x128xf32, #tpu.memory_space<vmem>>, vector<16xf32>,
    %add3A_1081 = arith.addf %add3A_1076, %get3A_1080 : vector<16xf32>
    %get3A_1082 = arith.constant 9 : i32
    %get3A_1083 = arith.index_cast %get3A_1082 : i32 to index
    %get3A_1084 = arith.constant 112 : index
    %get3A_1085 = tpu.vector_load %arg9[%get3A_1083, %get3A_1084] {strides = array<i32>} : memref<17x128xf32, #tpu.memory_space<vmem>>, vector<16xf32>,
    %add3A_1086 = arith.addf %add3A_1081, %get3A_1085 : vector<16xf32>
    %get3A_1087 = arith.constant 10 : i32
    %get3A_1088 = arith.index_cast %get3A_1087 : i32 to index
    %get3A_1089 = arith.constant 112 : index
    %get3A_1090 = tpu.vector_load %arg9[%get3A_1088, %get3A_1089] {strides = array<i32>} : memref<17x128xf32, #tpu.memory_space<vmem>>, vector<16xf32>,
    %add3A_1091 = arith.addf %add3A_1086, %get3A_1090 : vector<16xf32>
    %get3A_1092 = arith.constant 11 : i32
    %get3A_1093 = arith.index_cast %get3A_1092 : i32 to index
    %get3A_1094 = arith.constant 112 : index
    %get3A_1095 = tpu.vector_load %arg9[%get3A_1093, %get3A_1094] {strides = array<i32>} : memref<17x128xf32, #tpu.memory_space<vmem>>, vector<16xf32>,
    %add3A_1096 = arith.addf %add3A_1091, %get3A_1095 : vector<16xf32>
    %get3A_1097 = arith.constant 12 : i32
    %get3A_1098 = arith.index_cast %get3A_1097 : i32 to index
    %get3A_1099 = arith.constant 112 : index
    %get3A_1100 = tpu.vector_load %arg9[%get3A_1098, %get3A_1099] {strides = array<i32>} : memref<17x128xf32, #tpu.memory_space<vmem>>, vector<16xf32>,
    %add3A_1101 = arith.addf %add3A_1096, %get3A_1100 : vector<16xf32>
    %get3A_1102 = arith.constant 13 : i32
    %get3A_1103 = arith.index_cast %get3A_1102 : i32 to index
    %get3A_1104 = arith.constant 112 : index
    %get3A_1105 = tpu.vector_load %arg9[%get3A_1103, %get3A_1104] {strides = array<i32>} : memref<17x128xf32, #tpu.memory_space<vmem>>, vector<16xf32>,
    %add3A_1106 = arith.addf %add3A_1101, %get3A_1105 : vector<16xf32>
    %get3A_1107 = arith.constant 14 : i32
    %get3A_1108 = arith.index_cast %get3A_1107 : i32 to index
    %get3A_1109 = arith.constant 112 : index
    %get3A_1110 = tpu.vector_load %arg9[%get3A_1108, %get3A_1109] {strides = array<i32>} : memref<17x128xf32, #tpu.memory_space<vmem>>, vector<16xf32>,
    %add3A_1111 = arith.addf %add3A_1106, %get3A_1110 : vector<16xf32>
    %get3A_1112 = arith.constant 15 : i32
    %get3A_1113 = arith.index_cast %get3A_1112 : i32 to index
    %get3A_1114 = arith.constant 112 : index
    %get3A_1115 = tpu.vector_load %arg9[%get3A_1113, %get3A_1114] {strides = array<i32>} : memref<17x128xf32, #tpu.memory_space<vmem>>, vector<16xf32>,
    %add3A_1116 = arith.addf %add3A_1111, %get3A_1115 : vector<16xf32>
    %get3A_1117 = arith.constant 16 : i32
    %get3A_1118 = arith.index_cast %get3A_1117 : i32 to index
    %get3A_1119 = arith.constant 112 : index
    %get3A_1120 = tpu.vector_load %arg9[%get3A_1118, %get3A_1119] {strides = array<i32>} : memref<17x128xf32, #tpu.memory_space<vmem>>, vector<16xf32>,
    %add3A_1121 = arith.addf %add3A_1116, %get3A_1120 : vector<16xf32>
    %bitcast3A_1122 = vector.bitcast %add3A_1121 : vector<16xf32> to vector<16xi32>
    %shift_right_arithmetic3A_1123 = arith.constant 1 : i32
    %shift_right_arithmetic3A_1124 = vector.broadcast %shift_right_arithmetic3A_1123 : i32 to vector<16xi32>
    %shift_right_arithmetic3A_1125 = arith.shrsi %bitcast3A_1122, %shift_right_arithmetic3A_1124 : vector<16xi32>
    %sub3A_1126 = arith.constant 1597463007 : i32
    %sub3A_1127 = vector.broadcast %sub3A_1126 : i32 to vector<16xi32>
    %sub3A_1128 = arith.subi %sub3A_1127, %shift_right_arithmetic3A_1125 : vector<16xi32>
    %bitcast3A_1129 = vector.bitcast %sub3A_1128 : vector<16xi32> to vector<16xf32>
    %mul3A_1130 = arith.constant 5.000000e-01 : f32
    %mul3A_1131 = vector.broadcast %mul3A_1130 : f32 to vector<16xf32>
    %mul3A_1132 = arith.mulf %mul3A_1131, %add3A_1121 : vector<16xf32>
    %mul3A_1133 = arith.mulf %mul3A_1132, %bitcast3A_1129 : vector<16xf32>
    %mul3A_1134 = arith.mulf %mul3A_1133, %bitcast3A_1129 : vector<16xf32>
    %sub3A_1135 = arith.constant 1.500000e+00 : f32
    %sub3A_1136 = vector.broadcast %sub3A_1135 : f32 to vector<16xf32>
    %sub3A_1137 = arith.subf %sub3A_1136, %mul3A_1134 : vector<16xf32>
    %mul3A_1138 = arith.mulf %bitcast3A_1129, %sub3A_1137 : vector<16xf32>
    %mul3A_1139 = arith.constant 5.000000e-01 : f32
    %mul3A_1140 = vector.broadcast %mul3A_1139 : f32 to vector<16xf32>
    %mul3A_1141 = arith.mulf %mul3A_1140, %add3A_1121 : vector<16xf32>
    %mul3A_1142 = arith.mulf %mul3A_1141, %mul3A_1138 : vector<16xf32>
    %mul3A_1143 = arith.mulf %mul3A_1142, %mul3A_1138 : vector<16xf32>
    %sub3A_1144 = arith.constant 1.500000e+00 : f32
    %sub3A_1145 = vector.broadcast %sub3A_1144 : f32 to vector<16xf32>
    %sub3A_1146 = arith.subf %sub3A_1145, %mul3A_1143 : vector<16xf32>
    %mul3A_1147 = arith.mulf %mul3A_1138, %sub3A_1146 : vector<16xf32>
    %mul3A_1148 = arith.constant 5.000000e-01 : f32
    %mul3A_1149 = vector.broadcast %mul3A_1148 : f32 to vector<16xf32>
    %mul3A_1150 = arith.mulf %mul3A_1149, %add3A_1121 : vector<16xf32>
    %mul3A_1151 = arith.mulf %mul3A_1150, %mul3A_1147 : vector<16xf32>
    %mul3A_1152 = arith.mulf %mul3A_1151, %mul3A_1147 : vector<16xf32>
    %sub3A_1153 = arith.constant 1.500000e+00 : f32
    %sub3A_1154 = vector.broadcast %sub3A_1153 : f32 to vector<16xf32>
    %sub3A_1155 = arith.subf %sub3A_1154, %mul3A_1152 : vector<16xf32>
    %mul3A_1156 = arith.mulf %mul3A_1147, %sub3A_1155 : vector<16xf32>
    %swap3A_1157 = arith.constant 0 : i32
    %swap3A_1158 = arith.index_cast %swap3A_1157 : i32 to index
    %swap3A_1159 = arith.constant 112 : index
    %swap3A_1160 = tpu.vector_load %arg9[%swap3A_1158, %swap3A_1159] {strides = array<i32>} : memref<17x128xf32, #tpu.memory_space<vmem>>, vector<16xf32>,
    tpu.vector_store %arg9[%swap3A_1158, %swap3A_1159], %mul3A_1156 {strides = array<i32>} : memref<17x128xf32, #tpu.memory_space<vmem>>, vector<16xf32>,
    %scan3A_1161 = arith.constant 0 : i32
    %scan3A_1162 = arith.constant 0 : i32
    %scan3A_1163 = arith.constant 16 : i32
    %scan3A_1164 = arith.addi %scan3A_1162, %scan3A_1163 : i32
    %scan3A_1165 = arith.constant 1 : i32
    scf.for %scan3A_1174 = %scan3A_1162 to %scan3A_1164 step %scan3A_1165  : i32 {
      %get3A_1175 = arith.index_cast %scan3A_1174 : i32 to index
      %get3A_1176 = arith.constant 0 : index
      %get3A_1177 = tpu.vector_load %arg8[%get3A_1175, %get3A_1176] {strides = array<i32>} : memref<16x128xf32, #tpu.memory_space<vmem>>, vector<16xf32>,
      %get3A_1178 = arith.constant 0 : i32
      %get3A_1179 = arith.index_cast %get3A_1178 : i32 to index
      %get3A_1180 = arith.constant 0 : index
      %get3A_1181 = tpu.vector_load %arg9[%get3A_1179, %get3A_1180] {strides = array<i32>} : memref<17x128xf32, #tpu.memory_space<vmem>>, vector<16xf32>,
      %mul3A_1182 = arith.mulf %get3A_1177, %get3A_1181 : vector<16xf32>
      %swap3A_1183 = arith.index_cast %scan3A_1174 : i32 to index
      %swap3A_1184 = arith.constant 0 : index
      %swap3A_1185 = tpu.vector_load %arg8[%swap3A_1183, %swap3A_1184] {strides = array<i32>} : memref<16x128xf32, #tpu.memory_space<vmem>>, vector<16xf32>,
      tpu.vector_store %arg8[%swap3A_1183, %swap3A_1184], %mul3A_1182 {strides = array<i32>} : memref<16x128xf32, #tpu.memory_space<vmem>>, vector<16xf32>,
      %get3A_1186 = arith.index_cast %scan3A_1174 : i32 to index
      %get3A_1187 = arith.constant 16 : index
      %get3A_1188 = tpu.vector_load %arg8[%get3A_1186, %get3A_1187] {strides = array<i32>} : memref<16x128xf32, #tpu.memory_space<vmem>>, vector<16xf32>,
      %get3A_1189 = arith.constant 0 : i32
      %get3A_1190 = arith.index_cast %get3A_1189 : i32 to index
      %get3A_1191 = arith.constant 16 : index
      %get3A_1192 = tpu.vector_load %arg9[%get3A_1190, %get3A_1191] {strides = array<i32>} : memref<17x128xf32, #tpu.memory_space<vmem>>, vector<16xf32>,
      %mul3A_1193 = arith.mulf %get3A_1188, %get3A_1192 : vector<16xf32>
      %swap3A_1194 = arith.index_cast %scan3A_1174 : i32 to index
      %swap3A_1195 = arith.constant 16 : index
      %swap3A_1196 = tpu.vector_load %arg8[%swap3A_1194, %swap3A_1195] {strides = array<i32>} : memref<16x128xf32, #tpu.memory_space<vmem>>, vector<16xf32>,
      tpu.vector_store %arg8[%swap3A_1194, %swap3A_1195], %mul3A_1193 {strides = array<i32>} : memref<16x128xf32, #tpu.memory_space<vmem>>, vector<16xf32>,
      %get3A_1197 = arith.index_cast %scan3A_1174 : i32 to index
      %get3A_1198 = arith.constant 32 : index
      %get3A_1199 = tpu.vector_load %arg8[%get3A_1197, %get3A_1198] {strides = array<i32>} : memref<16x128xf32, #tpu.memory_space<vmem>>, vector<16xf32>,
      %get3A_1200 = arith.constant 0 : i32
      %get3A_1201 = arith.index_cast %get3A_1200 : i32 to index
      %get3A_1202 = arith.constant 32 : index
      %get3A_1203 = tpu.vector_load %arg9[%get3A_1201, %get3A_1202] {strides = array<i32>} : memref<17x128xf32, #tpu.memory_space<vmem>>, vector<16xf32>,
      %mul3A_1204 = arith.mulf %get3A_1199, %get3A_1203 : vector<16xf32>
      %swap3A_1205 = arith.index_cast %scan3A_1174 : i32 to index
      %swap3A_1206 = arith.constant 32 : index
      %swap3A_1207 = tpu.vector_load %arg8[%swap3A_1205, %swap3A_1206] {strides = array<i32>} : memref<16x128xf32, #tpu.memory_space<vmem>>, vector<16xf32>,
      tpu.vector_store %arg8[%swap3A_1205, %swap3A_1206], %mul3A_1204 {strides = array<i32>} : memref<16x128xf32, #tpu.memory_space<vmem>>, vector<16xf32>,
      %get3A_1208 = arith.index_cast %scan3A_1174 : i32 to index
      %get3A_1209 = arith.constant 48 : index
      %get3A_1210 = tpu.vector_load %arg8[%get3A_1208, %get3A_1209] {strides = array<i32>} : memref<16x128xf32, #tpu.memory_space<vmem>>, vector<16xf32>,
      %get3A_1211 = arith.constant 0 : i32
      %get3A_1212 = arith.index_cast %get3A_1211 : i32 to index
      %get3A_1213 = arith.constant 48 : index
      %get3A_1214 = tpu.vector_load %arg9[%get3A_1212, %get3A_1213] {strides = array<i32>} : memref<17x128xf32, #tpu.memory_space<vmem>>, vector<16xf32>,
      %mul3A_1215 = arith.mulf %get3A_1210, %get3A_1214 : vector<16xf32>
      %swap3A_1216 = arith.index_cast %scan3A_1174 : i32 to index
      %swap3A_1217 = arith.constant 48 : index
      %swap3A_1218 = tpu.vector_load %arg8[%swap3A_1216, %swap3A_1217] {strides = array<i32>} : memref<16x128xf32, #tpu.memory_space<vmem>>, vector<16xf32>,
      tpu.vector_store %arg8[%swap3A_1216, %swap3A_1217], %mul3A_1215 {strides = array<i32>} : memref<16x128xf32, #tpu.memory_space<vmem>>, vector<16xf32>,
      %get3A_1219 = arith.index_cast %scan3A_1174 : i32 to index
      %get3A_1220 = arith.constant 64 : index
      %get3A_1221 = tpu.vector_load %arg8[%get3A_1219, %get3A_1220] {strides = array<i32>} : memref<16x128xf32, #tpu.memory_space<vmem>>, vector<16xf32>,
      %get3A_1222 = arith.constant 0 : i32
      %get3A_1223 = arith.index_cast %get3A_1222 : i32 to index
      %get3A_1224 = arith.constant 64 : index
      %get3A_1225 = tpu.vector_load %arg9[%get3A_1223, %get3A_1224] {strides = array<i32>} : memref<17x128xf32, #tpu.memory_space<vmem>>, vector<16xf32>,
      %mul3A_1226 = arith.mulf %get3A_1221, %get3A_1225 : vector<16xf32>
      %swap3A_1227 = arith.index_cast %scan3A_1174 : i32 to index
      %swap3A_1228 = arith.constant 64 : index
      %swap3A_1229 = tpu.vector_load %arg8[%swap3A_1227, %swap3A_1228] {strides = array<i32>} : memref<16x128xf32, #tpu.memory_space<vmem>>, vector<16xf32>,
      tpu.vector_store %arg8[%swap3A_1227, %swap3A_1228], %mul3A_1226 {strides = array<i32>} : memref<16x128xf32, #tpu.memory_space<vmem>>, vector<16xf32>,
      %get3A_1230 = arith.index_cast %scan3A_1174 : i32 to index
      %get3A_1231 = arith.constant 80 : index
      %get3A_1232 = tpu.vector_load %arg8[%get3A_1230, %get3A_1231] {strides = array<i32>} : memref<16x128xf32, #tpu.memory_space<vmem>>, vector<16xf32>,
      %get3A_1233 = arith.constant 0 : i32
      %get3A_1234 = arith.index_cast %get3A_1233 : i32 to index
      %get3A_1235 = arith.constant 80 : index
      %get3A_1236 = tpu.vector_load %arg9[%get3A_1234, %get3A_1235] {strides = array<i32>} : memref<17x128xf32, #tpu.memory_space<vmem>>, vector<16xf32>,
      %mul3A_1237 = arith.mulf %get3A_1232, %get3A_1236 : vector<16xf32>
      %swap3A_1238 = arith.index_cast %scan3A_1174 : i32 to index
      %swap3A_1239 = arith.constant 80 : index
      %swap3A_1240 = tpu.vector_load %arg8[%swap3A_1238, %swap3A_1239] {strides = array<i32>} : memref<16x128xf32, #tpu.memory_space<vmem>>, vector<16xf32>,
      tpu.vector_store %arg8[%swap3A_1238, %swap3A_1239], %mul3A_1237 {strides = array<i32>} : memref<16x128xf32, #tpu.memory_space<vmem>>, vector<16xf32>,
      %get3A_1241 = arith.index_cast %scan3A_1174 : i32 to index
      %get3A_1242 = arith.constant 96 : index
      %get3A_1243 = tpu.vector_load %arg8[%get3A_1241, %get3A_1242] {strides = array<i32>} : memref<16x128xf32, #tpu.memory_space<vmem>>, vector<16xf32>,
      %get3A_1244 = arith.constant 0 : i32
      %get3A_1245 = arith.index_cast %get3A_1244 : i32 to index
      %get3A_1246 = arith.constant 96 : index
      %get3A_1247 = tpu.vector_load %arg9[%get3A_1245, %get3A_1246] {strides = array<i32>} : memref<17x128xf32, #tpu.memory_space<vmem>>, vector<16xf32>,
      %mul3A_1248 = arith.mulf %get3A_1243, %get3A_1247 : vector<16xf32>
      %swap3A_1249 = arith.index_cast %scan3A_1174 : i32 to index
      %swap3A_1250 = arith.constant 96 : index
      %swap3A_1251 = tpu.vector_load %arg8[%swap3A_1249, %swap3A_1250] {strides = array<i32>} : memref<16x128xf32, #tpu.memory_space<vmem>>, vector<16xf32>,
      tpu.vector_store %arg8[%swap3A_1249, %swap3A_1250], %mul3A_1248 {strides = array<i32>} : memref<16x128xf32, #tpu.memory_space<vmem>>, vector<16xf32>,
      %get3A_1252 = arith.index_cast %scan3A_1174 : i32 to index
      %get3A_1253 = arith.constant 112 : index
      %get3A_1254 = tpu.vector_load %arg8[%get3A_1252, %get3A_1253] {strides = array<i32>} : memref<16x128xf32, #tpu.memory_space<vmem>>, vector<16xf32>,
      %get3A_1255 = arith.constant 0 : i32
      %get3A_1256 = arith.index_cast %get3A_1255 : i32 to index
      %get3A_1257 = arith.constant 112 : index
      %get3A_1258 = tpu.vector_load %arg9[%get3A_1256, %get3A_1257] {strides = array<i32>} : memref<17x128xf32, #tpu.memory_space<vmem>>, vector<16xf32>,
      %mul3A_1259 = arith.mulf %get3A_1254, %get3A_1258 : vector<16xf32>
      %swap3A_1260 = arith.index_cast %scan3A_1174 : i32 to index
      %swap3A_1261 = arith.constant 112 : index
      %swap3A_1262 = tpu.vector_load %arg8[%swap3A_1260, %swap3A_1261] {strides = array<i32>} : memref<16x128xf32, #tpu.memory_space<vmem>>, vector<16xf32>,
      tpu.vector_store %arg8[%swap3A_1260, %swap3A_1261], %mul3A_1259 {strides = array<i32>} : memref<16x128xf32, #tpu.memory_space<vmem>>, vector<16xf32>,
    }
    %scan3A_1166 = arith.constant 16 : i32
    %lt3A = arith.constant 15 : i32
    %lt3A_1167 = arith.cmpi slt, %arg1, %lt3A : i32
    %convert_element_type3A = arith.extui %lt3A_1167 : i1 to i32
    %cond3A = arith.constant 0 : i32
    %cond3A_1168 = arith.cmpi ne, %convert_element_type3A, %cond3A : i32
    scf.if %cond3A_1168 {
      %mul3A_1174 = arith.constant 128 : i32
      %mul3A_1175 = arith.muli %arg0, %mul3A_1174 : i32
      "tpu.region"() ({
        %run_scoped3A_1176 = tpu.sem_alloc : memref<!tpu.dma_semaphore, #tpu.memory_space<semaphore_mem>>
        %dma_start3A_1177 = tpu.memref_slice %arg4[%mul3A_3, %mul3A_1175] : memref<252x256xf32, #tpu.memory_space<hbm>> -> memref<16x128xf32, #tpu.memory_space<hbm>>
        %dma_start3A_1178 = tpu.memref_slice %arg4[%mul3A_3, %mul3A_1175] : memref<252x256xf32, #tpu.memory_space<hbm>> -> memref<16x128xf32, #tpu.memory_space<hbm>>
        tpu.enqueue_dma source(%arg8 : memref<16x128xf32, #tpu.memory_space<vmem>>) target(%dma_start3A_1178 : memref<16x128xf32, #tpu.memory_space<hbm>>) target_semaphore(%run_scoped3A_1176 : memref<!tpu.dma_semaphore, #tpu.memory_space<semaphore_mem>>)
        %dma_wait3A_1179 = tpu.memref_slice %arg4[%mul3A_3, %mul3A_1175] : memref<252x256xf32, #tpu.memory_space<hbm>> -> memref<16x128xf32, #tpu.memory_space<hbm>>
        %dma_wait3A_1180 = tpu.memref_slice %arg4[%mul3A_3, %mul3A_1175] : memref<252x256xf32, #tpu.memory_space<hbm>> -> memref<16x128xf32, #tpu.memory_space<hbm>>
        tpu.wait_dma2 semaphore(%run_scoped3A_1176 : memref<!tpu.dma_semaphore, #tpu.memory_space<semaphore_mem>>) src(%arg8 : memref<16x128xf32, #tpu.memory_space<vmem>>) dst(%dma_wait3A_1180 : memref<16x128xf32, #tpu.memory_space<hbm>>)
        tpu.yield
      }) : () -> ()
    } else {
    }
    %eq3A_1169 = arith.constant 15 : i32
    %eq3A_1170 = arith.cmpi eq, %arg1, %eq3A_1169 : i32
    %convert_element_type3A_1171 = arith.extui %eq3A_1170 : i1 to i32
    %cond3A_1172 = arith.constant 0 : i32
    %cond3A_1173 = arith.cmpi ne, %convert_element_type3A_1171, %cond3A_1172 : i32
    scf.if %cond3A_1173 {
      %mul3A_1174 = arith.constant 128 : i32
      %mul3A_1175 = arith.muli %arg0, %mul3A_1174 : i32
      "tpu.region"() ({
        %run_scoped3A_1176 = tpu.sem_alloc : memref<!tpu.dma_semaphore, #tpu.memory_space<semaphore_mem>>
        %dma_start3A_1177 = arith.constant 0 : i32
        %dma_start3A_1178 = arith.constant 0 : i32
        %dma_start3A_1179 = tpu.memref_slice %arg8[%dma_start3A_1177, %dma_start3A_1178] : memref<16x128xf32, #tpu.memory_space<vmem>> -> memref<12x128xf32, #tpu.memory_space<vmem>>
        %dma_start3A_1180 = arith.constant 240 : i32
        %dma_start3A_1181 = tpu.memref_slice %arg4[%dma_start3A_1180, %mul3A_1175] : memref<252x256xf32, #tpu.memory_space<hbm>> -> memref<12x128xf32, #tpu.memory_space<hbm>>
        %dma_start3A_1182 = arith.constant 240 : i32
        %dma_start3A_1183 = tpu.memref_slice %arg4[%dma_start3A_1182, %mul3A_1175] : memref<252x256xf32, #tpu.memory_space<hbm>> -> memref<12x128xf32, #tpu.memory_space<hbm>>
        %dma_start3A_1184 = arith.constant 0 : i32
        %dma_start3A_1185 = arith.constant 0 : i32
        %dma_start3A_1186 = tpu.memref_slice %arg8[%dma_start3A_1184, %dma_start3A_1185] : memref<16x128xf32, #tpu.memory_space<vmem>> -> memref<12x128xf32, #tpu.memory_space<vmem>>
        tpu.enqueue_dma source(%dma_start3A_1186 : memref<12x128xf32, #tpu.memory_space<vmem>>) target(%dma_start3A_1183 : memref<12x128xf32, #tpu.memory_space<hbm>>) target_semaphore(%run_scoped3A_1176 : memref<!tpu.dma_semaphore, #tpu.memory_space<semaphore_mem>>)
        %dma_wait3A_1187 = arith.constant 0 : i32
        %dma_wait3A_1188 = arith.constant 0 : i32
        %dma_wait3A_1189 = tpu.memref_slice %arg8[%dma_wait3A_1187, %dma_wait3A_1188] : memref<16x128xf32, #tpu.memory_space<vmem>> -> memref<12x128xf32, #tpu.memory_space<vmem>>
        %dma_wait3A_1190 = arith.constant 240 : i32
        %dma_wait3A_1191 = tpu.memref_slice %arg4[%dma_wait3A_1190, %mul3A_1175] : memref<252x256xf32, #tpu.memory_space<hbm>> -> memref<12x128xf32, #tpu.memory_space<hbm>>
        %dma_wait3A_1192 = arith.constant 240 : i32
        %dma_wait3A_1193 = tpu.memref_slice %arg4[%dma_wait3A_1192, %mul3A_1175] : memref<252x256xf32, #tpu.memory_space<hbm>> -> memref<12x128xf32, #tpu.memory_space<hbm>>
        %dma_wait3A_1194 = arith.constant 0 : i32
        %dma_wait3A_1195 = arith.constant 0 : i32
        %dma_wait3A_1196 = tpu.memref_slice %arg8[%dma_wait3A_1194, %dma_wait3A_1195] : memref<16x128xf32, #tpu.memory_space<vmem>> -> memref<12x128xf32, #tpu.memory_space<vmem>>
        tpu.wait_dma2 semaphore(%run_scoped3A_1176 : memref<!tpu.dma_semaphore, #tpu.memory_space<semaphore_mem>>) src(%dma_wait3A_1196 : memref<12x128xf32, #tpu.memory_space<vmem>>) dst(%dma_wait3A_1193 : memref<12x128xf32, #tpu.memory_space<hbm>>)
        tpu.yield
      }) : () -> ()
    } else {
    }
    return
  }
}

module attributes {stable_mosaic.version = 14 : i64} {
  func.func @_tc_body(%arg0: i32, %arg1: memref<15504x128xf32, #tpu.memory_space<vmem>>, %arg2: memref<15504x256xbf16, #tpu.memory_space<vmem>>, %arg3: memref<128x252xf32, #tpu.memory_space<vmem>>) attributes {dimension_semantics = [#tpu.dimension_semantics<arbitrary>], iteration_bounds = array<i64: 6>, scalar_prefetch = 0 : i64, scratch_operands = 0 : i64, tpu.core_type = #tpu.core_type<tc>, window_params = [{transform_indices = @transform_0, window_bounds = array<i64: 15504, 128>}, {pipeline_mode = #tpu.pipeline_mode<synchronous>, transform_indices = @transform_1, window_bounds = array<i64: 15504, 256>}, {transform_indices = @transform_2, window_bounds = array<i64: 128, 252>}]} {
    %get3A = arith.constant 0 : index
    %get3A_0 = arith.constant 0 : index
    %get3A_1 = vector.load %arg1[%get3A, %get3A_0] : memref<15504x128xf32, #tpu.memory_space<vmem>>, vector<15504x128xf32>
    %convert_element_type3A = arith.truncf %get3A_1 : vector<15504x128xf32> to vector<15504x128xbf16>
    %convert_element_type3A_2 = arith.extf %convert_element_type3A : vector<15504x128xbf16> to vector<15504x128xf32>
    %sub3A = arith.subf %get3A_1, %convert_element_type3A_2 : vector<15504x128xf32>
    %convert_element_type3A_3 = arith.truncf %sub3A : vector<15504x128xf32> to vector<15504x128xbf16>
    %get3A_4 = arith.constant 0 : index
    %get3A_5 = arith.constant 0 : index
    %get3A_6 = vector.load %arg2[%get3A_4, %get3A_5] : memref<15504x256xbf16, #tpu.memory_space<vmem>>, vector<15504x256xbf16>
    %dot_general3A = arith.constant dense<0.000000e+00> : vector<128x256xf32>
    %dot_general3A_7 = tpu.matmul %convert_element_type3A, %get3A_6, %dot_general3A {dimension_numbers = #tpu.dot_dimension_numbers<[0], [0], [1], [1], [0, 1, 1, 1], [], []>, transpose_lhs_hint = false} : vector<15504x128xbf16>, vector<15504x256xbf16>, vector<128x256xf32> -> vector<128x256xf32>
    %dot_general3A_8 = arith.constant dense<0.000000e+00> : vector<128x256xf32>
    %dot_general3A_9 = tpu.matmul %convert_element_type3A_3, %get3A_6, %dot_general3A_8 {dimension_numbers = #tpu.dot_dimension_numbers<[0], [0], [1], [1], [0, 1, 1, 1], [], []>, transpose_lhs_hint = false} : vector<15504x128xbf16>, vector<15504x256xbf16>, vector<128x256xf32> -> vector<128x256xf32>
    %add3A = arith.addf %dot_general3A_7, %dot_general3A_9 : vector<128x256xf32>
    %mul3A = arith.mulf %add3A, %add3A : vector<128x256xf32>
    %reduce_sum3A = arith.constant dense<0.000000e+00> : vector<128xf32>
    %reduce_sum3A_10 = vector.multi_reduction <add>, %mul3A, %reduce_sum3A [1] : vector<128x256xf32> to vector<128xf32>
    %broadcast_in_dim3A = vector.shape_cast %reduce_sum3A_10 : vector<128xf32> to vector<128x1xf32>
    %rsqrt3A = math.rsqrt %broadcast_in_dim3A : vector<128x1xf32>
    %mul3A_11 = vector.broadcast %rsqrt3A : vector<128x1xf32> to vector<128x256xf32>
    %mul3A_12 = arith.mulf %add3A, %mul3A_11 : vector<128x256xf32>
    %slice3A = vector.extract_strided_slice %mul3A_12 {offsets = [0, 0], sizes = [128, 252], strides = [1, 1]} : vector<128x256xf32> to vector<128x252xf32>
    %swap3A = arith.constant 0 : index
    %swap3A_13 = arith.constant 0 : index
    %swap3A_14 = vector.load %arg3[%swap3A, %swap3A_13] : memref<128x252xf32, #tpu.memory_space<vmem>>, vector<128x252xf32>
    tpu.vector_store %arg3[%swap3A, %swap3A_13], %slice3A {strides = array<i32>} : memref<128x252xf32, #tpu.memory_space<vmem>>, vector<128x252xf32>,
    return
  }
  func.func @transform_0(%arg0: i32) -> (i32, i32) {
    %c0_i32 = arith.constant 0 : i32
    %c0_i32_0 = arith.constant 0 : i32
    return %c0_i32, %arg0 : i32, i32
  }
  func.func @transform_1(%arg0: i32) -> (i32, i32) {
    %c0_i32 = arith.constant 0 : i32
    %c0_i32_0 = arith.constant 0 : i32
    %c0_i32_1 = arith.constant 0 : i32
    return %c0_i32, %c0_i32_0 : i32, i32
  }
  func.func @transform_2(%arg0: i32) -> (i32, i32) {
    %c0_i32 = arith.constant 0 : i32
    %c0_i32_0 = arith.constant 0 : i32
    return %arg0, %c0_i32 : i32, i32
  }
}

</mosaic_0001>

<sc_bundles>
// kernel: kernel.4.cloned.1.call-start
scs
__scs_entry_jumppad:
0x0: {  	(pc) =	sbr.rel $0x88, $3  }
0x1: {  	(tag) =	ssettag $0x0;
	lr =	simm.s32 $0x1  }
0x2: {  	[smem:$0x3FA0] =	sst lr;
	_ =	strace $0xD0000000  }
0x3: {  	_ = 	snop  }
0x4: {  	_ = 	snop  }
0x5: {  	_ = 	snop  }
0x6: {  	_ = 	snop  }
0x7: {  	_ = 	snop  }
__scs_overlays_trampoline_lowered:
0x8: {  	[smem:$0x3FAF] =	sst s0  }
0x9: {  	[smem:$0x3FB0] =	sst s1  }
0xa: {  	[smem:$0x3FB1] =	sst s2  }
0xb: {  	[smem:$0x3FB2] =	sst s3  }
0xc: {  	[smem:$0x3FB3] =	sst s4  }
0xd: {  	[smem:$0x3FB4] =	sst s5  }
0xe: {  	[smem:$0x3FB5] =	sst s6  }
0xf: {  	[smem:$0x3FB6] =	sst s7  }
0x10: {  	[smem:$0x3FB7] =	sst s8  }
0x11: {  	[smem:$0x3FB8] =	sst s9;
	s0 =	simm.s32 @!p0 $0x0  }
0x12: {  	s1 =	sld [smem:$0x3F9E];
	s0 =	simm.s32 @p0 $0x1  }
0x13: {  	[smem:$0x3FB9] =	sst s0;
	s0 =	simm.s32 @!p1 $0x0  }
0x14: {  	s2 =	sld [smem:$0x3F9D];
	s0 =	simm.s32 @p1 $0x1  }
0x15: {  	[smem:$0x3FBA] =	sst s0;
	s0 =	simm.s32 @!p2 $0x0  }
0x16: {  	s3 =	sld [smem:$0x3FDB];
	s0 =	simm.s32 @p2 $0x1  }
0x17: {  	s4 =	simm.s32 $0x1BF5;
	[smem:$0x3FBC] =	sst s0  }
0x18: {  	s0 =	sld [smem:$0x3F9F];
	_ =	swait.ge [sflag:s4], $0x0  }
0x19: {  	s7 =	sld [smem:$0x3FA0]  }
0x1a: {  	s8 =	sadd.s32 $0xFFFFE003, lr  }
0x1b: {  	s9 =	sadd.s32 $0xFFFFFEF7, lr;
	s5 =	simm.s32 $0xFFFFFFFF;
	p2 =	slt.u32 s8, $0xFFFFF086  }
0x1c: {  	p1 =	slt.u32 s9, $0xF7A;
	s5 =	simm.s32 @!p2 $0x0  }
0x1d: {  	s5 =	simm.s32 @p1 $0x1;
	p0 =	seq.s32 s7, s2  }
0x1e: {  	s7 =	smul.u32 @!p0 $0xF7A, s2;
	p2 =	seq.s32 @!p0 s5, $0x0  }
0x1f: {  	s9 =	smul.u32 $0xF7A, s1;
	s8 =	simm.s32 @!p0 $0x1BF5;
	p2 =	por !p2, p0  }
0x20: {  	[sflag:s8] =	ssyncset.s32 @!p0 $0xFFFFF086;
	s6 =	sadd.s32 @!p0 s3, s7;
	s7 =	simm.s32 @!p0 $0x108  }
0x21: {  	s3 =	sadd.s32 s3, s9;
	s6 =	sadd.s32 @!p0 $0x88, s6;
	s7 =	simm.s32 @p2 $0x1082  }
0x22: {  	[simem:s7], [sflag:s8] =	dma.local @!p0 [hbm:s6], $0xF7A  }
0x23: {  	s9 =	sor.u32 $0xD0000000, s2;
	s6 =	simm.s32 $0x108;
	_ =	swait.ge @!p0 [sflag:s8], $0x0  }
0x24: {  	s3 =	sadd.s32 $0x88, s3;
	s6 =	simm.s32 @!p1 $0x1082;
	[sflag:s4] =	ssyncset.s32 $0xFFFFF086  }
0x25: {  	[simem:s6], [sflag:s4] =	dma.local [hbm:s3], $0xF7A  }
0x26: {  	[smem:$0x3FA0] =	sst s1;
	(tag) =	ssettag s2;
	_ =	strace s9  }
0x27: {  	s1 =	sld [smem:$0x3FB0]  }
0x28: {  	s2 =	sld [smem:$0x3FB1]  }
0x29: {  	s4 =	sld [smem:$0x3FB3]  }
0x2a: {  	p0 =	seq.s32 s5, $0x0;
	s5 =	sld [smem:$0x3FB4]  }
0x2b: {  	s6 =	sld [smem:$0x3FB5]  }
0x2c: {  	s7 =	sld [smem:$0x3FB6]  }
0x2d: {  	s3 =	simm.s32 $0x108;
	s8 =	sld [smem:$0x3FB7]  }
0x2e: {  	s3 =	simm.s32 @!p0 $0x1082;
	s9 =	sld [smem:$0x3FB8]  }
0x2f: {  	lr =	sadd.s32 s0, s3;
	s0 =	sld [smem:$0x3FAF]  }
0x30: {  	s3 =	sld [smem:$0x3FB2]  }
0x31: {  	[smem:$0x3FBB] =	sst s10  }
0x32: {  	s10 =	sld [smem:$0x3FB9];
	_ =	sdelay $0x3  }
0x33: {  	p0 =	seq.s32 s10, $0x1;
	s10 =	sld [smem:$0x3FBB];
	_ =	sdelay $0x3  }
0x34: {  	[smem:$0x3FBB] =	sst s10  }
0x35: {  	s10 =	sld [smem:$0x3FBA];
	_ =	sdelay $0x3  }
0x36: {  	p1 =	seq.s32 s10, $0x1;
	s10 =	sld [smem:$0x3FBB];
	_ =	sdelay $0x3  }
0x37: {  	[smem:$0x3FBB] =	sst s10  }
0x38: {  	s10 =	sld [smem:$0x3FBC]  }
0x39: {  	_ = 	snop;
	(pc) =	sbr.ind lr, $3  }
0x3a: {  	_ = 	snop  }
0x3b: {  	_ = 	snop  }
0x3c: {  	p2 =	seq.s32 s10, $0x1;
	s10 =	sld [smem:$0x3FBB]  }
0x3d: {  	_ =	shalt  }
0x3e: {  	_ =	shalt  }
0x3f: {  	_ =	shalt  }
0x40: {  	_ =	shalt  }
0x41: {  	_ =	shalt  }
0x42: {  	_ =	shalt  }
0x43: {  	_ =	shalt  }
0x44: {  	_ =	shalt  }
0x45: {  	_ =	shalt  }
0x46: {  	_ =	shalt  }
0x47: {  	_ =	shalt  }
0x48: {  	_ =	shalt  }
0x49: {  	_ =	shalt  }
0x4a: {  	_ =	shalt  }
0x4b: {  	_ =	shalt  }
0x4c: {  	_ =	shalt  }
0x4d: {  	_ =	shalt  }
0x4e: {  	_ =	shalt  }
0x4f: {  	_ =	shalt  }
0x50: {  	_ =	shalt  }
0x51: {  	_ =	shalt  }
0x52: {  	_ =	shalt  }
0x53: {  	_ =	shalt  }
0x54: {  	_ =	shalt  }
0x55: {  	_ =	shalt  }
0x56: {  	_ =	shalt  }
0x57: {  	_ =	shalt  }
0x58: {  	_ =	shalt  }
0x59: {  	_ =	shalt  }
0x5a: {  	_ =	shalt  }
0x5b: {  	_ =	shalt  }
0x5c: {  	_ =	shalt  }
0x5d: {  	_ =	shalt  }
0x5e: {  	_ =	shalt  }
0x5f: {  	_ =	shalt  }
0x60: {  	_ =	shalt  }
0x61: {  	_ =	shalt  }
0x62: {  	_ =	shalt  }
0x63: {  	_ =	shalt  }
0x64: {  	_ =	shalt  }
0x65: {  	_ =	shalt  }
0x66: {  	_ =	shalt  }
0x67: {  	_ =	shalt  }
0x68: {  	_ =	shalt  }
0x69: {  	_ =	shalt  }
0x6a: {  	_ =	shalt  }
0x6b: {  	_ =	shalt  }
0x6c: {  	_ =	shalt  }
0x6d: {  	_ =	shalt  }
0x6e: {  	_ =	shalt  }
0x6f: {  	_ =	shalt  }
0x70: {  	_ =	shalt  }
0x71: {  	_ =	shalt  }
0x72: {  	_ =	shalt  }
0x73: {  	_ =	shalt  }
0x74: {  	_ =	shalt  }
0x75: {  	_ =	shalt  }
0x76: {  	_ =	shalt  }
0x77: {  	_ =	shalt  }
0x78: {  	_ =	shalt  }
0x79: {  	_ =	shalt  }
0x7a: {  	_ =	shalt  }
0x7b: {  	_ =	shalt  }
0x7c: {  	_ =	shalt  }
0x7d: {  	_ =	shalt  }
0x7e: {  	_ =	shalt  }
0x7f: {  	_ =	shalt  }
0x80: {  	_ =	shalt  }
0x81: {  	_ =	shalt  }
0x82: {  	_ =	shalt  }
0x83: {  	_ =	shalt  }
0x84: {  	_ =	shalt  }
0x85: {  	_ =	shalt  }
0x86: {  	_ =	shalt  }
0x87: {  	_ =	shalt  }
.Lfunc_end0:
.L_simem_size_0:
called_computation_lowered:
.L_overlay_start_0:
0x88: {  	s2 =	sld [smem:$0x3FD9]  }
0x89: {  	s3 =	sld [smem:$0x3FFE];
	_ =	sdelay $0x1  }
0x8a: {  	s1 =	srdreg.scid  }
0x8b: {  	s0 =	sand.u32 $0x1, s1  }
0x8c: {  	s17 =	sshll.u32 s0, $0xA;
	s2 =	sadd.s32 s3, s2  }
0x8d: {  	s2 =	sadd.s32 s2, s17  }
0x8e: {  	[smem:$0x3FC7] =	sst s2  }
0x8f: {  	_ = 	snop  }
0x90: {  	s2 =	sld [smem:$0x3FC9]  }
0x91: {  	s18 =	sld [smem:$0x3FD0];
	(tm) =	ssettm $0x1  }
0x92: {  	s4 =	sld [smem:$0x3FFB];
	_ =	sdelay $0x3  }
0x93: {  	_ =	strace s4  }
0x94: {  	s4 =	sld [smem:$0x3FFC];
	_ =	sdelay $0x3  }
0x95: {  	_ =	strace s4  }
0x96: {  	s4 =	sld [smem:$0x3FFD];
	_ =	sdelay $0x3  }
0x97: {  	_ =	strace s4  }
0x98: {  	_ =	strace $0x8FFFFFFF  }
0x99: {  	s19 =	sld [smem:$0x3FDB];
	_ =	sdelay $0x1  }
0x9a: {  	s5 =	simm.s32 $_scs_section_size  }
0x9b: {  	s6 =	simm.s32 $_size__tile_overlayer_lowered;
	s7 =	simm.s32 $_tile_overlayer_lowered  }
0x9c: {  	s22 =	simm.s32 $0x1BFF;
	s21 =	sshll.u32 s7, $0x1;
	s4 =	sadd.s32 s5, s19  }
0x9d: {  	s8 =	simm.s32 $0x0;
	s20 =	sshll.u32 s6, $0x1;
	s6 =	sadd.s32 s21, s4  }
0x9e: {  	[timem:s8], [sflag:s22] =	dma.local [hbm:s6], s20  }
0x9f: {  	_ =	swait.ge [sflag:s22], s20  }
0xa0: {  	s5 =	ssub.s32 $0x0, s20;
	[sflag:s22] =	ssyncset.done $0x0  }
0xa1: {  	[sflag:s22] =	ssyncadd.s32 s5;
	_ =	sdelay $0x1  }
0xa2: {  	s23 =	simm.s32 $0x1B8B  }
0xa3: {  	_ =	swait.ge [sflag:s23], $0x1  }
0xa4: {  	[sflag:s23] =	ssyncset.done $0x0  }
0xa5: {  	s25 =	simm.s32 $0x1B8E;
	s24 =	sld [smem:$0x3FFE];
	[sflag:s23] =	ssyncadd.s32 $0xFFFFFFFF  }
0xa6: {  	s26 =	simm.s32 $execute0_lowered;
	[smem:$0x3FD2] =	sst s25  }
0xa7: {  	s6 =	sshll.u32 s26, $0x1;
	_ =	strace $0x80000046;
	[dreg:$0x1] =	wrdreg $0xFFFFFFFF  }
0xa8: {  	s28 =	simm.s32 $_size_execute0_lowered;
	s4 =	sadd.s32 s4, s6;
	[dreg:$0x0] =	wrdreg $0x0  }
0xa9: {  	s6 =	sshll.u32 s28, $0x1;
	[dreg:$0x2] =	wrdreg s4  }
0xaa: {  	[dreg:$0x3] =	wrdreg s6  }
0xab: {  	[dreg:$0x4] =	wrdreg $0xC0  }
0xac: {  	_ =	task [dreg:s8], $0x5FFFF  }
0xad: {  	[dreg:$0x1] =	wrdreg $0xFFFFFFFF  }
0xae: {  	[dreg:$0x0] =	wrdreg $0x60  }
0xaf: {  	[dreg:$0x2] =	wrdreg s2  }
0xb0: {  	[dreg:$0x3] =	wrdreg s24  }
0xb1: {  	[dreg:$0x4] =	wrdreg s18  }
0xb2: {  	[dreg:$0x5] =	wrdreg $0x96000  }
0xb3: {  	[dreg:$0x6] =	wrdreg $0x9  }
0xb4: {  	_ =	task.clear_ibuf [dreg:s8], $0x7FFFF;
	_ =	strace $0x90000046  }
0xb5: {  	s29 =	simm.s32 $0x9;
	_ =	strace $0x80000048  }
0xb6: {  	_ =	swait.ge [sflag:s29], $0x1  }
0xb7: {  	[sflag:s29] =	ssyncadd.s32 $0xFFFFFFFF  }
0xb8: {  	_ =	strace $0x90000048  }
0xb9: {  	_ =	sfence  }
0xba: {  	s30 =	sld [smem:$0x0];
	_ =	sdelay $0x2  }
0xbb: {  	s31 =	sshll.u32 s1, $0xD;
	s1 =	sshrl.u32 s1, $0x2  }
0xbc: {  	s3 =	sand.u32 $0x4000, s31;
	s1 =	sadd.s32 s1, s30  }
0xbd: {  	s0 =	sor.u32 s3, s0;
	s1 =	sshll.u32 s1, $0x11  }
0xbe: {  	s0 =	sor.u32 s1, s0  }
0xbf: {  	s0 =	sadd.s32 $0x8F2B, s0  }
0xc0: {  	[sflag:s0] =	ssyncadd.remote.s32 $0x1  }
0xc1: {  	_ =	sfence.sel $0xFFFF  }
0xc2: {  	[dreg:$0x0] =	wrdreg $0xFFFFFFFF;
	(pc) =	sbr.abs _section_cstart, $3  }
0xc3: {  	[dreg:$0x1] =	wrdreg $0xFFFFFFFF  }
0xc4: {  	_ =	task.clear_ibuf [dreg:s8], $0x2FFFF;
	_ =	strace $0x9FFFFFFF  }
0xc5: {  	(tm) =	ssettm $0x7FFFFFFF  }
tec
execute0_lowered:
.L_overlay_start_1:
0x0: {  	(tag) =	ssettag $0x1  }
0x1: {  	s0 =	rddreg [dreg:$0x0]  }
0x2: {  	s1 =	rddreg [dreg:$0x1]  }
0x3: {  	s2 =	rddreg [dreg:$0x2]  }
0x4: {  	s8 =	rddreg [dreg:$0x3];
	s3 =	simm.s32 $0x0;
	s9 =	stileid.u32  }
0x5: {  	[smem:$0x7FF] =	sst s3;
	s6 =	sshll.u32 s9, $0x6  }
0x6: {  	s24 =	sshll.u32 s9, $0x9;
	p0 =	seq.s32 s9, $0xF;
	s9 =	sadd.s32 $0x100, s8  }
0x7: {  	s11 =	sadd.s32 $0x180, s8;
	_ =	strace $0x80000047;
	[dreg:$0x9] =	wrdreg s9  }
0x8: {  	s12 =	sadd.s32 $0x200, s8;
	[dreg:$0xa] =	wrdreg s11  }
0x9: {  	s4 =	srdreg.scid;
	s13 =	sadd.s32 $0x280, s8;
	[dreg:$0xb] =	wrdreg s12  }
0xa: {  	s10 =	simm.s32 $0xC;
	s14 =	sadd.s32 $0x300, s8;
	[dreg:$0xc] =	wrdreg s13  }
0xb: {  	s28 =	simm.s32 $0x7A80;
	s15 =	sadd.s32 $0x380, s8;
	[dreg:$0xd] =	wrdreg s14  }
0xc: {  	s29 =	simm.s32 $0x7B80;
	s16 =	sadd.s32 $0x400, s8;
	[dreg:$0xe] =	wrdreg s15  }
0xd: {  	s30 =	simm.s32 $0x2;
	s17 =	sadd.s32 $0x480, s8;
	[dreg:$0xf] =	wrdreg s16  }
0xe: {  	s31 =	simm.s32 $0x7D00;
	s18 =	sadd.s32 $0x500, s8;
	[dreg:$0x10] =	wrdreg s17  }
0xf: {  	s4 =	sand.u32 $0x1, s4;
	s19 =	sadd.s32 $0x580, s8;
	[dreg:$0x11] =	wrdreg s18  }
0x10: {  	s20 =	sadd.s32 $0x600, s8;
	s21 =	sadd.s32 $0x680, s8;
	[dreg:$0x12] =	wrdreg s19  }
0x11: {  	s22 =	sadd.s32 $0x700, s8;
	s5 =	ssub.s32 $0x2, s4;
	[dreg:$0x13] =	wrdreg s20  }
0x12: {  	s1 =	sadd.s32 s6, s1;
	s4 =	sshll.u32 s4, $0x7;
	[dreg:$0x14] =	wrdreg s21  }
0x13: {  	s25 =	sshrl.u32 s24, $0x2;
	s10 =	simm.s32 @!p0 $0x10;
	[dreg:$0x15] =	wrdreg s22  }
0x14: {  	s11 =	simm.s32 $0x4000;
	s12 =	simm.s32 $0x4080;
	s13 =	simm.s32 $0x4100  }
0x15: {  	s14 =	simm.s32 $0x4180;
	s15 =	simm.s32 $0x1;
	s18 =	simm.s32 $0x7980  }
0x16: {  	s21 =	simm.s32 $0x7B00;
	s17 =	simm.s32 $0x7C00;
	s22 =	simm.s32 $0x7C80  }
0x17: {  	s19 =	simm.s32 $0x7D80;
	s16 =	simm.s32 $0x7F80;
	s20 =	simm.s32 $0x8180  }
0x18: {  	s9 =	simm.s32 $0x0;
	s7 =	sshrl.u32 s5, $0x1;
	s1 =	sadd.s32 $0x600, s1  }
0x19: {  	s0 =	sadd.s32 s4, s0;
	s26 =	sadd.s32 s25, s8;
	s23 =	sor.u32 s4, s24  }
0x1a: {  	s24 =	sadd.s32 s4, s2;
	s25 =	sadd.s32 $0x780, s8;
	[dreg:$0x6] =	wrdreg s10  }
0x1b: {  	v0 =	vimm.s32 $0x7;
	s4 =	simm.s32 $0x8100;
	s5 =	ssub.s32 s5, s7;
	[dreg:$0x5] =	wrdreg s1  }
0x1c: {  	v1 =	vimm.s32 $0x3;
	v2 =	vimm.s32 $0x0;
	v3 =	vlaneseq.u32;
	s6 =	sadd.s32 $0x300, s0;
	[dreg:$0x7] =	wrdreg s26;
	s7 =	sadd.s32 $0x80, s8  }
0x1d: {  	vm0 =	vmmov $0x1;
	v4 =	vimm.s32 $0x1;
	v5 =	vimm.s32 $0x2;
	s0 =	sadd.s32 s2, s23;
	[dreg:$0x17] =	wrdreg s25;
	s23 =	simm.s32 $0x7E80  }
0x1e: {  	v6 =	vimm.s32 $0x4;
	v7 =	vimm.s32 $0x5;
	v8 =	vimm.s32 $0x6;
	s2 =	simm.s32 $0x7F00;
	s1 =	simm.s32 $0x8000;
	[dreg:$0x8] =	wrdreg s7  }
0x1f: {  	v9 =	vimm.s32 $0x8;
	v10 =	vimm.s32 $0x9;
	v11 =	vimm.s32 $0xA;
	s25 =	simm.s32 $0x8080;
	[dreg:$0x16] =	wrdreg s0;
	s0 =	sadd.s32 $0x1E00, s24  }
0x20: {  	v12 =	vimm.s32 $0xB;
	v13 =	vimm.s32 $0xC;
	v14 =	vimm.s32 $0xD;
	s26 =	smax.u32 s5, $0x1;
	s5 =	simm.s32 $0x7A00;
	[dreg:$0x18] =	wrdreg s0  }
0x21: {  	v15 =	vimm.s32 $0xE;
	v16 =	vimm.s32 $0xF;
	v3 =	vmul.u32 $0x8, v3;
	[dreg:$0x19] =	wrdreg s26;
	s26 =	simm.s32 $0x3;
	s0 =	simm.s32 $0x7E00  }
.LBB2_1:
0x22: {  	[dreg:$0x1a] =	wrdreg s9  }
0x23: {  	s7 =	rddreg [dreg:$0x5]  }
0x24: {  	[tilespmem:s3], [sflag:$0x3] =	stream.linear.gather [hbm4b:s7+s3], $0x200, $0x38;
	[tilespmem:$0x9680] =	vst v63  }
0x25: {  	_ =	swait.ge [sflag:s26], $0x200  }
0x26: {  	[sflag:s26] =	ssyncset.done $0x0  }
0x27: {  	[sflag:s26] =	ssyncadd.s32 $0xFFFFFE00  }
0x28: {  	v17 =	vld [tilespmem:$0x0];
	_ =	sdelay $0x4  }
0x29: {  	v18 =	vshll.u32 v17, $0x3  }
0x2a: {  	v17 =	vand.u32 $0x7, v17;
	v18 =	vand.u32 $0xFFFFFFC0, v18  }
0x2b: {  	v17 =	vor.u32 v17, v18  }
0x2c: {  	v18 =	vperm.xlane v17, v2;
	_ =	sdelay $0x1  }
0x2d: {  	v19 =	vperm.xlane v17, v4;
	v18 =	vadd.s32 v3, v18;
	_ =	sdelay $0x1  }
0x2e: {  	v20 =	vperm.xlane v17, v5;
	v19 =	vadd.s32 v3, v19;
	_ =	sdelay $0x1  }
0x2f: {  	s8 =	simm.s32 $0x200;
	v21 =	vperm.xlane v17, v1;
	v20 =	vadd.s32 v3, v20  }
0x30: {  	[tilespmem:s8], [sflag:$0x1] =	stream.indirect_vreg.gather [hbm4b:s6+s3], $0x80, v18, vm0, $0xb8;
	[tilespmem:$0x9680] =	vst v63  }
0x31: {  	s9 =	simm.s32 $0x280;
	v50 =	vperm.xlane v17, v6;
	v18 =	vadd.s32 v3, v21  }
0x32: {  	[tilespmem:s9], [sflag:$0x1] =	stream.indirect_vreg.gather [hbm4b:s6+s3], $0x80, v19, vm0, $0xb8;
	[tilespmem:$0x9680] =	vst v63  }
0x33: {  	s10 =	simm.s32 $0x300;
	v51 =	vperm.xlane v17, v7;
	v19 =	vadd.s32 v3, v50  }
0x34: {  	[tilespmem:s10], [sflag:$0x1] =	stream.indirect_vreg.gather [hbm4b:s6+s3], $0x80, v20, vm0, $0xb8;
	[tilespmem:$0x9680] =	vst v63  }
0x35: {  	s24 =	simm.s32 $0x380;
	v53 =	vperm.xlane v17, v8;
	v52 =	vadd.s32 v3, v51  }
0x36: {  	[tilespmem:s24], [sflag:$0x1] =	stream.indirect_vreg.gather [hbm4b:s6+s3], $0x80, v18, vm0, $0xb8;
	[tilespmem:$0x9680] =	vst v63  }
0x37: {  	v54 =	vperm.xlane v17, v0;
	s8 =	simm.s32 $0x400;
	v18 =	vadd.s32 v3, v53  }
0x38: {  	[tilespmem:s8], [sflag:$0x1] =	stream.indirect_vreg.gather [hbm4b:s6+s3], $0x80, v19, vm0, $0xb8;
	[tilespmem:$0x9680] =	vst v63  }
0x39: {  	v55 =	vperm.xlane v17, v9;
	s9 =	simm.s32 $0x480;
	v19 =	vadd.s32 v3, v54  }
0x3a: {  	[tilespmem:s9], [sflag:$0x1] =	stream.indirect_vreg.gather [hbm4b:s6+s3], $0x80, v52, vm0, $0xb8;
	[tilespmem:$0x9680] =	vst v63  }
0x3b: {  	v57 =	vperm.xlane v17, v10;
	v56 =	vadd.s32 v3, v55;
	s10 =	simm.s32 $0x500  }
0x3c: {  	[tilespmem:s10], [sflag:$0x1] =	stream.indirect_vreg.gather [hbm4b:s6+s3], $0x80, v18, vm0, $0xb8;
	[tilespmem:$0x9680] =	vst v63  }
0x3d: {  	v58 =	vperm.xlane v17, v11;
	s24 =	simm.s32 $0x580;
	v18 =	vadd.s32 v3, v57  }
0x3e: {  	[tilespmem:s24], [sflag:$0x1] =	stream.indirect_vreg.gather [hbm4b:s6+s3], $0x80, v19, vm0, $0xb8;
	[tilespmem:$0x9680] =	vst v63  }
0x3f: {  	v59 =	vperm.xlane v17, v12;
	s8 =	simm.s32 $0x600;
	v19 =	vadd.s32 v3, v58  }
0x40: {  	[tilespmem:s8], [sflag:$0x1] =	stream.indirect_vreg.gather [hbm4b:s6+s3], $0x80, v56, vm0, $0xb8;
	[tilespmem:$0x9680] =	vst v63  }
0x41: {  	v61 =	vperm.xlane v17, v13;
	v60 =	vadd.s32 v3, v59;
	s9 =	simm.s32 $0x680  }
0x42: {  	[tilespmem:s9], [sflag:$0x1] =	stream.indirect_vreg.gather [hbm4b:s6+s3], $0x80, v18, vm0, $0xb8;
	[tilespmem:$0x9680] =	vst v63  }
0x43: {  	v62 =	vperm.xlane v17, v14;
	s10 =	simm.s32 $0x700;
	v18 =	vadd.s32 v3, v61  }
0x44: {  	[tilespmem:s10], [sflag:$0x1] =	stream.indirect_vreg.gather [hbm4b:s6+s3], $0x80, v19, vm0, $0xb8;
	[tilespmem:$0x9680] =	vst v63  }
0x45: {  	v63 =	vperm.xlane v17, v15;
	s24 =	simm.s32 $0x780;
	v19 =	vadd.s32 v3, v62  }
0x46: {  	[tilespmem:s24], [sflag:$0x1] =	stream.indirect_vreg.gather [hbm4b:s6+s3], $0x80, v60, vm0, $0xb8;
	[tilespmem:$0x9680] =	vst v63  }
0x47: {  	v17 =	vperm.xlane v17, v16;
	v24 =	vadd.s32 v3, v63;
	s8 =	simm.s32 $0x800  }
0x48: {  	[tilespmem:s8], [sflag:$0x1] =	stream.indirect_vreg.gather [hbm4b:s6+s3], $0x80, v18, vm0, $0xb8;
	[tilespmem:$0x9680] =	vst v63  }
0x49: {  	v17 =	vadd.s32 v3, v17;
	s9 =	simm.s32 $0x880  }
0x4a: {  	[tilespmem:s9], [sflag:$0x1] =	stream.indirect_vreg.gather [hbm4b:s6+s3], $0x80, v19, vm0, $0xb8;
	[tilespmem:$0x9680] =	vst v63  }
0x4b: {  	s10 =	simm.s32 $0x900  }
0x4c: {  	[tilespmem:s10], [sflag:$0x1] =	stream.indirect_vreg.gather [hbm4b:s6+s3], $0x80, v24, vm0, $0xb8;
	[tilespmem:$0x9680] =	vst v63  }
0x4d: {  	s24 =	simm.s32 $0x980  }
0x4e: {  	[tilespmem:s24], [sflag:$0x1] =	stream.indirect_vreg.gather [hbm4b:s6+s3], $0x80, v17, vm0, $0xb8;
	[tilespmem:$0x9680] =	vst v63  }
0x4f: {  	v17 =	vld [tilespmem:$0x10];
	_ =	sdelay $0x4  }
0x50: {  	v18 =	vshll.u32 v17, $0x3  }
0x51: {  	v17 =	vand.u32 $0x7, v17;
	v18 =	vand.u32 $0xFFFFFFC0, v18  }
0x52: {  	v17 =	vor.u32 v17, v18  }
0x53: {  	v18 =	vperm.xlane v17, v2;
	_ =	sdelay $0x1  }
0x54: {  	v19 =	vperm.xlane v17, v4;
	v18 =	vadd.s32 v3, v18;
	_ =	sdelay $0x1  }
0x55: {  	v25 =	vperm.xlane v17, v5;
	v19 =	vadd.s32 v3, v19;
	_ =	sdelay $0x1  }
0x56: {  	s8 =	simm.s32 $0xA00;
	v26 =	vperm.xlane v17, v1;
	v20 =	vadd.s32 v3, v25  }
0x57: {  	[tilespmem:s8], [sflag:$0x1] =	stream.indirect_vreg.gather [hbm4b:s6+s3], $0x80, v18, vm0, $0xb8;
	[tilespmem:$0x9680] =	vst v63  }
0x58: {  	s9 =	simm.s32 $0xA80;
	v27 =	vperm.xlane v17, v6;
	v18 =	vadd.s32 v3, v26  }
0x59: {  	[tilespmem:s9], [sflag:$0x1] =	stream.indirect_vreg.gather [hbm4b:s6+s3], $0x80, v19, vm0, $0xb8;
	[tilespmem:$0x9680] =	vst v63  }
0x5a: {  	s10 =	simm.s32 $0xB00;
	v28 =	vperm.xlane v17, v7;
	v19 =	vadd.s32 v3, v27  }
0x5b: {  	[tilespmem:s10], [sflag:$0x1] =	stream.indirect_vreg.gather [hbm4b:s6+s3], $0x80, v20, vm0, $0xb8;
	[tilespmem:$0x9680] =	vst v63  }
0x5c: {  	s24 =	simm.s32 $0xB80;
	v30 =	vperm.xlane v17, v8;
	v29 =	vadd.s32 v3, v28  }
0x5d: {  	[tilespmem:s24], [sflag:$0x1] =	stream.indirect_vreg.gather [hbm4b:s6+s3], $0x80, v18, vm0, $0xb8;
	[tilespmem:$0x9680] =	vst v63  }
0x5e: {  	v31 =	vperm.xlane v17, v0;
	s8 =	simm.s32 $0xC00;
	v18 =	vadd.s32 v3, v30  }
0x5f: {  	[tilespmem:s8], [sflag:$0x1] =	stream.indirect_vreg.gather [hbm4b:s6+s3], $0x80, v19, vm0, $0xb8;
	[tilespmem:$0x9680] =	vst v63  }
0x60: {  	v32 =	vperm.xlane v17, v9;
	s9 =	simm.s32 $0xC80;
	v19 =	vadd.s32 v3, v31  }
0x61: {  	[tilespmem:s9], [sflag:$0x1] =	stream.indirect_vreg.gather [hbm4b:s6+s3], $0x80, v29, vm0, $0xb8;
	[tilespmem:$0x9680] =	vst v63  }
0x62: {  	v34 =	vperm.xlane v17, v10;
	v33 =	vadd.s32 v3, v32;
	s10 =	simm.s32 $0xD00  }
0x63: {  	[tilespmem:s10], [sflag:$0x1] =	stream.indirect_vreg.gather [hbm4b:s6+s3], $0x80, v18, vm0, $0xb8;
	[tilespmem:$0x9680] =	vst v63  }
0x64: {  	v35 =	vperm.xlane v17, v11;
	s24 =	simm.s32 $0xD80;
	v18 =	vadd.s32 v3, v34  }
0x65: {  	[tilespmem:s24], [sflag:$0x1] =	stream.indirect_vreg.gather [hbm4b:s6+s3], $0x80, v19, vm0, $0xb8;
	[tilespmem:$0x9680] =	vst v63  }
0x66: {  	v36 =	vperm.xlane v17, v12;
	s8 =	simm.s32 $0xE00;
	v19 =	vadd.s32 v3, v35  }
0x67: {  	[tilespmem:s8], [sflag:$0x1] =	stream.indirect_vreg.gather [hbm4b:s6+s3], $0x80, v33, vm0, $0xb8;
	[tilespmem:$0x9680] =	vst v63  }
0x68: {  	v38 =	vperm.xlane v17, v13;
	v37 =	vadd.s32 v3, v36;
	s9 =	simm.s32 $0xE80  }
0x69: {  	[tilespmem:s9], [sflag:$0x1] =	stream.indirect_vreg.gather [hbm4b:s6+s3], $0x80, v18, vm0, $0xb8;
	[tilespmem:$0x9680] =	vst v63  }
0x6a: {  	v39 =	vperm.xlane v17, v14;
	s10 =	simm.s32 $0xF00;
	v18 =	vadd.s32 v3, v38  }
0x6b: {  	[tilespmem:s10], [sflag:$0x1] =	stream.indirect_vreg.gather [hbm4b:s6+s3], $0x80, v19, vm0, $0xb8;
	[tilespmem:$0x9680] =	vst v63  }
0x6c: {  	v40 =	vperm.xlane v17, v15;
	s24 =	simm.s32 $0xF80;
	v19 =	vadd.s32 v3, v39  }
0x6d: {  	[tilespmem:s24], [sflag:$0x1] =	stream.indirect_vreg.gather [hbm4b:s6+s3], $0x80, v37, vm0, $0xb8;
	[tilespmem:$0x9680] =	vst v63  }
0x6e: {  	v17 =	vperm.xlane v17, v16;
	v41 =	vadd.s32 v3, v40;
	s8 =	simm.s32 $0x1000  }
0x6f: {  	[tilespmem:s8], [sflag:$0x1] =	stream.indirect_vreg.gather [hbm4b:s6+s3], $0x80, v18, vm0, $0xb8;
	[tilespmem:$0x9680] =	vst v63  }
0x70: {  	v17 =	vadd.s32 v3, v17;
	s9 =	simm.s32 $0x1080  }
0x71: {  	[tilespmem:s9], [sflag:$0x1] =	stream.indirect_vreg.gather [hbm4b:s6+s3], $0x80, v19, vm0, $0xb8;
	[tilespmem:$0x9680] =	vst v63  }
0x72: {  	s10 =	simm.s32 $0x1100  }
0x73: {  	[tilespmem:s10], [sflag:$0x1] =	stream.indirect_vreg.gather [hbm4b:s6+s3], $0x80, v41, vm0, $0xb8;
	[tilespmem:$0x9680] =	vst v63  }
0x74: {  	s24 =	simm.s32 $0x1180  }
0x75: {  	[tilespmem:s24], [sflag:$0x1] =	stream.indirect_vreg.gather [hbm4b:s6+s3], $0x80, v17, vm0, $0xb8;
	[tilespmem:$0x9680] =	vst v63  }
0x76: {  	v17 =	vld [tilespmem:$0x20];
	_ =	sdelay $0x4  }
0x77: {  	v18 =	vshll.u32 v17, $0x3  }
0x78: {  	v17 =	vand.u32 $0x7, v17;
	v18 =	vand.u32 $0xFFFFFFC0, v18  }
0x79: {  	v17 =	vor.u32 v17, v18  }
0x7a: {  	v18 =	vperm.xlane v17, v2;
	_ =	sdelay $0x1  }
0x7b: {  	v19 =	vperm.xlane v17, v4;
	v18 =	vadd.s32 v3, v18;
	_ =	sdelay $0x1  }
0x7c: {  	v42 =	vperm.xlane v17, v5;
	v19 =	vadd.s32 v3, v19;
	_ =	sdelay $0x1  }
0x7d: {  	s8 =	simm.s32 $0x1200;
	v43 =	vperm.xlane v17, v1;
	v20 =	vadd.s32 v3, v42  }
0x7e: {  	[tilespmem:s8], [sflag:$0x1] =	stream.indirect_vreg.gather [hbm4b:s6+s3], $0x80, v18, vm0, $0xb8;
	[tilespmem:$0x9680] =	vst v63  }
0x7f: {  	s9 =	simm.s32 $0x1280;
	v44 =	vperm.xlane v17, v6;
	v18 =	vadd.s32 v3, v43  }
0x80: {  	[tilespmem:s9], [sflag:$0x1] =	stream.indirect_vreg.gather [hbm4b:s6+s3], $0x80, v19, vm0, $0xb8;
	[tilespmem:$0x9680] =	vst v63  }
0x81: {  	s10 =	simm.s32 $0x1300;
	v45 =	vperm.xlane v17, v7;
	v19 =	vadd.s32 v3, v44  }
0x82: {  	[tilespmem:s10], [sflag:$0x1] =	stream.indirect_vreg.gather [hbm4b:s6+s3], $0x80, v20, vm0, $0xb8;
	[tilespmem:$0x9680] =	vst v63  }
0x83: {  	s24 =	simm.s32 $0x1380;
	v47 =	vperm.xlane v17, v8;
	v46 =	vadd.s32 v3, v45  }
0x84: {  	[tilespmem:s24], [sflag:$0x1] =	stream.indirect_vreg.gather [hbm4b:s6+s3], $0x80, v18, vm0, $0xb8;
	[tilespmem:$0x9680] =	vst v63  }
0x85: {  	v48 =	vperm.xlane v17, v0;
	s8 =	simm.s32 $0x1400;
	v18 =	vadd.s32 v3, v47  }
0x86: {  	[tilespmem:s8], [sflag:$0x1] =	stream.indirect_vreg.gather [hbm4b:s6+s3], $0x80, v19, vm0, $0xb8;
	[tilespmem:$0x9680] =	vst v63  }
0x87: {  	v49 =	vperm.xlane v17, v9;
	s9 =	simm.s32 $0x1480;
	v19 =	vadd.s32 v3, v48  }
0x88: {  	[tilespmem:s9], [sflag:$0x1] =	stream.indirect_vreg.gather [hbm4b:s6+s3], $0x80, v46, vm0, $0xb8;
	[tilespmem:$0x9680] =	vst v63  }
0x89: {  	v51 =	vperm.xlane v17, v10;
	v50 =	vadd.s32 v3, v49;
	s10 =	simm.s32 $0x1500  }
0x8a: {  	[tilespmem:s10], [sflag:$0x1] =	stream.indirect_vreg.gather [hbm4b:s6+s3], $0x80, v18, vm0, $0xb8;
	[tilespmem:$0x9680] =	vst v63  }
0x8b: {  	v52 =	vperm.xlane v17, v11;
	s24 =	simm.s32 $0x1580;
	v18 =	vadd.s32 v3, v51  }
0x8c: {  	[tilespmem:s24], [sflag:$0x1] =	stream.indirect_vreg.gather [hbm4b:s6+s3], $0x80, v19, vm0, $0xb8;
	[tilespmem:$0x9680] =	vst v63  }
0x8d: {  	v53 =	vperm.xlane v17, v12;
	s8 =	simm.s32 $0x1600;
	v19 =	vadd.s32 v3, v52  }
0x8e: {  	[tilespmem:s8], [sflag:$0x1] =	stream.indirect_vreg.gather [hbm4b:s6+s3], $0x80, v50, vm0, $0xb8;
	[tilespmem:$0x9680] =	vst v63  }
0x8f: {  	v55 =	vperm.xlane v17, v13;
	v54 =	vadd.s32 v3, v53;
	s9 =	simm.s32 $0x1680  }
0x90: {  	[tilespmem:s9], [sflag:$0x1] =	stream.indirect_vreg.gather [hbm4b:s6+s3], $0x80, v18, vm0, $0xb8;
	[tilespmem:$0x9680] =	vst v63  }
0x91: {  	v56 =	vperm.xlane v17, v14;
	s10 =	simm.s32 $0x1700;
	v18 =	vadd.s32 v3, v55  }
0x92: {  	[tilespmem:s10], [sflag:$0x1] =	stream.indirect_vreg.gather [hbm4b:s6+s3], $0x80, v19, vm0, $0xb8;
	[tilespmem:$0x9680] =	vst v63  }
0x93: {  	v57 =	vperm.xlane v17, v15;
	s24 =	simm.s32 $0x1780;
	v19 =	vadd.s32 v3, v56  }
0x94: {  	[tilespmem:s24], [sflag:$0x1] =	stream.indirect_vreg.gather [hbm4b:s6+s3], $0x80, v54, vm0, $0xb8;
	[tilespmem:$0x9680] =	vst v63  }
0x95: {  	v17 =	vperm.xlane v17, v16;
	v58 =	vadd.s32 v3, v57;
	s8 =	simm.s32 $0x1800  }
0x96: {  	[tilespmem:s8], [sflag:$0x1] =	stream.indirect_vreg.gather [hbm4b:s6+s3], $0x80, v18, vm0, $0xb8;
	[tilespmem:$0x9680] =	vst v63  }
0x97: {  	v17 =	vadd.s32 v3, v17;
	s9 =	simm.s32 $0x1880  }
0x98: {  	[tilespmem:s9], [sflag:$0x1] =	stream.indirect_vreg.gather [hbm4b:s6+s3], $0x80, v19, vm0, $0xb8;
	[tilespmem:$0x9680] =	vst v63  }
0x99: {  	s10 =	simm.s32 $0x1900  }
0x9a: {  	[tilespmem:s10], [sflag:$0x1] =	stream.indirect_vreg.gather [hbm4b:s6+s3], $0x80, v58, vm0, $0xb8;
	[tilespmem:$0x9680] =	vst v63  }
0x9b: {  	s24 =	simm.s32 $0x1980  }
0x9c: {  	[tilespmem:s24], [sflag:$0x1] =	stream.indirect_vreg.gather [hbm4b:s6+s3], $0x80, v17, vm0, $0xb8;
	[tilespmem:$0x9680] =	vst v63  }
0x9d: {  	v17 =	vld [tilespmem:$0x30];
	_ =	sdelay $0x4  }
0x9e: {  	v18 =	vshll.u32 v17, $0x3  }
0x9f: {  	v17 =	vand.u32 $0x7, v17;
	v18 =	vand.u32 $0xFFFFFFC0, v18  }
0xa0: {  	v17 =	vor.u32 v17, v18  }
0xa1: {  	v18 =	vperm.xlane v17, v2;
	_ =	sdelay $0x1  }
0xa2: {  	v19 =	vperm.xlane v17, v4;
	v18 =	vadd.s32 v3, v18;
	_ =	sdelay $0x1  }
0xa3: {  	v59 =	vperm.xlane v17, v5;
	v19 =	vadd.s32 v3, v19;
	_ =	sdelay $0x1  }
0xa4: {  	s8 =	simm.s32 $0x1A00;
	v60 =	vperm.xlane v17, v1;
	v20 =	vadd.s32 v3, v59  }
0xa5: {  	[tilespmem:s8], [sflag:$0x1] =	stream.indirect_vreg.gather [hbm4b:s6+s3], $0x80, v18, vm0, $0xb8;
	[tilespmem:$0x9680] =	vst v63  }
0xa6: {  	s9 =	simm.s32 $0x1A80;
	v61 =	vperm.xlane v17, v6;
	v18 =	vadd.s32 v3, v60  }
0xa7: {  	[tilespmem:s9], [sflag:$0x1] =	stream.indirect_vreg.gather [hbm4b:s6+s3], $0x80, v19, vm0, $0xb8;
	[tilespmem:$0x9680] =	vst v63  }
0xa8: {  	s10 =	simm.s32 $0x1B00;
	v62 =	vperm.xlane v17, v7;
	v19 =	vadd.s32 v3, v61  }
0xa9: {  	[tilespmem:s10], [sflag:$0x1] =	stream.indirect_vreg.gather [hbm4b:s6+s3], $0x80, v20, vm0, $0xb8;
	[tilespmem:$0x9680] =	vst v63  }
0xaa: {  	s24 =	simm.s32 $0x1B80;
	v24 =	vperm.xlane v17, v8;
	v63 =	vadd.s32 v3, v62  }
0xab: {  	[tilespmem:s24], [sflag:$0x1] =	stream.indirect_vreg.gather [hbm4b:s6+s3], $0x80, v18, vm0, $0xb8;
	[tilespmem:$0x9680] =	vst v63  }
0xac: {  	v25 =	vperm.xlane v17, v0;
	s8 =	simm.s32 $0x1C00;
	v18 =	vadd.s32 v3, v24  }
0xad: {  	[tilespmem:s8], [sflag:$0x1] =	stream.indirect_vreg.gather [hbm4b:s6+s3], $0x80, v19, vm0, $0xb8;
	[tilespmem:$0x9680] =	vst v63  }
0xae: {  	v26 =	vperm.xlane v17, v9;
	s9 =	simm.s32 $0x1C80;
	v19 =	vadd.s32 v3, v25  }
0xaf: {  	[tilespmem:s9], [sflag:$0x1] =	stream.indirect_vreg.gather [hbm4b:s6+s3], $0x80, v63, vm0, $0xb8;
	[tilespmem:$0x9680] =	vst v63  }
0xb0: {  	v28 =	vperm.xlane v17, v10;
	v27 =	vadd.s32 v3, v26;
	s10 =	simm.s32 $0x1D00  }
0xb1: {  	[tilespmem:s10], [sflag:$0x1] =	stream.indirect_vreg.gather [hbm4b:s6+s3], $0x80, v18, vm0, $0xb8;
	[tilespmem:$0x9680] =	vst v63  }
0xb2: {  	v29 =	vperm.xlane v17, v11;
	s24 =	simm.s32 $0x1D80;
	v18 =	vadd.s32 v3, v28  }
0xb3: {  	[tilespmem:s24], [sflag:$0x1] =	stream.indirect_vreg.gather [hbm4b:s6+s3], $0x80, v19, vm0, $0xb8;
	[tilespmem:$0x9680] =	vst v63  }
0xb4: {  	v30 =	vperm.xlane v17, v12;
	s8 =	simm.s32 $0x1E00;
	v19 =	vadd.s32 v3, v29  }
0xb5: {  	[tilespmem:s8], [sflag:$0x1] =	stream.indirect_vreg.gather [hbm4b:s6+s3], $0x80, v27, vm0, $0xb8;
	[tilespmem:$0x9680] =	vst v63  }
0xb6: {  	v32 =	vperm.xlane v17, v13;
	v31 =	vadd.s32 v3, v30;
	s9 =	simm.s32 $0x1E80  }
0xb7: {  	[tilespmem:s9], [sflag:$0x1] =	stream.indirect_vreg.gather [hbm4b:s6+s3], $0x80, v18, vm0, $0xb8;
	[tilespmem:$0x9680] =	vst v63  }
0xb8: {  	v33 =	vperm.xlane v17, v14;
	s10 =	simm.s32 $0x1F00;
	v18 =	vadd.s32 v3, v32  }
0xb9: {  	[tilespmem:s10], [sflag:$0x1] =	stream.indirect_vreg.gather [hbm4b:s6+s3], $0x80, v19, vm0, $0xb8;
	[tilespmem:$0x9680] =	vst v63  }
0xba: {  	v34 =	vperm.xlane v17, v15;
	s24 =	simm.s32 $0x1F80;
	v19 =	vadd.s32 v3, v33  }
0xbb: {  	[tilespmem:s24], [sflag:$0x1] =	stream.indirect_vreg.gather [hbm4b:s6+s3], $0x80, v31, vm0, $0xb8;
	[tilespmem:$0x9680] =	vst v63  }
0xbc: {  	v17 =	vperm.xlane v17, v16;
	v35 =	vadd.s32 v3, v34;
	s8 =	simm.s32 $0x2000  }
0xbd: {  	[tilespmem:s8], [sflag:$0x1] =	stream.indirect_vreg.gather [hbm4b:s6+s3], $0x80, v18, vm0, $0xb8;
	[tilespmem:$0x9680] =	vst v63  }
0xbe: {  	v17 =	vadd.s32 v3, v17;
	s9 =	simm.s32 $0x2080  }
0xbf: {  	[tilespmem:s9], [sflag:$0x1] =	stream.indirect_vreg.gather [hbm4b:s6+s3], $0x80, v19, vm0, $0xb8;
	[tilespmem:$0x9680] =	vst v63  }
0xc0: {  	s10 =	simm.s32 $0x2100  }
0xc1: {  	[tilespmem:s10], [sflag:$0x1] =	stream.indirect_vreg.gather [hbm4b:s6+s3], $0x80, v35, vm0, $0xb8;
	[tilespmem:$0x9680] =	vst v63  }
0xc2: {  	s24 =	simm.s32 $0x2180  }
0xc3: {  	[tilespmem:s24], [sflag:$0x1] =	stream.indirect_vreg.gather [hbm4b:s6+s3], $0x80, v17, vm0, $0xb8;
	[tilespmem:$0x9680] =	vst v63  }
0xc4: {  	v17 =	vld [tilespmem:$0x40];
	_ =	sdelay $0x4  }
0xc5: {  	v18 =	vshll.u32 v17, $0x3  }
0xc6: {  	v17 =	vand.u32 $0x7, v17;
	v18 =	vand.u32 $0xFFFFFFC0, v18  }
0xc7: {  	v17 =	vor.u32 v17, v18  }
0xc8: {  	v18 =	vperm.xlane v17, v2;
	_ =	sdelay $0x1  }
0xc9: {  	v19 =	vperm.xlane v17, v4;
	v18 =	vadd.s32 v3, v18;
	_ =	sdelay $0x1  }
0xca: {  	v36 =	vperm.xlane v17, v5;
	v19 =	vadd.s32 v3, v19;
	_ =	sdelay $0x1  }
0xcb: {  	s8 =	simm.s32 $0x2200;
	v37 =	vperm.xlane v17, v1;
	v20 =	vadd.s32 v3, v36  }
0xcc: {  	[tilespmem:s8], [sflag:$0x1] =	stream.indirect_vreg.gather [hbm4b:s6+s3], $0x80, v18, vm0, $0xb8;
	[tilespmem:$0x9680] =	vst v63  }
0xcd: {  	s9 =	simm.s32 $0x2280;
	v38 =	vperm.xlane v17, v6;
	v18 =	vadd.s32 v3, v37  }
0xce: {  	[tilespmem:s9], [sflag:$0x1] =	stream.indirect_vreg.gather [hbm4b:s6+s3], $0x80, v19, vm0, $0xb8;
	[tilespmem:$0x9680] =	vst v63  }
0xcf: {  	s10 =	simm.s32 $0x2300;
	v39 =	vperm.xlane v17, v7;
	v19 =	vadd.s32 v3, v38  }
0xd0: {  	[tilespmem:s10], [sflag:$0x1] =	stream.indirect_vreg.gather [hbm4b:s6+s3], $0x80, v20, vm0, $0xb8;
	[tilespmem:$0x9680] =	vst v63  }
0xd1: {  	s24 =	simm.s32 $0x2380;
	v41 =	vperm.xlane v17, v8;
	v40 =	vadd.s32 v3, v39  }
0xd2: {  	[tilespmem:s24], [sflag:$0x1] =	stream.indirect_vreg.gather [hbm4b:s6+s3], $0x80, v18, vm0, $0xb8;
	[tilespmem:$0x9680] =	vst v63  }
0xd3: {  	v42 =	vperm.xlane v17, v0;
	s8 =	simm.s32 $0x2400;
	v18 =	vadd.s32 v3, v41  }
0xd4: {  	[tilespmem:s8], [sflag:$0x1] =	stream.indirect_vreg.gather [hbm4b:s6+s3], $0x80, v19, vm0, $0xb8;
	[tilespmem:$0x9680] =	vst v63  }
0xd5: {  	v43 =	vperm.xlane v17, v9;
	s9 =	simm.s32 $0x2480;
	v19 =	vadd.s32 v3, v42  }
0xd6: {  	[tilespmem:s9], [sflag:$0x1] =	stream.indirect_vreg.gather [hbm4b:s6+s3], $0x80, v40, vm0, $0xb8;
	[tilespmem:$0x9680] =	vst v63  }
0xd7: {  	v45 =	vperm.xlane v17, v10;
	v44 =	vadd.s32 v3, v43;
	s10 =	simm.s32 $0x2500  }
0xd8: {  	[tilespmem:s10], [sflag:$0x1] =	stream.indirect_vreg.gather [hbm4b:s6+s3], $0x80, v18, vm0, $0xb8;
	[tilespmem:$0x9680] =	vst v63  }
0xd9: {  	v46 =	vperm.xlane v17, v11;
	s24 =	simm.s32 $0x2580;
	v18 =	vadd.s32 v3, v45  }
0xda: {  	[tilespmem:s24], [sflag:$0x1] =	stream.indirect_vreg.gather [hbm4b:s6+s3], $0x80, v19, vm0, $0xb8;
	[tilespmem:$0x9680] =	vst v63  }
0xdb: {  	v47 =	vperm.xlane v17, v12;
	s8 =	simm.s32 $0x2600;
	v19 =	vadd.s32 v3, v46  }
0xdc: {  	[tilespmem:s8], [sflag:$0x1] =	stream.indirect_vreg.gather [hbm4b:s6+s3], $0x80, v44, vm0, $0xb8;
	[tilespmem:$0x9680] =	vst v63  }
0xdd: {  	v49 =	vperm.xlane v17, v13;
	v48 =	vadd.s32 v3, v47;
	s9 =	simm.s32 $0x2680  }
0xde: {  	[tilespmem:s9], [sflag:$0x1] =	stream.indirect_vreg.gather [hbm4b:s6+s3], $0x80, v18, vm0, $0xb8;
	[tilespmem:$0x9680] =	vst v63  }
0xdf: {  	v50 =	vperm.xlane v17, v14;
	s10 =	simm.s32 $0x2700;
	v18 =	vadd.s32 v3, v49  }
0xe0: {  	[tilespmem:s10], [sflag:$0x1] =	stream.indirect_vreg.gather [hbm4b:s6+s3], $0x80, v19, vm0, $0xb8;
	[tilespmem:$0x9680] =	vst v63  }
0xe1: {  	v51 =	vperm.xlane v17, v15;
	s24 =	simm.s32 $0x2780;
	v19 =	vadd.s32 v3, v50  }
0xe2: {  	[tilespmem:s24], [sflag:$0x1] =	stream.indirect_vreg.gather [hbm4b:s6+s3], $0x80, v48, vm0, $0xb8;
	[tilespmem:$0x9680] =	vst v63  }
0xe3: {  	v17 =	vperm.xlane v17, v16;
	v52 =	vadd.s32 v3, v51;
	s8 =	simm.s32 $0x2800  }
0xe4: {  	[tilespmem:s8], [sflag:$0x1] =	stream.indirect_vreg.gather [hbm4b:s6+s3], $0x80, v18, vm0, $0xb8;
	[tilespmem:$0x9680] =	vst v63  }
0xe5: {  	v17 =	vadd.s32 v3, v17;
	s9 =	simm.s32 $0x2880  }
0xe6: {  	[tilespmem:s9], [sflag:$0x1] =	stream.indirect_vreg.gather [hbm4b:s6+s3], $0x80, v19, vm0, $0xb8;
	[tilespmem:$0x9680] =	vst v63  }
0xe7: {  	s10 =	simm.s32 $0x2900  }
0xe8: {  	[tilespmem:s10], [sflag:$0x1] =	stream.indirect_vreg.gather [hbm4b:s6+s3], $0x80, v52, vm0, $0xb8;
	[tilespmem:$0x9680] =	vst v63  }
0xe9: {  	s24 =	simm.s32 $0x2980  }
0xea: {  	[tilespmem:s24], [sflag:$0x1] =	stream.indirect_vreg.gather [hbm4b:s6+s3], $0x80, v17, vm0, $0xb8;
	[tilespmem:$0x9680] =	vst v63  }
0xeb: {  	v17 =	vld [tilespmem:$0x50];
	_ =	sdelay $0x4  }
0xec: {  	v18 =	vshll.u32 v17, $0x3  }
0xed: {  	v17 =	vand.u32 $0x7, v17;
	v18 =	vand.u32 $0xFFFFFFC0, v18  }
0xee: {  	v17 =	vor.u32 v17, v18  }
0xef: {  	v18 =	vperm.xlane v17, v2;
	_ =	sdelay $0x1  }
0xf0: {  	v19 =	vperm.xlane v17, v4;
	v18 =	vadd.s32 v3, v18;
	_ =	sdelay $0x1  }
0xf1: {  	v53 =	vperm.xlane v17, v5;
	v19 =	vadd.s32 v3, v19;
	_ =	sdelay $0x1  }
0xf2: {  	s8 =	simm.s32 $0x2A00;
	v54 =	vperm.xlane v17, v1;
	v20 =	vadd.s32 v3, v53  }
0xf3: {  	[tilespmem:s8], [sflag:$0x1] =	stream.indirect_vreg.gather [hbm4b:s6+s3], $0x80, v18, vm0, $0xb8;
	[tilespmem:$0x9680] =	vst v63  }
0xf4: {  	s9 =	simm.s32 $0x2A80;
	v55 =	vperm.xlane v17, v6;
	v18 =	vadd.s32 v3, v54  }
0xf5: {  	[tilespmem:s9], [sflag:$0x1] =	stream.indirect_vreg.gather [hbm4b:s6+s3], $0x80, v19, vm0, $0xb8;
	[tilespmem:$0x9680] =	vst v63  }
0xf6: {  	s10 =	simm.s32 $0x2B00;
	v56 =	vperm.xlane v17, v7;
	v19 =	vadd.s32 v3, v55  }
0xf7: {  	[tilespmem:s10], [sflag:$0x1] =	stream.indirect_vreg.gather [hbm4b:s6+s3], $0x80, v20, vm0, $0xb8;
	[tilespmem:$0x9680] =	vst v63  }
0xf8: {  	s24 =	simm.s32 $0x2B80;
	v58 =	vperm.xlane v17, v8;
	v57 =	vadd.s32 v3, v56  }
0xf9: {  	[tilespmem:s24], [sflag:$0x1] =	stream.indirect_vreg.gather [hbm4b:s6+s3], $0x80, v18, vm0, $0xb8;
	[tilespmem:$0x9680] =	vst v63  }
0xfa: {  	v59 =	vperm.xlane v17, v0;
	s8 =	simm.s32 $0x2C00;
	v18 =	vadd.s32 v3, v58  }
0xfb: {  	[tilespmem:s8], [sflag:$0x1] =	stream.indirect_vreg.gather [hbm4b:s6+s3], $0x80, v19, vm0, $0xb8;
	[tilespmem:$0x9680] =	vst v63  }
0xfc: {  	v60 =	vperm.xlane v17, v9;
	s9 =	simm.s32 $0x2C80;
	v19 =	vadd.s32 v3, v59  }
0xfd: {  	[tilespmem:s9], [sflag:$0x1] =	stream.indirect_vreg.gather [hbm4b:s6+s3], $0x80, v57, vm0, $0xb8;
	[tilespmem:$0x9680] =	vst v63  }
0xfe: {  	v62 =	vperm.xlane v17, v10;
	v61 =	vadd.s32 v3, v60;
	s10 =	simm.s32 $0x2D00  }
0xff: {  	[tilespmem:s10], [sflag:$0x1] =	stream.indirect_vreg.gather [hbm4b:s6+s3], $0x80, v18, vm0, $0xb8;
	[tilespmem:$0x9680] =	vst v63  }
0x100: {  	v63 =	vperm.xlane v17, v11;
	s24 =	simm.s32 $0x2D80;
	v18 =	vadd.s32 v3, v62  }
0x101: {  	[tilespmem:s24], [sflag:$0x1] =	stream.indirect_vreg.gather [hbm4b:s6+s3], $0x80, v19, vm0, $0xb8;
	[tilespmem:$0x9680] =	vst v63  }
0x102: {  	v24 =	vperm.xlane v17, v12;
	s8 =	simm.s32 $0x2E00;
	v19 =	vadd.s32 v3, v63  }
0x103: {  	[tilespmem:s8], [sflag:$0x1] =	stream.indirect_vreg.gather [hbm4b:s6+s3], $0x80, v61, vm0, $0xb8;
	[tilespmem:$0x9680] =	vst v63  }
0x104: {  	v26 =	vperm.xlane v17, v13;
	v25 =	vadd.s32 v3, v24;
	s9 =	simm.s32 $0x2E80  }
0x105: {  	[tilespmem:s9], [sflag:$0x1] =	stream.indirect_vreg.gather [hbm4b:s6+s3], $0x80, v18, vm0, $0xb8;
	[tilespmem:$0x9680] =	vst v63  }
0x106: {  	v27 =	vperm.xlane v17, v14;
	s10 =	simm.s32 $0x2F00;
	v18 =	vadd.s32 v3, v26  }
0x107: {  	[tilespmem:s10], [sflag:$0x1] =	stream.indirect_vreg.gather [hbm4b:s6+s3], $0x80, v19, vm0, $0xb8;
	[tilespmem:$0x9680] =	vst v63  }
0x108: {  	v28 =	vperm.xlane v17, v15;
	s24 =	simm.s32 $0x2F80;
	v19 =	vadd.s32 v3, v27  }
0x109: {  	[tilespmem:s24], [sflag:$0x1] =	stream.indirect_vreg.gather [hbm4b:s6+s3], $0x80, v25, vm0, $0xb8;
	[tilespmem:$0x9680] =	vst v63  }
0x10a: {  	v17 =	vperm.xlane v17, v16;
	v29 =	vadd.s32 v3, v28;
	s8 =	simm.s32 $0x3000  }
0x10b: {  	[tilespmem:s8], [sflag:$0x1] =	stream.indirect_vreg.gather [hbm4b:s6+s3], $0x80, v18, vm0, $0xb8;
	[tilespmem:$0x9680] =	vst v63  }
0x10c: {  	v17 =	vadd.s32 v3, v17;
	s9 =	simm.s32 $0x3080  }
0x10d: {  	[tilespmem:s9], [sflag:$0x1] =	stream.indirect_vreg.gather [hbm4b:s6+s3], $0x80, v19, vm0, $0xb8;
	[tilespmem:$0x9680] =	vst v63  }
0x10e: {  	s10 =	simm.s32 $0x3100  }
0x10f: {  	[tilespmem:s10], [sflag:$0x1] =	stream.indirect_vreg.gather [hbm4b:s6+s3], $0x80, v29, vm0, $0xb8;
	[tilespmem:$0x9680] =	vst v63  }
0x110: {  	s24 =	simm.s32 $0x3180  }
0x111: {  	[tilespmem:s24], [sflag:$0x1] =	stream.indirect_vreg.gather [hbm4b:s6+s3], $0x80, v17, vm0, $0xb8;
	[tilespmem:$0x9680] =	vst v63  }
0x112: {  	v17 =	vld [tilespmem:$0x60];
	_ =	sdelay $0x4  }
0x113: {  	v18 =	vshll.u32 v17, $0x3  }
0x114: {  	v17 =	vand.u32 $0x7, v17;
	v18 =	vand.u32 $0xFFFFFFC0, v18  }
0x115: {  	v17 =	vor.u32 v17, v18  }
0x116: {  	v18 =	vperm.xlane v17, v2;
	_ =	sdelay $0x1  }
0x117: {  	v19 =	vperm.xlane v17, v4;
	v18 =	vadd.s32 v3, v18;
	_ =	sdelay $0x1  }
0x118: {  	v30 =	vperm.xlane v17, v5;
	v19 =	vadd.s32 v3, v19;
	_ =	sdelay $0x1  }
0x119: {  	s8 =	simm.s32 $0x3200;
	v31 =	vperm.xlane v17, v1;
	v20 =	vadd.s32 v3, v30  }
0x11a: {  	[tilespmem:s8], [sflag:$0x1] =	stream.indirect_vreg.gather [hbm4b:s6+s3], $0x80, v18, vm0, $0xb8;
	[tilespmem:$0x9680] =	vst v63  }
0x11b: {  	s9 =	simm.s32 $0x3280;
	v32 =	vperm.xlane v17, v6;
	v18 =	vadd.s32 v3, v31  }
0x11c: {  	[tilespmem:s9], [sflag:$0x1] =	stream.indirect_vreg.gather [hbm4b:s6+s3], $0x80, v19, vm0, $0xb8;
	[tilespmem:$0x9680] =	vst v63  }
0x11d: {  	s10 =	simm.s32 $0x3300;
	v33 =	vperm.xlane v17, v7;
	v19 =	vadd.s32 v3, v32  }
0x11e: {  	[tilespmem:s10], [sflag:$0x1] =	stream.indirect_vreg.gather [hbm4b:s6+s3], $0x80, v20, vm0, $0xb8;
	[tilespmem:$0x9680] =	vst v63  }
0x11f: {  	s24 =	simm.s32 $0x3380;
	v35 =	vperm.xlane v17, v8;
	v34 =	vadd.s32 v3, v33  }
0x120: {  	[tilespmem:s24], [sflag:$0x1] =	stream.indirect_vreg.gather [hbm4b:s6+s3], $0x80, v18, vm0, $0xb8;
	[tilespmem:$0x9680] =	vst v63  }
0x121: {  	v36 =	vperm.xlane v17, v0;
	s8 =	simm.s32 $0x3400;
	v18 =	vadd.s32 v3, v35  }
0x122: {  	[tilespmem:s8], [sflag:$0x1] =	stream.indirect_vreg.gather [hbm4b:s6+s3], $0x80, v19, vm0, $0xb8;
	[tilespmem:$0x9680] =	vst v63  }
0x123: {  	v37 =	vperm.xlane v17, v9;
	s9 =	simm.s32 $0x3480;
	v19 =	vadd.s32 v3, v36  }
0x124: {  	[tilespmem:s9], [sflag:$0x1] =	stream.indirect_vreg.gather [hbm4b:s6+s3], $0x80, v34, vm0, $0xb8;
	[tilespmem:$0x9680] =	vst v63  }
0x125: {  	v39 =	vperm.xlane v17, v10;
	v38 =	vadd.s32 v3, v37;
	s10 =	simm.s32 $0x3500  }
0x126: {  	[tilespmem:s10], [sflag:$0x1] =	stream.indirect_vreg.gather [hbm4b:s6+s3], $0x80, v18, vm0, $0xb8;
	[tilespmem:$0x9680] =	vst v63  }
0x127: {  	v40 =	vperm.xlane v17, v11;
	s24 =	simm.s32 $0x3580;
	v18 =	vadd.s32 v3, v39  }
0x128: {  	[tilespmem:s24], [sflag:$0x1] =	stream.indirect_vreg.gather [hbm4b:s6+s3], $0x80, v19, vm0, $0xb8;
	[tilespmem:$0x9680] =	vst v63  }
0x129: {  	v41 =	vperm.xlane v17, v12;
	s8 =	simm.s32 $0x3600;
	v19 =	vadd.s32 v3, v40  }
0x12a: {  	[tilespmem:s8], [sflag:$0x1] =	stream.indirect_vreg.gather [hbm4b:s6+s3], $0x80, v38, vm0, $0xb8;
	[tilespmem:$0x9680] =	vst v63  }
0x12b: {  	v43 =	vperm.xlane v17, v13;
	v42 =	vadd.s32 v3, v41;
	s9 =	simm.s32 $0x3680  }
0x12c: {  	[tilespmem:s9], [sflag:$0x1] =	stream.indirect_vreg.gather [hbm4b:s6+s3], $0x80, v18, vm0, $0xb8;
	[tilespmem:$0x9680] =	vst v63  }
0x12d: {  	v44 =	vperm.xlane v17, v14;
	s10 =	simm.s32 $0x3700;
	v18 =	vadd.s32 v3, v43  }
0x12e: {  	[tilespmem:s10], [sflag:$0x1] =	stream.indirect_vreg.gather [hbm4b:s6+s3], $0x80, v19, vm0, $0xb8;
	[tilespmem:$0x9680] =	vst v63  }
0x12f: {  	v45 =	vperm.xlane v17, v15;
	s24 =	simm.s32 $0x3780;
	v19 =	vadd.s32 v3, v44  }
0x130: {  	[tilespmem:s24], [sflag:$0x1] =	stream.indirect_vreg.gather [hbm4b:s6+s3], $0x80, v42, vm0, $0xb8;
	[tilespmem:$0x9680] =	vst v63  }
0x131: {  	v17 =	vperm.xlane v17, v16;
	v46 =	vadd.s32 v3, v45;
	s8 =	simm.s32 $0x3800  }
0x132: {  	[tilespmem:s8], [sflag:$0x1] =	stream.indirect_vreg.gather [hbm4b:s6+s3], $0x80, v18, vm0, $0xb8;
	[tilespmem:$0x9680] =	vst v63  }
0x133: {  	v17 =	vadd.s32 v3, v17;
	s9 =	simm.s32 $0x3880  }
0x134: {  	[tilespmem:s9], [sflag:$0x1] =	stream.indirect_vreg.gather [hbm4b:s6+s3], $0x80, v19, vm0, $0xb8;
	[tilespmem:$0x9680] =	vst v63  }
0x135: {  	s10 =	simm.s32 $0x3900  }
0x136: {  	[tilespmem:s10], [sflag:$0x1] =	stream.indirect_vreg.gather [hbm4b:s6+s3], $0x80, v46, vm0, $0xb8;
	[tilespmem:$0x9680] =	vst v63  }
0x137: {  	s24 =	simm.s32 $0x3980  }
0x138: {  	[tilespmem:s24], [sflag:$0x1] =	stream.indirect_vreg.gather [hbm4b:s6+s3], $0x80, v17, vm0, $0xb8;
	[tilespmem:$0x9680] =	vst v63  }
0x139: {  	v17 =	vld [tilespmem:$0x70];
	_ =	sdelay $0x4  }
0x13a: {  	v18 =	vshll.u32 v17, $0x3  }
0x13b: {  	v17 =	vand.u32 $0x7, v17;
	v18 =	vand.u32 $0xFFFFFFC0, v18  }
0x13c: {  	v17 =	vor.u32 v17, v18  }
0x13d: {  	v18 =	vperm.xlane v17, v2;
	_ =	sdelay $0x1  }
0x13e: {  	v19 =	vperm.xlane v17, v4;
	v18 =	vadd.s32 v3, v18;
	_ =	sdelay $0x1  }
0x13f: {  	v47 =	vperm.xlane v17, v5;
	v19 =	vadd.s32 v3, v19;
	_ =	sdelay $0x1  }
0x140: {  	s8 =	simm.s32 $0x3A00;
	v48 =	vperm.xlane v17, v1;
	v20 =	vadd.s32 v3, v47  }
0x141: {  	[tilespmem:s8], [sflag:$0x1] =	stream.indirect_vreg.gather [hbm4b:s6+s3], $0x80, v18, vm0, $0xb8;
	[tilespmem:$0x9680] =	vst v63  }
0x142: {  	s9 =	simm.s32 $0x3A80;
	v49 =	vperm.xlane v17, v6;
	v18 =	vadd.s32 v3, v48  }
0x143: {  	[tilespmem:s9], [sflag:$0x1] =	stream.indirect_vreg.gather [hbm4b:s6+s3], $0x80, v19, vm0, $0xb8;
	[tilespmem:$0x9680] =	vst v63  }
0x144: {  	s10 =	simm.s32 $0x3B00;
	v50 =	vperm.xlane v17, v7;
	v19 =	vadd.s32 v3, v49  }
0x145: {  	[tilespmem:s10], [sflag:$0x1] =	stream.indirect_vreg.gather [hbm4b:s6+s3], $0x80, v20, vm0, $0xb8;
	[tilespmem:$0x9680] =	vst v63  }
0x146: {  	s24 =	simm.s32 $0x3B80;
	v52 =	vperm.xlane v17, v8;
	v51 =	vadd.s32 v3, v50  }
0x147: {  	[tilespmem:s24], [sflag:$0x1] =	stream.indirect_vreg.gather [hbm4b:s6+s3], $0x80, v18, vm0, $0xb8;
	[tilespmem:$0x9680] =	vst v63  }
0x148: {  	v53 =	vperm.xlane v17, v0;
	s8 =	simm.s32 $0x3C00;
	v18 =	vadd.s32 v3, v52  }
0x149: {  	[tilespmem:s8], [sflag:$0x1] =	stream.indirect_vreg.gather [hbm4b:s6+s3], $0x80, v19, vm0, $0xb8;
	[tilespmem:$0x9680] =	vst v63  }
0x14a: {  	v54 =	vperm.xlane v17, v9;
	s9 =	simm.s32 $0x3C80;
	v19 =	vadd.s32 v3, v53  }
0x14b: {  	[tilespmem:s9], [sflag:$0x1] =	stream.indirect_vreg.gather [hbm4b:s6+s3], $0x80, v51, vm0, $0xb8;
	[tilespmem:$0x9680] =	vst v63  }
0x14c: {  	v56 =	vperm.xlane v17, v10;
	v55 =	vadd.s32 v3, v54;
	s10 =	simm.s32 $0x3D00  }
0x14d: {  	[tilespmem:s10], [sflag:$0x1] =	stream.indirect_vreg.gather [hbm4b:s6+s3], $0x80, v18, vm0, $0xb8;
	[tilespmem:$0x9680] =	vst v63  }
0x14e: {  	v57 =	vperm.xlane v17, v11;
	s24 =	simm.s32 $0x3D80;
	v18 =	vadd.s32 v3, v56  }
0x14f: {  	[tilespmem:s24], [sflag:$0x1] =	stream.indirect_vreg.gather [hbm4b:s6+s3], $0x80, v19, vm0, $0xb8;
	[tilespmem:$0x9680] =	vst v63  }
0x150: {  	v58 =	vperm.xlane v17, v12;
	s8 =	simm.s32 $0x3E00;
	v19 =	vadd.s32 v3, v57  }
0x151: {  	[tilespmem:s8], [sflag:$0x1] =	stream.indirect_vreg.gather [hbm4b:s6+s3], $0x80, v55, vm0, $0xb8;
	[tilespmem:$0x9680] =	vst v63  }
0x152: {  	v60 =	vperm.xlane v17, v13;
	v59 =	vadd.s32 v3, v58;
	s9 =	simm.s32 $0x3E80  }
0x153: {  	[tilespmem:s9], [sflag:$0x1] =	stream.indirect_vreg.gather [hbm4b:s6+s3], $0x80, v18, vm0, $0xb8;
	[tilespmem:$0x9680] =	vst v63  }
0x154: {  	v61 =	vperm.xlane v17, v14;
	s10 =	simm.s32 $0x3F00;
	v18 =	vadd.s32 v3, v60  }
0x155: {  	[tilespmem:s10], [sflag:$0x1] =	stream.indirect_vreg.gather [hbm4b:s6+s3], $0x80, v19, vm0, $0xb8;
	[tilespmem:$0x9680] =	vst v63  }
0x156: {  	v62 =	vperm.xlane v17, v15;
	s24 =	simm.s32 $0x3F80;
	v19 =	vadd.s32 v3, v61  }
0x157: {  	[tilespmem:s24], [sflag:$0x1] =	stream.indirect_vreg.gather [hbm4b:s6+s3], $0x80, v59, vm0, $0xb8;
	[tilespmem:$0x9680] =	vst v63  }
0x158: {  	v17 =	vperm.xlane v17, v16;
	v63 =	vadd.s32 v3, v62  }
0x159: {  	[tilespmem:s11], [sflag:$0x1] =	stream.indirect_vreg.gather [hbm4b:s6+s3], $0x80, v18, vm0, $0xb8;
	[tilespmem:$0x9680] =	vst v63  }
0x15a: {  	v17 =	vadd.s32 v3, v17  }
0x15b: {  	[tilespmem:s12], [sflag:$0x1] =	stream.indirect_vreg.gather [hbm4b:s6+s3], $0x80, v19, vm0, $0xb8;
	[tilespmem:$0x9680] =	vst v63  }
0x15c: {  	_ = 	snop  }
0x15d: {  	[tilespmem:s13], [sflag:$0x1] =	stream.indirect_vreg.gather [hbm4b:s6+s3], $0x80, v63, vm0, $0xb8;
	[tilespmem:$0x9680] =	vst v63  }
0x15e: {  	p2 =	por $0x1, $0x1;
	s8 =	simm.s32 $0x0  }
0x15f: {  	[tilespmem:s14], [sflag:$0x1] =	stream.indirect_vreg.gather [hbm4b:s6+s3], $0x80, v17, vm0, $0xb8;
	[tilespmem:$0x9680] =	vst v63  }
.LBB2_2:
0x160: {  	_ =	swait.ge [sflag:s15], $0x4000;
	s7 =	sshllo.u32 s8, $0x1  }
0x161: {  	[sflag:s15] =	ssyncset.done $0x0;
	s9 =	sshll.u32 s7, $0x7  }
0x162: {  	[sflag:s15] =	ssyncadd.s32 $0xFFFFC000;
	s24 =	sand.u32 $0x3FFFFF80, s9  }
0x163: {  	v17 =	vld [tilespmem:s24+$0x0];
	_ =	sdelay $0x4  }
0x164: {  	v18 =	vshll.u32 v17, $0x3  }
0x165: {  	v17 =	vand.u32 $0x7, v17;
	v18 =	vand.u32 $0xFFFFFFC0, v18  }
0x166: {  	v17 =	vor.u32 v17, v18  }
0x167: {  	v18 =	vperm.xlane v17, v2;
	_ =	sdelay $0x1  }
0x168: {  	v19 =	vperm.xlane v17, v4;
	v18 =	vadd.s32 v3, v18;
	_ =	sdelay $0x1  }
0x169: {  	v20 =	vperm.xlane v17, v5;
	v19 =	vadd.s32 v3, v19;
	_ =	sdelay $0x1  }
0x16a: {  	s10 =	simm.s32 $0x4200;
	s9 =	simm.s32 $0x0;
	v21 =	vperm.xlane v17, v1;
	v20 =	vadd.s32 v3, v20  }
0x16b: {  	[tilespmem:s10], [sflag:$0x2] =	stream.indirect_vreg.gather [hbm4b:s6+s9], $0x80, v18, vm0, $0xb8;
	[tilespmem:$0x9680] =	vst v63  }
0x16c: {  	v18 =	vadd.s32 v3, v21;
	v21 =	vperm.xlane v17, v6;
	s10 =	simm.s32 $0x4280  }
0x16d: {  	[tilespmem:s10], [sflag:$0x2] =	stream.indirect_vreg.gather [hbm4b:s6+s9], $0x80, v19, vm0, $0xb8;
	[tilespmem:$0x9680] =	vst v63  }
0x16e: {  	v19 =	vadd.s32 v3, v21;
	v21 =	vperm.xlane v17, v7;
	s10 =	simm.s32 $0x4300  }
0x16f: {  	[tilespmem:s10], [sflag:$0x2] =	stream.indirect_vreg.gather [hbm4b:s6+s9], $0x80, v20, vm0, $0xb8;
	[tilespmem:$0x9680] =	vst v63  }
0x170: {  	v20 =	vadd.s32 v3, v21;
	v21 =	vperm.xlane v17, v8;
	s10 =	simm.s32 $0x4380  }
0x171: {  	[tilespmem:s10], [sflag:$0x2] =	stream.indirect_vreg.gather [hbm4b:s6+s9], $0x80, v18, vm0, $0xb8;
	[tilespmem:$0x9680] =	vst v63  }
0x172: {  	v18 =	vadd.s32 v3, v21;
	v21 =	vperm.xlane v17, v0;
	s10 =	simm.s32 $0x4400  }
0x173: {  	[tilespmem:s10], [sflag:$0x2] =	stream.indirect_vreg.gather [hbm4b:s6+s9], $0x80, v19, vm0, $0xb8;
	[tilespmem:$0x9680] =	vst v63  }
0x174: {  	v19 =	vadd.s32 v3, v21;
	v21 =	vperm.xlane v17, v9;
	s10 =	simm.s32 $0x4480  }
0x175: {  	[tilespmem:s10], [sflag:$0x2] =	stream.indirect_vreg.gather [hbm4b:s6+s9], $0x80, v20, vm0, $0xb8;
	[tilespmem:$0x9680] =	vst v63  }
0x176: {  	v20 =	vadd.s32 v3, v21;
	v21 =	vperm.xlane v17, v10;
	s10 =	simm.s32 $0x4500  }
0x177: {  	[tilespmem:s10], [sflag:$0x2] =	stream.indirect_vreg.gather [hbm4b:s6+s9], $0x80, v18, vm0, $0xb8;
	[tilespmem:$0x9680] =	vst v63  }
0x178: {  	v18 =	vadd.s32 v3, v21;
	v21 =	vperm.xlane v17, v11;
	s10 =	simm.s32 $0x4580  }
0x179: {  	[tilespmem:s10], [sflag:$0x2] =	stream.indirect_vreg.gather [hbm4b:s6+s9], $0x80, v19, vm0, $0xb8;
	[tilespmem:$0x9680] =	vst v63  }
0x17a: {  	v19 =	vadd.s32 v3, v21;
	v21 =	vperm.xlane v17, v12;
	s10 =	simm.s32 $0x4600  }
0x17b: {  	[tilespmem:s10], [sflag:$0x2] =	stream.indirect_vreg.gather [hbm4b:s6+s9], $0x80, v20, vm0, $0xb8;
	[tilespmem:$0x9680] =	vst v63  }
0x17c: {  	v20 =	vadd.s32 v3, v21;
	v21 =	vperm.xlane v17, v13;
	s10 =	simm.s32 $0x4680  }
0x17d: {  	[tilespmem:s10], [sflag:$0x2] =	stream.indirect_vreg.gather [hbm4b:s6+s9], $0x80, v18, vm0, $0xb8;
	[tilespmem:$0x9680] =	vst v63  }
0x17e: {  	v18 =	vadd.s32 v3, v21;
	v21 =	vperm.xlane v17, v14;
	s10 =	simm.s32 $0x4700  }
0x17f: {  	[tilespmem:s10], [sflag:$0x2] =	stream.indirect_vreg.gather [hbm4b:s6+s9], $0x80, v19, vm0, $0xb8;
	[tilespmem:$0x9680] =	vst v63  }
0x180: {  	v19 =	vadd.s32 v3, v21;
	v21 =	vperm.xlane v17, v15;
	s10 =	simm.s32 $0x4780  }
0x181: {  	[tilespmem:s10], [sflag:$0x2] =	stream.indirect_vreg.gather [hbm4b:s6+s9], $0x80, v20, vm0, $0xb8;
	[tilespmem:$0x9680] =	vst v63  }
0x182: {  	v17 =	vperm.xlane v17, v16;
	v20 =	vadd.s32 v3, v21;
	s10 =	simm.s32 $0x4800  }
0x183: {  	[tilespmem:s10], [sflag:$0x2] =	stream.indirect_vreg.gather [hbm4b:s6+s9], $0x80, v18, vm0, $0xb8;
	[tilespmem:$0x9680] =	vst v63  }
0x184: {  	v17 =	vadd.s32 v3, v17;
	s10 =	simm.s32 $0x4880  }
0x185: {  	[tilespmem:s10], [sflag:$0x2] =	stream.indirect_vreg.gather [hbm4b:s6+s9], $0x80, v19, vm0, $0xb8;
	[tilespmem:$0x9680] =	vst v63  }
0x186: {  	s10 =	simm.s32 $0x4900  }
0x187: {  	[tilespmem:s10], [sflag:$0x2] =	stream.indirect_vreg.gather [hbm4b:s6+s9], $0x80, v20, vm0, $0xb8;
	[tilespmem:$0x9680] =	vst v63  }
0x188: {  	s10 =	simm.s32 $0x4980  }
0x189: {  	[tilespmem:s10], [sflag:$0x2] =	stream.indirect_vreg.gather [hbm4b:s6+s9], $0x80, v17, vm0, $0xb8;
	[tilespmem:$0x9680] =	vst v63  }
0x18a: {  	v17 =	vld [tilespmem:s24+$0x10];
	_ =	sdelay $0x4  }
0x18b: {  	v18 =	vshll.u32 v17, $0x3  }
0x18c: {  	v17 =	vand.u32 $0x7, v17;
	v18 =	vand.u32 $0xFFFFFFC0, v18  }
0x18d: {  	v17 =	vor.u32 v17, v18  }
0x18e: {  	v18 =	vperm.xlane v17, v2;
	_ =	sdelay $0x1  }
0x18f: {  	v19 =	vperm.xlane v17, v4;
	v18 =	vadd.s32 v3, v18;
	_ =	sdelay $0x1  }
0x190: {  	v20 =	vperm.xlane v17, v5;
	v19 =	vadd.s32 v3, v19;
	_ =	sdelay $0x1  }
0x191: {  	s10 =	simm.s32 $0x4A00;
	v21 =	vperm.xlane v17, v1;
	v20 =	vadd.s32 v3, v20  }
0x192: {  	[tilespmem:s10], [sflag:$0x2] =	stream.indirect_vreg.gather [hbm4b:s6+s9], $0x80, v18, vm0, $0xb8;
	[tilespmem:$0x9680] =	vst v63  }
0x193: {  	v18 =	vadd.s32 v3, v21;
	v21 =	vperm.xlane v17, v6;
	s10 =	simm.s32 $0x4A80  }
0x194: {  	[tilespmem:s10], [sflag:$0x2] =	stream.indirect_vreg.gather [hbm4b:s6+s9], $0x80, v19, vm0, $0xb8;
	[tilespmem:$0x9680] =	vst v63  }
0x195: {  	v19 =	vadd.s32 v3, v21;
	v21 =	vperm.xlane v17, v7;
	s10 =	simm.s32 $0x4B00  }
0x196: {  	[tilespmem:s10], [sflag:$0x2] =	stream.indirect_vreg.gather [hbm4b:s6+s9], $0x80, v20, vm0, $0xb8;
	[tilespmem:$0x9680] =	vst v63  }
0x197: {  	v20 =	vadd.s32 v3, v21;
	v21 =	vperm.xlane v17, v8;
	s10 =	simm.s32 $0x4B80  }
0x198: {  	[tilespmem:s10], [sflag:$0x2] =	stream.indirect_vreg.gather [hbm4b:s6+s9], $0x80, v18, vm0, $0xb8;
	[tilespmem:$0x9680] =	vst v63  }
0x199: {  	v18 =	vadd.s32 v3, v21;
	v21 =	vperm.xlane v17, v0;
	s10 =	simm.s32 $0x4C00  }
0x19a: {  	[tilespmem:s10], [sflag:$0x2] =	stream.indirect_vreg.gather [hbm4b:s6+s9], $0x80, v19, vm0, $0xb8;
	[tilespmem:$0x9680] =	vst v63  }
0x19b: {  	v19 =	vadd.s32 v3, v21;
	v21 =	vperm.xlane v17, v9;
	s10 =	simm.s32 $0x4C80  }
0x19c: {  	[tilespmem:s10], [sflag:$0x2] =	stream.indirect_vreg.gather [hbm4b:s6+s9], $0x80, v20, vm0, $0xb8;
	[tilespmem:$0x9680] =	vst v63  }
0x19d: {  	v20 =	vadd.s32 v3, v21;
	v21 =	vperm.xlane v17, v10;
	s10 =	simm.s32 $0x4D00  }
0x19e: {  	[tilespmem:s10], [sflag:$0x2] =	stream.indirect_vreg.gather [hbm4b:s6+s9], $0x80, v18, vm0, $0xb8;
	[tilespmem:$0x9680] =	vst v63  }
0x19f: {  	v18 =	vadd.s32 v3, v21;
	v21 =	vperm.xlane v17, v11;
	s10 =	simm.s32 $0x4D80  }
0x1a0: {  	[tilespmem:s10], [sflag:$0x2] =	stream.indirect_vreg.gather [hbm4b:s6+s9], $0x80, v19, vm0, $0xb8;
	[tilespmem:$0x9680] =	vst v63  }
0x1a1: {  	v19 =	vadd.s32 v3, v21;
	v21 =	vperm.xlane v17, v12;
	s10 =	simm.s32 $0x4E00  }
0x1a2: {  	[tilespmem:s10], [sflag:$0x2] =	stream.indirect_vreg.gather [hbm4b:s6+s9], $0x80, v20, vm0, $0xb8;
	[tilespmem:$0x9680] =	vst v63  }
0x1a3: {  	v20 =	vadd.s32 v3, v21;
	v21 =	vperm.xlane v17, v13;
	s10 =	simm.s32 $0x4E80  }
0x1a4: {  	[tilespmem:s10], [sflag:$0x2] =	stream.indirect_vreg.gather [hbm4b:s6+s9], $0x80, v18, vm0, $0xb8;
	[tilespmem:$0x9680] =	vst v63  }
0x1a5: {  	v18 =	vadd.s32 v3, v21;
	v21 =	vperm.xlane v17, v14;
	s10 =	simm.s32 $0x4F00  }
0x1a6: {  	[tilespmem:s10], [sflag:$0x2] =	stream.indirect_vreg.gather [hbm4b:s6+s9], $0x80, v19, vm0, $0xb8;
	[tilespmem:$0x9680] =	vst v63  }
0x1a7: {  	v19 =	vadd.s32 v3, v21;
	v21 =	vperm.xlane v17, v15;
	s10 =	simm.s32 $0x4F80  }
0x1a8: {  	[tilespmem:s10], [sflag:$0x2] =	stream.indirect_vreg.gather [hbm4b:s6+s9], $0x80, v20, vm0, $0xb8;
	[tilespmem:$0x9680] =	vst v63  }
0x1a9: {  	v17 =	vperm.xlane v17, v16;
	v20 =	vadd.s32 v3, v21;
	s10 =	simm.s32 $0x5000  }
0x1aa: {  	[tilespmem:s10], [sflag:$0x2] =	stream.indirect_vreg.gather [hbm4b:s6+s9], $0x80, v18, vm0, $0xb8;
	[tilespmem:$0x9680] =	vst v63  }
0x1ab: {  	v17 =	vadd.s32 v3, v17;
	s10 =	simm.s32 $0x5080  }
0x1ac: {  	[tilespmem:s10], [sflag:$0x2] =	stream.indirect_vreg.gather [hbm4b:s6+s9], $0x80, v19, vm0, $0xb8;
	[tilespmem:$0x9680] =	vst v63  }
0x1ad: {  	s10 =	simm.s32 $0x5100  }
0x1ae: {  	[tilespmem:s10], [sflag:$0x2] =	stream.indirect_vreg.gather [hbm4b:s6+s9], $0x80, v20, vm0, $0xb8;
	[tilespmem:$0x9680] =	vst v63  }
0x1af: {  	s10 =	simm.s32 $0x5180  }
0x1b0: {  	[tilespmem:s10], [sflag:$0x2] =	stream.indirect_vreg.gather [hbm4b:s6+s9], $0x80, v17, vm0, $0xb8;
	[tilespmem:$0x9680] =	vst v63  }
0x1b1: {  	v17 =	vld [tilespmem:s24+$0x20];
	_ =	sdelay $0x4  }
0x1b2: {  	v18 =	vshll.u32 v17, $0x3  }
0x1b3: {  	v17 =	vand.u32 $0x7, v17;
	v18 =	vand.u32 $0xFFFFFFC0, v18  }
0x1b4: {  	v17 =	vor.u32 v17, v18  }
0x1b5: {  	v18 =	vperm.xlane v17, v2;
	_ =	sdelay $0x1  }
0x1b6: {  	v19 =	vperm.xlane v17, v4;
	v18 =	vadd.s32 v3, v18;
	_ =	sdelay $0x1  }
0x1b7: {  	v20 =	vperm.xlane v17, v5;
	v19 =	vadd.s32 v3, v19;
	_ =	sdelay $0x1  }
0x1b8: {  	s10 =	simm.s32 $0x5200;
	v21 =	vperm.xlane v17, v1;
	v20 =	vadd.s32 v3, v20  }
0x1b9: {  	[tilespmem:s10], [sflag:$0x2] =	stream.indirect_vreg.gather [hbm4b:s6+s9], $0x80, v18, vm0, $0xb8;
	[tilespmem:$0x9680] =	vst v63  }
0x1ba: {  	v18 =	vadd.s32 v3, v21;
	v21 =	vperm.xlane v17, v6;
	s10 =	simm.s32 $0x5280  }
0x1bb: {  	[tilespmem:s10], [sflag:$0x2] =	stream.indirect_vreg.gather [hbm4b:s6+s9], $0x80, v19, vm0, $0xb8;
	[tilespmem:$0x9680] =	vst v63  }
0x1bc: {  	v19 =	vadd.s32 v3, v21;
	v21 =	vperm.xlane v17, v7;
	s10 =	simm.s32 $0x5300  }
0x1bd: {  	[tilespmem:s10], [sflag:$0x2] =	stream.indirect_vreg.gather [hbm4b:s6+s9], $0x80, v20, vm0, $0xb8;
	[tilespmem:$0x9680] =	vst v63  }
0x1be: {  	v20 =	vadd.s32 v3, v21;
	v21 =	vperm.xlane v17, v8;
	s10 =	simm.s32 $0x5380  }
0x1bf: {  	[tilespmem:s10], [sflag:$0x2] =	stream.indirect_vreg.gather [hbm4b:s6+s9], $0x80, v18, vm0, $0xb8;
	[tilespmem:$0x9680] =	vst v63  }
0x1c0: {  	v18 =	vadd.s32 v3, v21;
	v21 =	vperm.xlane v17, v0;
	s10 =	simm.s32 $0x5400  }
0x1c1: {  	[tilespmem:s10], [sflag:$0x2] =	stream.indirect_vreg.gather [hbm4b:s6+s9], $0x80, v19, vm0, $0xb8;
	[tilespmem:$0x9680] =	vst v63  }
0x1c2: {  	v19 =	vadd.s32 v3, v21;
	v21 =	vperm.xlane v17, v9;
	s10 =	simm.s32 $0x5480  }
0x1c3: {  	[tilespmem:s10], [sflag:$0x2] =	stream.indirect_vreg.gather [hbm4b:s6+s9], $0x80, v20, vm0, $0xb8;
	[tilespmem:$0x9680] =	vst v63  }
0x1c4: {  	v20 =	vadd.s32 v3, v21;
	v21 =	vperm.xlane v17, v10;
	s10 =	simm.s32 $0x5500  }
0x1c5: {  	[tilespmem:s10], [sflag:$0x2] =	stream.indirect_vreg.gather [hbm4b:s6+s9], $0x80, v18, vm0, $0xb8;
	[tilespmem:$0x9680] =	vst v63  }
0x1c6: {  	v18 =	vadd.s32 v3, v21;
	v21 =	vperm.xlane v17, v11;
	s10 =	simm.s32 $0x5580  }
0x1c7: {  	[tilespmem:s10], [sflag:$0x2] =	stream.indirect_vreg.gather [hbm4b:s6+s9], $0x80, v19, vm0, $0xb8;
	[tilespmem:$0x9680] =	vst v63  }
0x1c8: {  	v19 =	vadd.s32 v3, v21;
	v21 =	vperm.xlane v17, v12;
	s10 =	simm.s32 $0x5600  }
0x1c9: {  	[tilespmem:s10], [sflag:$0x2] =	stream.indirect_vreg.gather [hbm4b:s6+s9], $0x80, v20, vm0, $0xb8;
	[tilespmem:$0x9680] =	vst v63  }
0x1ca: {  	v20 =	vadd.s32 v3, v21;
	v21 =	vperm.xlane v17, v13;
	s10 =	simm.s32 $0x5680  }
0x1cb: {  	[tilespmem:s10], [sflag:$0x2] =	stream.indirect_vreg.gather [hbm4b:s6+s9], $0x80, v18, vm0, $0xb8;
	[tilespmem:$0x9680] =	vst v63  }
0x1cc: {  	v18 =	vadd.s32 v3, v21;
	v21 =	vperm.xlane v17, v14;
	s10 =	simm.s32 $0x5700  }
0x1cd: {  	[tilespmem:s10], [sflag:$0x2] =	stream.indirect_vreg.gather [hbm4b:s6+s9], $0x80, v19, vm0, $0xb8;
	[tilespmem:$0x9680] =	vst v63  }
0x1ce: {  	v19 =	vadd.s32 v3, v21;
	v21 =	vperm.xlane v17, v15;
	s10 =	simm.s32 $0x5780  }
0x1cf: {  	[tilespmem:s10], [sflag:$0x2] =	stream.indirect_vreg.gather [hbm4b:s6+s9], $0x80, v20, vm0, $0xb8;
	[tilespmem:$0x9680] =	vst v63  }
0x1d0: {  	v17 =	vperm.xlane v17, v16;
	v20 =	vadd.s32 v3, v21;
	s10 =	simm.s32 $0x5800  }
0x1d1: {  	[tilespmem:s10], [sflag:$0x2] =	stream.indirect_vreg.gather [hbm4b:s6+s9], $0x80, v18, vm0, $0xb8;
	[tilespmem:$0x9680] =	vst v63  }
0x1d2: {  	v17 =	vadd.s32 v3, v17;
	s10 =	simm.s32 $0x5880  }
0x1d3: {  	[tilespmem:s10], [sflag:$0x2] =	stream.indirect_vreg.gather [hbm4b:s6+s9], $0x80, v19, vm0, $0xb8;
	[tilespmem:$0x9680] =	vst v63  }
0x1d4: {  	s10 =	simm.s32 $0x5900  }
0x1d5: {  	[tilespmem:s10], [sflag:$0x2] =	stream.indirect_vreg.gather [hbm4b:s6+s9], $0x80, v20, vm0, $0xb8;
	[tilespmem:$0x9680] =	vst v63  }
0x1d6: {  	s10 =	simm.s32 $0x5980  }
0x1d7: {  	[tilespmem:s10], [sflag:$0x2] =	stream.indirect_vreg.gather [hbm4b:s6+s9], $0x80, v17, vm0, $0xb8;
	[tilespmem:$0x9680] =	vst v63  }
0x1d8: {  	v17 =	vld [tilespmem:s24+$0x30];
	_ =	sdelay $0x4  }
0x1d9: {  	v18 =	vshll.u32 v17, $0x3  }
0x1da: {  	v17 =	vand.u32 $0x7, v17;
	v18 =	vand.u32 $0xFFFFFFC0, v18  }
0x1db: {  	v17 =	vor.u32 v17, v18  }
0x1dc: {  	v18 =	vperm.xlane v17, v2;
	_ =	sdelay $0x1  }
0x1dd: {  	v19 =	vperm.xlane v17, v4;
	v18 =	vadd.s32 v3, v18;
	_ =	sdelay $0x1  }
0x1de: {  	v20 =	vperm.xlane v17, v5;
	v19 =	vadd.s32 v3, v19;
	_ =	sdelay $0x1  }
0x1df: {  	s10 =	simm.s32 $0x5A00;
	v21 =	vperm.xlane v17, v1;
	v20 =	vadd.s32 v3, v20  }
0x1e0: {  	[tilespmem:s10], [sflag:$0x2] =	stream.indirect_vreg.gather [hbm4b:s6+s9], $0x80, v18, vm0, $0xb8;
	[tilespmem:$0x9680] =	vst v63  }
0x1e1: {  	v18 =	vadd.s32 v3, v21;
	v21 =	vperm.xlane v17, v6;
	s10 =	simm.s32 $0x5A80  }
0x1e2: {  	[tilespmem:s10], [sflag:$0x2] =	stream.indirect_vreg.gather [hbm4b:s6+s9], $0x80, v19, vm0, $0xb8;
	[tilespmem:$0x9680] =	vst v63  }
0x1e3: {  	v19 =	vadd.s32 v3, v21;
	v21 =	vperm.xlane v17, v7;
	s10 =	simm.s32 $0x5B00  }
0x1e4: {  	[tilespmem:s10], [sflag:$0x2] =	stream.indirect_vreg.gather [hbm4b:s6+s9], $0x80, v20, vm0, $0xb8;
	[tilespmem:$0x9680] =	vst v63  }
0x1e5: {  	v20 =	vadd.s32 v3, v21;
	v21 =	vperm.xlane v17, v8;
	s10 =	simm.s32 $0x5B80  }
0x1e6: {  	[tilespmem:s10], [sflag:$0x2] =	stream.indirect_vreg.gather [hbm4b:s6+s9], $0x80, v18, vm0, $0xb8;
	[tilespmem:$0x9680] =	vst v63  }
0x1e7: {  	v18 =	vadd.s32 v3, v21;
	v21 =	vperm.xlane v17, v0;
	s10 =	simm.s32 $0x5C00  }
0x1e8: {  	[tilespmem:s10], [sflag:$0x2] =	stream.indirect_vreg.gather [hbm4b:s6+s9], $0x80, v19, vm0, $0xb8;
	[tilespmem:$0x9680] =	vst v63  }
0x1e9: {  	v19 =	vadd.s32 v3, v21;
	v21 =	vperm.xlane v17, v9;
	s10 =	simm.s32 $0x5C80  }
0x1ea: {  	[tilespmem:s10], [sflag:$0x2] =	stream.indirect_vreg.gather [hbm4b:s6+s9], $0x80, v20, vm0, $0xb8;
	[tilespmem:$0x9680] =	vst v63  }
0x1eb: {  	v20 =	vadd.s32 v3, v21;
	v21 =	vperm.xlane v17, v10;
	s10 =	simm.s32 $0x5D00  }
0x1ec: {  	[tilespmem:s10], [sflag:$0x2] =	stream.indirect_vreg.gather [hbm4b:s6+s9], $0x80, v18, vm0, $0xb8;
	[tilespmem:$0x9680] =	vst v63  }
0x1ed: {  	v18 =	vadd.s32 v3, v21;
	v21 =	vperm.xlane v17, v11;
	s10 =	simm.s32 $0x5D80  }
0x1ee: {  	[tilespmem:s10], [sflag:$0x2] =	stream.indirect_vreg.gather [hbm4b:s6+s9], $0x80, v19, vm0, $0xb8;
	[tilespmem:$0x9680] =	vst v63  }
0x1ef: {  	v19 =	vadd.s32 v3, v21;
	v21 =	vperm.xlane v17, v12;
	s10 =	simm.s32 $0x5E00  }
0x1f0: {  	[tilespmem:s10], [sflag:$0x2] =	stream.indirect_vreg.gather [hbm4b:s6+s9], $0x80, v20, vm0, $0xb8;
	[tilespmem:$0x9680] =	vst v63  }
0x1f1: {  	v20 =	vadd.s32 v3, v21;
	v21 =	vperm.xlane v17, v13;
	s10 =	simm.s32 $0x5E80  }
0x1f2: {  	[tilespmem:s10], [sflag:$0x2] =	stream.indirect_vreg.gather [hbm4b:s6+s9], $0x80, v18, vm0, $0xb8;
	[tilespmem:$0x9680] =	vst v63  }
0x1f3: {  	v18 =	vadd.s32 v3, v21;
	v21 =	vperm.xlane v17, v14;
	s10 =	simm.s32 $0x5F00  }
0x1f4: {  	[tilespmem:s10], [sflag:$0x2] =	stream.indirect_vreg.gather [hbm4b:s6+s9], $0x80, v19, vm0, $0xb8;
	[tilespmem:$0x9680] =	vst v63  }
0x1f5: {  	v19 =	vadd.s32 v3, v21;
	v21 =	vperm.xlane v17, v15;
	s10 =	simm.s32 $0x5F80  }
0x1f6: {  	[tilespmem:s10], [sflag:$0x2] =	stream.indirect_vreg.gather [hbm4b:s6+s9], $0x80, v20, vm0, $0xb8;
	[tilespmem:$0x9680] =	vst v63  }
0x1f7: {  	v17 =	vperm.xlane v17, v16;
	v20 =	vadd.s32 v3, v21;
	s10 =	simm.s32 $0x6000  }
0x1f8: {  	[tilespmem:s10], [sflag:$0x2] =	stream.indirect_vreg.gather [hbm4b:s6+s9], $0x80, v18, vm0, $0xb8;
	[tilespmem:$0x9680] =	vst v63  }
0x1f9: {  	v17 =	vadd.s32 v3, v17;
	s10 =	simm.s32 $0x6080  }
0x1fa: {  	[tilespmem:s10], [sflag:$0x2] =	stream.indirect_vreg.gather [hbm4b:s6+s9], $0x80, v19, vm0, $0xb8;
	[tilespmem:$0x9680] =	vst v63  }
0x1fb: {  	s10 =	simm.s32 $0x6100  }
0x1fc: {  	[tilespmem:s10], [sflag:$0x2] =	stream.indirect_vreg.gather [hbm4b:s6+s9], $0x80, v20, vm0, $0xb8;
	[tilespmem:$0x9680] =	vst v63  }
0x1fd: {  	s10 =	simm.s32 $0x6180  }
0x1fe: {  	[tilespmem:s10], [sflag:$0x2] =	stream.indirect_vreg.gather [hbm4b:s6+s9], $0x80, v17, vm0, $0xb8;
	[tilespmem:$0x9680] =	vst v63  }
0x1ff: {  	v17 =	vld [tilespmem:s24+$0x40];
	_ =	sdelay $0x4  }
0x200: {  	v18 =	vshll.u32 v17, $0x3  }
0x201: {  	v17 =	vand.u32 $0x7, v17;
	v18 =	vand.u32 $0xFFFFFFC0, v18  }
0x202: {  	v17 =	vor.u32 v17, v18  }
0x203: {  	v18 =	vperm.xlane v17, v2;
	_ =	sdelay $0x1  }
0x204: {  	v19 =	vperm.xlane v17, v4;
	v18 =	vadd.s32 v3, v18;
	_ =	sdelay $0x1  }
0x205: {  	v20 =	vperm.xlane v17, v5;
	v19 =	vadd.s32 v3, v19;
	_ =	sdelay $0x1  }
0x206: {  	s10 =	simm.s32 $0x6200;
	v21 =	vperm.xlane v17, v1;
	v20 =	vadd.s32 v3, v20  }
0x207: {  	[tilespmem:s10], [sflag:$0x2] =	stream.indirect_vreg.gather [hbm4b:s6+s9], $0x80, v18, vm0, $0xb8;
	[tilespmem:$0x9680] =	vst v63  }
0x208: {  	v18 =	vadd.s32 v3, v21;
	v21 =	vperm.xlane v17, v6;
	s10 =	simm.s32 $0x6280  }
0x209: {  	[tilespmem:s10], [sflag:$0x2] =	stream.indirect_vreg.gather [hbm4b:s6+s9], $0x80, v19, vm0, $0xb8;
	[tilespmem:$0x9680] =	vst v63  }
0x20a: {  	v19 =	vadd.s32 v3, v21;
	v21 =	vperm.xlane v17, v7;
	s10 =	simm.s32 $0x6300  }
0x20b: {  	[tilespmem:s10], [sflag:$0x2] =	stream.indirect_vreg.gather [hbm4b:s6+s9], $0x80, v20, vm0, $0xb8;
	[tilespmem:$0x9680] =	vst v63  }
0x20c: {  	v20 =	vadd.s32 v3, v21;
	v21 =	vperm.xlane v17, v8;
	s10 =	simm.s32 $0x6380  }
0x20d: {  	[tilespmem:s10], [sflag:$0x2] =	stream.indirect_vreg.gather [hbm4b:s6+s9], $0x80, v18, vm0, $0xb8;
	[tilespmem:$0x9680] =	vst v63  }
0x20e: {  	v18 =	vadd.s32 v3, v21;
	v21 =	vperm.xlane v17, v0;
	s10 =	simm.s32 $0x6400  }
0x20f: {  	[tilespmem:s10], [sflag:$0x2] =	stream.indirect_vreg.gather [hbm4b:s6+s9], $0x80, v19, vm0, $0xb8;
	[tilespmem:$0x9680] =	vst v63  }
0x210: {  	v19 =	vadd.s32 v3, v21;
	v21 =	vperm.xlane v17, v9;
	s10 =	simm.s32 $0x6480  }
0x211: {  	[tilespmem:s10], [sflag:$0x2] =	stream.indirect_vreg.gather [hbm4b:s6+s9], $0x80, v20, vm0, $0xb8;
	[tilespmem:$0x9680] =	vst v63  }
0x212: {  	v20 =	vadd.s32 v3, v21;
	v21 =	vperm.xlane v17, v10;
	s10 =	simm.s32 $0x6500  }
0x213: {  	[tilespmem:s10], [sflag:$0x2] =	stream.indirect_vreg.gather [hbm4b:s6+s9], $0x80, v18, vm0, $0xb8;
	[tilespmem:$0x9680] =	vst v63  }
0x214: {  	v18 =	vadd.s32 v3, v21;
	v21 =	vperm.xlane v17, v11;
	s10 =	simm.s32 $0x6580  }
0x215: {  	[tilespmem:s10], [sflag:$0x2] =	stream.indirect_vreg.gather [hbm4b:s6+s9], $0x80, v19, vm0, $0xb8;
	[tilespmem:$0x9680] =	vst v63  }
0x216: {  	v19 =	vadd.s32 v3, v21;
	v21 =	vperm.xlane v17, v12;
	s10 =	simm.s32 $0x6600  }
0x217: {  	[tilespmem:s10], [sflag:$0x2] =	stream.indirect_vreg.gather [hbm4b:s6+s9], $0x80, v20, vm0, $0xb8;
	[tilespmem:$0x9680] =	vst v63  }
0x218: {  	v20 =	vadd.s32 v3, v21;
	v21 =	vperm.xlane v17, v13;
	s10 =	simm.s32 $0x6680  }
0x219: {  	[tilespmem:s10], [sflag:$0x2] =	stream.indirect_vreg.gather [hbm4b:s6+s9], $0x80, v18, vm0, $0xb8;
	[tilespmem:$0x9680] =	vst v63  }
0x21a: {  	v18 =	vadd.s32 v3, v21;
	v21 =	vperm.xlane v17, v14;
	s10 =	simm.s32 $0x6700  }
0x21b: {  	[tilespmem:s10], [sflag:$0x2] =	stream.indirect_vreg.gather [hbm4b:s6+s9], $0x80, v19, vm0, $0xb8;
	[tilespmem:$0x9680] =	vst v63  }
0x21c: {  	v19 =	vadd.s32 v3, v21;
	v21 =	vperm.xlane v17, v15;
	s10 =	simm.s32 $0x6780  }
0x21d: {  	[tilespmem:s10], [sflag:$0x2] =	stream.indirect_vreg.gather [hbm4b:s6+s9], $0x80, v20, vm0, $0xb8;
	[tilespmem:$0x9680] =	vst v63  }
0x21e: {  	v17 =	vperm.xlane v17, v16;
	v20 =	vadd.s32 v3, v21;
	s10 =	simm.s32 $0x6800  }
0x21f: {  	[tilespmem:s10], [sflag:$0x2] =	stream.indirect_vreg.gather [hbm4b:s6+s9], $0x80, v18, vm0, $0xb8;
	[tilespmem:$0x9680] =	vst v63  }
0x220: {  	v17 =	vadd.s32 v3, v17;
	s10 =	simm.s32 $0x6880  }
0x221: {  	[tilespmem:s10], [sflag:$0x2] =	stream.indirect_vreg.gather [hbm4b:s6+s9], $0x80, v19, vm0, $0xb8;
	[tilespmem:$0x9680] =	vst v63  }
0x222: {  	s10 =	simm.s32 $0x6900  }
0x223: {  	[tilespmem:s10], [sflag:$0x2] =	stream.indirect_vreg.gather [hbm4b:s6+s9], $0x80, v20, vm0, $0xb8;
	[tilespmem:$0x9680] =	vst v63  }
0x224: {  	s10 =	simm.s32 $0x6980  }
0x225: {  	[tilespmem:s10], [sflag:$0x2] =	stream.indirect_vreg.gather [hbm4b:s6+s9], $0x80, v17, vm0, $0xb8;
	[tilespmem:$0x9680] =	vst v63  }
0x226: {  	v17 =	vld [tilespmem:s24+$0x50];
	_ =	sdelay $0x4  }
0x227: {  	v18 =	vshll.u32 v17, $0x3  }
0x228: {  	v17 =	vand.u32 $0x7, v17;
	v18 =	vand.u32 $0xFFFFFFC0, v18  }
0x229: {  	v17 =	vor.u32 v17, v18  }
0x22a: {  	v18 =	vperm.xlane v17, v2;
	_ =	sdelay $0x1  }
0x22b: {  	v19 =	vperm.xlane v17, v4;
	v18 =	vadd.s32 v3, v18;
	_ =	sdelay $0x1  }
0x22c: {  	v20 =	vperm.xlane v17, v5;
	v19 =	vadd.s32 v3, v19;
	_ =	sdelay $0x1  }
0x22d: {  	s10 =	simm.s32 $0x6A00;
	v21 =	vperm.xlane v17, v1;
	v20 =	vadd.s32 v3, v20  }
0x22e: {  	[tilespmem:s10], [sflag:$0x2] =	stream.indirect_vreg.gather [hbm4b:s6+s9], $0x80, v18, vm0, $0xb8;
	[tilespmem:$0x9680] =	vst v63  }
0x22f: {  	v18 =	vadd.s32 v3, v21;
	v21 =	vperm.xlane v17, v6;
	s10 =	simm.s32 $0x6A80  }
0x230: {  	[tilespmem:s10], [sflag:$0x2] =	stream.indirect_vreg.gather [hbm4b:s6+s9], $0x80, v19, vm0, $0xb8;
	[tilespmem:$0x9680] =	vst v63  }
0x231: {  	v19 =	vadd.s32 v3, v21;
	v21 =	vperm.xlane v17, v7;
	s10 =	simm.s32 $0x6B00  }
0x232: {  	[tilespmem:s10], [sflag:$0x2] =	stream.indirect_vreg.gather [hbm4b:s6+s9], $0x80, v20, vm0, $0xb8;
	[tilespmem:$0x9680] =	vst v63  }
0x233: {  	v20 =	vadd.s32 v3, v21;
	v21 =	vperm.xlane v17, v8;
	s10 =	simm.s32 $0x6B80  }
0x234: {  	[tilespmem:s10], [sflag:$0x2] =	stream.indirect_vreg.gather [hbm4b:s6+s9], $0x80, v18, vm0, $0xb8;
	[tilespmem:$0x9680] =	vst v63  }
0x235: {  	v18 =	vadd.s32 v3, v21;
	v21 =	vperm.xlane v17, v0;
	s10 =	simm.s32 $0x6C00  }
0x236: {  	[tilespmem:s10], [sflag:$0x2] =	stream.indirect_vreg.gather [hbm4b:s6+s9], $0x80, v19, vm0, $0xb8;
	[tilespmem:$0x9680] =	vst v63  }
0x237: {  	v19 =	vadd.s32 v3, v21;
	v21 =	vperm.xlane v17, v9;
	s10 =	simm.s32 $0x6C80  }
0x238: {  	[tilespmem:s10], [sflag:$0x2] =	stream.indirect_vreg.gather [hbm4b:s6+s9], $0x80, v20, vm0, $0xb8;
	[tilespmem:$0x9680] =	vst v63  }
0x239: {  	v20 =	vadd.s32 v3, v21;
	v21 =	vperm.xlane v17, v10;
	s10 =	simm.s32 $0x6D00  }
0x23a: {  	[tilespmem:s10], [sflag:$0x2] =	stream.indirect_vreg.gather [hbm4b:s6+s9], $0x80, v18, vm0, $0xb8;
	[tilespmem:$0x9680] =	vst v63  }
0x23b: {  	v18 =	vadd.s32 v3, v21;
	v21 =	vperm.xlane v17, v11;
	s10 =	simm.s32 $0x6D80  }
0x23c: {  	[tilespmem:s10], [sflag:$0x2] =	stream.indirect_vreg.gather [hbm4b:s6+s9], $0x80, v19, vm0, $0xb8;
	[tilespmem:$0x9680] =	vst v63  }
0x23d: {  	v19 =	vadd.s32 v3, v21;
	v21 =	vperm.xlane v17, v12;
	s10 =	simm.s32 $0x6E00  }
0x23e: {  	[tilespmem:s10], [sflag:$0x2] =	stream.indirect_vreg.gather [hbm4b:s6+s9], $0x80, v20, vm0, $0xb8;
	[tilespmem:$0x9680] =	vst v63  }
0x23f: {  	v20 =	vadd.s32 v3, v21;
	v21 =	vperm.xlane v17, v13;
	s10 =	simm.s32 $0x6E80  }
0x240: {  	[tilespmem:s10], [sflag:$0x2] =	stream.indirect_vreg.gather [hbm4b:s6+s9], $0x80, v18, vm0, $0xb8;
	[tilespmem:$0x9680] =	vst v63  }
0x241: {  	v18 =	vadd.s32 v3, v21;
	v21 =	vperm.xlane v17, v14;
	s10 =	simm.s32 $0x6F00  }
0x242: {  	[tilespmem:s10], [sflag:$0x2] =	stream.indirect_vreg.gather [hbm4b:s6+s9], $0x80, v19, vm0, $0xb8;
	[tilespmem:$0x9680] =	vst v63  }
0x243: {  	v19 =	vadd.s32 v3, v21;
	v21 =	vperm.xlane v17, v15;
	s10 =	simm.s32 $0x6F80  }
0x244: {  	[tilespmem:s10], [sflag:$0x2] =	stream.indirect_vreg.gather [hbm4b:s6+s9], $0x80, v20, vm0, $0xb8;
	[tilespmem:$0x9680] =	vst v63  }
0x245: {  	v17 =	vperm.xlane v17, v16;
	v20 =	vadd.s32 v3, v21;
	s10 =	simm.s32 $0x7000  }
0x246: {  	[tilespmem:s10], [sflag:$0x2] =	stream.indirect_vreg.gather [hbm4b:s6+s9], $0x80, v18, vm0, $0xb8;
	[tilespmem:$0x9680] =	vst v63  }
0x247: {  	v17 =	vadd.s32 v3, v17;
	s10 =	simm.s32 $0x7080  }
0x248: {  	[tilespmem:s10], [sflag:$0x2] =	stream.indirect_vreg.gather [hbm4b:s6+s9], $0x80, v19, vm0, $0xb8;
	[tilespmem:$0x9680] =	vst v63  }
0x249: {  	s10 =	simm.s32 $0x7100  }
0x24a: {  	[tilespmem:s10], [sflag:$0x2] =	stream.indirect_vreg.gather [hbm4b:s6+s9], $0x80, v20, vm0, $0xb8;
	[tilespmem:$0x9680] =	vst v63  }
0x24b: {  	s10 =	simm.s32 $0x7180  }
0x24c: {  	[tilespmem:s10], [sflag:$0x2] =	stream.indirect_vreg.gather [hbm4b:s6+s9], $0x80, v17, vm0, $0xb8;
	[tilespmem:$0x9680] =	vst v63  }
0x24d: {  	v17 =	vld [tilespmem:s24+$0x60];
	_ =	sdelay $0x4  }
0x24e: {  	v18 =	vshll.u32 v17, $0x3  }
0x24f: {  	v17 =	vand.u32 $0x7, v17;
	v18 =	vand.u32 $0xFFFFFFC0, v18  }
0x250: {  	v17 =	vor.u32 v17, v18  }
0x251: {  	v18 =	vperm.xlane v17, v2;
	_ =	sdelay $0x1  }
0x252: {  	v19 =	vperm.xlane v17, v4;
	v18 =	vadd.s32 v3, v18;
	_ =	sdelay $0x1  }
0x253: {  	v20 =	vperm.xlane v17, v5;
	v19 =	vadd.s32 v3, v19;
	_ =	sdelay $0x1  }
0x254: {  	s10 =	simm.s32 $0x7200;
	v21 =	vperm.xlane v17, v1;
	v20 =	vadd.s32 v3, v20  }
0x255: {  	[tilespmem:s10], [sflag:$0x2] =	stream.indirect_vreg.gather [hbm4b:s6+s9], $0x80, v18, vm0, $0xb8;
	[tilespmem:$0x9680] =	vst v63  }
0x256: {  	v18 =	vadd.s32 v3, v21;
	v21 =	vperm.xlane v17, v6;
	s10 =	simm.s32 $0x7280  }
0x257: {  	[tilespmem:s10], [sflag:$0x2] =	stream.indirect_vreg.gather [hbm4b:s6+s9], $0x80, v19, vm0, $0xb8;
	[tilespmem:$0x9680] =	vst v63  }
0x258: {  	v19 =	vadd.s32 v3, v21;
	v21 =	vperm.xlane v17, v7;
	s10 =	simm.s32 $0x7300  }
0x259: {  	[tilespmem:s10], [sflag:$0x2] =	stream.indirect_vreg.gather [hbm4b:s6+s9], $0x80, v20, vm0, $0xb8;
	[tilespmem:$0x9680] =	vst v63  }
0x25a: {  	v20 =	vadd.s32 v3, v21;
	v21 =	vperm.xlane v17, v8;
	s10 =	simm.s32 $0x7380  }
0x25b: {  	[tilespmem:s10], [sflag:$0x2] =	stream.indirect_vreg.gather [hbm4b:s6+s9], $0x80, v18, vm0, $0xb8;
	[tilespmem:$0x9680] =	vst v63  }
0x25c: {  	v18 =	vadd.s32 v3, v21;
	v21 =	vperm.xlane v17, v0;
	s10 =	simm.s32 $0x7400  }
0x25d: {  	[tilespmem:s10], [sflag:$0x2] =	stream.indirect_vreg.gather [hbm4b:s6+s9], $0x80, v19, vm0, $0xb8;
	[tilespmem:$0x9680] =	vst v63  }
0x25e: {  	v19 =	vadd.s32 v3, v21;
	v21 =	vperm.xlane v17, v9;
	s10 =	simm.s32 $0x7480  }
0x25f: {  	[tilespmem:s10], [sflag:$0x2] =	stream.indirect_vreg.gather [hbm4b:s6+s9], $0x80, v20, vm0, $0xb8;
	[tilespmem:$0x9680] =	vst v63  }
0x260: {  	v20 =	vadd.s32 v3, v21;
	v21 =	vperm.xlane v17, v10;
	s10 =	simm.s32 $0x7500  }
0x261: {  	[tilespmem:s10], [sflag:$0x2] =	stream.indirect_vreg.gather [hbm4b:s6+s9], $0x80, v18, vm0, $0xb8;
	[tilespmem:$0x9680] =	vst v63  }
0x262: {  	v18 =	vadd.s32 v3, v21;
	v21 =	vperm.xlane v17, v11;
	s10 =	simm.s32 $0x7580  }
0x263: {  	[tilespmem:s10], [sflag:$0x2] =	stream.indirect_vreg.gather [hbm4b:s6+s9], $0x80, v19, vm0, $0xb8;
	[tilespmem:$0x9680] =	vst v63  }
0x264: {  	v19 =	vadd.s32 v3, v21;
	v21 =	vperm.xlane v17, v12;
	s10 =	simm.s32 $0x7600  }
0x265: {  	[tilespmem:s10], [sflag:$0x2] =	stream.indirect_vreg.gather [hbm4b:s6+s9], $0x80, v20, vm0, $0xb8;
	[tilespmem:$0x9680] =	vst v63  }
0x266: {  	v20 =	vadd.s32 v3, v21;
	v21 =	vperm.xlane v17, v13;
	s10 =	simm.s32 $0x7680  }
0x267: {  	[tilespmem:s10], [sflag:$0x2] =	stream.indirect_vreg.gather [hbm4b:s6+s9], $0x80, v18, vm0, $0xb8;
	[tilespmem:$0x9680] =	vst v63  }
0x268: {  	v18 =	vadd.s32 v3, v21;
	v21 =	vperm.xlane v17, v14;
	s10 =	simm.s32 $0x7700  }
0x269: {  	[tilespmem:s10], [sflag:$0x2] =	stream.indirect_vreg.gather [hbm4b:s6+s9], $0x80, v19, vm0, $0xb8;
	[tilespmem:$0x9680] =	vst v63  }
0x26a: {  	v19 =	vadd.s32 v3, v21;
	v21 =	vperm.xlane v17, v15;
	s10 =	simm.s32 $0x7780  }
0x26b: {  	[tilespmem:s10], [sflag:$0x2] =	stream.indirect_vreg.gather [hbm4b:s6+s9], $0x80, v20, vm0, $0xb8;
	[tilespmem:$0x9680] =	vst v63  }
0x26c: {  	v17 =	vperm.xlane v17, v16;
	v20 =	vadd.s32 v3, v21;
	s10 =	simm.s32 $0x7800  }
0x26d: {  	[tilespmem:s10], [sflag:$0x2] =	stream.indirect_vreg.gather [hbm4b:s6+s9], $0x80, v18, vm0, $0xb8;
	[tilespmem:$0x9680] =	vst v63  }
0x26e: {  	v17 =	vadd.s32 v3, v17;
	s10 =	simm.s32 $0x7880  }
0x26f: {  	[tilespmem:s10], [sflag:$0x2] =	stream.indirect_vreg.gather [hbm4b:s6+s9], $0x80, v19, vm0, $0xb8;
	[tilespmem:$0x9680] =	vst v63  }
0x270: {  	s10 =	simm.s32 $0x7900  }
0x271: {  	[tilespmem:s10], [sflag:$0x2] =	stream.indirect_vreg.gather [hbm4b:s6+s9], $0x80, v20, vm0, $0xb8;
	[tilespmem:$0x9680] =	vst v63  }
0x272: {  	_ = 	snop  }
0x273: {  	[tilespmem:s18], [sflag:$0x2] =	stream.indirect_vreg.gather [hbm4b:s6+s9], $0x80, v17, vm0, $0xb8;
	[tilespmem:$0x9680] =	vst v63  }
0x274: {  	v17 =	vld [tilespmem:s24+$0x70];
	_ =	sdelay $0x4  }
0x275: {  	v18 =	vshll.u32 v17, $0x3  }
0x276: {  	v17 =	vand.u32 $0x7, v17;
	v18 =	vand.u32 $0xFFFFFFC0, v18  }
0x277: {  	v17 =	vor.u32 v17, v18  }
0x278: {  	v18 =	vperm.xlane v17, v2;
	_ =	sdelay $0x1  }
0x279: {  	v19 =	vperm.xlane v17, v4;
	v18 =	vadd.s32 v3, v18;
	_ =	sdelay $0x1  }
0x27a: {  	v20 =	vperm.xlane v17, v5;
	v19 =	vadd.s32 v3, v19;
	_ =	sdelay $0x1  }
0x27b: {  	v21 =	vperm.xlane v17, v1;
	v20 =	vadd.s32 v3, v20  }
0x27c: {  	[tilespmem:s5], [sflag:$0x2] =	stream.indirect_vreg.gather [hbm4b:s6+s9], $0x80, v18, vm0, $0xb8;
	[tilespmem:$0x9680] =	vst v63  }
0x27d: {  	v18 =	vadd.s32 v3, v21;
	v21 =	vperm.xlane v17, v6  }
0x27e: {  	[tilespmem:s28], [sflag:$0x2] =	stream.indirect_vreg.gather [hbm4b:s6+s9], $0x80, v19, vm0, $0xb8;
	[tilespmem:$0x9680] =	vst v63  }
0x27f: {  	v19 =	vadd.s32 v3, v21;
	v21 =	vperm.xlane v17, v7  }
0x280: {  	[tilespmem:s21], [sflag:$0x2] =	stream.indirect_vreg.gather [hbm4b:s6+s9], $0x80, v20, vm0, $0xb8;
	[tilespmem:$0x9680] =	vst v63  }
0x281: {  	v20 =	vadd.s32 v3, v21;
	v21 =	vperm.xlane v17, v8  }
0x282: {  	[tilespmem:s29], [sflag:$0x2] =	stream.indirect_vreg.gather [hbm4b:s6+s9], $0x80, v18, vm0, $0xb8;
	[tilespmem:$0x9680] =	vst v63  }
0x283: {  	v18 =	vadd.s32 v3, v21;
	v21 =	vperm.xlane v17, v0  }
0x284: {  	[tilespmem:s17], [sflag:$0x2] =	stream.indirect_vreg.gather [hbm4b:s6+s9], $0x80, v19, vm0, $0xb8;
	[tilespmem:$0x9680] =	vst v63  }
0x285: {  	v19 =	vadd.s32 v3, v21;
	v21 =	vperm.xlane v17, v9  }
0x286: {  	[tilespmem:s22], [sflag:$0x2] =	stream.indirect_vreg.gather [hbm4b:s6+s9], $0x80, v20, vm0, $0xb8;
	[tilespmem:$0x9680] =	vst v63  }
0x287: {  	v20 =	vadd.s32 v3, v21;
	v21 =	vperm.xlane v17, v10  }
0x288: {  	[tilespmem:s31], [sflag:$0x2] =	stream.indirect_vreg.gather [hbm4b:s6+s9], $0x80, v18, vm0, $0xb8;
	[tilespmem:$0x9680] =	vst v63  }
0x289: {  	v18 =	vadd.s32 v3, v21;
	v21 =	vperm.xlane v17, v11  }
0x28a: {  	[tilespmem:s19], [sflag:$0x2] =	stream.indirect_vreg.gather [hbm4b:s6+s9], $0x80, v19, vm0, $0xb8;
	[tilespmem:$0x9680] =	vst v63  }
0x28b: {  	v19 =	vadd.s32 v3, v21;
	v21 =	vperm.xlane v17, v12  }
0x28c: {  	[tilespmem:s0], [sflag:$0x2] =	stream.indirect_vreg.gather [hbm4b:s6+s9], $0x80, v20, vm0, $0xb8;
	[tilespmem:$0x9680] =	vst v63  }
0x28d: {  	v20 =	vadd.s32 v3, v21;
	v21 =	vperm.xlane v17, v13  }
0x28e: {  	[tilespmem:s23], [sflag:$0x2] =	stream.indirect_vreg.gather [hbm4b:s6+s9], $0x80, v18, vm0, $0xb8;
	[tilespmem:$0x9680] =	vst v63  }
0x28f: {  	v18 =	vadd.s32 v3, v21;
	v21 =	vperm.xlane v17, v14  }
0x290: {  	[tilespmem:s2], [sflag:$0x2] =	stream.indirect_vreg.gather [hbm4b:s6+s9], $0x80, v19, vm0, $0xb8;
	[tilespmem:$0x9680] =	vst v63  }
0x291: {  	v19 =	vadd.s32 v3, v21;
	v21 =	vperm.xlane v17, v15  }
0x292: {  	[tilespmem:s16], [sflag:$0x2] =	stream.indirect_vreg.gather [hbm4b:s6+s9], $0x80, v20, vm0, $0xb8;
	[tilespmem:$0x9680] =	vst v63  }
0x293: {  	v17 =	vperm.xlane v17, v16;
	v20 =	vadd.s32 v3, v21  }
0x294: {  	[tilespmem:s1], [sflag:$0x2] =	stream.indirect_vreg.gather [hbm4b:s6+s9], $0x80, v18, vm0, $0xb8;
	[tilespmem:$0x9680] =	vst v63  }
0x295: {  	v17 =	vadd.s32 v3, v17  }
0x296: {  	[tilespmem:s25], [sflag:$0x2] =	stream.indirect_vreg.gather [hbm4b:s6+s9], $0x80, v19, vm0, $0xb8;
	[tilespmem:$0x9680] =	vst v63  }
0x297: {  	_ = 	snop  }
0x298: {  	[tilespmem:s4], [sflag:$0x2] =	stream.indirect_vreg.gather [hbm4b:s6+s9], $0x80, v20, vm0, $0xb8;
	[tilespmem:$0x9680] =	vst v63  }
0x299: {  	s24 =	simm.s32 $0x0  }
0x29a: {  	[tilespmem:s20], [sflag:$0x2] =	stream.indirect_vreg.gather [hbm4b:s6+s9], $0x80, v17, vm0, $0xb8;
	[tilespmem:$0x9680] =	vst v63  }
0x29b: {  	v17 =	vld [tilespmem:s24+$0x200]  }
0x29c: {  	v18 =	vld [tilespmem:s24+$0x280];
	_ =	sdelay $0x1  }
0x29d: {  	v19 =	vld [tilespmem:s24+$0x300];
	_ =	sdelay $0x1  }
0x29e: {  	v20 =	vld [tilespmem:s24+$0x380]  }
0x29f: {  	v17 =	vadd.f32 v18, v17  }
0x2a0: {  	v18 =	vld [tilespmem:s24+$0x400]  }
0x2a1: {  	v17 =	vadd.f32 v19, v17  }
0x2a2: {  	v19 =	vld [tilespmem:s24+$0x480]  }
0x2a3: {  	v17 =	vadd.f32 v20, v17  }
0x2a4: {  	v20 =	vld [tilespmem:s24+$0x500]  }
0x2a5: {  	v17 =	vadd.f32 v18, v17  }
0x2a6: {  	v18 =	vld [tilespmem:s24+$0x580]  }
0x2a7: {  	v17 =	vadd.f32 v19, v17  }
0x2a8: {  	v19 =	vld [tilespmem:s24+$0x600]  }
0x2a9: {  	v17 =	vadd.f32 v20, v17  }
0x2aa: {  	v20 =	vld [tilespmem:s24+$0x680]  }
0x2ab: {  	v17 =	vadd.f32 v18, v17  }
0x2ac: {  	v18 =	vld [tilespmem:s24+$0x700]  }
0x2ad: {  	v17 =	vadd.f32 v19, v17  }
0x2ae: {  	v19 =	vld [tilespmem:s24+$0x780]  }
0x2af: {  	v17 =	vadd.f32 v20, v17  }
0x2b0: {  	v20 =	vld [tilespmem:s24+$0x800]  }
0x2b1: {  	v17 =	vadd.f32 v18, v17  }
0x2b2: {  	v18 =	vld [tilespmem:s24+$0x880]  }
0x2b3: {  	v17 =	vadd.f32 v19, v17  }
0x2b4: {  	v19 =	vld [tilespmem:s24+$0x900]  }
0x2b5: {  	v17 =	vadd.f32 v20, v17  }
0x2b6: {  	v20 =	vld [tilespmem:s24+$0x980]  }
0x2b7: {  	v17 =	vadd.f32 v18, v17  }
0x2b8: {  	v18 =	vld [tilespmem:s24+$0xA00]  }
0x2b9: {  	v17 =	vadd.f32 v19, v17  }
0x2ba: {  	v19 =	vld [tilespmem:s24+$0xA80]  }
0x2bb: {  	v17 =	vadd.f32 v20, v17  }
0x2bc: {  	v20 =	vld [tilespmem:s24+$0xB00]  }
0x2bd: {  	v17 =	vadd.f32 v18, v17  }
0x2be: {  	v18 =	vld [tilespmem:s24+$0xB80]  }
0x2bf: {  	v17 =	vadd.f32 v19, v17  }
0x2c0: {  	v19 =	vld [tilespmem:s24+$0xC00]  }
0x2c1: {  	v17 =	vadd.f32 v20, v17  }
0x2c2: {  	v20 =	vld [tilespmem:s24+$0xC80]  }
0x2c3: {  	v17 =	vadd.f32 v18, v17  }
0x2c4: {  	v18 =	vld [tilespmem:s24+$0xD00]  }
0x2c5: {  	v17 =	vadd.f32 v19, v17  }
0x2c6: {  	v19 =	vld [tilespmem:s24+$0xD80]  }
0x2c7: {  	v17 =	vadd.f32 v20, v17  }
0x2c8: {  	v20 =	vld [tilespmem:s24+$0xE00]  }
0x2c9: {  	v17 =	vadd.f32 v18, v17  }
0x2ca: {  	v18 =	vld [tilespmem:s24+$0xE80]  }
0x2cb: {  	v17 =	vadd.f32 v19, v17  }
0x2cc: {  	v19 =	vld [tilespmem:s24+$0xF00]  }
0x2cd: {  	v17 =	vadd.f32 v20, v17  }
0x2ce: {  	v20 =	vld [tilespmem:s24+$0xF80]  }
0x2cf: {  	v17 =	vadd.f32 v18, v17  }
0x2d0: {  	v18 =	vld [tilespmem:s24+$0x1000]  }
0x2d1: {  	v17 =	vadd.f32 v19, v17  }
0x2d2: {  	v19 =	vld [tilespmem:s24+$0x1080]  }
0x2d3: {  	v17 =	vadd.f32 v20, v17  }
0x2d4: {  	v20 =	vld [tilespmem:s24+$0x1100]  }
0x2d5: {  	s10 =	sshll.u32 s8, $0xC;
	v17 =	vadd.f32 v18, v17  }
0x2d6: {  	s9 =	sshra.s32 s10, $0x2;
	v18 =	vld [tilespmem:s24+$0x1180]  }
0x2d7: {  	s9 =	sadd.s32 $0x8200, s9;
	v19 =	vadd.f32 v19, v17  }
0x2d8: {  	v17 =	vmov s9  }
0x2d9: {  	v19 =	vadd.f32 v20, v19;
	_ =	sdelay $0x1  }
0x2da: {  	v18 =	vadd.f32 v18, v19;
	_ =	sdelay $0x1  }
0x2db: {  	[tilespmem:v17+s24+$0x0 ss:$0x1] =	vst.idx.msk $0xffff, v18  }
0x2dc: {  	v18 =	vld [tilespmem:s24+$0x1200]  }
0x2dd: {  	v19 =	vld [tilespmem:s24+$0x1280];
	_ =	sdelay $0x1  }
0x2de: {  	v20 =	vld [tilespmem:s24+$0x1300];
	_ =	sdelay $0x1  }
0x2df: {  	v21 =	vld [tilespmem:s24+$0x1380]  }
0x2e0: {  	v18 =	vadd.f32 v19, v18  }
0x2e1: {  	v19 =	vld [tilespmem:s24+$0x1400]  }
0x2e2: {  	v18 =	vadd.f32 v20, v18  }
0x2e3: {  	v20 =	vld [tilespmem:s24+$0x1480]  }
0x2e4: {  	v18 =	vadd.f32 v21, v18  }
0x2e5: {  	v21 =	vld [tilespmem:s24+$0x1500]  }
0x2e6: {  	v18 =	vadd.f32 v19, v18  }
0x2e7: {  	v19 =	vld [tilespmem:s24+$0x1580]  }
0x2e8: {  	v18 =	vadd.f32 v20, v18  }
0x2e9: {  	v20 =	vld [tilespmem:s24+$0x1600]  }
0x2ea: {  	v18 =	vadd.f32 v21, v18  }
0x2eb: {  	v21 =	vld [tilespmem:s24+$0x1680]  }
0x2ec: {  	v18 =	vadd.f32 v19, v18  }
0x2ed: {  	v19 =	vld [tilespmem:s24+$0x1700]  }
0x2ee: {  	v18 =	vadd.f32 v20, v18  }
0x2ef: {  	v20 =	vld [tilespmem:s24+$0x1780]  }
0x2f0: {  	v18 =	vadd.f32 v21, v18  }
0x2f1: {  	v21 =	vld [tilespmem:s24+$0x1800]  }
0x2f2: {  	v18 =	vadd.f32 v19, v18  }
0x2f3: {  	v19 =	vld [tilespmem:s24+$0x1880]  }
0x2f4: {  	v18 =	vadd.f32 v20, v18  }
0x2f5: {  	v20 =	vld [tilespmem:s24+$0x1900]  }
0x2f6: {  	v18 =	vadd.f32 v21, v18  }
0x2f7: {  	v21 =	vld [tilespmem:s24+$0x1980]  }
0x2f8: {  	v18 =	vadd.f32 v19, v18  }
0x2f9: {  	v19 =	vld [tilespmem:s24+$0x1A00]  }
0x2fa: {  	v18 =	vadd.f32 v20, v18  }
0x2fb: {  	v20 =	vld [tilespmem:s24+$0x1A80]  }
0x2fc: {  	v18 =	vadd.f32 v21, v18  }
0x2fd: {  	v21 =	vld [tilespmem:s24+$0x1B00]  }
0x2fe: {  	v18 =	vadd.f32 v19, v18  }
0x2ff: {  	v19 =	vld [tilespmem:s24+$0x1B80]  }
0x300: {  	v18 =	vadd.f32 v20, v18  }
0x301: {  	v20 =	vld [tilespmem:s24+$0x1C00]  }
0x302: {  	v18 =	vadd.f32 v21, v18  }
0x303: {  	v21 =	vld [tilespmem:s24+$0x1C80]  }
0x304: {  	v18 =	vadd.f32 v19, v18  }
0x305: {  	v19 =	vld [tilespmem:s24+$0x1D00]  }
0x306: {  	v18 =	vadd.f32 v20, v18  }
0x307: {  	v20 =	vld [tilespmem:s24+$0x1D80]  }
0x308: {  	v18 =	vadd.f32 v21, v18  }
0x309: {  	v21 =	vld [tilespmem:s24+$0x1E00]  }
0x30a: {  	v18 =	vadd.f32 v19, v18  }
0x30b: {  	v19 =	vld [tilespmem:s24+$0x1E80]  }
0x30c: {  	v18 =	vadd.f32 v20, v18  }
0x30d: {  	v20 =	vld [tilespmem:s24+$0x1F00]  }
0x30e: {  	v18 =	vadd.f32 v21, v18  }
0x30f: {  	v21 =	vld [tilespmem:s24+$0x1F80]  }
0x310: {  	v18 =	vadd.f32 v19, v18  }
0x311: {  	v19 =	vld [tilespmem:s24+$0x2000]  }
0x312: {  	v18 =	vadd.f32 v20, v18  }
0x313: {  	v20 =	vld [tilespmem:s24+$0x2080]  }
0x314: {  	v18 =	vadd.f32 v21, v18  }
0x315: {  	v21 =	vld [tilespmem:s24+$0x2100]  }
0x316: {  	v18 =	vadd.f32 v19, v18  }
0x317: {  	v19 =	vld [tilespmem:s24+$0x2180]  }
0x318: {  	v18 =	vadd.f32 v20, v18;
	_ =	sdelay $0x1  }
0x319: {  	v18 =	vadd.f32 v21, v18;
	_ =	sdelay $0x1  }
0x31a: {  	v18 =	vadd.f32 v19, v18;
	_ =	sdelay $0x1  }
0x31b: {  	[tilespmem:v17+s24+$0x80 ss:$0x1] =	vst.idx.msk $0xffff, v18  }
0x31c: {  	v18 =	vld [tilespmem:s24+$0x2200]  }
0x31d: {  	v19 =	vld [tilespmem:s24+$0x2280];
	_ =	sdelay $0x1  }
0x31e: {  	v20 =	vld [tilespmem:s24+$0x2300];
	_ =	sdelay $0x1  }
0x31f: {  	v21 =	vld [tilespmem:s24+$0x2380]  }
0x320: {  	v18 =	vadd.f32 v19, v18  }
0x321: {  	v19 =	vld [tilespmem:s24+$0x2400]  }
0x322: {  	v18 =	vadd.f32 v20, v18  }
0x323: {  	v20 =	vld [tilespmem:s24+$0x2480]  }
0x324: {  	v18 =	vadd.f32 v21, v18  }
0x325: {  	v21 =	vld [tilespmem:s24+$0x2500]  }
0x326: {  	v18 =	vadd.f32 v19, v18  }
0x327: {  	v19 =	vld [tilespmem:s24+$0x2580]  }
0x328: {  	v18 =	vadd.f32 v20, v18  }
0x329: {  	v20 =	vld [tilespmem:s24+$0x2600]  }
0x32a: {  	v18 =	vadd.f32 v21, v18  }
0x32b: {  	v21 =	vld [tilespmem:s24+$0x2680]  }
0x32c: {  	v18 =	vadd.f32 v19, v18  }
0x32d: {  	v19 =	vld [tilespmem:s24+$0x2700]  }
0x32e: {  	v18 =	vadd.f32 v20, v18  }
0x32f: {  	v20 =	vld [tilespmem:s24+$0x2780]  }
0x330: {  	v18 =	vadd.f32 v21, v18  }
0x331: {  	v21 =	vld [tilespmem:s24+$0x2800]  }
0x332: {  	v18 =	vadd.f32 v19, v18  }
0x333: {  	v19 =	vld [tilespmem:s24+$0x2880]  }
0x334: {  	v18 =	vadd.f32 v20, v18  }
0x335: {  	v20 =	vld [tilespmem:s24+$0x2900]  }
0x336: {  	v18 =	vadd.f32 v21, v18  }
0x337: {  	v21 =	vld [tilespmem:s24+$0x2980]  }
0x338: {  	v18 =	vadd.f32 v19, v18  }
0x339: {  	v19 =	vld [tilespmem:s24+$0x2A00]  }
0x33a: {  	v18 =	vadd.f32 v20, v18  }
0x33b: {  	v20 =	vld [tilespmem:s24+$0x2A80]  }
0x33c: {  	v18 =	vadd.f32 v21, v18  }
0x33d: {  	v21 =	vld [tilespmem:s24+$0x2B00]  }
0x33e: {  	v18 =	vadd.f32 v19, v18  }
0x33f: {  	v19 =	vld [tilespmem:s24+$0x2B80]  }
0x340: {  	v18 =	vadd.f32 v20, v18  }
0x341: {  	v20 =	vld [tilespmem:s24+$0x2C00]  }
0x342: {  	v18 =	vadd.f32 v21, v18  }
0x343: {  	v21 =	vld [tilespmem:s24+$0x2C80]  }
0x344: {  	v18 =	vadd.f32 v19, v18  }
0x345: {  	v19 =	vld [tilespmem:s24+$0x2D00]  }
0x346: {  	v18 =	vadd.f32 v20, v18  }
0x347: {  	v20 =	vld [tilespmem:s24+$0x2D80]  }
0x348: {  	v18 =	vadd.f32 v21, v18  }
0x349: {  	v21 =	vld [tilespmem:s24+$0x2E00]  }
0x34a: {  	v18 =	vadd.f32 v19, v18  }
0x34b: {  	v19 =	vld [tilespmem:s24+$0x2E80]  }
0x34c: {  	v18 =	vadd.f32 v20, v18  }
0x34d: {  	v20 =	vld [tilespmem:s24+$0x2F00]  }
0x34e: {  	v18 =	vadd.f32 v21, v18  }
0x34f: {  	v21 =	vld [tilespmem:s24+$0x2F80]  }
0x350: {  	v18 =	vadd.f32 v19, v18  }
0x351: {  	v19 =	vld [tilespmem:s24+$0x3000]  }
0x352: {  	v18 =	vadd.f32 v20, v18  }
0x353: {  	v20 =	vld [tilespmem:s24+$0x3080]  }
0x354: {  	v18 =	vadd.f32 v21, v18  }
0x355: {  	v21 =	vld [tilespmem:s24+$0x3100]  }
0x356: {  	v18 =	vadd.f32 v19, v18  }
0x357: {  	v19 =	vld [tilespmem:s24+$0x3180]  }
0x358: {  	v18 =	vadd.f32 v20, v18;
	_ =	sdelay $0x1  }
0x359: {  	v18 =	vadd.f32 v21, v18;
	_ =	sdelay $0x1  }
0x35a: {  	v18 =	vadd.f32 v19, v18;
	_ =	sdelay $0x1  }
0x35b: {  	[tilespmem:v17+s24+$0x100 ss:$0x1] =	vst.idx.msk $0xffff, v18  }
0x35c: {  	v18 =	vld [tilespmem:s24+$0x3200]  }
0x35d: {  	v19 =	vld [tilespmem:s24+$0x3280];
	_ =	sdelay $0x1  }
0x35e: {  	v20 =	vld [tilespmem:s24+$0x3300];
	_ =	sdelay $0x1  }
0x35f: {  	v21 =	vld [tilespmem:s24+$0x3380]  }
0x360: {  	v18 =	vadd.f32 v19, v18  }
0x361: {  	v19 =	vld [tilespmem:s24+$0x3400]  }
0x362: {  	v18 =	vadd.f32 v20, v18  }
0x363: {  	v20 =	vld [tilespmem:s24+$0x3480]  }
0x364: {  	v18 =	vadd.f32 v21, v18  }
0x365: {  	v21 =	vld [tilespmem:s24+$0x3500]  }
0x366: {  	v18 =	vadd.f32 v19, v18  }
0x367: {  	v19 =	vld [tilespmem:s24+$0x3580]  }
0x368: {  	v18 =	vadd.f32 v20, v18  }
0x369: {  	v20 =	vld [tilespmem:s24+$0x3600]  }
0x36a: {  	v18 =	vadd.f32 v21, v18  }
0x36b: {  	v21 =	vld [tilespmem:s24+$0x3680]  }
0x36c: {  	v18 =	vadd.f32 v19, v18  }
0x36d: {  	v19 =	vld [tilespmem:s24+$0x3700]  }
0x36e: {  	v18 =	vadd.f32 v20, v18  }
0x36f: {  	v20 =	vld [tilespmem:s24+$0x3780]  }
0x370: {  	v18 =	vadd.f32 v21, v18  }
0x371: {  	v21 =	vld [tilespmem:s24+$0x3800]  }
0x372: {  	v18 =	vadd.f32 v19, v18  }
0x373: {  	v19 =	vld [tilespmem:s24+$0x3880]  }
0x374: {  	v18 =	vadd.f32 v20, v18  }
0x375: {  	v20 =	vld [tilespmem:s24+$0x3900]  }
0x376: {  	v18 =	vadd.f32 v21, v18  }
0x377: {  	v21 =	vld [tilespmem:s24+$0x3980]  }
0x378: {  	v18 =	vadd.f32 v19, v18  }
0x379: {  	v19 =	vld [tilespmem:s24+$0x3A00]  }
0x37a: {  	v18 =	vadd.f32 v20, v18  }
0x37b: {  	v20 =	vld [tilespmem:s24+$0x3A80]  }
0x37c: {  	v18 =	vadd.f32 v21, v18  }
0x37d: {  	v21 =	vld [tilespmem:s24+$0x3B00]  }
0x37e: {  	v18 =	vadd.f32 v19, v18  }
0x37f: {  	v19 =	vld [tilespmem:s24+$0x3B80]  }
0x380: {  	v18 =	vadd.f32 v20, v18  }
0x381: {  	v20 =	vld [tilespmem:s24+$0x3C00]  }
0x382: {  	v18 =	vadd.f32 v21, v18  }
0x383: {  	v21 =	vld [tilespmem:s24+$0x3C80]  }
0x384: {  	v18 =	vadd.f32 v19, v18  }
0x385: {  	v19 =	vld [tilespmem:s24+$0x3D00]  }
0x386: {  	v18 =	vadd.f32 v20, v18  }
0x387: {  	v20 =	vld [tilespmem:s24+$0x3D80]  }
0x388: {  	v18 =	vadd.f32 v21, v18  }
0x389: {  	v21 =	vld [tilespmem:s24+$0x3E00]  }
0x38a: {  	v18 =	vadd.f32 v19, v18  }
0x38b: {  	v19 =	vld [tilespmem:s24+$0x3E80]  }
0x38c: {  	v18 =	vadd.f32 v20, v18  }
0x38d: {  	v20 =	vld [tilespmem:s24+$0x3F00]  }
0x38e: {  	v18 =	vadd.f32 v21, v18  }
0x38f: {  	v21 =	vld [tilespmem:s24+$0x3F80]  }
0x390: {  	v18 =	vadd.f32 v19, v18  }
0x391: {  	v19 =	vld [tilespmem:s24+$0x4000]  }
0x392: {  	v18 =	vadd.f32 v20, v18;
	_ =	sdelay $0x1  }
0x393: {  	v20 =	vld [tilespmem:s24+$0x4080];
	v18 =	vadd.f32 v21, v18;
	_ =	sdelay $0x1  }
0x394: {  	v21 =	vadd.f32 v19, v18;
	v18 =	vld [tilespmem:s24+$0x4100];
	_ =	sdelay $0x1  }
0x395: {  	v19 =	vld [tilespmem:s24+$0x4180]  }
0x396: {  	p1 =	por p2, p2;
	s9 =	simm.s32 $0x40;
	v20 =	vadd.f32 v20, v21  }
.LBB2_3:
0x397: {  	p2 =	sne.s32 s9, $0x1C0;
	s10 =	smov.u32 s9;
	s9 =	sadd.s32 $0x40, s9  }
0x398: {  	v18 =	vadd.f32 v18, v20;
	_ =	sdelay $0x1  }
0x399: {  	v18 =	vadd.f32 v19, v18  }
0x39a: {  	s10 =	sshra.s32 s10, $0x2  }
0x39b: {  	[tilespmem:v17+s24+$0x180 ss:$0x1] =	vst.idx.msk $0xffff, v18;
	s24 =	smov.u32 s10  }
0x39c: {  	v18 =	vld [tilespmem:s24+$0x200]  }
0x39d: {  	v19 =	vld [tilespmem:s24+$0x280];
	_ =	sdelay $0x1  }
0x39e: {  	v20 =	vld [tilespmem:s24+$0x300];
	_ =	sdelay $0x1  }
0x39f: {  	v21 =	vld [tilespmem:s24+$0x380]  }
0x3a0: {  	v18 =	vadd.f32 v19, v18  }
0x3a1: {  	v19 =	vld [tilespmem:s24+$0x400]  }
0x3a2: {  	v18 =	vadd.f32 v20, v18  }
0x3a3: {  	v20 =	vld [tilespmem:s24+$0x480]  }
0x3a4: {  	v18 =	vadd.f32 v21, v18  }
0x3a5: {  	v21 =	vld [tilespmem:s24+$0x500]  }
0x3a6: {  	v18 =	vadd.f32 v19, v18  }
0x3a7: {  	v19 =	vld [tilespmem:s24+$0x580]  }
0x3a8: {  	v18 =	vadd.f32 v20, v18  }
0x3a9: {  	v20 =	vld [tilespmem:s24+$0x600]  }
0x3aa: {  	v18 =	vadd.f32 v21, v18  }
0x3ab: {  	v21 =	vld [tilespmem:s24+$0x680]  }
0x3ac: {  	v18 =	vadd.f32 v19, v18  }
0x3ad: {  	v19 =	vld [tilespmem:s24+$0x700]  }
0x3ae: {  	v18 =	vadd.f32 v20, v18  }
0x3af: {  	v20 =	vld [tilespmem:s24+$0x780]  }
0x3b0: {  	v18 =	vadd.f32 v21, v18  }
0x3b1: {  	v21 =	vld [tilespmem:s24+$0x800]  }
0x3b2: {  	v18 =	vadd.f32 v19, v18  }
0x3b3: {  	v19 =	vld [tilespmem:s24+$0x880]  }
0x3b4: {  	v18 =	vadd.f32 v20, v18  }
0x3b5: {  	v20 =	vld [tilespmem:s24+$0x900]  }
0x3b6: {  	v18 =	vadd.f32 v21, v18  }
0x3b7: {  	v21 =	vld [tilespmem:s24+$0x980]  }
0x3b8: {  	v18 =	vadd.f32 v19, v18  }
0x3b9: {  	v19 =	vld [tilespmem:s24+$0xA00]  }
0x3ba: {  	v18 =	vadd.f32 v20, v18  }
0x3bb: {  	v20 =	vld [tilespmem:s24+$0xA80]  }
0x3bc: {  	v18 =	vadd.f32 v21, v18  }
0x3bd: {  	v21 =	vld [tilespmem:s24+$0xB00]  }
0x3be: {  	v18 =	vadd.f32 v19, v18  }
0x3bf: {  	v19 =	vld [tilespmem:s24+$0xB80]  }
0x3c0: {  	v18 =	vadd.f32 v20, v18  }
0x3c1: {  	v20 =	vld [tilespmem:s24+$0xC00]  }
0x3c2: {  	v18 =	vadd.f32 v21, v18  }
0x3c3: {  	v21 =	vld [tilespmem:s24+$0xC80]  }
0x3c4: {  	v18 =	vadd.f32 v19, v18  }
0x3c5: {  	v19 =	vld [tilespmem:s24+$0xD00]  }
0x3c6: {  	v18 =	vadd.f32 v20, v18  }
0x3c7: {  	v20 =	vld [tilespmem:s24+$0xD80]  }
0x3c8: {  	v18 =	vadd.f32 v21, v18  }
0x3c9: {  	v21 =	vld [tilespmem:s24+$0xE00]  }
0x3ca: {  	v18 =	vadd.f32 v19, v18  }
0x3cb: {  	v19 =	vld [tilespmem:s24+$0xE80]  }
0x3cc: {  	v18 =	vadd.f32 v20, v18  }
0x3cd: {  	v20 =	vld [tilespmem:s24+$0xF00]  }
0x3ce: {  	v18 =	vadd.f32 v21, v18  }
0x3cf: {  	v21 =	vld [tilespmem:s24+$0xF80]  }
0x3d0: {  	v18 =	vadd.f32 v19, v18  }
0x3d1: {  	v19 =	vld [tilespmem:s24+$0x1000]  }
0x3d2: {  	v18 =	vadd.f32 v20, v18  }
0x3d3: {  	v20 =	vld [tilespmem:s24+$0x1080]  }
0x3d4: {  	v18 =	vadd.f32 v21, v18  }
0x3d5: {  	v21 =	vld [tilespmem:s24+$0x1100]  }
0x3d6: {  	v18 =	vadd.f32 v19, v18  }
0x3d7: {  	v19 =	vld [tilespmem:s24+$0x1180]  }
0x3d8: {  	v18 =	vadd.f32 v20, v18;
	_ =	sdelay $0x1  }
0x3d9: {  	v18 =	vadd.f32 v21, v18;
	_ =	sdelay $0x1  }
0x3da: {  	v18 =	vadd.f32 v19, v18;
	_ =	sdelay $0x1  }
0x3db: {  	[tilespmem:v17+s24+$0x0 ss:$0x1] =	vst.idx.msk $0xffff, v18  }
0x3dc: {  	v18 =	vld [tilespmem:s24+$0x1200]  }
0x3dd: {  	v19 =	vld [tilespmem:s24+$0x1280];
	_ =	sdelay $0x1  }
0x3de: {  	v20 =	vld [tilespmem:s24+$0x1300];
	_ =	sdelay $0x1  }
0x3df: {  	v21 =	vld [tilespmem:s24+$0x1380]  }
0x3e0: {  	v18 =	vadd.f32 v19, v18  }
0x3e1: {  	v19 =	vld [tilespmem:s24+$0x1400]  }
0x3e2: {  	v18 =	vadd.f32 v20, v18  }
0x3e3: {  	v20 =	vld [tilespmem:s24+$0x1480]  }
0x3e4: {  	v18 =	vadd.f32 v21, v18  }
0x3e5: {  	v21 =	vld [tilespmem:s24+$0x1500]  }
0x3e6: {  	v18 =	vadd.f32 v19, v18  }
0x3e7: {  	v19 =	vld [tilespmem:s24+$0x1580]  }
0x3e8: {  	v18 =	vadd.f32 v20, v18  }
0x3e9: {  	v20 =	vld [tilespmem:s24+$0x1600]  }
0x3ea: {  	v18 =	vadd.f32 v21, v18  }
0x3eb: {  	v21 =	vld [tilespmem:s24+$0x1680]  }
0x3ec: {  	v18 =	vadd.f32 v19, v18  }
0x3ed: {  	v19 =	vld [tilespmem:s24+$0x1700]  }
0x3ee: {  	v18 =	vadd.f32 v20, v18  }
0x3ef: {  	v20 =	vld [tilespmem:s24+$0x1780]  }
0x3f0: {  	v18 =	vadd.f32 v21, v18  }
0x3f1: {  	v21 =	vld [tilespmem:s24+$0x1800]  }
0x3f2: {  	v18 =	vadd.f32 v19, v18  }
0x3f3: {  	v19 =	vld [tilespmem:s24+$0x1880]  }
0x3f4: {  	v18 =	vadd.f32 v20, v18  }
0x3f5: {  	v20 =	vld [tilespmem:s24+$0x1900]  }
0x3f6: {  	v18 =	vadd.f32 v21, v18  }
0x3f7: {  	v21 =	vld [tilespmem:s24+$0x1980]  }
0x3f8: {  	v18 =	vadd.f32 v19, v18  }
0x3f9: {  	v19 =	vld [tilespmem:s24+$0x1A00]  }
0x3fa: {  	v18 =	vadd.f32 v20, v18  }
0x3fb: {  	v20 =	vld [tilespmem:s24+$0x1A80]  }
0x3fc: {  	v18 =	vadd.f32 v21, v18  }
0x3fd: {  	v21 =	vld [tilespmem:s24+$0x1B00]  }
0x3fe: {  	v18 =	vadd.f32 v19, v18  }
0x3ff: {  	v19 =	vld [tilespmem:s24+$0x1B80]  }
0x400: {  	v18 =	vadd.f32 v20, v18  }
0x401: {  	v20 =	vld [tilespmem:s24+$0x1C00]  }
0x402: {  	v18 =	vadd.f32 v21, v18  }
0x403: {  	v21 =	vld [tilespmem:s24+$0x1C80]  }
0x404: {  	v18 =	vadd.f32 v19, v18  }
0x405: {  	v19 =	vld [tilespmem:s24+$0x1D00]  }
0x406: {  	v18 =	vadd.f32 v20, v18  }
0x407: {  	v20 =	vld [tilespmem:s24+$0x1D80]  }
0x408: {  	v18 =	vadd.f32 v21, v18  }
0x409: {  	v21 =	vld [tilespmem:s24+$0x1E00]  }
0x40a: {  	v18 =	vadd.f32 v19, v18  }
0x40b: {  	v19 =	vld [tilespmem:s24+$0x1E80]  }
0x40c: {  	v18 =	vadd.f32 v20, v18  }
0x40d: {  	v20 =	vld [tilespmem:s24+$0x1F00]  }
0x40e: {  	v18 =	vadd.f32 v21, v18  }
0x40f: {  	v21 =	vld [tilespmem:s24+$0x1F80]  }
0x410: {  	v18 =	vadd.f32 v19, v18  }
0x411: {  	v19 =	vld [tilespmem:s24+$0x2000]  }
0x412: {  	v18 =	vadd.f32 v20, v18  }
0x413: {  	v20 =	vld [tilespmem:s24+$0x2080]  }
0x414: {  	v18 =	vadd.f32 v21, v18  }
0x415: {  	v21 =	vld [tilespmem:s24+$0x2100]  }
0x416: {  	v18 =	vadd.f32 v19, v18  }
0x417: {  	v19 =	vld [tilespmem:s24+$0x2180]  }
0x418: {  	v18 =	vadd.f32 v20, v18;
	_ =	sdelay $0x1  }
0x419: {  	v18 =	vadd.f32 v21, v18;
	_ =	sdelay $0x1  }
0x41a: {  	v18 =	vadd.f32 v19, v18;
	_ =	sdelay $0x1  }
0x41b: {  	[tilespmem:v17+s24+$0x80 ss:$0x1] =	vst.idx.msk $0xffff, v18  }
0x41c: {  	v18 =	vld [tilespmem:s24+$0x2200]  }
0x41d: {  	v19 =	vld [tilespmem:s24+$0x2280];
	_ =	sdelay $0x1  }
0x41e: {  	v20 =	vld [tilespmem:s24+$0x2300];
	_ =	sdelay $0x1  }
0x41f: {  	v21 =	vld [tilespmem:s24+$0x2380]  }
0x420: {  	v18 =	vadd.f32 v19, v18  }
0x421: {  	v19 =	vld [tilespmem:s24+$0x2400]  }
0x422: {  	v18 =	vadd.f32 v20, v18  }
0x423: {  	v20 =	vld [tilespmem:s24+$0x2480]  }
0x424: {  	v18 =	vadd.f32 v21, v18  }
0x425: {  	v21 =	vld [tilespmem:s24+$0x2500]  }
0x426: {  	v18 =	vadd.f32 v19, v18  }
0x427: {  	v19 =	vld [tilespmem:s24+$0x2580]  }
0x428: {  	v18 =	vadd.f32 v20, v18  }
0x429: {  	v20 =	vld [tilespmem:s24+$0x2600]  }
0x42a: {  	v18 =	vadd.f32 v21, v18  }
0x42b: {  	v21 =	vld [tilespmem:s24+$0x2680]  }
0x42c: {  	v18 =	vadd.f32 v19, v18  }
0x42d: {  	v19 =	vld [tilespmem:s24+$0x2700]  }
0x42e: {  	v18 =	vadd.f32 v20, v18  }
0x42f: {  	v20 =	vld [tilespmem:s24+$0x2780]  }
0x430: {  	v18 =	vadd.f32 v21, v18  }
0x431: {  	v21 =	vld [tilespmem:s24+$0x2800]  }
0x432: {  	v18 =	vadd.f32 v19, v18  }
0x433: {  	v19 =	vld [tilespmem:s24+$0x2880]  }
0x434: {  	v18 =	vadd.f32 v20, v18  }
0x435: {  	v20 =	vld [tilespmem:s24+$0x2900]  }
0x436: {  	v18 =	vadd.f32 v21, v18  }
0x437: {  	v21 =	vld [tilespmem:s24+$0x2980]  }
0x438: {  	v18 =	vadd.f32 v19, v18  }
0x439: {  	v19 =	vld [tilespmem:s24+$0x2A00]  }
0x43a: {  	v18 =	vadd.f32 v20, v18  }
0x43b: {  	v20 =	vld [tilespmem:s24+$0x2A80]  }
0x43c: {  	v18 =	vadd.f32 v21, v18  }
0x43d: {  	v21 =	vld [tilespmem:s24+$0x2B00]  }
0x43e: {  	v18 =	vadd.f32 v19, v18  }
0x43f: {  	v19 =	vld [tilespmem:s24+$0x2B80]  }
0x440: {  	v18 =	vadd.f32 v20, v18  }
0x441: {  	v20 =	vld [tilespmem:s24+$0x2C00]  }
0x442: {  	v18 =	vadd.f32 v21, v18  }
0x443: {  	v21 =	vld [tilespmem:s24+$0x2C80]  }
0x444: {  	v18 =	vadd.f32 v19, v18  }
0x445: {  	v19 =	vld [tilespmem:s24+$0x2D00]  }
0x446: {  	v18 =	vadd.f32 v20, v18  }
0x447: {  	v20 =	vld [tilespmem:s24+$0x2D80]  }
0x448: {  	v18 =	vadd.f32 v21, v18  }
0x449: {  	v21 =	vld [tilespmem:s24+$0x2E00]  }
0x44a: {  	v18 =	vadd.f32 v19, v18  }
0x44b: {  	v19 =	vld [tilespmem:s24+$0x2E80]  }
0x44c: {  	v18 =	vadd.f32 v20, v18  }
0x44d: {  	v20 =	vld [tilespmem:s24+$0x2F00]  }
0x44e: {  	v18 =	vadd.f32 v21, v18  }
0x44f: {  	v21 =	vld [tilespmem:s24+$0x2F80]  }
0x450: {  	v18 =	vadd.f32 v19, v18  }
0x451: {  	v19 =	vld [tilespmem:s24+$0x3000]  }
0x452: {  	v18 =	vadd.f32 v20, v18  }
0x453: {  	v20 =	vld [tilespmem:s24+$0x3080]  }
0x454: {  	v18 =	vadd.f32 v21, v18  }
0x455: {  	v21 =	vld [tilespmem:s24+$0x3100]  }
0x456: {  	v18 =	vadd.f32 v19, v18  }
0x457: {  	v19 =	vld [tilespmem:s24+$0x3180]  }
0x458: {  	v18 =	vadd.f32 v20, v18;
	_ =	sdelay $0x1  }
0x459: {  	v18 =	vadd.f32 v21, v18;
	_ =	sdelay $0x1  }
0x45a: {  	v18 =	vadd.f32 v19, v18;
	_ =	sdelay $0x1  }
0x45b: {  	[tilespmem:v17+s24+$0x100 ss:$0x1] =	vst.idx.msk $0xffff, v18  }
0x45c: {  	v18 =	vld [tilespmem:s24+$0x3200]  }
0x45d: {  	v19 =	vld [tilespmem:s24+$0x3280]  }
0x45e: {  	v20 =	vld [tilespmem:s24+$0x3300]  }
0x45f: {  	v21 =	vld [tilespmem:s24+$0x3380]  }
0x460: {  	v22 =	vld [tilespmem:s24+$0x3400]  }
0x461: {  	v23 =	vld [tilespmem:s24+$0x3480]  }
0x462: {  	v18 =	vadd.f32 v19, v18;
	v19 =	vld [tilespmem:s24+$0x3500]  }
0x463: {  	v24 =	vld [tilespmem:s24+$0x3580]  }
0x464: {  	v18 =	vadd.f32 v20, v18;
	v20 =	vld [tilespmem:s24+$0x3600]  }
0x465: {  	v25 =	vld [tilespmem:s24+$0x3680]  }
0x466: {  	v18 =	vadd.f32 v21, v18;
	v21 =	vld [tilespmem:s24+$0x3700]  }
0x467: {  	v26 =	vld [tilespmem:s24+$0x3780]  }
0x468: {  	v18 =	vadd.f32 v22, v18;
	v22 =	vld [tilespmem:s24+$0x3800]  }
0x469: {  	v27 =	vld [tilespmem:s24+$0x3880]  }
0x46a: {  	v18 =	vadd.f32 v23, v18;
	v23 =	vld [tilespmem:s24+$0x3900]  }
0x46b: {  	v28 =	vld [tilespmem:s24+$0x3980]  }
0x46c: {  	v18 =	vadd.f32 v19, v18;
	v29 =	vld [tilespmem:s24+$0x3A00]  }
0x46d: {  	v30 =	vld [tilespmem:s24+$0x3A80]  }
0x46e: {  	v18 =	vadd.f32 v24, v18;
	v24 =	vld [tilespmem:s24+$0x3B00]  }
0x46f: {  	v31 =	vld [tilespmem:s24+$0x3B80]  }
0x470: {  	v18 =	vadd.f32 v20, v18;
	v20 =	vld [tilespmem:s24+$0x3C00]  }
0x471: {  	v32 =	vld [tilespmem:s24+$0x3C80]  }
0x472: {  	v18 =	vadd.f32 v25, v18;
	v25 =	vld [tilespmem:s24+$0x3D00]  }
0x473: {  	v33 =	vld [tilespmem:s24+$0x3D80]  }
0x474: {  	v18 =	vadd.f32 v21, v18;
	v21 =	vld [tilespmem:s24+$0x3E00]  }
0x475: {  	v34 =	vld [tilespmem:s24+$0x3E80]  }
0x476: {  	v18 =	vadd.f32 v26, v18;
	v26 =	vld [tilespmem:s24+$0x3F00]  }
0x477: {  	v35 =	vld [tilespmem:s24+$0x3F80]  }
0x478: {  	v18 =	vadd.f32 v22, v18;
	v22 =	vld [tilespmem:s24+$0x4000]  }
0x479: {  	v36 =	vld [tilespmem:s24+$0x4080]  }
0x47a: {  	v27 =	vadd.f32 v27, v18;
	v18 =	vld [tilespmem:s24+$0x4100]  }
0x47b: {  	v19 =	vld [tilespmem:s24+$0x4180]  }
0x47c: {  	v23 =	vadd.f32 v23, v27;
	_ =	sdelay $0x1  }
0x47d: {  	v23 =	vadd.f32 v28, v23;
	_ =	sdelay $0x1  }
0x47e: {  	v23 =	vadd.f32 v29, v23;
	_ =	sdelay $0x1  }
0x47f: {  	v23 =	vadd.f32 v30, v23;
	_ =	sdelay $0x1  }
0x480: {  	v23 =	vadd.f32 v24, v23;
	_ =	sdelay $0x1  }
0x481: {  	v23 =	vadd.f32 v31, v23;
	_ =	sdelay $0x1  }
0x482: {  	v20 =	vadd.f32 v20, v23;
	_ =	sdelay $0x1  }
0x483: {  	v20 =	vadd.f32 v32, v20;
	_ =	sdelay $0x1  }
0x484: {  	v20 =	vadd.f32 v25, v20;
	_ =	sdelay $0x1  }
0x485: {  	v20 =	vadd.f32 v33, v20;
	_ =	sdelay $0x1  }
0x486: {  	v20 =	vadd.f32 v21, v20;
	_ =	sdelay $0x1  }
0x487: {  	v20 =	vadd.f32 v34, v20;
	_ =	sdelay $0x1  }
0x488: {  	v20 =	vadd.f32 v26, v20;
	_ =	sdelay $0x1  }
.Ltmp0:
0x489: {  	v20 =	vadd.f32 v35, v20;
	(pc) =	sbr.rel @p2 .LBB2_3-.Ltmp0, $3  }
0x48a: {  	_ = 	snop  }
0x48b: {  	v20 =	vadd.f32 v22, v20;
	_ =	sdelay $0x1  }
0x48c: {  	v20 =	vadd.f32 v36, v20  }
0x48d: {  	_ = 	snop  }
0x48e: {  	v18 =	vadd.f32 v18, v20;
	_ =	sdelay $0x1  }
0x48f: {  	v18 =	vadd.f32 v19, v18;
	_ =	sdelay $0x1  }
0x490: {  	[tilespmem:v17+s24+$0x180 ss:$0x1] =	vst.idx.msk $0xffff, v18  }
0x491: {  	_ =	swait.ge [sflag:s30], $0x4000  }
0x492: {  	s8 =	sshll.u32 s8, $0x8;
	[sflag:s30] =	ssyncset.done $0x0  }
0x493: {  	s9 =	smin.u32 s8, $0x80;
	[sflag:s30] =	ssyncadd.s32 $0xFFFFC000  }
0x494: {  	v17 =	vld [tilespmem:s9+$0x100];
	_ =	sdelay $0x4  }
0x495: {  	v18 =	vshll.u32 v17, $0x3  }
0x496: {  	v17 =	vand.u32 $0x7, v17;
	v18 =	vand.u32 $0xFFFFFFC0, v18  }
0x497: {  	v17 =	vor.u32 v17, v18  }
0x498: {  	v18 =	vperm.xlane v17, v2;
	_ =	sdelay $0x1  }
0x499: {  	v19 =	vperm.xlane v17, v4;
	v18 =	vadd.s32 v3, v18;
	_ =	sdelay $0x1  }
0x49a: {  	v20 =	vperm.xlane v17, v5;
	v19 =	vadd.s32 v3, v19;
	_ =	sdelay $0x1  }
0x49b: {  	s10 =	simm.s32 $0x200;
	s8 =	simm.s32 $0x0;
	v21 =	vperm.xlane v17, v1;
	v20 =	vadd.s32 v3, v20  }
0x49c: {  	[tilespmem:s10], [sflag:$0x1] =	stream.indirect_vreg.gather [hbm4b:s6+s8], $0x80, v18, vm0, $0xb8;
	[tilespmem:$0x9680] =	vst v63  }
0x49d: {  	s24 =	simm.s32 $0x280;
	v18 =	vadd.s32 v3, v21;
	v21 =	vperm.xlane v17, v6  }
0x49e: {  	[tilespmem:s24], [sflag:$0x1] =	stream.indirect_vreg.gather [hbm4b:s6+s8], $0x80, v19, vm0, $0xb8;
	[tilespmem:$0x9680] =	vst v63  }
0x49f: {  	v19 =	vadd.s32 v3, v21;
	v21 =	vperm.xlane v17, v7;
	s24 =	simm.s32 $0x300  }
0x4a0: {  	[tilespmem:s24], [sflag:$0x1] =	stream.indirect_vreg.gather [hbm4b:s6+s8], $0x80, v20, vm0, $0xb8;
	[tilespmem:$0x9680] =	vst v63  }
0x4a1: {  	v20 =	vadd.s32 v3, v21;
	v21 =	vperm.xlane v17, v8;
	s24 =	simm.s32 $0x380  }
0x4a2: {  	[tilespmem:s24], [sflag:$0x1] =	stream.indirect_vreg.gather [hbm4b:s6+s8], $0x80, v18, vm0, $0xb8;
	[tilespmem:$0x9680] =	vst v63  }
0x4a3: {  	v18 =	vadd.s32 v3, v21;
	v21 =	vperm.xlane v17, v0;
	s24 =	simm.s32 $0x400  }
0x4a4: {  	[tilespmem:s24], [sflag:$0x1] =	stream.indirect_vreg.gather [hbm4b:s6+s8], $0x80, v19, vm0, $0xb8;
	[tilespmem:$0x9680] =	vst v63  }
0x4a5: {  	v19 =	vadd.s32 v3, v21;
	v21 =	vperm.xlane v17, v9;
	s24 =	simm.s32 $0x480  }
0x4a6: {  	[tilespmem:s24], [sflag:$0x1] =	stream.indirect_vreg.gather [hbm4b:s6+s8], $0x80, v20, vm0, $0xb8;
	[tilespmem:$0x9680] =	vst v63  }
0x4a7: {  	v20 =	vadd.s32 v3, v21;
	v21 =	vperm.xlane v17, v10;
	s24 =	simm.s32 $0x500  }
0x4a8: {  	[tilespmem:s24], [sflag:$0x1] =	stream.indirect_vreg.gather [hbm4b:s6+s8], $0x80, v18, vm0, $0xb8;
	[tilespmem:$0x9680] =	vst v63  }
0x4a9: {  	v18 =	vadd.s32 v3, v21;
	v21 =	vperm.xlane v17, v11;
	s24 =	simm.s32 $0x580  }
0x4aa: {  	[tilespmem:s24], [sflag:$0x1] =	stream.indirect_vreg.gather [hbm4b:s6+s8], $0x80, v19, vm0, $0xb8;
	[tilespmem:$0x9680] =	vst v63  }
0x4ab: {  	v19 =	vadd.s32 v3, v21;
	v21 =	vperm.xlane v17, v12;
	s24 =	simm.s32 $0x600  }
0x4ac: {  	[tilespmem:s24], [sflag:$0x1] =	stream.indirect_vreg.gather [hbm4b:s6+s8], $0x80, v20, vm0, $0xb8;
	[tilespmem:$0x9680] =	vst v63  }
0x4ad: {  	v20 =	vadd.s32 v3, v21;
	v21 =	vperm.xlane v17, v13;
	s24 =	simm.s32 $0x680  }
0x4ae: {  	[tilespmem:s24], [sflag:$0x1] =	stream.indirect_vreg.gather [hbm4b:s6+s8], $0x80, v18, vm0, $0xb8;
	[tilespmem:$0x9680] =	vst v63  }
0x4af: {  	v18 =	vadd.s32 v3, v21;
	v21 =	vperm.xlane v17, v14;
	s24 =	simm.s32 $0x700  }
0x4b0: {  	[tilespmem:s24], [sflag:$0x1] =	stream.indirect_vreg.gather [hbm4b:s6+s8], $0x80, v19, vm0, $0xb8;
	[tilespmem:$0x9680] =	vst v63  }
0x4b1: {  	v19 =	vadd.s32 v3, v21;
	v21 =	vperm.xlane v17, v15;
	s24 =	simm.s32 $0x780  }
0x4b2: {  	[tilespmem:s24], [sflag:$0x1] =	stream.indirect_vreg.gather [hbm4b:s6+s8], $0x80, v20, vm0, $0xb8;
	[tilespmem:$0x9680] =	vst v63  }
0x4b3: {  	v17 =	vperm.xlane v17, v16;
	v20 =	vadd.s32 v3, v21;
	s24 =	simm.s32 $0x800  }
0x4b4: {  	[tilespmem:s24], [sflag:$0x1] =	stream.indirect_vreg.gather [hbm4b:s6+s8], $0x80, v18, vm0, $0xb8;
	[tilespmem:$0x9680] =	vst v63  }
0x4b5: {  	v17 =	vadd.s32 v3, v17;
	s24 =	simm.s32 $0x880  }
0x4b6: {  	[tilespmem:s24], [sflag:$0x1] =	stream.indirect_vreg.gather [hbm4b:s6+s8], $0x80, v19, vm0, $0xb8;
	[tilespmem:$0x9680] =	vst v63  }
0x4b7: {  	s24 =	simm.s32 $0x900  }
0x4b8: {  	[tilespmem:s24], [sflag:$0x1] =	stream.indirect_vreg.gather [hbm4b:s6+s8], $0x80, v20, vm0, $0xb8;
	[tilespmem:$0x9680] =	vst v63  }
0x4b9: {  	s24 =	simm.s32 $0x980  }
0x4ba: {  	[tilespmem:s24], [sflag:$0x1] =	stream.indirect_vreg.gather [hbm4b:s6+s8], $0x80, v17, vm0, $0xb8;
	[tilespmem:$0x9680] =	vst v63  }
0x4bb: {  	v17 =	vld [tilespmem:s9+$0x110];
	_ =	sdelay $0x4  }
0x4bc: {  	v18 =	vshll.u32 v17, $0x3  }
0x4bd: {  	v17 =	vand.u32 $0x7, v17;
	v18 =	vand.u32 $0xFFFFFFC0, v18  }
0x4be: {  	v17 =	vor.u32 v17, v18  }
0x4bf: {  	v18 =	vperm.xlane v17, v2;
	_ =	sdelay $0x1  }
0x4c0: {  	v19 =	vperm.xlane v17, v4;
	v18 =	vadd.s32 v3, v18;
	_ =	sdelay $0x1  }
0x4c1: {  	v20 =	vperm.xlane v17, v5;
	v19 =	vadd.s32 v3, v19;
	_ =	sdelay $0x1  }
0x4c2: {  	s24 =	simm.s32 $0xA00;
	v21 =	vperm.xlane v17, v1;
	v20 =	vadd.s32 v3, v20  }
0x4c3: {  	[tilespmem:s24], [sflag:$0x1] =	stream.indirect_vreg.gather [hbm4b:s6+s8], $0x80, v18, vm0, $0xb8;
	[tilespmem:$0x9680] =	vst v63  }
0x4c4: {  	v18 =	vadd.s32 v3, v21;
	v21 =	vperm.xlane v17, v6;
	s24 =	simm.s32 $0xA80  }
0x4c5: {  	[tilespmem:s24], [sflag:$0x1] =	stream.indirect_vreg.gather [hbm4b:s6+s8], $0x80, v19, vm0, $0xb8;
	[tilespmem:$0x9680] =	vst v63  }
0x4c6: {  	v19 =	vadd.s32 v3, v21;
	v21 =	vperm.xlane v17, v7;
	s24 =	simm.s32 $0xB00  }
0x4c7: {  	[tilespmem:s24], [sflag:$0x1] =	stream.indirect_vreg.gather [hbm4b:s6+s8], $0x80, v20, vm0, $0xb8;
	[tilespmem:$0x9680] =	vst v63  }
0x4c8: {  	v20 =	vadd.s32 v3, v21;
	v21 =	vperm.xlane v17, v8;
	s24 =	simm.s32 $0xB80  }
0x4c9: {  	[tilespmem:s24], [sflag:$0x1] =	stream.indirect_vreg.gather [hbm4b:s6+s8], $0x80, v18, vm0, $0xb8;
	[tilespmem:$0x9680] =	vst v63  }
0x4ca: {  	v18 =	vadd.s32 v3, v21;
	v21 =	vperm.xlane v17, v0;
	s24 =	simm.s32 $0xC00  }
0x4cb: {  	[tilespmem:s24], [sflag:$0x1] =	stream.indirect_vreg.gather [hbm4b:s6+s8], $0x80, v19, vm0, $0xb8;
	[tilespmem:$0x9680] =	vst v63  }
0x4cc: {  	v19 =	vadd.s32 v3, v21;
	v21 =	vperm.xlane v17, v9;
	s24 =	simm.s32 $0xC80  }
0x4cd: {  	[tilespmem:s24], [sflag:$0x1] =	stream.indirect_vreg.gather [hbm4b:s6+s8], $0x80, v20, vm0, $0xb8;
	[tilespmem:$0x9680] =	vst v63  }
0x4ce: {  	v20 =	vadd.s32 v3, v21;
	v21 =	vperm.xlane v17, v10;
	s24 =	simm.s32 $0xD00  }
0x4cf: {  	[tilespmem:s24], [sflag:$0x1] =	stream.indirect_vreg.gather [hbm4b:s6+s8], $0x80, v18, vm0, $0xb8;
	[tilespmem:$0x9680] =	vst v63  }
0x4d0: {  	v18 =	vadd.s32 v3, v21;
	v21 =	vperm.xlane v17, v11;
	s24 =	simm.s32 $0xD80  }
0x4d1: {  	[tilespmem:s24], [sflag:$0x1] =	stream.indirect_vreg.gather [hbm4b:s6+s8], $0x80, v19, vm0, $0xb8;
	[tilespmem:$0x9680] =	vst v63  }
0x4d2: {  	v19 =	vadd.s32 v3, v21;
	v21 =	vperm.xlane v17, v12;
	s24 =	simm.s32 $0xE00  }
0x4d3: {  	[tilespmem:s24], [sflag:$0x1] =	stream.indirect_vreg.gather [hbm4b:s6+s8], $0x80, v20, vm0, $0xb8;
	[tilespmem:$0x9680] =	vst v63  }
0x4d4: {  	v20 =	vadd.s32 v3, v21;
	v21 =	vperm.xlane v17, v13;
	s24 =	simm.s32 $0xE80  }
0x4d5: {  	[tilespmem:s24], [sflag:$0x1] =	stream.indirect_vreg.gather [hbm4b:s6+s8], $0x80, v18, vm0, $0xb8;
	[tilespmem:$0x9680] =	vst v63  }
0x4d6: {  	v18 =	vadd.s32 v3, v21;
	v21 =	vperm.xlane v17, v14;
	s24 =	simm.s32 $0xF00  }
0x4d7: {  	[tilespmem:s24], [sflag:$0x1] =	stream.indirect_vreg.gather [hbm4b:s6+s8], $0x80, v19, vm0, $0xb8;
	[tilespmem:$0x9680] =	vst v63  }
0x4d8: {  	v19 =	vadd.s32 v3, v21;
	v21 =	vperm.xlane v17, v15;
	s24 =	simm.s32 $0xF80  }
0x4d9: {  	[tilespmem:s24], [sflag:$0x1] =	stream.indirect_vreg.gather [hbm4b:s6+s8], $0x80, v20, vm0, $0xb8;
	[tilespmem:$0x9680] =	vst v63  }
0x4da: {  	v17 =	vperm.xlane v17, v16;
	v20 =	vadd.s32 v3, v21;
	s24 =	simm.s32 $0x1000  }
0x4db: {  	[tilespmem:s24], [sflag:$0x1] =	stream.indirect_vreg.gather [hbm4b:s6+s8], $0x80, v18, vm0, $0xb8;
	[tilespmem:$0x9680] =	vst v63  }
0x4dc: {  	v17 =	vadd.s32 v3, v17;
	s24 =	simm.s32 $0x1080  }
0x4dd: {  	[tilespmem:s24], [sflag:$0x1] =	stream.indirect_vreg.gather [hbm4b:s6+s8], $0x80, v19, vm0, $0xb8;
	[tilespmem:$0x9680] =	vst v63  }
0x4de: {  	s24 =	simm.s32 $0x1100  }
0x4df: {  	[tilespmem:s24], [sflag:$0x1] =	stream.indirect_vreg.gather [hbm4b:s6+s8], $0x80, v20, vm0, $0xb8;
	[tilespmem:$0x9680] =	vst v63  }
0x4e0: {  	s24 =	simm.s32 $0x1180  }
0x4e1: {  	[tilespmem:s24], [sflag:$0x1] =	stream.indirect_vreg.gather [hbm4b:s6+s8], $0x80, v17, vm0, $0xb8;
	[tilespmem:$0x9680] =	vst v63  }
0x4e2: {  	v17 =	vld [tilespmem:s9+$0x120];
	_ =	sdelay $0x4  }
0x4e3: {  	v18 =	vshll.u32 v17, $0x3  }
0x4e4: {  	v17 =	vand.u32 $0x7, v17;
	v18 =	vand.u32 $0xFFFFFFC0, v18  }
0x4e5: {  	v17 =	vor.u32 v17, v18  }
0x4e6: {  	v18 =	vperm.xlane v17, v2;
	_ =	sdelay $0x1  }
0x4e7: {  	v19 =	vperm.xlane v17, v4;
	v18 =	vadd.s32 v3, v18;
	_ =	sdelay $0x1  }
0x4e8: {  	v20 =	vperm.xlane v17, v5;
	v19 =	vadd.s32 v3, v19;
	_ =	sdelay $0x1  }
0x4e9: {  	s24 =	simm.s32 $0x1200;
	v21 =	vperm.xlane v17, v1;
	v20 =	vadd.s32 v3, v20  }
0x4ea: {  	[tilespmem:s24], [sflag:$0x1] =	stream.indirect_vreg.gather [hbm4b:s6+s8], $0x80, v18, vm0, $0xb8;
	[tilespmem:$0x9680] =	vst v63  }
0x4eb: {  	v18 =	vadd.s32 v3, v21;
	v21 =	vperm.xlane v17, v6;
	s24 =	simm.s32 $0x1280  }
0x4ec: {  	[tilespmem:s24], [sflag:$0x1] =	stream.indirect_vreg.gather [hbm4b:s6+s8], $0x80, v19, vm0, $0xb8;
	[tilespmem:$0x9680] =	vst v63  }
0x4ed: {  	v19 =	vadd.s32 v3, v21;
	v21 =	vperm.xlane v17, v7;
	s24 =	simm.s32 $0x1300  }
0x4ee: {  	[tilespmem:s24], [sflag:$0x1] =	stream.indirect_vreg.gather [hbm4b:s6+s8], $0x80, v20, vm0, $0xb8;
	[tilespmem:$0x9680] =	vst v63  }
0x4ef: {  	v20 =	vadd.s32 v3, v21;
	v21 =	vperm.xlane v17, v8;
	s24 =	simm.s32 $0x1380  }
0x4f0: {  	[tilespmem:s24], [sflag:$0x1] =	stream.indirect_vreg.gather [hbm4b:s6+s8], $0x80, v18, vm0, $0xb8;
	[tilespmem:$0x9680] =	vst v63  }
0x4f1: {  	v18 =	vadd.s32 v3, v21;
	v21 =	vperm.xlane v17, v0;
	s24 =	simm.s32 $0x1400  }
0x4f2: {  	[tilespmem:s24], [sflag:$0x1] =	stream.indirect_vreg.gather [hbm4b:s6+s8], $0x80, v19, vm0, $0xb8;
	[tilespmem:$0x9680] =	vst v63  }
0x4f3: {  	v19 =	vadd.s32 v3, v21;
	v21 =	vperm.xlane v17, v9;
	s24 =	simm.s32 $0x1480  }
0x4f4: {  	[tilespmem:s24], [sflag:$0x1] =	stream.indirect_vreg.gather [hbm4b:s6+s8], $0x80, v20, vm0, $0xb8;
	[tilespmem:$0x9680] =	vst v63  }
0x4f5: {  	v20 =	vadd.s32 v3, v21;
	v21 =	vperm.xlane v17, v10;
	s24 =	simm.s32 $0x1500  }
0x4f6: {  	[tilespmem:s24], [sflag:$0x1] =	stream.indirect_vreg.gather [hbm4b:s6+s8], $0x80, v18, vm0, $0xb8;
	[tilespmem:$0x9680] =	vst v63  }
0x4f7: {  	v18 =	vadd.s32 v3, v21;
	v21 =	vperm.xlane v17, v11;
	s24 =	simm.s32 $0x1580  }
0x4f8: {  	[tilespmem:s24], [sflag:$0x1] =	stream.indirect_vreg.gather [hbm4b:s6+s8], $0x80, v19, vm0, $0xb8;
	[tilespmem:$0x9680] =	vst v63  }
0x4f9: {  	v19 =	vadd.s32 v3, v21;
	v21 =	vperm.xlane v17, v12;
	s24 =	simm.s32 $0x1600  }
0x4fa: {  	[tilespmem:s24], [sflag:$0x1] =	stream.indirect_vreg.gather [hbm4b:s6+s8], $0x80, v20, vm0, $0xb8;
	[tilespmem:$0x9680] =	vst v63  }
0x4fb: {  	v20 =	vadd.s32 v3, v21;
	v21 =	vperm.xlane v17, v13;
	s24 =	simm.s32 $0x1680  }
0x4fc: {  	[tilespmem:s24], [sflag:$0x1] =	stream.indirect_vreg.gather [hbm4b:s6+s8], $0x80, v18, vm0, $0xb8;
	[tilespmem:$0x9680] =	vst v63  }
0x4fd: {  	v18 =	vadd.s32 v3, v21;
	v21 =	vperm.xlane v17, v14;
	s24 =	simm.s32 $0x1700  }
0x4fe: {  	[tilespmem:s24], [sflag:$0x1] =	stream.indirect_vreg.gather [hbm4b:s6+s8], $0x80, v19, vm0, $0xb8;
	[tilespmem:$0x9680] =	vst v63  }
0x4ff: {  	v19 =	vadd.s32 v3, v21;
	v21 =	vperm.xlane v17, v15;
	s24 =	simm.s32 $0x1780  }
0x500: {  	[tilespmem:s24], [sflag:$0x1] =	stream.indirect_vreg.gather [hbm4b:s6+s8], $0x80, v20, vm0, $0xb8;
	[tilespmem:$0x9680] =	vst v63  }
0x501: {  	v17 =	vperm.xlane v17, v16;
	v20 =	vadd.s32 v3, v21;
	s24 =	simm.s32 $0x1800  }
0x502: {  	[tilespmem:s24], [sflag:$0x1] =	stream.indirect_vreg.gather [hbm4b:s6+s8], $0x80, v18, vm0, $0xb8;
	[tilespmem:$0x9680] =	vst v63  }
0x503: {  	v17 =	vadd.s32 v3, v17;
	s24 =	simm.s32 $0x1880  }
0x504: {  	[tilespmem:s24], [sflag:$0x1] =	stream.indirect_vreg.gather [hbm4b:s6+s8], $0x80, v19, vm0, $0xb8;
	[tilespmem:$0x9680] =	vst v63  }
0x505: {  	s24 =	simm.s32 $0x1900  }
0x506: {  	[tilespmem:s24], [sflag:$0x1] =	stream.indirect_vreg.gather [hbm4b:s6+s8], $0x80, v20, vm0, $0xb8;
	[tilespmem:$0x9680] =	vst v63  }
0x507: {  	s24 =	simm.s32 $0x1980  }
0x508: {  	[tilespmem:s24], [sflag:$0x1] =	stream.indirect_vreg.gather [hbm4b:s6+s8], $0x80, v17, vm0, $0xb8;
	[tilespmem:$0x9680] =	vst v63  }
0x509: {  	v17 =	vld [tilespmem:s9+$0x130];
	_ =	sdelay $0x4  }
0x50a: {  	v18 =	vshll.u32 v17, $0x3  }
0x50b: {  	v17 =	vand.u32 $0x7, v17;
	v18 =	vand.u32 $0xFFFFFFC0, v18  }
0x50c: {  	v17 =	vor.u32 v17, v18  }
0x50d: {  	v18 =	vperm.xlane v17, v2;
	_ =	sdelay $0x1  }
0x50e: {  	v19 =	vperm.xlane v17, v4;
	v18 =	vadd.s32 v3, v18;
	_ =	sdelay $0x1  }
0x50f: {  	v20 =	vperm.xlane v17, v5;
	v19 =	vadd.s32 v3, v19;
	_ =	sdelay $0x1  }
0x510: {  	s24 =	simm.s32 $0x1A00;
	v21 =	vperm.xlane v17, v1;
	v20 =	vadd.s32 v3, v20  }
0x511: {  	[tilespmem:s24], [sflag:$0x1] =	stream.indirect_vreg.gather [hbm4b:s6+s8], $0x80, v18, vm0, $0xb8;
	[tilespmem:$0x9680] =	vst v63  }
0x512: {  	v18 =	vadd.s32 v3, v21;
	v21 =	vperm.xlane v17, v6;
	s24 =	simm.s32 $0x1A80  }
0x513: {  	[tilespmem:s24], [sflag:$0x1] =	stream.indirect_vreg.gather [hbm4b:s6+s8], $0x80, v19, vm0, $0xb8;
	[tilespmem:$0x9680] =	vst v63  }
0x514: {  	v19 =	vadd.s32 v3, v21;
	v21 =	vperm.xlane v17, v7;
	s24 =	simm.s32 $0x1B00  }
0x515: {  	[tilespmem:s24], [sflag:$0x1] =	stream.indirect_vreg.gather [hbm4b:s6+s8], $0x80, v20, vm0, $0xb8;
	[tilespmem:$0x9680] =	vst v63  }
0x516: {  	v20 =	vadd.s32 v3, v21;
	v21 =	vperm.xlane v17, v8;
	s24 =	simm.s32 $0x1B80  }
0x517: {  	[tilespmem:s24], [sflag:$0x1] =	stream.indirect_vreg.gather [hbm4b:s6+s8], $0x80, v18, vm0, $0xb8;
	[tilespmem:$0x9680] =	vst v63  }
0x518: {  	v18 =	vadd.s32 v3, v21;
	v21 =	vperm.xlane v17, v0;
	s24 =	simm.s32 $0x1C00  }
0x519: {  	[tilespmem:s24], [sflag:$0x1] =	stream.indirect_vreg.gather [hbm4b:s6+s8], $0x80, v19, vm0, $0xb8;
	[tilespmem:$0x9680] =	vst v63  }
0x51a: {  	v19 =	vadd.s32 v3, v21;
	v21 =	vperm.xlane v17, v9;
	s24 =	simm.s32 $0x1C80  }
0x51b: {  	[tilespmem:s24], [sflag:$0x1] =	stream.indirect_vreg.gather [hbm4b:s6+s8], $0x80, v20, vm0, $0xb8;
	[tilespmem:$0x9680] =	vst v63  }
0x51c: {  	v20 =	vadd.s32 v3, v21;
	v21 =	vperm.xlane v17, v10;
	s24 =	simm.s32 $0x1D00  }
0x51d: {  	[tilespmem:s24], [sflag:$0x1] =	stream.indirect_vreg.gather [hbm4b:s6+s8], $0x80, v18, vm0, $0xb8;
	[tilespmem:$0x9680] =	vst v63  }
0x51e: {  	v18 =	vadd.s32 v3, v21;
	v21 =	vperm.xlane v17, v11;
	s24 =	simm.s32 $0x1D80  }
0x51f: {  	[tilespmem:s24], [sflag:$0x1] =	stream.indirect_vreg.gather [hbm4b:s6+s8], $0x80, v19, vm0, $0xb8;
	[tilespmem:$0x9680] =	vst v63  }
0x520: {  	v19 =	vadd.s32 v3, v21;
	v21 =	vperm.xlane v17, v12;
	s24 =	simm.s32 $0x1E00  }
0x521: {  	[tilespmem:s24], [sflag:$0x1] =	stream.indirect_vreg.gather [hbm4b:s6+s8], $0x80, v20, vm0, $0xb8;
	[tilespmem:$0x9680] =	vst v63  }
0x522: {  	v20 =	vadd.s32 v3, v21;
	v21 =	vperm.xlane v17, v13;
	s24 =	simm.s32 $0x1E80  }
0x523: {  	[tilespmem:s24], [sflag:$0x1] =	stream.indirect_vreg.gather [hbm4b:s6+s8], $0x80, v18, vm0, $0xb8;
	[tilespmem:$0x9680] =	vst v63  }
0x524: {  	v18 =	vadd.s32 v3, v21;
	v21 =	vperm.xlane v17, v14;
	s24 =	simm.s32 $0x1F00  }
0x525: {  	[tilespmem:s24], [sflag:$0x1] =	stream.indirect_vreg.gather [hbm4b:s6+s8], $0x80, v19, vm0, $0xb8;
	[tilespmem:$0x9680] =	vst v63  }
0x526: {  	v19 =	vadd.s32 v3, v21;
	v21 =	vperm.xlane v17, v15;
	s24 =	simm.s32 $0x1F80  }
0x527: {  	[tilespmem:s24], [sflag:$0x1] =	stream.indirect_vreg.gather [hbm4b:s6+s8], $0x80, v20, vm0, $0xb8;
	[tilespmem:$0x9680] =	vst v63  }
0x528: {  	v17 =	vperm.xlane v17, v16;
	v20 =	vadd.s32 v3, v21;
	s24 =	simm.s32 $0x2000  }
0x529: {  	[tilespmem:s24], [sflag:$0x1] =	stream.indirect_vreg.gather [hbm4b:s6+s8], $0x80, v18, vm0, $0xb8;
	[tilespmem:$0x9680] =	vst v63  }
0x52a: {  	v17 =	vadd.s32 v3, v17;
	s24 =	simm.s32 $0x2080  }
0x52b: {  	[tilespmem:s24], [sflag:$0x1] =	stream.indirect_vreg.gather [hbm4b:s6+s8], $0x80, v19, vm0, $0xb8;
	[tilespmem:$0x9680] =	vst v63  }
0x52c: {  	s24 =	simm.s32 $0x2100  }
0x52d: {  	[tilespmem:s24], [sflag:$0x1] =	stream.indirect_vreg.gather [hbm4b:s6+s8], $0x80, v20, vm0, $0xb8;
	[tilespmem:$0x9680] =	vst v63  }
0x52e: {  	s24 =	simm.s32 $0x2180  }
0x52f: {  	[tilespmem:s24], [sflag:$0x1] =	stream.indirect_vreg.gather [hbm4b:s6+s8], $0x80, v17, vm0, $0xb8;
	[tilespmem:$0x9680] =	vst v63  }
0x530: {  	v17 =	vld [tilespmem:s9+$0x140];
	_ =	sdelay $0x4  }
0x531: {  	v18 =	vshll.u32 v17, $0x3  }
0x532: {  	v17 =	vand.u32 $0x7, v17;
	v18 =	vand.u32 $0xFFFFFFC0, v18  }
0x533: {  	v17 =	vor.u32 v17, v18  }
0x534: {  	v18 =	vperm.xlane v17, v2;
	_ =	sdelay $0x1  }
0x535: {  	v19 =	vperm.xlane v17, v4;
	v18 =	vadd.s32 v3, v18;
	_ =	sdelay $0x1  }
0x536: {  	v20 =	vperm.xlane v17, v5;
	v19 =	vadd.s32 v3, v19;
	_ =	sdelay $0x1  }
0x537: {  	s24 =	simm.s32 $0x2200;
	v21 =	vperm.xlane v17, v1;
	v20 =	vadd.s32 v3, v20  }
0x538: {  	[tilespmem:s24], [sflag:$0x1] =	stream.indirect_vreg.gather [hbm4b:s6+s8], $0x80, v18, vm0, $0xb8;
	[tilespmem:$0x9680] =	vst v63  }
0x539: {  	v18 =	vadd.s32 v3, v21;
	v21 =	vperm.xlane v17, v6;
	s24 =	simm.s32 $0x2280  }
0x53a: {  	[tilespmem:s24], [sflag:$0x1] =	stream.indirect_vreg.gather [hbm4b:s6+s8], $0x80, v19, vm0, $0xb8;
	[tilespmem:$0x9680] =	vst v63  }
0x53b: {  	v19 =	vadd.s32 v3, v21;
	v21 =	vperm.xlane v17, v7;
	s24 =	simm.s32 $0x2300  }
0x53c: {  	[tilespmem:s24], [sflag:$0x1] =	stream.indirect_vreg.gather [hbm4b:s6+s8], $0x80, v20, vm0, $0xb8;
	[tilespmem:$0x9680] =	vst v63  }
0x53d: {  	v20 =	vadd.s32 v3, v21;
	v21 =	vperm.xlane v17, v8;
	s24 =	simm.s32 $0x2380  }
0x53e: {  	[tilespmem:s24], [sflag:$0x1] =	stream.indirect_vreg.gather [hbm4b:s6+s8], $0x80, v18, vm0, $0xb8;
	[tilespmem:$0x9680] =	vst v63  }
0x53f: {  	v18 =	vadd.s32 v3, v21;
	v21 =	vperm.xlane v17, v0;
	s24 =	simm.s32 $0x2400  }
0x540: {  	[tilespmem:s24], [sflag:$0x1] =	stream.indirect_vreg.gather [hbm4b:s6+s8], $0x80, v19, vm0, $0xb8;
	[tilespmem:$0x9680] =	vst v63  }
0x541: {  	v19 =	vadd.s32 v3, v21;
	v21 =	vperm.xlane v17, v9;
	s24 =	simm.s32 $0x2480  }
0x542: {  	[tilespmem:s24], [sflag:$0x1] =	stream.indirect_vreg.gather [hbm4b:s6+s8], $0x80, v20, vm0, $0xb8;
	[tilespmem:$0x9680] =	vst v63  }
0x543: {  	v20 =	vadd.s32 v3, v21;
	v21 =	vperm.xlane v17, v10;
	s24 =	simm.s32 $0x2500  }
0x544: {  	[tilespmem:s24], [sflag:$0x1] =	stream.indirect_vreg.gather [hbm4b:s6+s8], $0x80, v18, vm0, $0xb8;
	[tilespmem:$0x9680] =	vst v63  }
0x545: {  	v18 =	vadd.s32 v3, v21;
	v21 =	vperm.xlane v17, v11;
	s24 =	simm.s32 $0x2580  }
0x546: {  	[tilespmem:s24], [sflag:$0x1] =	stream.indirect_vreg.gather [hbm4b:s6+s8], $0x80, v19, vm0, $0xb8;
	[tilespmem:$0x9680] =	vst v63  }
0x547: {  	v19 =	vadd.s32 v3, v21;
	v21 =	vperm.xlane v17, v12;
	s24 =	simm.s32 $0x2600  }
0x548: {  	[tilespmem:s24], [sflag:$0x1] =	stream.indirect_vreg.gather [hbm4b:s6+s8], $0x80, v20, vm0, $0xb8;
	[tilespmem:$0x9680] =	vst v63  }
0x549: {  	v20 =	vadd.s32 v3, v21;
	v21 =	vperm.xlane v17, v13;
	s24 =	simm.s32 $0x2680  }
0x54a: {  	[tilespmem:s24], [sflag:$0x1] =	stream.indirect_vreg.gather [hbm4b:s6+s8], $0x80, v18, vm0, $0xb8;
	[tilespmem:$0x9680] =	vst v63  }
0x54b: {  	v18 =	vadd.s32 v3, v21;
	v21 =	vperm.xlane v17, v14;
	s24 =	simm.s32 $0x2700  }
0x54c: {  	[tilespmem:s24], [sflag:$0x1] =	stream.indirect_vreg.gather [hbm4b:s6+s8], $0x80, v19, vm0, $0xb8;
	[tilespmem:$0x9680] =	vst v63  }
0x54d: {  	v19 =	vadd.s32 v3, v21;
	v21 =	vperm.xlane v17, v15;
	s24 =	simm.s32 $0x2780  }
0x54e: {  	[tilespmem:s24], [sflag:$0x1] =	stream.indirect_vreg.gather [hbm4b:s6+s8], $0x80, v20, vm0, $0xb8;
	[tilespmem:$0x9680] =	vst v63  }
0x54f: {  	v17 =	vperm.xlane v17, v16;
	v20 =	vadd.s32 v3, v21;
	s24 =	simm.s32 $0x2800  }
0x550: {  	[tilespmem:s24], [sflag:$0x1] =	stream.indirect_vreg.gather [hbm4b:s6+s8], $0x80, v18, vm0, $0xb8;
	[tilespmem:$0x9680] =	vst v63  }
0x551: {  	v17 =	vadd.s32 v3, v17;
	s24 =	simm.s32 $0x2880  }
0x552: {  	[tilespmem:s24], [sflag:$0x1] =	stream.indirect_vreg.gather [hbm4b:s6+s8], $0x80, v19, vm0, $0xb8;
	[tilespmem:$0x9680] =	vst v63  }
0x553: {  	s24 =	simm.s32 $0x2900  }
0x554: {  	[tilespmem:s24], [sflag:$0x1] =	stream.indirect_vreg.gather [hbm4b:s6+s8], $0x80, v20, vm0, $0xb8;
	[tilespmem:$0x9680] =	vst v63  }
0x555: {  	s24 =	simm.s32 $0x2980  }
0x556: {  	[tilespmem:s24], [sflag:$0x1] =	stream.indirect_vreg.gather [hbm4b:s6+s8], $0x80, v17, vm0, $0xb8;
	[tilespmem:$0x9680] =	vst v63  }
0x557: {  	v17 =	vld [tilespmem:s9+$0x150];
	_ =	sdelay $0x4  }
0x558: {  	v18 =	vshll.u32 v17, $0x3  }
0x559: {  	v17 =	vand.u32 $0x7, v17;
	v18 =	vand.u32 $0xFFFFFFC0, v18  }
0x55a: {  	v17 =	vor.u32 v17, v18  }
0x55b: {  	v18 =	vperm.xlane v17, v2;
	_ =	sdelay $0x1  }
0x55c: {  	v19 =	vperm.xlane v17, v4;
	v18 =	vadd.s32 v3, v18;
	_ =	sdelay $0x1  }
0x55d: {  	v20 =	vperm.xlane v17, v5;
	v19 =	vadd.s32 v3, v19;
	_ =	sdelay $0x1  }
0x55e: {  	s24 =	simm.s32 $0x2A00;
	v21 =	vperm.xlane v17, v1;
	v20 =	vadd.s32 v3, v20  }
0x55f: {  	[tilespmem:s24], [sflag:$0x1] =	stream.indirect_vreg.gather [hbm4b:s6+s8], $0x80, v18, vm0, $0xb8;
	[tilespmem:$0x9680] =	vst v63  }
0x560: {  	v18 =	vadd.s32 v3, v21;
	v21 =	vperm.xlane v17, v6;
	s24 =	simm.s32 $0x2A80  }
0x561: {  	[tilespmem:s24], [sflag:$0x1] =	stream.indirect_vreg.gather [hbm4b:s6+s8], $0x80, v19, vm0, $0xb8;
	[tilespmem:$0x9680] =	vst v63  }
0x562: {  	v19 =	vadd.s32 v3, v21;
	v21 =	vperm.xlane v17, v7;
	s24 =	simm.s32 $0x2B00  }
0x563: {  	[tilespmem:s24], [sflag:$0x1] =	stream.indirect_vreg.gather [hbm4b:s6+s8], $0x80, v20, vm0, $0xb8;
	[tilespmem:$0x9680] =	vst v63  }
0x564: {  	v20 =	vadd.s32 v3, v21;
	v21 =	vperm.xlane v17, v8;
	s24 =	simm.s32 $0x2B80  }
0x565: {  	[tilespmem:s24], [sflag:$0x1] =	stream.indirect_vreg.gather [hbm4b:s6+s8], $0x80, v18, vm0, $0xb8;
	[tilespmem:$0x9680] =	vst v63  }
0x566: {  	v18 =	vadd.s32 v3, v21;
	v21 =	vperm.xlane v17, v0;
	s24 =	simm.s32 $0x2C00  }
0x567: {  	[tilespmem:s24], [sflag:$0x1] =	stream.indirect_vreg.gather [hbm4b:s6+s8], $0x80, v19, vm0, $0xb8;
	[tilespmem:$0x9680] =	vst v63  }
0x568: {  	v19 =	vadd.s32 v3, v21;
	v21 =	vperm.xlane v17, v9;
	s24 =	simm.s32 $0x2C80  }
0x569: {  	[tilespmem:s24], [sflag:$0x1] =	stream.indirect_vreg.gather [hbm4b:s6+s8], $0x80, v20, vm0, $0xb8;
	[tilespmem:$0x9680] =	vst v63  }
0x56a: {  	v20 =	vadd.s32 v3, v21;
	v21 =	vperm.xlane v17, v10;
	s24 =	simm.s32 $0x2D00  }
0x56b: {  	[tilespmem:s24], [sflag:$0x1] =	stream.indirect_vreg.gather [hbm4b:s6+s8], $0x80, v18, vm0, $0xb8;
	[tilespmem:$0x9680] =	vst v63  }
0x56c: {  	v18 =	vadd.s32 v3, v21;
	v21 =	vperm.xlane v17, v11;
	s24 =	simm.s32 $0x2D80  }
0x56d: {  	[tilespmem:s24], [sflag:$0x1] =	stream.indirect_vreg.gather [hbm4b:s6+s8], $0x80, v19, vm0, $0xb8;
	[tilespmem:$0x9680] =	vst v63  }
0x56e: {  	v19 =	vadd.s32 v3, v21;
	v21 =	vperm.xlane v17, v12;
	s24 =	simm.s32 $0x2E00  }
0x56f: {  	[tilespmem:s24], [sflag:$0x1] =	stream.indirect_vreg.gather [hbm4b:s6+s8], $0x80, v20, vm0, $0xb8;
	[tilespmem:$0x9680] =	vst v63  }
0x570: {  	v20 =	vadd.s32 v3, v21;
	v21 =	vperm.xlane v17, v13;
	s24 =	simm.s32 $0x2E80  }
0x571: {  	[tilespmem:s24], [sflag:$0x1] =	stream.indirect_vreg.gather [hbm4b:s6+s8], $0x80, v18, vm0, $0xb8;
	[tilespmem:$0x9680] =	vst v63  }
0x572: {  	v18 =	vadd.s32 v3, v21;
	v21 =	vperm.xlane v17, v14;
	s24 =	simm.s32 $0x2F00  }
0x573: {  	[tilespmem:s24], [sflag:$0x1] =	stream.indirect_vreg.gather [hbm4b:s6+s8], $0x80, v19, vm0, $0xb8;
	[tilespmem:$0x9680] =	vst v63  }
0x574: {  	v19 =	vadd.s32 v3, v21;
	v21 =	vperm.xlane v17, v15;
	s24 =	simm.s32 $0x2F80  }
0x575: {  	[tilespmem:s24], [sflag:$0x1] =	stream.indirect_vreg.gather [hbm4b:s6+s8], $0x80, v20, vm0, $0xb8;
	[tilespmem:$0x9680] =	vst v63  }
0x576: {  	v17 =	vperm.xlane v17, v16;
	v20 =	vadd.s32 v3, v21;
	s24 =	simm.s32 $0x3000  }
0x577: {  	[tilespmem:s24], [sflag:$0x1] =	stream.indirect_vreg.gather [hbm4b:s6+s8], $0x80, v18, vm0, $0xb8;
	[tilespmem:$0x9680] =	vst v63  }
0x578: {  	v17 =	vadd.s32 v3, v17;
	s24 =	simm.s32 $0x3080  }
0x579: {  	[tilespmem:s24], [sflag:$0x1] =	stream.indirect_vreg.gather [hbm4b:s6+s8], $0x80, v19, vm0, $0xb8;
	[tilespmem:$0x9680] =	vst v63  }
0x57a: {  	s24 =	simm.s32 $0x3100  }
0x57b: {  	[tilespmem:s24], [sflag:$0x1] =	stream.indirect_vreg.gather [hbm4b:s6+s8], $0x80, v20, vm0, $0xb8;
	[tilespmem:$0x9680] =	vst v63  }
0x57c: {  	s24 =	simm.s32 $0x3180  }
0x57d: {  	[tilespmem:s24], [sflag:$0x1] =	stream.indirect_vreg.gather [hbm4b:s6+s8], $0x80, v17, vm0, $0xb8;
	[tilespmem:$0x9680] =	vst v63  }
0x57e: {  	v17 =	vld [tilespmem:s9+$0x160];
	_ =	sdelay $0x4  }
0x57f: {  	v18 =	vshll.u32 v17, $0x3  }
0x580: {  	v17 =	vand.u32 $0x7, v17;
	v18 =	vand.u32 $0xFFFFFFC0, v18  }
0x581: {  	v17 =	vor.u32 v17, v18  }
0x582: {  	v18 =	vperm.xlane v17, v2;
	_ =	sdelay $0x1  }
0x583: {  	v19 =	vperm.xlane v17, v4;
	v18 =	vadd.s32 v3, v18;
	_ =	sdelay $0x1  }
0x584: {  	v20 =	vperm.xlane v17, v5;
	v19 =	vadd.s32 v3, v19;
	_ =	sdelay $0x1  }
0x585: {  	s24 =	simm.s32 $0x3200;
	v21 =	vperm.xlane v17, v1;
	v20 =	vadd.s32 v3, v20  }
0x586: {  	[tilespmem:s24], [sflag:$0x1] =	stream.indirect_vreg.gather [hbm4b:s6+s8], $0x80, v18, vm0, $0xb8;
	[tilespmem:$0x9680] =	vst v63  }
0x587: {  	v18 =	vadd.s32 v3, v21;
	v21 =	vperm.xlane v17, v6;
	s24 =	simm.s32 $0x3280  }
0x588: {  	[tilespmem:s24], [sflag:$0x1] =	stream.indirect_vreg.gather [hbm4b:s6+s8], $0x80, v19, vm0, $0xb8;
	[tilespmem:$0x9680] =	vst v63  }
0x589: {  	v19 =	vadd.s32 v3, v21;
	v21 =	vperm.xlane v17, v7;
	s24 =	simm.s32 $0x3300  }
0x58a: {  	[tilespmem:s24], [sflag:$0x1] =	stream.indirect_vreg.gather [hbm4b:s6+s8], $0x80, v20, vm0, $0xb8;
	[tilespmem:$0x9680] =	vst v63  }
0x58b: {  	v20 =	vadd.s32 v3, v21;
	v21 =	vperm.xlane v17, v8;
	s24 =	simm.s32 $0x3380  }
0x58c: {  	[tilespmem:s24], [sflag:$0x1] =	stream.indirect_vreg.gather [hbm4b:s6+s8], $0x80, v18, vm0, $0xb8;
	[tilespmem:$0x9680] =	vst v63  }
0x58d: {  	v18 =	vadd.s32 v3, v21;
	v21 =	vperm.xlane v17, v0;
	s24 =	simm.s32 $0x3400  }
0x58e: {  	[tilespmem:s24], [sflag:$0x1] =	stream.indirect_vreg.gather [hbm4b:s6+s8], $0x80, v19, vm0, $0xb8;
	[tilespmem:$0x9680] =	vst v63  }
0x58f: {  	v19 =	vadd.s32 v3, v21;
	v21 =	vperm.xlane v17, v9;
	s24 =	simm.s32 $0x3480  }
0x590: {  	[tilespmem:s24], [sflag:$0x1] =	stream.indirect_vreg.gather [hbm4b:s6+s8], $0x80, v20, vm0, $0xb8;
	[tilespmem:$0x9680] =	vst v63  }
0x591: {  	v20 =	vadd.s32 v3, v21;
	v21 =	vperm.xlane v17, v10;
	s24 =	simm.s32 $0x3500  }
0x592: {  	[tilespmem:s24], [sflag:$0x1] =	stream.indirect_vreg.gather [hbm4b:s6+s8], $0x80, v18, vm0, $0xb8;
	[tilespmem:$0x9680] =	vst v63  }
0x593: {  	v18 =	vadd.s32 v3, v21;
	v21 =	vperm.xlane v17, v11;
	s24 =	simm.s32 $0x3580  }
0x594: {  	[tilespmem:s24], [sflag:$0x1] =	stream.indirect_vreg.gather [hbm4b:s6+s8], $0x80, v19, vm0, $0xb8;
	[tilespmem:$0x9680] =	vst v63  }
0x595: {  	v19 =	vadd.s32 v3, v21;
	v21 =	vperm.xlane v17, v12;
	s24 =	simm.s32 $0x3600  }
0x596: {  	[tilespmem:s24], [sflag:$0x1] =	stream.indirect_vreg.gather [hbm4b:s6+s8], $0x80, v20, vm0, $0xb8;
	[tilespmem:$0x9680] =	vst v63  }
0x597: {  	v20 =	vadd.s32 v3, v21;
	v21 =	vperm.xlane v17, v13;
	s24 =	simm.s32 $0x3680  }
0x598: {  	[tilespmem:s24], [sflag:$0x1] =	stream.indirect_vreg.gather [hbm4b:s6+s8], $0x80, v18, vm0, $0xb8;
	[tilespmem:$0x9680] =	vst v63  }
0x599: {  	v18 =	vadd.s32 v3, v21;
	v21 =	vperm.xlane v17, v14;
	s24 =	simm.s32 $0x3700  }
0x59a: {  	[tilespmem:s24], [sflag:$0x1] =	stream.indirect_vreg.gather [hbm4b:s6+s8], $0x80, v19, vm0, $0xb8;
	[tilespmem:$0x9680] =	vst v63  }
0x59b: {  	v19 =	vadd.s32 v3, v21;
	v21 =	vperm.xlane v17, v15;
	s24 =	simm.s32 $0x3780  }
0x59c: {  	[tilespmem:s24], [sflag:$0x1] =	stream.indirect_vreg.gather [hbm4b:s6+s8], $0x80, v20, vm0, $0xb8;
	[tilespmem:$0x9680] =	vst v63  }
0x59d: {  	v17 =	vperm.xlane v17, v16;
	v20 =	vadd.s32 v3, v21;
	s24 =	simm.s32 $0x3800  }
0x59e: {  	[tilespmem:s24], [sflag:$0x1] =	stream.indirect_vreg.gather [hbm4b:s6+s8], $0x80, v18, vm0, $0xb8;
	[tilespmem:$0x9680] =	vst v63  }
0x59f: {  	v17 =	vadd.s32 v3, v17;
	s24 =	simm.s32 $0x3880  }
0x5a0: {  	[tilespmem:s24], [sflag:$0x1] =	stream.indirect_vreg.gather [hbm4b:s6+s8], $0x80, v19, vm0, $0xb8;
	[tilespmem:$0x9680] =	vst v63  }
0x5a1: {  	s24 =	simm.s32 $0x3900  }
0x5a2: {  	[tilespmem:s24], [sflag:$0x1] =	stream.indirect_vreg.gather [hbm4b:s6+s8], $0x80, v20, vm0, $0xb8;
	[tilespmem:$0x9680] =	vst v63  }
0x5a3: {  	s24 =	simm.s32 $0x3980  }
0x5a4: {  	[tilespmem:s24], [sflag:$0x1] =	stream.indirect_vreg.gather [hbm4b:s6+s8], $0x80, v17, vm0, $0xb8;
	[tilespmem:$0x9680] =	vst v63  }
0x5a5: {  	v17 =	vld [tilespmem:s9+$0x170];
	_ =	sdelay $0x4  }
0x5a6: {  	v18 =	vshll.u32 v17, $0x3  }
0x5a7: {  	v17 =	vand.u32 $0x7, v17;
	v18 =	vand.u32 $0xFFFFFFC0, v18  }
0x5a8: {  	v17 =	vor.u32 v17, v18  }
0x5a9: {  	v18 =	vperm.xlane v17, v2;
	_ =	sdelay $0x1  }
0x5aa: {  	v19 =	vperm.xlane v17, v4;
	v18 =	vadd.s32 v3, v18;
	_ =	sdelay $0x1  }
0x5ab: {  	v20 =	vperm.xlane v17, v5;
	v19 =	vadd.s32 v3, v19;
	_ =	sdelay $0x1  }
0x5ac: {  	s10 =	simm.s32 $0x3A00;
	v21 =	vperm.xlane v17, v1;
	v20 =	vadd.s32 v3, v20  }
0x5ad: {  	[tilespmem:s10], [sflag:$0x1] =	stream.indirect_vreg.gather [hbm4b:s6+s8], $0x80, v18, vm0, $0xb8;
	[tilespmem:$0x9680] =	vst v63  }
0x5ae: {  	s24 =	simm.s32 $0x3A80;
	v18 =	vadd.s32 v3, v21;
	v21 =	vperm.xlane v17, v6  }
0x5af: {  	[tilespmem:s24], [sflag:$0x1] =	stream.indirect_vreg.gather [hbm4b:s6+s8], $0x80, v19, vm0, $0xb8;
	[tilespmem:$0x9680] =	vst v63  }
0x5b0: {  	s10 =	simm.s32 $0x3B00;
	v19 =	vadd.s32 v3, v21;
	v21 =	vperm.xlane v17, v7  }
0x5b1: {  	[tilespmem:s10], [sflag:$0x1] =	stream.indirect_vreg.gather [hbm4b:s6+s8], $0x80, v20, vm0, $0xb8;
	[tilespmem:$0x9680] =	vst v63  }
0x5b2: {  	s24 =	simm.s32 $0x3B80;
	v20 =	vadd.s32 v3, v21;
	v21 =	vperm.xlane v17, v8  }
0x5b3: {  	[tilespmem:s24], [sflag:$0x1] =	stream.indirect_vreg.gather [hbm4b:s6+s8], $0x80, v18, vm0, $0xb8;
	[tilespmem:$0x9680] =	vst v63  }
0x5b4: {  	s10 =	simm.s32 $0x3C00;
	v18 =	vadd.s32 v3, v21;
	v21 =	vperm.xlane v17, v0  }
0x5b5: {  	[tilespmem:s10], [sflag:$0x1] =	stream.indirect_vreg.gather [hbm4b:s6+s8], $0x80, v19, vm0, $0xb8;
	[tilespmem:$0x9680] =	vst v63  }
0x5b6: {  	s24 =	simm.s32 $0x3C80;
	v19 =	vadd.s32 v3, v21;
	v21 =	vperm.xlane v17, v9  }
0x5b7: {  	[tilespmem:s24], [sflag:$0x1] =	stream.indirect_vreg.gather [hbm4b:s6+s8], $0x80, v20, vm0, $0xb8;
	[tilespmem:$0x9680] =	vst v63  }
0x5b8: {  	s10 =	simm.s32 $0x3D00;
	v20 =	vadd.s32 v3, v21;
	v21 =	vperm.xlane v17, v10  }
0x5b9: {  	[tilespmem:s10], [sflag:$0x1] =	stream.indirect_vreg.gather [hbm4b:s6+s8], $0x80, v18, vm0, $0xb8;
	[tilespmem:$0x9680] =	vst v63  }
0x5ba: {  	s24 =	simm.s32 $0x3D80;
	v18 =	vadd.s32 v3, v21;
	v21 =	vperm.xlane v17, v11  }
0x5bb: {  	[tilespmem:s24], [sflag:$0x1] =	stream.indirect_vreg.gather [hbm4b:s6+s8], $0x80, v19, vm0, $0xb8;
	[tilespmem:$0x9680] =	vst v63  }
0x5bc: {  	s10 =	simm.s32 $0x3E00;
	v19 =	vadd.s32 v3, v21;
	v21 =	vperm.xlane v17, v12  }
0x5bd: {  	[tilespmem:s10], [sflag:$0x1] =	stream.indirect_vreg.gather [hbm4b:s6+s8], $0x80, v20, vm0, $0xb8;
	[tilespmem:$0x9680] =	vst v63  }
0x5be: {  	s24 =	simm.s32 $0x3E80;
	v20 =	vadd.s32 v3, v21;
	v21 =	vperm.xlane v17, v13  }
0x5bf: {  	[tilespmem:s24], [sflag:$0x1] =	stream.indirect_vreg.gather [hbm4b:s6+s8], $0x80, v18, vm0, $0xb8;
	[tilespmem:$0x9680] =	vst v63  }
0x5c0: {  	s10 =	simm.s32 $0x3F00;
	v18 =	vadd.s32 v3, v21;
	v21 =	vperm.xlane v17, v14  }
0x5c1: {  	[tilespmem:s10], [sflag:$0x1] =	stream.indirect_vreg.gather [hbm4b:s6+s8], $0x80, v19, vm0, $0xb8;
	[tilespmem:$0x9680] =	vst v63  }
0x5c2: {  	s24 =	simm.s32 $0x3F80;
	v19 =	vadd.s32 v3, v21;
	v21 =	vperm.xlane v17, v15  }
0x5c3: {  	[tilespmem:s24], [sflag:$0x1] =	stream.indirect_vreg.gather [hbm4b:s6+s8], $0x80, v20, vm0, $0xb8;
	[tilespmem:$0x9680] =	vst v63  }
0x5c4: {  	v17 =	vperm.xlane v17, v16;
	v20 =	vadd.s32 v3, v21  }
0x5c5: {  	[tilespmem:s11], [sflag:$0x1] =	stream.indirect_vreg.gather [hbm4b:s6+s8], $0x80, v18, vm0, $0xb8;
	[tilespmem:$0x9680] =	vst v63  }
0x5c6: {  	v17 =	vadd.s32 v3, v17  }
0x5c7: {  	[tilespmem:s12], [sflag:$0x1] =	stream.indirect_vreg.gather [hbm4b:s6+s8], $0x80, v19, vm0, $0xb8;
	[tilespmem:$0x9680] =	vst v63  }
0x5c8: {  	_ = 	snop  }
0x5c9: {  	[tilespmem:s13], [sflag:$0x1] =	stream.indirect_vreg.gather [hbm4b:s6+s8], $0x80, v20, vm0, $0xb8;
	[tilespmem:$0x9680] =	vst v63  }
0x5ca: {  	_ = 	snop  }
0x5cb: {  	[tilespmem:s14], [sflag:$0x1] =	stream.indirect_vreg.gather [hbm4b:s6+s8], $0x80, v17, vm0, $0xb8;
	[tilespmem:$0x9680] =	vst v63  }
0x5cc: {  	s8 =	simm.s32 $0x0  }
0x5cd: {  	v17 =	vld [tilespmem:s8+$0x4200]  }
0x5ce: {  	v18 =	vld [tilespmem:s8+$0x4280];
	_ =	sdelay $0x1  }
0x5cf: {  	v19 =	vld [tilespmem:s8+$0x4300];
	_ =	sdelay $0x1  }
0x5d0: {  	v20 =	vld [tilespmem:s8+$0x4380]  }
0x5d1: {  	v17 =	vadd.f32 v18, v17  }
0x5d2: {  	v18 =	vld [tilespmem:s8+$0x4400]  }
0x5d3: {  	v17 =	vadd.f32 v19, v17  }
0x5d4: {  	v19 =	vld [tilespmem:s8+$0x4480]  }
0x5d5: {  	v17 =	vadd.f32 v20, v17  }
0x5d6: {  	v20 =	vld [tilespmem:s8+$0x4500]  }
0x5d7: {  	v17 =	vadd.f32 v18, v17  }
0x5d8: {  	v18 =	vld [tilespmem:s8+$0x4580]  }
0x5d9: {  	v17 =	vadd.f32 v19, v17  }
0x5da: {  	v19 =	vld [tilespmem:s8+$0x4600]  }
0x5db: {  	v17 =	vadd.f32 v20, v17  }
0x5dc: {  	v20 =	vld [tilespmem:s8+$0x4680]  }
0x5dd: {  	v17 =	vadd.f32 v18, v17  }
0x5de: {  	v18 =	vld [tilespmem:s8+$0x4700]  }
0x5df: {  	v17 =	vadd.f32 v19, v17  }
0x5e0: {  	v19 =	vld [tilespmem:s8+$0x4780]  }
0x5e1: {  	v17 =	vadd.f32 v20, v17  }
0x5e2: {  	v20 =	vld [tilespmem:s8+$0x4800]  }
0x5e3: {  	v17 =	vadd.f32 v18, v17  }
0x5e4: {  	v18 =	vld [tilespmem:s8+$0x4880]  }
0x5e5: {  	v17 =	vadd.f32 v19, v17  }
0x5e6: {  	v19 =	vld [tilespmem:s8+$0x4900]  }
0x5e7: {  	v17 =	vadd.f32 v20, v17  }
0x5e8: {  	v20 =	vld [tilespmem:s8+$0x4980]  }
0x5e9: {  	v17 =	vadd.f32 v18, v17  }
0x5ea: {  	v18 =	vld [tilespmem:s8+$0x4A00]  }
0x5eb: {  	v17 =	vadd.f32 v19, v17  }
0x5ec: {  	v19 =	vld [tilespmem:s8+$0x4A80]  }
0x5ed: {  	v17 =	vadd.f32 v20, v17  }
0x5ee: {  	v20 =	vld [tilespmem:s8+$0x4B00]  }
0x5ef: {  	v17 =	vadd.f32 v18, v17  }
0x5f0: {  	v18 =	vld [tilespmem:s8+$0x4B80]  }
0x5f1: {  	v17 =	vadd.f32 v19, v17  }
0x5f2: {  	v19 =	vld [tilespmem:s8+$0x4C00]  }
0x5f3: {  	v17 =	vadd.f32 v20, v17  }
0x5f4: {  	v20 =	vld [tilespmem:s8+$0x4C80]  }
0x5f5: {  	v17 =	vadd.f32 v18, v17  }
0x5f6: {  	v18 =	vld [tilespmem:s8+$0x4D00]  }
0x5f7: {  	v17 =	vadd.f32 v19, v17  }
0x5f8: {  	v19 =	vld [tilespmem:s8+$0x4D80]  }
0x5f9: {  	v17 =	vadd.f32 v20, v17  }
0x5fa: {  	v20 =	vld [tilespmem:s8+$0x4E00]  }
0x5fb: {  	v17 =	vadd.f32 v18, v17  }
0x5fc: {  	v18 =	vld [tilespmem:s8+$0x4E80]  }
0x5fd: {  	v17 =	vadd.f32 v19, v17  }
0x5fe: {  	v19 =	vld [tilespmem:s8+$0x4F00]  }
0x5ff: {  	v17 =	vadd.f32 v20, v17  }
0x600: {  	v20 =	vld [tilespmem:s8+$0x4F80]  }
0x601: {  	v17 =	vadd.f32 v18, v17  }
0x602: {  	v18 =	vld [tilespmem:s8+$0x5000]  }
0x603: {  	v17 =	vadd.f32 v19, v17  }
0x604: {  	v19 =	vld [tilespmem:s8+$0x5080]  }
0x605: {  	v17 =	vadd.f32 v20, v17  }
0x606: {  	v20 =	vld [tilespmem:s8+$0x5100]  }
0x607: {  	s7 =	sshll.u32 s7, $0xB;
	v17 =	vadd.f32 v18, v17  }
0x608: {  	s7 =	sshra.s32 s7, $0x2;
	v18 =	vld [tilespmem:s8+$0x5180]  }
0x609: {  	s7 =	sadd.s32 $0x8200, s7;
	v19 =	vadd.f32 v19, v17  }
0x60a: {  	v17 =	vmov s7  }
0x60b: {  	v19 =	vadd.f32 v20, v19;
	_ =	sdelay $0x1  }
0x60c: {  	v18 =	vadd.f32 v18, v19;
	_ =	sdelay $0x1  }
0x60d: {  	[tilespmem:v17+s8+$0x0 ss:$0x1] =	vst.idx.msk $0xffff, v18  }
0x60e: {  	v18 =	vld [tilespmem:s8+$0x5200]  }
0x60f: {  	v19 =	vld [tilespmem:s8+$0x5280];
	_ =	sdelay $0x1  }
0x610: {  	v20 =	vld [tilespmem:s8+$0x5300];
	_ =	sdelay $0x1  }
0x611: {  	v21 =	vld [tilespmem:s8+$0x5380]  }
0x612: {  	v18 =	vadd.f32 v19, v18  }
0x613: {  	v19 =	vld [tilespmem:s8+$0x5400]  }
0x614: {  	v18 =	vadd.f32 v20, v18  }
0x615: {  	v20 =	vld [tilespmem:s8+$0x5480]  }
0x616: {  	v18 =	vadd.f32 v21, v18  }
0x617: {  	v21 =	vld [tilespmem:s8+$0x5500]  }
0x618: {  	v18 =	vadd.f32 v19, v18  }
0x619: {  	v19 =	vld [tilespmem:s8+$0x5580]  }
0x61a: {  	v18 =	vadd.f32 v20, v18  }
0x61b: {  	v20 =	vld [tilespmem:s8+$0x5600]  }
0x61c: {  	v18 =	vadd.f32 v21, v18  }
0x61d: {  	v21 =	vld [tilespmem:s8+$0x5680]  }
0x61e: {  	v18 =	vadd.f32 v19, v18  }
0x61f: {  	v19 =	vld [tilespmem:s8+$0x5700]  }
0x620: {  	v18 =	vadd.f32 v20, v18  }
0x621: {  	v20 =	vld [tilespmem:s8+$0x5780]  }
0x622: {  	v18 =	vadd.f32 v21, v18  }
0x623: {  	v21 =	vld [tilespmem:s8+$0x5800]  }
0x624: {  	v18 =	vadd.f32 v19, v18  }
0x625: {  	v19 =	vld [tilespmem:s8+$0x5880]  }
0x626: {  	v18 =	vadd.f32 v20, v18  }
0x627: {  	v20 =	vld [tilespmem:s8+$0x5900]  }
0x628: {  	v18 =	vadd.f32 v21, v18  }
0x629: {  	v21 =	vld [tilespmem:s8+$0x5980]  }
0x62a: {  	v18 =	vadd.f32 v19, v18  }
0x62b: {  	v19 =	vld [tilespmem:s8+$0x5A00]  }
0x62c: {  	v18 =	vadd.f32 v20, v18  }
0x62d: {  	v20 =	vld [tilespmem:s8+$0x5A80]  }
0x62e: {  	v18 =	vadd.f32 v21, v18  }
0x62f: {  	v21 =	vld [tilespmem:s8+$0x5B00]  }
0x630: {  	v18 =	vadd.f32 v19, v18  }
0x631: {  	v19 =	vld [tilespmem:s8+$0x5B80]  }
0x632: {  	v18 =	vadd.f32 v20, v18  }
0x633: {  	v20 =	vld [tilespmem:s8+$0x5C00]  }
0x634: {  	v18 =	vadd.f32 v21, v18  }
0x635: {  	v21 =	vld [tilespmem:s8+$0x5C80]  }
0x636: {  	v18 =	vadd.f32 v19, v18  }
0x637: {  	v19 =	vld [tilespmem:s8+$0x5D00]  }
0x638: {  	v18 =	vadd.f32 v20, v18  }
0x639: {  	v20 =	vld [tilespmem:s8+$0x5D80]  }
0x63a: {  	v18 =	vadd.f32 v21, v18  }
0x63b: {  	v21 =	vld [tilespmem:s8+$0x5E00]  }
0x63c: {  	v18 =	vadd.f32 v19, v18  }
0x63d: {  	v19 =	vld [tilespmem:s8+$0x5E80]  }
0x63e: {  	v18 =	vadd.f32 v20, v18  }
0x63f: {  	v20 =	vld [tilespmem:s8+$0x5F00]  }
0x640: {  	v18 =	vadd.f32 v21, v18  }
0x641: {  	v21 =	vld [tilespmem:s8+$0x5F80]  }
0x642: {  	v18 =	vadd.f32 v19, v18  }
0x643: {  	v19 =	vld [tilespmem:s8+$0x6000]  }
0x644: {  	v18 =	vadd.f32 v20, v18  }
0x645: {  	v20 =	vld [tilespmem:s8+$0x6080]  }
0x646: {  	v18 =	vadd.f32 v21, v18  }
0x647: {  	v21 =	vld [tilespmem:s8+$0x6100]  }
0x648: {  	v18 =	vadd.f32 v19, v18  }
0x649: {  	v19 =	vld [tilespmem:s8+$0x6180]  }
0x64a: {  	v18 =	vadd.f32 v20, v18;
	_ =	sdelay $0x1  }
0x64b: {  	v18 =	vadd.f32 v21, v18;
	_ =	sdelay $0x1  }
0x64c: {  	v18 =	vadd.f32 v19, v18;
	_ =	sdelay $0x1  }
0x64d: {  	[tilespmem:v17+s8+$0x80 ss:$0x1] =	vst.idx.msk $0xffff, v18  }
0x64e: {  	v18 =	vld [tilespmem:s8+$0x6200]  }
0x64f: {  	v19 =	vld [tilespmem:s8+$0x6280];
	_ =	sdelay $0x1  }
0x650: {  	v20 =	vld [tilespmem:s8+$0x6300];
	_ =	sdelay $0x1  }
0x651: {  	v21 =	vld [tilespmem:s8+$0x6380]  }
0x652: {  	v18 =	vadd.f32 v19, v18  }
0x653: {  	v19 =	vld [tilespmem:s8+$0x6400]  }
0x654: {  	v18 =	vadd.f32 v20, v18  }
0x655: {  	v20 =	vld [tilespmem:s8+$0x6480]  }
0x656: {  	v18 =	vadd.f32 v21, v18  }
0x657: {  	v21 =	vld [tilespmem:s8+$0x6500]  }
0x658: {  	v18 =	vadd.f32 v19, v18  }
0x659: {  	v19 =	vld [tilespmem:s8+$0x6580]  }
0x65a: {  	v18 =	vadd.f32 v20, v18  }
0x65b: {  	v20 =	vld [tilespmem:s8+$0x6600]  }
0x65c: {  	v18 =	vadd.f32 v21, v18  }
0x65d: {  	v21 =	vld [tilespmem:s8+$0x6680]  }
0x65e: {  	v18 =	vadd.f32 v19, v18  }
0x65f: {  	v19 =	vld [tilespmem:s8+$0x6700]  }
0x660: {  	v18 =	vadd.f32 v20, v18  }
0x661: {  	v20 =	vld [tilespmem:s8+$0x6780]  }
0x662: {  	v18 =	vadd.f32 v21, v18  }
0x663: {  	v21 =	vld [tilespmem:s8+$0x6800]  }
0x664: {  	v18 =	vadd.f32 v19, v18  }
0x665: {  	v19 =	vld [tilespmem:s8+$0x6880]  }
0x666: {  	v18 =	vadd.f32 v20, v18  }
0x667: {  	v20 =	vld [tilespmem:s8+$0x6900]  }
0x668: {  	v18 =	vadd.f32 v21, v18  }
0x669: {  	v21 =	vld [tilespmem:s8+$0x6980]  }
0x66a: {  	v18 =	vadd.f32 v19, v18  }
0x66b: {  	v19 =	vld [tilespmem:s8+$0x6A00]  }
0x66c: {  	v18 =	vadd.f32 v20, v18  }
0x66d: {  	v20 =	vld [tilespmem:s8+$0x6A80]  }
0x66e: {  	v18 =	vadd.f32 v21, v18  }
0x66f: {  	v21 =	vld [tilespmem:s8+$0x6B00]  }
0x670: {  	v18 =	vadd.f32 v19, v18  }
0x671: {  	v19 =	vld [tilespmem:s8+$0x6B80]  }
0x672: {  	v18 =	vadd.f32 v20, v18  }
0x673: {  	v20 =	vld [tilespmem:s8+$0x6C00]  }
0x674: {  	v18 =	vadd.f32 v21, v18  }
0x675: {  	v21 =	vld [tilespmem:s8+$0x6C80]  }
0x676: {  	v18 =	vadd.f32 v19, v18  }
0x677: {  	v19 =	vld [tilespmem:s8+$0x6D00]  }
0x678: {  	v18 =	vadd.f32 v20, v18  }
0x679: {  	v20 =	vld [tilespmem:s8+$0x6D80]  }
0x67a: {  	v18 =	vadd.f32 v21, v18  }
0x67b: {  	v21 =	vld [tilespmem:s8+$0x6E00]  }
0x67c: {  	v18 =	vadd.f32 v19, v18  }
0x67d: {  	v19 =	vld [tilespmem:s8+$0x6E80]  }
0x67e: {  	v18 =	vadd.f32 v20, v18  }
0x67f: {  	v20 =	vld [tilespmem:s8+$0x6F00]  }
0x680: {  	v18 =	vadd.f32 v21, v18  }
0x681: {  	v21 =	vld [tilespmem:s8+$0x6F80]  }
0x682: {  	v18 =	vadd.f32 v19, v18  }
0x683: {  	v19 =	vld [tilespmem:s8+$0x7000]  }
0x684: {  	v18 =	vadd.f32 v20, v18  }
0x685: {  	v20 =	vld [tilespmem:s8+$0x7080]  }
0x686: {  	v18 =	vadd.f32 v21, v18  }
0x687: {  	v21 =	vld [tilespmem:s8+$0x7100]  }
0x688: {  	v18 =	vadd.f32 v19, v18  }
0x689: {  	v19 =	vld [tilespmem:s8+$0x7180]  }
0x68a: {  	v18 =	vadd.f32 v20, v18;
	_ =	sdelay $0x1  }
0x68b: {  	v18 =	vadd.f32 v21, v18;
	_ =	sdelay $0x1  }
0x68c: {  	v18 =	vadd.f32 v19, v18;
	_ =	sdelay $0x1  }
0x68d: {  	[tilespmem:v17+s8+$0x100 ss:$0x1] =	vst.idx.msk $0xffff, v18  }
0x68e: {  	v18 =	vld [tilespmem:s8+$0x7200]  }
0x68f: {  	v19 =	vld [tilespmem:s8+$0x7280];
	_ =	sdelay $0x1  }
0x690: {  	v20 =	vld [tilespmem:s8+$0x7300];
	_ =	sdelay $0x1  }
0x691: {  	v21 =	vld [tilespmem:s8+$0x7380]  }
0x692: {  	v18 =	vadd.f32 v19, v18  }
0x693: {  	v19 =	vld [tilespmem:s8+$0x7400]  }
0x694: {  	v18 =	vadd.f32 v20, v18  }
0x695: {  	v20 =	vld [tilespmem:s8+$0x7480]  }
0x696: {  	v18 =	vadd.f32 v21, v18  }
0x697: {  	v21 =	vld [tilespmem:s8+$0x7500]  }
0x698: {  	v18 =	vadd.f32 v19, v18  }
0x699: {  	v19 =	vld [tilespmem:s8+$0x7580]  }
0x69a: {  	v18 =	vadd.f32 v20, v18  }
0x69b: {  	v20 =	vld [tilespmem:s8+$0x7600]  }
0x69c: {  	v18 =	vadd.f32 v21, v18  }
0x69d: {  	v21 =	vld [tilespmem:s8+$0x7680]  }
0x69e: {  	v18 =	vadd.f32 v19, v18  }
0x69f: {  	v19 =	vld [tilespmem:s8+$0x7700]  }
0x6a0: {  	v18 =	vadd.f32 v20, v18  }
0x6a1: {  	v20 =	vld [tilespmem:s8+$0x7780]  }
0x6a2: {  	v18 =	vadd.f32 v21, v18  }
0x6a3: {  	v21 =	vld [tilespmem:s8+$0x7800]  }
0x6a4: {  	v18 =	vadd.f32 v19, v18  }
0x6a5: {  	v19 =	vld [tilespmem:s8+$0x7880]  }
0x6a6: {  	v18 =	vadd.f32 v20, v18  }
0x6a7: {  	v20 =	vld [tilespmem:s8+$0x7900]  }
0x6a8: {  	v18 =	vadd.f32 v21, v18  }
0x6a9: {  	v21 =	vld [tilespmem:s8+$0x7980]  }
0x6aa: {  	v18 =	vadd.f32 v19, v18  }
0x6ab: {  	v19 =	vld [tilespmem:s8+$0x7A00]  }
0x6ac: {  	v18 =	vadd.f32 v20, v18  }
0x6ad: {  	v20 =	vld [tilespmem:s8+$0x7A80]  }
0x6ae: {  	v18 =	vadd.f32 v21, v18  }
0x6af: {  	v21 =	vld [tilespmem:s8+$0x7B00]  }
0x6b0: {  	v18 =	vadd.f32 v19, v18  }
0x6b1: {  	v19 =	vld [tilespmem:s8+$0x7B80]  }
0x6b2: {  	v18 =	vadd.f32 v20, v18  }
0x6b3: {  	v20 =	vld [tilespmem:s8+$0x7C00]  }
0x6b4: {  	v18 =	vadd.f32 v21, v18  }
0x6b5: {  	v21 =	vld [tilespmem:s8+$0x7C80]  }
0x6b6: {  	v18 =	vadd.f32 v19, v18  }
0x6b7: {  	v19 =	vld [tilespmem:s8+$0x7D00]  }
0x6b8: {  	v18 =	vadd.f32 v20, v18  }
0x6b9: {  	v20 =	vld [tilespmem:s8+$0x7D80]  }
0x6ba: {  	v18 =	vadd.f32 v21, v18  }
0x6bb: {  	v21 =	vld [tilespmem:s8+$0x7E00]  }
0x6bc: {  	v18 =	vadd.f32 v19, v18  }
0x6bd: {  	v19 =	vld [tilespmem:s8+$0x7E80]  }
0x6be: {  	v18 =	vadd.f32 v20, v18  }
0x6bf: {  	v20 =	vld [tilespmem:s8+$0x7F00]  }
0x6c0: {  	v18 =	vadd.f32 v21, v18  }
0x6c1: {  	v21 =	vld [tilespmem:s8+$0x7F80]  }
0x6c2: {  	v18 =	vadd.f32 v19, v18  }
0x6c3: {  	v19 =	vld [tilespmem:s8+$0x8000]  }
0x6c4: {  	v18 =	vadd.f32 v20, v18;
	_ =	sdelay $0x1  }
0x6c5: {  	v20 =	vld [tilespmem:s8+$0x8080];
	v18 =	vadd.f32 v21, v18;
	_ =	sdelay $0x1  }
0x6c6: {  	v21 =	vadd.f32 v19, v18;
	v18 =	vld [tilespmem:s8+$0x8100];
	_ =	sdelay $0x1  }
0x6c7: {  	v19 =	vld [tilespmem:s8+$0x8180]  }
0x6c8: {  	s7 =	simm.s32 $0x40;
	v20 =	vadd.f32 v20, v21  }
.LBB2_5:
0x6c9: {  	p2 =	sne.s32 s7, $0x1C0;
	s9 =	smov.u32 s7;
	s7 =	sadd.s32 $0x40, s7  }
0x6ca: {  	v18 =	vadd.f32 v18, v20;
	_ =	sdelay $0x1  }
0x6cb: {  	v18 =	vadd.f32 v19, v18  }
0x6cc: {  	s9 =	sshra.s32 s9, $0x2  }
0x6cd: {  	[tilespmem:v17+s8+$0x180 ss:$0x1] =	vst.idx.msk $0xffff, v18;
	s8 =	smov.u32 s9  }
0x6ce: {  	v18 =	vld [tilespmem:s8+$0x4200]  }
0x6cf: {  	v19 =	vld [tilespmem:s8+$0x4280];
	_ =	sdelay $0x1  }
0x6d0: {  	v20 =	vld [tilespmem:s8+$0x4300];
	_ =	sdelay $0x1  }
0x6d1: {  	v21 =	vld [tilespmem:s8+$0x4380]  }
0x6d2: {  	v18 =	vadd.f32 v19, v18  }
0x6d3: {  	v19 =	vld [tilespmem:s8+$0x4400]  }
0x6d4: {  	v18 =	vadd.f32 v20, v18  }
0x6d5: {  	v20 =	vld [tilespmem:s8+$0x4480]  }
0x6d6: {  	v18 =	vadd.f32 v21, v18  }
0x6d7: {  	v21 =	vld [tilespmem:s8+$0x4500]  }
0x6d8: {  	v18 =	vadd.f32 v19, v18  }
0x6d9: {  	v19 =	vld [tilespmem:s8+$0x4580]  }
0x6da: {  	v18 =	vadd.f32 v20, v18  }
0x6db: {  	v20 =	vld [tilespmem:s8+$0x4600]  }
0x6dc: {  	v18 =	vadd.f32 v21, v18  }
0x6dd: {  	v21 =	vld [tilespmem:s8+$0x4680]  }
0x6de: {  	v18 =	vadd.f32 v19, v18  }
0x6df: {  	v19 =	vld [tilespmem:s8+$0x4700]  }
0x6e0: {  	v18 =	vadd.f32 v20, v18  }
0x6e1: {  	v20 =	vld [tilespmem:s8+$0x4780]  }
0x6e2: {  	v18 =	vadd.f32 v21, v18  }
0x6e3: {  	v21 =	vld [tilespmem:s8+$0x4800]  }
0x6e4: {  	v18 =	vadd.f32 v19, v18  }
0x6e5: {  	v19 =	vld [tilespmem:s8+$0x4880]  }
0x6e6: {  	v18 =	vadd.f32 v20, v18  }
0x6e7: {  	v20 =	vld [tilespmem:s8+$0x4900]  }
0x6e8: {  	v18 =	vadd.f32 v21, v18  }
0x6e9: {  	v21 =	vld [tilespmem:s8+$0x4980]  }
0x6ea: {  	v18 =	vadd.f32 v19, v18  }
0x6eb: {  	v19 =	vld [tilespmem:s8+$0x4A00]  }
0x6ec: {  	v18 =	vadd.f32 v20, v18  }
0x6ed: {  	v20 =	vld [tilespmem:s8+$0x4A80]  }
0x6ee: {  	v18 =	vadd.f32 v21, v18  }
0x6ef: {  	v21 =	vld [tilespmem:s8+$0x4B00]  }
0x6f0: {  	v18 =	vadd.f32 v19, v18  }
0x6f1: {  	v19 =	vld [tilespmem:s8+$0x4B80]  }
0x6f2: {  	v18 =	vadd.f32 v20, v18  }
0x6f3: {  	v20 =	vld [tilespmem:s8+$0x4C00]  }
0x6f4: {  	v18 =	vadd.f32 v21, v18  }
0x6f5: {  	v21 =	vld [tilespmem:s8+$0x4C80]  }
0x6f6: {  	v18 =	vadd.f32 v19, v18  }
0x6f7: {  	v19 =	vld [tilespmem:s8+$0x4D00]  }
0x6f8: {  	v18 =	vadd.f32 v20, v18  }
0x6f9: {  	v20 =	vld [tilespmem:s8+$0x4D80]  }
0x6fa: {  	v18 =	vadd.f32 v21, v18  }
0x6fb: {  	v21 =	vld [tilespmem:s8+$0x4E00]  }
0x6fc: {  	v18 =	vadd.f32 v19, v18  }
0x6fd: {  	v19 =	vld [tilespmem:s8+$0x4E80]  }
0x6fe: {  	v18 =	vadd.f32 v20, v18  }
0x6ff: {  	v20 =	vld [tilespmem:s8+$0x4F00]  }
0x700: {  	v18 =	vadd.f32 v21, v18  }
0x701: {  	v21 =	vld [tilespmem:s8+$0x4F80]  }
0x702: {  	v18 =	vadd.f32 v19, v18  }
0x703: {  	v19 =	vld [tilespmem:s8+$0x5000]  }
0x704: {  	v18 =	vadd.f32 v20, v18  }
0x705: {  	v20 =	vld [tilespmem:s8+$0x5080]  }
0x706: {  	v18 =	vadd.f32 v21, v18  }
0x707: {  	v21 =	vld [tilespmem:s8+$0x5100]  }
0x708: {  	v18 =	vadd.f32 v19, v18  }
0x709: {  	v19 =	vld [tilespmem:s8+$0x5180]  }
0x70a: {  	v18 =	vadd.f32 v20, v18;
	_ =	sdelay $0x1  }
0x70b: {  	v18 =	vadd.f32 v21, v18;
	_ =	sdelay $0x1  }
0x70c: {  	v18 =	vadd.f32 v19, v18;
	_ =	sdelay $0x1  }
0x70d: {  	[tilespmem:v17+s8+$0x0 ss:$0x1] =	vst.idx.msk $0xffff, v18  }
0x70e: {  	v18 =	vld [tilespmem:s8+$0x5200]  }
0x70f: {  	v19 =	vld [tilespmem:s8+$0x5280];
	_ =	sdelay $0x1  }
0x710: {  	v20 =	vld [tilespmem:s8+$0x5300];
	_ =	sdelay $0x1  }
0x711: {  	v21 =	vld [tilespmem:s8+$0x5380]  }
0x712: {  	v18 =	vadd.f32 v19, v18  }
0x713: {  	v19 =	vld [tilespmem:s8+$0x5400]  }
0x714: {  	v18 =	vadd.f32 v20, v18  }
0x715: {  	v20 =	vld [tilespmem:s8+$0x5480]  }
0x716: {  	v18 =	vadd.f32 v21, v18  }
0x717: {  	v21 =	vld [tilespmem:s8+$0x5500]  }
0x718: {  	v18 =	vadd.f32 v19, v18  }
0x719: {  	v19 =	vld [tilespmem:s8+$0x5580]  }
0x71a: {  	v18 =	vadd.f32 v20, v18  }
0x71b: {  	v20 =	vld [tilespmem:s8+$0x5600]  }
0x71c: {  	v18 =	vadd.f32 v21, v18  }
0x71d: {  	v21 =	vld [tilespmem:s8+$0x5680]  }
0x71e: {  	v18 =	vadd.f32 v19, v18  }
0x71f: {  	v19 =	vld [tilespmem:s8+$0x5700]  }
0x720: {  	v18 =	vadd.f32 v20, v18  }
0x721: {  	v20 =	vld [tilespmem:s8+$0x5780]  }
0x722: {  	v18 =	vadd.f32 v21, v18  }
0x723: {  	v21 =	vld [tilespmem:s8+$0x5800]  }
0x724: {  	v18 =	vadd.f32 v19, v18  }
0x725: {  	v19 =	vld [tilespmem:s8+$0x5880]  }
0x726: {  	v18 =	vadd.f32 v20, v18  }
0x727: {  	v20 =	vld [tilespmem:s8+$0x5900]  }
0x728: {  	v18 =	vadd.f32 v21, v18  }
0x729: {  	v21 =	vld [tilespmem:s8+$0x5980]  }
0x72a: {  	v18 =	vadd.f32 v19, v18  }
0x72b: {  	v19 =	vld [tilespmem:s8+$0x5A00]  }
0x72c: {  	v18 =	vadd.f32 v20, v18  }
0x72d: {  	v20 =	vld [tilespmem:s8+$0x5A80]  }
0x72e: {  	v18 =	vadd.f32 v21, v18  }
0x72f: {  	v21 =	vld [tilespmem:s8+$0x5B00]  }
0x730: {  	v18 =	vadd.f32 v19, v18  }
0x731: {  	v19 =	vld [tilespmem:s8+$0x5B80]  }
0x732: {  	v18 =	vadd.f32 v20, v18  }
0x733: {  	v20 =	vld [tilespmem:s8+$0x5C00]  }
0x734: {  	v18 =	vadd.f32 v21, v18  }
0x735: {  	v21 =	vld [tilespmem:s8+$0x5C80]  }
0x736: {  	v18 =	vadd.f32 v19, v18  }
0x737: {  	v19 =	vld [tilespmem:s8+$0x5D00]  }
0x738: {  	v18 =	vadd.f32 v20, v18  }
0x739: {  	v20 =	vld [tilespmem:s8+$0x5D80]  }
0x73a: {  	v18 =	vadd.f32 v21, v18  }
0x73b: {  	v21 =	vld [tilespmem:s8+$0x5E00]  }
0x73c: {  	v18 =	vadd.f32 v19, v18  }
0x73d: {  	v19 =	vld [tilespmem:s8+$0x5E80]  }
0x73e: {  	v18 =	vadd.f32 v20, v18  }
0x73f: {  	v20 =	vld [tilespmem:s8+$0x5F00]  }
0x740: {  	v18 =	vadd.f32 v21, v18  }
0x741: {  	v21 =	vld [tilespmem:s8+$0x5F80]  }
0x742: {  	v18 =	vadd.f32 v19, v18  }
0x743: {  	v19 =	vld [tilespmem:s8+$0x6000]  }
0x744: {  	v18 =	vadd.f32 v20, v18  }
0x745: {  	v20 =	vld [tilespmem:s8+$0x6080]  }
0x746: {  	v18 =	vadd.f32 v21, v18  }
0x747: {  	v21 =	vld [tilespmem:s8+$0x6100]  }
0x748: {  	v18 =	vadd.f32 v19, v18  }
0x749: {  	v19 =	vld [tilespmem:s8+$0x6180]  }
0x74a: {  	v18 =	vadd.f32 v20, v18;
	_ =	sdelay $0x1  }
0x74b: {  	v18 =	vadd.f32 v21, v18;
	_ =	sdelay $0x1  }
0x74c: {  	v18 =	vadd.f32 v19, v18;
	_ =	sdelay $0x1  }
0x74d: {  	[tilespmem:v17+s8+$0x80 ss:$0x1] =	vst.idx.msk $0xffff, v18  }
0x74e: {  	v18 =	vld [tilespmem:s8+$0x6200]  }
0x74f: {  	v19 =	vld [tilespmem:s8+$0x6280];
	_ =	sdelay $0x1  }
0x750: {  	v20 =	vld [tilespmem:s8+$0x6300];
	_ =	sdelay $0x1  }
0x751: {  	v21 =	vld [tilespmem:s8+$0x6380]  }
0x752: {  	v18 =	vadd.f32 v19, v18  }
0x753: {  	v19 =	vld [tilespmem:s8+$0x6400]  }
0x754: {  	v18 =	vadd.f32 v20, v18  }
0x755: {  	v20 =	vld [tilespmem:s8+$0x6480]  }
0x756: {  	v18 =	vadd.f32 v21, v18  }
0x757: {  	v21 =	vld [tilespmem:s8+$0x6500]  }
0x758: {  	v18 =	vadd.f32 v19, v18  }
0x759: {  	v19 =	vld [tilespmem:s8+$0x6580]  }
0x75a: {  	v18 =	vadd.f32 v20, v18  }
0x75b: {  	v20 =	vld [tilespmem:s8+$0x6600]  }
0x75c: {  	v18 =	vadd.f32 v21, v18  }
0x75d: {  	v21 =	vld [tilespmem:s8+$0x6680]  }
0x75e: {  	v18 =	vadd.f32 v19, v18  }
0x75f: {  	v19 =	vld [tilespmem:s8+$0x6700]  }
0x760: {  	v18 =	vadd.f32 v20, v18  }
0x761: {  	v20 =	vld [tilespmem:s8+$0x6780]  }
0x762: {  	v18 =	vadd.f32 v21, v18  }
0x763: {  	v21 =	vld [tilespmem:s8+$0x6800]  }
0x764: {  	v18 =	vadd.f32 v19, v18  }
0x765: {  	v19 =	vld [tilespmem:s8+$0x6880]  }
0x766: {  	v18 =	vadd.f32 v20, v18  }
0x767: {  	v20 =	vld [tilespmem:s8+$0x6900]  }
0x768: {  	v18 =	vadd.f32 v21, v18  }
0x769: {  	v21 =	vld [tilespmem:s8+$0x6980]  }
0x76a: {  	v18 =	vadd.f32 v19, v18  }
0x76b: {  	v19 =	vld [tilespmem:s8+$0x6A00]  }
0x76c: {  	v18 =	vadd.f32 v20, v18  }
0x76d: {  	v20 =	vld [tilespmem:s8+$0x6A80]  }
0x76e: {  	v18 =	vadd.f32 v21, v18  }
0x76f: {  	v21 =	vld [tilespmem:s8+$0x6B00]  }
0x770: {  	v18 =	vadd.f32 v19, v18  }
0x771: {  	v19 =	vld [tilespmem:s8+$0x6B80]  }
0x772: {  	v18 =	vadd.f32 v20, v18  }
0x773: {  	v20 =	vld [tilespmem:s8+$0x6C00]  }
0x774: {  	v18 =	vadd.f32 v21, v18  }
0x775: {  	v21 =	vld [tilespmem:s8+$0x6C80]  }
0x776: {  	v18 =	vadd.f32 v19, v18  }
0x777: {  	v19 =	vld [tilespmem:s8+$0x6D00]  }
0x778: {  	v18 =	vadd.f32 v20, v18  }
0x779: {  	v20 =	vld [tilespmem:s8+$0x6D80]  }
0x77a: {  	v18 =	vadd.f32 v21, v18  }
0x77b: {  	v21 =	vld [tilespmem:s8+$0x6E00]  }
0x77c: {  	v18 =	vadd.f32 v19, v18  }
0x77d: {  	v19 =	vld [tilespmem:s8+$0x6E80]  }
0x77e: {  	v18 =	vadd.f32 v20, v18  }
0x77f: {  	v20 =	vld [tilespmem:s8+$0x6F00]  }
0x780: {  	v18 =	vadd.f32 v21, v18  }
0x781: {  	v21 =	vld [tilespmem:s8+$0x6F80]  }
0x782: {  	v18 =	vadd.f32 v19, v18  }
0x783: {  	v19 =	vld [tilespmem:s8+$0x7000]  }
0x784: {  	v18 =	vadd.f32 v20, v18  }
0x785: {  	v20 =	vld [tilespmem:s8+$0x7080]  }
0x786: {  	v18 =	vadd.f32 v21, v18  }
0x787: {  	v21 =	vld [tilespmem:s8+$0x7100]  }
0x788: {  	v18 =	vadd.f32 v19, v18  }
0x789: {  	v19 =	vld [tilespmem:s8+$0x7180]  }
0x78a: {  	v18 =	vadd.f32 v20, v18;
	_ =	sdelay $0x1  }
0x78b: {  	v18 =	vadd.f32 v21, v18;
	_ =	sdelay $0x1  }
0x78c: {  	v18 =	vadd.f32 v19, v18;
	_ =	sdelay $0x1  }
0x78d: {  	[tilespmem:v17+s8+$0x100 ss:$0x1] =	vst.idx.msk $0xffff, v18  }
0x78e: {  	v18 =	vld [tilespmem:s8+$0x7200]  }
0x78f: {  	v19 =	vld [tilespmem:s8+$0x7280]  }
0x790: {  	v20 =	vld [tilespmem:s8+$0x7300]  }
0x791: {  	v21 =	vld [tilespmem:s8+$0x7380]  }
0x792: {  	v22 =	vld [tilespmem:s8+$0x7400]  }
0x793: {  	v23 =	vld [tilespmem:s8+$0x7480]  }
0x794: {  	v18 =	vadd.f32 v19, v18;
	v19 =	vld [tilespmem:s8+$0x7500]  }
0x795: {  	v24 =	vld [tilespmem:s8+$0x7580]  }
0x796: {  	v18 =	vadd.f32 v20, v18;
	v20 =	vld [tilespmem:s8+$0x7600]  }
0x797: {  	v25 =	vld [tilespmem:s8+$0x7680]  }
0x798: {  	v18 =	vadd.f32 v21, v18;
	v21 =	vld [tilespmem:s8+$0x7700]  }
0x799: {  	v26 =	vld [tilespmem:s8+$0x7780]  }
0x79a: {  	v18 =	vadd.f32 v22, v18;
	v22 =	vld [tilespmem:s8+$0x7800]  }
0x79b: {  	v27 =	vld [tilespmem:s8+$0x7880]  }
0x79c: {  	v18 =	vadd.f32 v23, v18;
	v23 =	vld [tilespmem:s8+$0x7900]  }
0x79d: {  	v28 =	vld [tilespmem:s8+$0x7980]  }
0x79e: {  	v18 =	vadd.f32 v19, v18;
	v29 =	vld [tilespmem:s8+$0x7A00]  }
0x79f: {  	v30 =	vld [tilespmem:s8+$0x7A80]  }
0x7a0: {  	v18 =	vadd.f32 v24, v18;
	v24 =	vld [tilespmem:s8+$0x7B00]  }
0x7a1: {  	v31 =	vld [tilespmem:s8+$0x7B80]  }
0x7a2: {  	v18 =	vadd.f32 v20, v18;
	v20 =	vld [tilespmem:s8+$0x7C00]  }
0x7a3: {  	v32 =	vld [tilespmem:s8+$0x7C80]  }
0x7a4: {  	v18 =	vadd.f32 v25, v18;
	v25 =	vld [tilespmem:s8+$0x7D00]  }
0x7a5: {  	v33 =	vld [tilespmem:s8+$0x7D80]  }
0x7a6: {  	v18 =	vadd.f32 v21, v18;
	v21 =	vld [tilespmem:s8+$0x7E00]  }
0x7a7: {  	v34 =	vld [tilespmem:s8+$0x7E80]  }
0x7a8: {  	v18 =	vadd.f32 v26, v18;
	v26 =	vld [tilespmem:s8+$0x7F00]  }
0x7a9: {  	v35 =	vld [tilespmem:s8+$0x7F80]  }
0x7aa: {  	v18 =	vadd.f32 v22, v18;
	v22 =	vld [tilespmem:s8+$0x8000]  }
0x7ab: {  	v36 =	vld [tilespmem:s8+$0x8080]  }
0x7ac: {  	v27 =	vadd.f32 v27, v18;
	v18 =	vld [tilespmem:s8+$0x8100]  }
0x7ad: {  	v19 =	vld [tilespmem:s8+$0x8180]  }
0x7ae: {  	v23 =	vadd.f32 v23, v27;
	_ =	sdelay $0x1  }
0x7af: {  	v23 =	vadd.f32 v28, v23;
	_ =	sdelay $0x1  }
0x7b0: {  	v23 =	vadd.f32 v29, v23;
	_ =	sdelay $0x1  }
0x7b1: {  	v23 =	vadd.f32 v30, v23;
	_ =	sdelay $0x1  }
0x7b2: {  	v23 =	vadd.f32 v24, v23;
	_ =	sdelay $0x1  }
0x7b3: {  	v23 =	vadd.f32 v31, v23;
	_ =	sdelay $0x1  }
0x7b4: {  	v20 =	vadd.f32 v20, v23;
	_ =	sdelay $0x1  }
0x7b5: {  	v20 =	vadd.f32 v32, v20;
	_ =	sdelay $0x1  }
0x7b6: {  	v20 =	vadd.f32 v25, v20;
	_ =	sdelay $0x1  }
0x7b7: {  	v20 =	vadd.f32 v33, v20;
	_ =	sdelay $0x1  }
0x7b8: {  	v20 =	vadd.f32 v21, v20;
	_ =	sdelay $0x1  }
0x7b9: {  	v20 =	vadd.f32 v34, v20;
	_ =	sdelay $0x1  }
0x7ba: {  	v20 =	vadd.f32 v26, v20;
	_ =	sdelay $0x1  }
.Ltmp1:
0x7bb: {  	v20 =	vadd.f32 v35, v20;
	(pc) =	sbr.rel @p2 .LBB2_5-.Ltmp1, $3  }
0x7bc: {  	_ = 	snop  }
0x7bd: {  	v20 =	vadd.f32 v22, v20;
	_ =	sdelay $0x1  }
0x7be: {  	v20 =	vadd.f32 v36, v20  }
0x7bf: {  	_ = 	snop  }
.Ltmp2:
0x7c0: {  	v18 =	vadd.f32 v18, v20;
	(pc) =	sbr.rel @p1 .LBB2_2-.Ltmp2, $3  }
0x7c1: {  	_ = 	snop  }
0x7c2: {  	v18 =	vadd.f32 v19, v18;
	_ =	sdelay $0x1  }
0x7c3: {  	p2 =	por $0x0, $0x0;
	[tilespmem:v17+s8+$0x180 ss:$0x1] =	vst.idx.msk $0xffff, v18;
	s8 =	simm.s32 $0x1  }
0x7c4: {  	_ =	swait.ge [sflag:s15], $0x4000  }
0x7c5: {  	[sflag:s15] =	ssyncset.done $0x0  }
0x7c6: {  	s7 =	simm.s32 $0x8200;
	s10 =	rddreg [dreg:$0x6];
	[sflag:s15] =	ssyncadd.s32 $0xFFFFC000  }
0x7c7: {  	p1 =	sne.s32 s10, $0x1;
	v18 =	vld [tilespmem:s7+$0x0]  }
.Ltmp3:
0x7c8: {  	_ = 	snop;
	(pc) =	sbr.rel @!p1 .LBB2_9-.Ltmp3, $2  }
0x7c9: {  	_ =	sdelay $0x2  }
0x7ca: {  	v17 =	vimm.f32 $0.0e+00;
	s8 =	simm.s32 $0x8280;
	s7 =	sadd.s32 $0xFFFFFFFF, s10;
	v19 =	vmul.f32 v18, v18;
	v18 =	vimm.f32 $0.0e+00  }
.LBB2_8:
0x7cb: {  	v20 =	vld [tilespmem:s8+$0x0];
	p2 =	sne.s32 s7, $0x1;
	s7 =	sadd.s32 $0xFFFFFFFF, s7  }
.Ltmp4:
0x7cc: {  	v18 =	vadd.f32 v19, v18;
	(pc) =	sbr.rel @p2 .LBB2_8-.Ltmp4, $2  }
0x7cd: {  	_ =	sdelay $0x2  }
0x7ce: {  	s8 =	sadd.s32 $0x80, s8;
	v19 =	vmul.f32 v20, v20  }
.LBB2_9:
0x7cf: {  	_ = 	snop  }
0x7d0: {  	v18 =	vadd.f32 v19, v18;
	_ =	sdelay $0x1  }
0x7d1: {  	s7 =	simm.s32 $0x8210;
	[tilespmem:$0x8A00] =	vst v18  }
0x7d2: {  	v18 =	vld [tilespmem:s7+$0x0]  }
.Ltmp5:
0x7d3: {  	_ = 	snop;
	(pc) =	sbr.rel @!p1 .LBB2_11-.Ltmp5, $2  }
0x7d4: {  	_ =	sdelay $0x2  }
0x7d5: {  	s8 =	simm.s32 $0x8290;
	s7 =	sadd.s32 $0xFFFFFFFF, s10;
	v18 =	vmul.f32 v18, v18  }
.LBB2_10:
0x7d6: {  	v19 =	vld [tilespmem:s8+$0x0];
	p2 =	sne.s32 s7, $0x1;
	s7 =	sadd.s32 $0xFFFFFFFF, s7  }
.Ltmp6:
0x7d7: {  	v17 =	vadd.f32 v18, v17;
	(pc) =	sbr.rel @p2 .LBB2_10-.Ltmp6, $2  }
0x7d8: {  	_ =	sdelay $0x2  }
0x7d9: {  	s8 =	sadd.s32 $0x80, s8;
	v18 =	vmul.f32 v19, v19  }
.LBB2_11:
0x7da: {  	_ = 	snop  }
0x7db: {  	v17 =	vadd.f32 v18, v17;
	_ =	sdelay $0x1  }
0x7dc: {  	s7 =	simm.s32 $0x8220;
	[tilespmem:$0x8A10] =	vst v17  }
0x7dd: {  	v18 =	vld [tilespmem:s7+$0x0]  }
.Ltmp7:
0x7de: {  	_ = 	snop;
	(pc) =	sbr.rel @!p1 .LBB2_13-.Ltmp7, $2  }
0x7df: {  	_ =	sdelay $0x2  }
0x7e0: {  	s8 =	simm.s32 $0x82A0;
	v17 =	vimm.f32 $0.0e+00;
	s7 =	sadd.s32 $0xFFFFFFFF, s10;
	v19 =	vmul.f32 v18, v18;
	v18 =	vimm.f32 $0.0e+00  }
.LBB2_12:
0x7e1: {  	v20 =	vld [tilespmem:s8+$0x0];
	p2 =	sne.s32 s7, $0x1;
	s7 =	sadd.s32 $0xFFFFFFFF, s7  }
.Ltmp8:
0x7e2: {  	v18 =	vadd.f32 v19, v18;
	(pc) =	sbr.rel @p2 .LBB2_12-.Ltmp8, $2  }
0x7e3: {  	_ =	sdelay $0x2  }
0x7e4: {  	s8 =	sadd.s32 $0x80, s8;
	v19 =	vmul.f32 v20, v20  }
.LBB2_13:
0x7e5: {  	_ = 	snop  }
0x7e6: {  	v18 =	vadd.f32 v19, v18;
	_ =	sdelay $0x1  }
0x7e7: {  	s7 =	simm.s32 $0x8230;
	[tilespmem:$0x8A20] =	vst v18  }
0x7e8: {  	v18 =	vld [tilespmem:s7+$0x0]  }
.Ltmp9:
0x7e9: {  	_ = 	snop;
	(pc) =	sbr.rel @!p1 .LBB2_15-.Ltmp9, $2  }
0x7ea: {  	_ =	sdelay $0x2  }
0x7eb: {  	s8 =	simm.s32 $0x82B0;
	s7 =	sadd.s32 $0xFFFFFFFF, s10;
	v18 =	vmul.f32 v18, v18  }
.LBB2_14:
0x7ec: {  	v19 =	vld [tilespmem:s8+$0x0];
	p2 =	sne.s32 s7, $0x1;
	s7 =	sadd.s32 $0xFFFFFFFF, s7  }
.Ltmp10:
0x7ed: {  	v17 =	vadd.f32 v18, v17;
	(pc) =	sbr.rel @p2 .LBB2_14-.Ltmp10, $2  }
0x7ee: {  	_ =	sdelay $0x2  }
0x7ef: {  	s8 =	sadd.s32 $0x80, s8;
	v18 =	vmul.f32 v19, v19  }
.LBB2_15:
0x7f0: {  	_ = 	snop  }
0x7f1: {  	v17 =	vadd.f32 v18, v17;
	_ =	sdelay $0x1  }
0x7f2: {  	s7 =	simm.s32 $0x8240;
	[tilespmem:$0x8A30] =	vst v17  }
0x7f3: {  	v18 =	vld [tilespmem:s7+$0x0]  }
.Ltmp11:
0x7f4: {  	_ = 	snop;
	(pc) =	sbr.rel @!p1 .LBB2_17-.Ltmp11, $2  }
0x7f5: {  	_ =	sdelay $0x2  }
0x7f6: {  	s8 =	simm.s32 $0x82C0;
	v17 =	vimm.f32 $0.0e+00;
	s7 =	sadd.s32 $0xFFFFFFFF, s10;
	v19 =	vmul.f32 v18, v18;
	v18 =	vimm.f32 $0.0e+00  }
.LBB2_16:
0x7f7: {  	v20 =	vld [tilespmem:s8+$0x0];
	p2 =	sne.s32 s7, $0x1;
	s7 =	sadd.s32 $0xFFFFFFFF, s7  }
.Ltmp12:
0x7f8: {  	v18 =	vadd.f32 v19, v18;
	(pc) =	sbr.rel @p2 .LBB2_16-.Ltmp12, $2  }
0x7f9: {  	_ =	sdelay $0x2  }
0x7fa: {  	s8 =	sadd.s32 $0x80, s8;
	v19 =	vmul.f32 v20, v20  }
.LBB2_17:
0x7fb: {  	_ = 	snop  }
0x7fc: {  	v18 =	vadd.f32 v19, v18;
	_ =	sdelay $0x1  }
0x7fd: {  	s7 =	simm.s32 $0x8250;
	[tilespmem:$0x8A40] =	vst v18  }
0x7fe: {  	v18 =	vld [tilespmem:s7+$0x0]  }
.Ltmp13:
0x7ff: {  	_ = 	snop;
	(pc) =	sbr.rel @!p1 .LBB2_19-.Ltmp13, $2  }
0x800: {  	_ =	sdelay $0x2  }
0x801: {  	s8 =	simm.s32 $0x82D0;
	s7 =	sadd.s32 $0xFFFFFFFF, s10;
	v18 =	vmul.f32 v18, v18  }
.LBB2_18:
0x802: {  	v19 =	vld [tilespmem:s8+$0x0];
	p2 =	sne.s32 s7, $0x1;
	s7 =	sadd.s32 $0xFFFFFFFF, s7  }
.Ltmp14:
0x803: {  	v17 =	vadd.f32 v18, v17;
	(pc) =	sbr.rel @p2 .LBB2_18-.Ltmp14, $2  }
0x804: {  	_ =	sdelay $0x2  }
0x805: {  	s8 =	sadd.s32 $0x80, s8;
	v18 =	vmul.f32 v19, v19  }
.LBB2_19:
0x806: {  	_ = 	snop  }
0x807: {  	v17 =	vadd.f32 v18, v17;
	_ =	sdelay $0x1  }
0x808: {  	s7 =	simm.s32 $0x8260;
	[tilespmem:$0x8A50] =	vst v17  }
0x809: {  	v18 =	vld [tilespmem:s7+$0x0]  }
.Ltmp15:
0x80a: {  	_ = 	snop;
	(pc) =	sbr.rel @!p1 .LBB2_21-.Ltmp15, $2  }
0x80b: {  	_ =	sdelay $0x2  }
0x80c: {  	s8 =	simm.s32 $0x82E0;
	v17 =	vimm.f32 $0.0e+00;
	s7 =	sadd.s32 $0xFFFFFFFF, s10;
	v19 =	vmul.f32 v18, v18;
	v18 =	vimm.f32 $0.0e+00  }
.LBB2_20:
0x80d: {  	v20 =	vld [tilespmem:s8+$0x0];
	p2 =	sne.s32 s7, $0x1;
	s7 =	sadd.s32 $0xFFFFFFFF, s7  }
.Ltmp16:
0x80e: {  	v18 =	vadd.f32 v19, v18;
	(pc) =	sbr.rel @p2 .LBB2_20-.Ltmp16, $2  }
0x80f: {  	_ =	sdelay $0x2  }
0x810: {  	s8 =	sadd.s32 $0x80, s8;
	v19 =	vmul.f32 v20, v20  }
.LBB2_21:
0x811: {  	_ = 	snop  }
0x812: {  	v18 =	vadd.f32 v19, v18;
	_ =	sdelay $0x1  }
0x813: {  	s7 =	simm.s32 $0x8270;
	[tilespmem:$0x8A60] =	vst v18  }
0x814: {  	v18 =	vld [tilespmem:s7+$0x0]  }
.Ltmp17:
0x815: {  	_ = 	snop;
	(pc) =	sbr.rel @!p1 .LBB2_23-.Ltmp17, $2  }
0x816: {  	_ =	sdelay $0x2  }
0x817: {  	s8 =	simm.s32 $0x82F0;
	s7 =	sadd.s32 $0xFFFFFFFF, s10;
	v18 =	vmul.f32 v18, v18  }
.LBB2_22:
0x818: {  	v19 =	vld [tilespmem:s8+$0x0];
	p1 =	sne.s32 s7, $0x1;
	s7 =	sadd.s32 $0xFFFFFFFF, s7  }
.Ltmp18:
0x819: {  	v17 =	vadd.f32 v18, v17;
	(pc) =	sbr.rel @p1 .LBB2_22-.Ltmp18, $2  }
0x81a: {  	_ =	sdelay $0x2  }
0x81b: {  	s8 =	sadd.s32 $0x80, s8;
	v18 =	vmul.f32 v19, v19  }
.LBB2_23:
0x81c: {  	_ = 	snop  }
0x81d: {  	v17 =	vadd.f32 v18, v17;
	_ =	sdelay $0x1  }
0x81e: {  	s7 =	rddreg [dreg:$0x7];
	s8 =	simm.s32 $0x8A00;
	[tilespmem:$0x8A70] =	vst v17  }
0x81f: {  	[spmem:s7] =	stream.linear.scatter [tilespmem:s8], [sflag:$0x3], $0x80, $0x38;
	[tilespmem:$0x9680] =	vst v63  }
0x820: {  	_ =	swait.ge [sflag:s26], $0x80  }
0x821: {  	[sflag:s26] =	ssyncset.done $0x0  }
0x822: {  	[sflag:s26] =	ssyncadd.s32 $0xFFFFFF80  }
0x823: {  	[bflag:$0x0] =	sbarrier.arrive $0xFFFF  }
0x824: {  	s9 =	simm.s32 $0x8A80;
	s8 =	rddreg [dreg:$0x3]  }
0x825: {  	[tilespmem:s9], [sflag:$0x3] =	stream.linear.gather [spmem:s8], $0x80, $0x38;
	[tilespmem:$0x9680] =	vst v63  }
0x826: {  	_ =	swait.ge [sflag:s26], $0x80  }
0x827: {  	[sflag:s26] =	ssyncset.done $0x0  }
0x828: {  	s24 =	simm.s32 $0x8B00;
	s10 =	rddreg [dreg:$0x8];
	[sflag:s26] =	ssyncadd.s32 $0xFFFFFF80  }
0x829: {  	[tilespmem:s24], [sflag:$0x3] =	stream.linear.gather [spmem:s10], $0x80, $0x38;
	[tilespmem:$0x9680] =	vst v63  }
0x82a: {  	_ =	swait.ge [sflag:s26], $0x80  }
0x82b: {  	[sflag:s26] =	ssyncset.done $0x0  }
0x82c: {  	s9 =	simm.s32 $0x8B80;
	s8 =	rddreg [dreg:$0x9];
	[sflag:s26] =	ssyncadd.s32 $0xFFFFFF80  }
0x82d: {  	[tilespmem:s9], [sflag:$0x3] =	stream.linear.gather [spmem:s8], $0x80, $0x38;
	[tilespmem:$0x9680] =	vst v63  }
0x82e: {  	_ =	swait.ge [sflag:s26], $0x80  }
0x82f: {  	[sflag:s26] =	ssyncset.done $0x0  }
0x830: {  	s24 =	simm.s32 $0x8C00;
	s10 =	rddreg [dreg:$0xa];
	[sflag:s26] =	ssyncadd.s32 $0xFFFFFF80  }
0x831: {  	[tilespmem:s24], [sflag:$0x3] =	stream.linear.gather [spmem:s10], $0x80, $0x38;
	[tilespmem:$0x9680] =	vst v63  }
0x832: {  	_ =	swait.ge [sflag:s26], $0x80  }
0x833: {  	[sflag:s26] =	ssyncset.done $0x0  }
0x834: {  	s9 =	simm.s32 $0x8C80;
	s8 =	rddreg [dreg:$0xb];
	[sflag:s26] =	ssyncadd.s32 $0xFFFFFF80  }
0x835: {  	[tilespmem:s9], [sflag:$0x3] =	stream.linear.gather [spmem:s8], $0x80, $0x38;
	[tilespmem:$0x9680] =	vst v63  }
0x836: {  	_ =	swait.ge [sflag:s26], $0x80  }
0x837: {  	[sflag:s26] =	ssyncset.done $0x0  }
0x838: {  	s24 =	simm.s32 $0x8D00;
	s10 =	rddreg [dreg:$0xc];
	[sflag:s26] =	ssyncadd.s32 $0xFFFFFF80  }
0x839: {  	[tilespmem:s24], [sflag:$0x3] =	stream.linear.gather [spmem:s10], $0x80, $0x38;
	[tilespmem:$0x9680] =	vst v63  }
0x83a: {  	_ =	swait.ge [sflag:s26], $0x80  }
0x83b: {  	[sflag:s26] =	ssyncset.done $0x0  }
0x83c: {  	s9 =	simm.s32 $0x8D80;
	s8 =	rddreg [dreg:$0xd];
	[sflag:s26] =	ssyncadd.s32 $0xFFFFFF80  }
0x83d: {  	[tilespmem:s9], [sflag:$0x3] =	stream.linear.gather [spmem:s8], $0x80, $0x38;
	[tilespmem:$0x9680] =	vst v63  }
0x83e: {  	_ =	swait.ge [sflag:s26], $0x80  }
0x83f: {  	[sflag:s26] =	ssyncset.done $0x0  }
0x840: {  	s24 =	simm.s32 $0x8E00;
	s10 =	rddreg [dreg:$0xe];
	[sflag:s26] =	ssyncadd.s32 $0xFFFFFF80  }
0x841: {  	[tilespmem:s24], [sflag:$0x3] =	stream.linear.gather [spmem:s10], $0x80, $0x38;
	[tilespmem:$0x9680] =	vst v63  }
0x842: {  	_ =	swait.ge [sflag:s26], $0x80  }
0x843: {  	[sflag:s26] =	ssyncset.done $0x0  }
0x844: {  	s9 =	simm.s32 $0x8E80;
	s8 =	rddreg [dreg:$0xf];
	[sflag:s26] =	ssyncadd.s32 $0xFFFFFF80  }
0x845: {  	[tilespmem:s9], [sflag:$0x3] =	stream.linear.gather [spmem:s8], $0x80, $0x38;
	[tilespmem:$0x9680] =	vst v63  }
0x846: {  	_ =	swait.ge [sflag:s26], $0x80  }
0x847: {  	[sflag:s26] =	ssyncset.done $0x0  }
0x848: {  	s24 =	simm.s32 $0x8F00;
	s10 =	rddreg [dreg:$0x10];
	[sflag:s26] =	ssyncadd.s32 $0xFFFFFF80  }
0x849: {  	[tilespmem:s24], [sflag:$0x3] =	stream.linear.gather [spmem:s10], $0x80, $0x38;
	[tilespmem:$0x9680] =	vst v63  }
0x84a: {  	_ =	swait.ge [sflag:s26], $0x80  }
0x84b: {  	[sflag:s26] =	ssyncset.done $0x0  }
0x84c: {  	s9 =	simm.s32 $0x8F80;
	s8 =	rddreg [dreg:$0x11];
	[sflag:s26] =	ssyncadd.s32 $0xFFFFFF80  }
0x84d: {  	[tilespmem:s9], [sflag:$0x3] =	stream.linear.gather [spmem:s8], $0x80, $0x38;
	[tilespmem:$0x9680] =	vst v63  }
0x84e: {  	_ =	swait.ge [sflag:s26], $0x80  }
0x84f: {  	[sflag:s26] =	ssyncset.done $0x0  }
0x850: {  	s24 =	simm.s32 $0x9000;
	s10 =	rddreg [dreg:$0x12];
	[sflag:s26] =	ssyncadd.s32 $0xFFFFFF80  }
0x851: {  	[tilespmem:s24], [sflag:$0x3] =	stream.linear.gather [spmem:s10], $0x80, $0x38;
	[tilespmem:$0x9680] =	vst v63  }
0x852: {  	_ =	swait.ge [sflag:s26], $0x80  }
0x853: {  	[sflag:s26] =	ssyncset.done $0x0  }
0x854: {  	s9 =	simm.s32 $0x9080;
	s8 =	rddreg [dreg:$0x13];
	[sflag:s26] =	ssyncadd.s32 $0xFFFFFF80  }
0x855: {  	[tilespmem:s9], [sflag:$0x3] =	stream.linear.gather [spmem:s8], $0x80, $0x38;
	[tilespmem:$0x9680] =	vst v63  }
0x856: {  	_ =	swait.ge [sflag:s26], $0x80  }
0x857: {  	[sflag:s26] =	ssyncset.done $0x0  }
0x858: {  	s24 =	simm.s32 $0x9100;
	s10 =	rddreg [dreg:$0x14];
	[sflag:s26] =	ssyncadd.s32 $0xFFFFFF80  }
0x859: {  	[tilespmem:s24], [sflag:$0x3] =	stream.linear.gather [spmem:s10], $0x80, $0x38;
	[tilespmem:$0x9680] =	vst v63  }
0x85a: {  	_ =	swait.ge [sflag:s26], $0x80  }
0x85b: {  	[sflag:s26] =	ssyncset.done $0x0  }
0x85c: {  	s9 =	simm.s32 $0x9180;
	s8 =	rddreg [dreg:$0x15];
	[sflag:s26] =	ssyncadd.s32 $0xFFFFFF80  }
0x85d: {  	[tilespmem:s9], [sflag:$0x3] =	stream.linear.gather [spmem:s8], $0x80, $0x38;
	[tilespmem:$0x9680] =	vst v63  }
0x85e: {  	_ =	swait.ge [sflag:s26], $0x80  }
0x85f: {  	[sflag:s26] =	ssyncset.done $0x0  }
0x860: {  	s24 =	simm.s32 $0x9200;
	s10 =	rddreg [dreg:$0x17];
	[sflag:s26] =	ssyncadd.s32 $0xFFFFFF80  }
0x861: {  	[tilespmem:s24], [sflag:$0x3] =	stream.linear.gather [spmem:s10], $0x80, $0x38;
	[tilespmem:$0x9680] =	vst v63  }
0x862: {  	_ =	swait.ge [sflag:s26], $0x80  }
0x863: {  	[sflag:s26] =	ssyncset.done $0x0  }
0x864: {  	[sflag:s26] =	ssyncadd.s32 $0xFFFFFF80  }
0x865: {  	v22 =	vld [tilespmem:$0x8A80]  }
0x866: {  	v21 =	vld [tilespmem:$0x8B00]  }
0x867: {  	v23 =	vld [tilespmem:$0x8B80]  }
0x868: {  	v25 =	vld [tilespmem:$0x8C00]  }
0x869: {  	v26 =	vld [tilespmem:$0x8C80]  }
0x86a: {  	v27 =	vld [tilespmem:$0x8D00]  }
0x86b: {  	v28 =	vld [tilespmem:$0x8D80]  }
0x86c: {  	v30 =	vld [tilespmem:$0x8E00]  }
0x86d: {  	v31 =	vld [tilespmem:$0x8E80]  }
0x86e: {  	v32 =	vld [tilespmem:$0x8F00]  }
0x86f: {  	v41 =	vld [tilespmem:$0x8F80]  }
0x870: {  	v43 =	vld [tilespmem:$0x9000]  }
0x871: {  	v46 =	vld [tilespmem:$0x9080]  }
0x872: {  	v48 =	vld [tilespmem:$0x9100]  }
0x873: {  	v62 =	vld [tilespmem:$0x9180]  }
0x874: {  	v17 =	vld [tilespmem:$0x9200]  }
0x875: {  	v33 =	vld [tilespmem:$0x8A90]  }
0x876: {  	v34 =	vld [tilespmem:$0x8B10]  }
0x877: {  	v35 =	vld [tilespmem:$0x8B90]  }
0x878: {  	v36 =	vld [tilespmem:$0x8C10]  }
0x879: {  	v37 =	vld [tilespmem:$0x8C90]  }
0x87a: {  	v38 =	vld [tilespmem:$0x8D10]  }
0x87b: {  	v39 =	vld [tilespmem:$0x8D90]  }
0x87c: {  	v42 =	vld [tilespmem:$0x8E10]  }
0x87d: {  	v44 =	vld [tilespmem:$0x8E90]  }
0x87e: {  	v47 =	vld [tilespmem:$0x8F10]  }
0x87f: {  	v60 =	vld [tilespmem:$0x8F90]  }
0x880: {  	v49 =	vld [tilespmem:$0x8AA0]  }
0x881: {  	v50 =	vld [tilespmem:$0x8B20]  }
0x882: {  	v51 =	vld [tilespmem:$0x8BA0]  }
0x883: {  	v52 =	vld [tilespmem:$0x8C20]  }
0x884: {  	v53 =	vld [tilespmem:$0x8CA0]  }
0x885: {  	v54 =	vld [tilespmem:$0x8D20]  }
0x886: {  	v55 =	vld [tilespmem:$0x8DA0]  }
0x887: {  	v56 =	vld [tilespmem:$0x8E20]  }
0x888: {  	v57 =	vld [tilespmem:$0x8EA0]  }
0x889: {  	v58 =	vld [tilespmem:$0x8F20]  }
0x88a: {  	v59 =	vld [tilespmem:$0x8FA0]  }
0x88b: {  	v63 =	vld [tilespmem:$0x9020]  }
0x88c: {  	[tilespmem:$0x1FF40] =	vst v17;
	v17 =	vld [tilespmem:$0x9010]  }
0x88d: {  	v18 =	vld [tilespmem:$0x8AB0]  }
0x88e: {  	v19 =	vld [tilespmem:$0x8BB0]  }
0x88f: {  	v20 =	vld [tilespmem:$0x8C30]  }
0x890: {  	v24 =	vld [tilespmem:$0x8CB0]  }
0x891: {  	[tilespmem:$0x1FF50] =	vst v17;
	v17 =	vld [tilespmem:$0x9090]  }
0x892: {  	v29 =	vld [tilespmem:$0x8DB0]  }
0x893: {  	v40 =	vld [tilespmem:$0x8EB0]  }
0x894: {  	v45 =	vld [tilespmem:$0x8FB0]  }
0x895: {  	v61 =	vld [tilespmem:$0x90B0]  }
0x896: {  	[tilespmem:$0x1FF60] =	vst v17;
	v17 =	vld [tilespmem:$0x9110]  }
0x897: {  	v21 =	vadd.f32 v21, v22;
	v22 =	vld [tilespmem:$0x8D30]  }
0x898: {  	v33 =	vadd.f32 v34, v33;
	v34 =	vld [tilespmem:$0x8AC0]  }
0x899: {  	v21 =	vadd.f32 v23, v21;
	v23 =	vld [tilespmem:$0x8E30]  }
0x89a: {  	v33 =	vadd.f32 v35, v33;
	v35 =	vld [tilespmem:$0x8BC0]  }
0x89b: {  	[tilespmem:$0x1FF70] =	vst v17;
	v17 =	vld [tilespmem:$0x9190]  }
0x89c: {  	v21 =	vadd.f32 v25, v21;
	v25 =	vld [tilespmem:$0x8F30]  }
0x89d: {  	v33 =	vadd.f32 v36, v33;
	v36 =	vld [tilespmem:$0x8CC0]  }
0x89e: {  	v21 =	vadd.f32 v26, v21;
	v26 =	vld [tilespmem:$0x9030]  }
0x89f: {  	v33 =	vadd.f32 v37, v33;
	v37 =	vld [tilespmem:$0x8DC0]  }
0x8a0: {  	[tilespmem:$0x1FF80] =	vst v17;
	v17 =	vld [tilespmem:$0x9210]  }
0x8a1: {  	v21 =	vadd.f32 v27, v21;
	v27 =	vld [tilespmem:$0x9130]  }
0x8a2: {  	v33 =	vadd.f32 v38, v33;
	v38 =	vld [tilespmem:$0x8F40]  }
0x8a3: {  	v21 =	vadd.f32 v28, v21;
	v28 =	vld [tilespmem:$0x9230]  }
0x8a4: {  	v33 =	vadd.f32 v39, v33;
	v39 =	vld [tilespmem:$0x9040]  }
0x8a5: {  	[tilespmem:$0x1FFA0] =	vst v17;
	v17 =	vld [tilespmem:$0x90A0]  }
0x8a6: {  	v21 =	vadd.f32 v30, v21;
	v30 =	vld [tilespmem:$0x8B40]  }
0x8a7: {  	[tilespmem:$0x1FFD0] =	vst v27;
	v27 =	vld [tilespmem:$0x91B0]  }
0x8a8: {  	v33 =	vadd.f32 v42, v33;
	v42 =	vld [tilespmem:$0x9140]  }
0x8a9: {  	v21 =	vadd.f32 v31, v21;
	v31 =	vld [tilespmem:$0x8C40]  }
0x8aa: {  	v33 =	vadd.f32 v44, v33;
	[tilespmem:$0x1FF90] =	vst v17;
	v17 =	vld [tilespmem:$0x9120]  }
0x8ab: {  	v21 =	vadd.f32 v32, v21;
	v30 =	vadd.f32 v30, v34;
	v34 =	vld [tilespmem:$0x8C50]  }
0x8ac: {  	v33 =	vadd.f32 v47, v33;
	[tilespmem:$0x1FFE0] =	vst v27;
	v27 =	vadd.f32 v50, v49;
	v49 =	vld [tilespmem:$0x8D40]  }
0x8ad: {  	v21 =	vadd.f32 v41, v21;
	v41 =	vld [tilespmem:$0x8E40]  }
0x8ae: {  	v33 =	vadd.f32 v60, v33;
	v60 =	vld [tilespmem:$0x1FF60]  }
0x8af: {  	[tilespmem:$0x1FFB0] =	vst v17;
	v17 =	vld [tilespmem:$0x91A0]  }
0x8b0: {  	v30 =	vadd.f32 v35, v30;
	v35 =	vld [tilespmem:$0x8D50]  }
0x8b1: {  	v21 =	vadd.f32 v43, v21;
	v43 =	vld [tilespmem:$0x91C0]  }
0x8b2: {  	v30 =	vadd.f32 v31, v30;
	v31 =	vld [tilespmem:$0x8E50]  }
0x8b3: {  	v32 =	vadd.f32 v51, v27;
	v27 =	vld [tilespmem:$0x1FF80];
	v21 =	vadd.f32 v46, v21  }
0x8b4: {  	[tilespmem:$0x1FFC0] =	vst v17;
	v17 =	vld [tilespmem:$0x9220]  }
0x8b5: {  	v32 =	vadd.f32 v52, v32;
	v46 =	vld [tilespmem:$0x9050];
	v21 =	vadd.f32 v48, v21  }
0x8b6: {  	v30 =	vadd.f32 v36, v30;
	v36 =	vld [tilespmem:$0x8F50]  }
0x8b7: {  	v32 =	vadd.f32 v53, v32;
	v21 =	vadd.f32 v62, v21;
	v62 =	vld [tilespmem:$0x1FF70]  }
0x8b8: {  	v30 =	vadd.f32 v49, v30;
	v50 =	vld [tilespmem:$0x1FFA0]  }
0x8b9: {  	v32 =	vadd.f32 v54, v32;
	[tilespmem:$0x1FFF0] =	vst v17;
	v17 =	vld [tilespmem:$0x8B30]  }
0x8ba: {  	v30 =	vadd.f32 v37, v30;
	v37 =	vld [tilespmem:$0x9150]  }
0x8bb: {  	v32 =	vadd.f32 v55, v32;
	v55 =	vld [tilespmem:$0x1FF40]  }
0x8bc: {  	v30 =	vadd.f32 v41, v30;
	v41 =	vld [tilespmem:$0x9250]  }
0x8bd: {  	v32 =	vadd.f32 v56, v32;
	v56 =	vld [tilespmem:$0x8B50]  }
0x8be: {  	v48 =	vld [tilespmem:$0x1FF90];
	v17 =	vadd.f32 v17, v18  }
0x8bf: {  	v32 =	vadd.f32 v57, v32;
	v57 =	vld [tilespmem:$0x1FF50]  }
0x8c0: {  	v21 =	vadd.f32 v55, v21;
	v55 =	vld [tilespmem:$0x1FFD0];
	v17 =	vadd.f32 v19, v17  }
0x8c1: {  	v32 =	vadd.f32 v58, v32;
	v58 =	vld [tilespmem:$0x8B60]  }
0x8c2: {  	v51 =	vld [tilespmem:$0x1FFB0];
	v17 =	vadd.f32 v20, v17  }
0x8c3: {  	v32 =	vadd.f32 v59, v32;
	v59 =	vld [tilespmem:$0x1FFE0]  }
0x8c4: {  	v52 =	vshra.s32 v21, $0x1;
	v18 =	vld [tilespmem:$0x8EC0];
	v24 =	vadd.f32 v24, v17  }
0x8c5: {  	v47 =	vsub.s32 $0x5F3759DF, v52;
	v52 =	vld [tilespmem:$0x8C60];
	v33 =	vadd.f32 v57, v33;
	v32 =	vadd.f32 v63, v32  }
0x8c6: {  	v63 =	vld [tilespmem:$0x8B70];
	v22 =	vadd.f32 v22, v24  }
0x8c7: {  	v33 =	vadd.f32 v60, v33;
	v32 =	vadd.f32 v48, v32;
	v48 =	vld [tilespmem:$0x91D0]  }
0x8c8: {  	v19 =	vld [tilespmem:$0x8FC0];
	v22 =	vadd.f32 v29, v22  }
0x8c9: {  	v33 =	vadd.f32 v62, v33;
	v53 =	vld [tilespmem:$0x1FFC0];
	v18 =	vadd.f32 v18, v30  }
0x8ca: {  	v32 =	vadd.f32 v51, v32;
	v51 =	vld [tilespmem:$0x8BE0];
	v22 =	vadd.f32 v23, v22  }
0x8cb: {  	v33 =	vadd.f32 v27, v33;
	v18 =	vadd.f32 v38, v18;
	v24 =	vld [tilespmem:$0x8AD0]  }
0x8cc: {  	v20 =	vld [tilespmem:$0x90C0];
	v22 =	vadd.f32 v40, v22  }
0x8cd: {  	v33 =	vadd.f32 v50, v33;
	v18 =	vadd.f32 v19, v18;
	v29 =	vld [tilespmem:$0x8BD0]  }
0x8ce: {  	v21 =	vmul.f32 $5.000000000e-01, v21;
	v62 =	vld [tilespmem:$0x1FFF0];
	v22 =	vadd.f32 v25, v22  }
0x8cf: {  	v32 =	vadd.f32 v53, v32;
	v53 =	vld [tilespmem:$0x8C70];
	v54 =	vshra.s32 v33, $0x1;
	v18 =	vadd.f32 v39, v18  }
0x8d0: {  	v49 =	vsub.s32 $0x5F3759DF, v54;
	v54 =	vld [tilespmem:$0x8CE0];
	v24 =	vadd.f32 v56, v24;
	v22 =	vadd.f32 v45, v22  }
0x8d1: {  	v57 =	vmul.f32 v47, v21;
	v23 =	vld [tilespmem:$0x8CD0];
	v18 =	vadd.f32 v20, v18  }
0x8d2: {  	v56 =	vld [tilespmem:$0x8AE0];
	v24 =	vadd.f32 v29, v24;
	v22 =	vadd.f32 v26, v22  }
0x8d3: {  	v44 =	vmul.f32 v47, v57;
	v17 =	vld [tilespmem:$0x9240];
	v18 =	vadd.f32 v42, v18  }
0x8d4: {  	v24 =	vadd.f32 v34, v24;
	v22 =	vadd.f32 v61, v22;
	v61 =	vld [tilespmem:$0x8AF0]  }
0x8d5: {  	v44 =	vsub.f32 $1.500000000e+00, v44;
	v40 =	vld [tilespmem:$0x8DD0]  }
0x8d6: {  	v19 =	vld [tilespmem:$0x8BF0];
	v18 =	vadd.f32 v43, v18;
	v23 =	vadd.f32 v23, v24  }
0x8d7: {  	v33 =	vmul.f32 $5.000000000e-01, v33;
	v32 =	vadd.f32 v62, v32;
	v62 =	vld [tilespmem:$0x8DF0];
	v27 =	vadd.f32 v58, v56  }
0x8d8: {  	v38 =	vld [tilespmem:$0x8E70];
	v17 =	vadd.f32 v17, v18;
	v23 =	vadd.f32 v35, v23  }
0x8d9: {  	v60 =	vmul.f32 v49, v33;
	v25 =	vld [tilespmem:$0x8ED0];
	v27 =	vadd.f32 v51, v27;
	v29 =	vadd.f32 v63, v61  }
0x8da: {  	v44 =	vmul.f32 v47, v44;
	v56 =	vld [tilespmem:$0x8CF0];
	v23 =	vadd.f32 v40, v23;
	v22 =	vadd.f32 v55, v22  }
0x8db: {  	v50 =	vmul.f32 v49, v60;
	v58 =	vld [tilespmem:$0x8D60];
	v24 =	vadd.f32 v52, v27;
	v19 =	vadd.f32 v19, v29  }
0x8dc: {  	v55 =	vmul.f32 v44, v21;
	v23 =	vadd.f32 v31, v23;
	v22 =	vadd.f32 v59, v22;
	v59 =	vld [tilespmem:$0x8D70]  }
0x8dd: {  	v47 =	vshra.s32 v32, $0x1;
	v24 =	vadd.f32 v54, v24;
	v61 =	vld [tilespmem:$0x8DE0];
	v19 =	vadd.f32 v53, v19  }
0x8de: {  	v45 =	vld [tilespmem:$0x8FD0];
	v20 =	vmul.f32 v55, v44;
	v23 =	vadd.f32 v25, v23;
	v22 =	vadd.f32 v28, v22  }
0x8df: {  	v32 =	vmul.f32 $5.000000000e-01, v32;
	v63 =	vld [tilespmem:$0x8E60];
	v28 =	vsub.f32 $1.500000000e+00, v50;
	v19 =	vadd.f32 v56, v19  }
0x8e0: {  	v39 =	vld [tilespmem:$0x8EE0];
	v34 =	vsub.s32 $0x5F3759DF, v47;
	v24 =	vadd.f32 v58, v24;
	v20 =	vsub.f32 $1.500000000e+00, v20  }
0x8e1: {  	v26 =	vld [tilespmem:$0x90D0];
	v23 =	vadd.f32 v36, v23;
	v28 =	vmul.f32 v49, v28;
	v19 =	vadd.f32 v59, v19  }
0x8e2: {  	v40 =	vld [tilespmem:$0x8EF0];
	v20 =	vmul.f32 v20, v44;
	v18 =	vshra.s32 v22, $0x1;
	v24 =	vadd.f32 v61, v24  }
0x8e3: {  	v43 =	vld [tilespmem:$0x8F60];
	v22 =	vmul.f32 $5.000000000e-01, v22;
	v23 =	vadd.f32 v45, v23;
	v19 =	vadd.f32 v62, v19  }
0x8e4: {  	v44 =	vld [tilespmem:$0x8F70];
	v18 =	vsub.s32 $0x5F3759DF, v18;
	v57 =	vmul.f32 v28, v33;
	v24 =	vadd.f32 v63, v24  }
0x8e5: {  	v45 =	vld [tilespmem:$0x8FE0];
	v21 =	vmul.f32 v20, v21;
	v23 =	vadd.f32 v46, v23;
	v19 =	vadd.f32 v38, v19  }
0x8e6: {  	v49 =	vld [tilespmem:$0x8FF0];
	v55 =	vmul.f32 v18, v22;
	v60 =	vmul.f32 v57, v28;
	v24 =	vadd.f32 v39, v24  }
0x8e7: {  	v50 =	vld [tilespmem:$0x9060];
	v21 =	vmul.f32 v21, v20;
	v23 =	vadd.f32 v26, v23;
	v19 =	vadd.f32 v40, v19  }
0x8e8: {  	v51 =	vld [tilespmem:$0x9070];
	v35 =	vmul.f32 v18, v55;
	v31 =	vsub.f32 $1.500000000e+00, v60;
	v24 =	vadd.f32 v43, v24  }
0x8e9: {  	v52 =	vld [tilespmem:$0x90E0];
	v53 =	vmul.f32 v34, v32;
	v21 =	vsub.f32 $1.500000000e+00, v21;
	v19 =	vadd.f32 v44, v19  }
0x8ea: {  	v54 =	vld [tilespmem:$0x90F0];
	v60 =	vsub.f32 $1.500000000e+00, v35;
	v39 =	vshra.s32 v17, $0x1;
	v24 =	vadd.f32 v45, v24  }
0x8eb: {  	v56 =	vld [tilespmem:$0x9160];
	v17 =	vmul.f32 $5.000000000e-01, v17;
	v23 =	vadd.f32 v37, v23;
	v19 =	vadd.f32 v49, v19  }
0x8ec: {  	v57 =	vld [tilespmem:$0x9170];
	v28 =	vmul.f32 v31, v28;
	v20 =	vmul.f32 v21, v20;
	v24 =	vadd.f32 v50, v24  }
0x8ed: {  	v58 =	vld [tilespmem:$0x91E0];
	v18 =	vmul.f32 v18, v60;
	v21 =	vsub.s32 $0x5F3759DF, v39;
	v19 =	vadd.f32 v51, v19  }
0x8ee: {  	v59 =	vld [tilespmem:$0x91F0];
	v23 =	vadd.f32 v48, v23;
	v42 =	vmul.f32 v28, v33;
	v24 =	vadd.f32 v52, v24  }
0x8ef: {  	v61 =	vld [tilespmem:$0x9260];
	v33 =	vmul.f32 v34, v53;
	v48 =	vmul.f32 v18, v22;
	v19 =	vadd.f32 v54, v19  }
0x8f0: {  	v62 =	vld [tilespmem:$0x9270];
	v23 =	vadd.f32 v41, v23;
	v41 =	vmul.f32 v21, v17;
	v24 =	vadd.f32 v56, v24  }
0x8f1: {  	v30 =	vmul.f32 v42, v28;
	v33 =	vsub.f32 $1.500000000e+00, v33;
	v19 =	vadd.f32 v57, v19  }
0x8f2: {  	v50 =	vmul.f32 v48, v18;
	v40 =	vshra.s32 v23, $0x1;
	v24 =	vadd.f32 v58, v24  }
0x8f3: {  	v23 =	vmul.f32 $5.000000000e-01, v23;
	v25 =	vmul.f32 v21, v41;
	v19 =	vadd.f32 v59, v19  }
0x8f4: {  	v63 =	vmul.f32 v34, v33;
	v26 =	vsub.s32 $0x5F3759DF, v40;
	v24 =	vadd.f32 v61, v24  }
0x8f5: {  	v42 =	vmul.f32 v26, v23;
	v25 =	vsub.f32 $1.500000000e+00, v25;
	v19 =	vadd.f32 v62, v19  }
0x8f6: {  	v47 =	vmul.f32 v63, v32;
	v43 =	vshra.s32 v24, $0x1;
	v24 =	vmul.f32 $5.000000000e-01, v24  }
0x8f7: {  	v29 =	vsub.s32 $0x5F3759DF, v43;
	v44 =	vshra.s32 v19, $0x1;
	v19 =	vmul.f32 $5.000000000e-01, v19  }
0x8f8: {  	v27 =	vmul.f32 v26, v42;
	v45 =	vmul.f32 v29, v24;
	v31 =	vsub.s32 $0x5F3759DF, v44  }
0x8f9: {  	v30 =	vsub.f32 $1.500000000e+00, v30;
	v21 =	vmul.f32 v21, v25;
	v46 =	vmul.f32 v31, v19  }
0x8fa: {  	v35 =	vmul.f32 v47, v63;
	v27 =	vsub.f32 $1.500000000e+00, v27;
	v33 =	vmul.f32 v29, v45  }
0x8fb: {  	v52 =	vmul.f32 v21, v17;
	v34 =	vmul.f32 v31, v46  }
0x8fc: {  	v28 =	vmul.f32 v30, v28;
	v26 =	vmul.f32 v26, v27;
	v49 =	vsub.f32 $1.500000000e+00, v33  }
0x8fd: {  	v35 =	vsub.f32 $1.500000000e+00, v35;
	v54 =	vmul.f32 v52, v21;
	v51 =	vsub.f32 $1.500000000e+00, v34  }
0x8fe: {  	v53 =	vmul.f32 v26, v23;
	v25 =	vmul.f32 v29, v49  }
0x8ff: {  	v30 =	vmul.f32 v35, v63;
	v33 =	vsub.f32 $1.500000000e+00, v50;
	v27 =	vmul.f32 v31, v51  }
0x900: {  	v29 =	vmul.f32 v53, v26;
	v55 =	vmul.f32 v25, v24  }
0x901: {  	v18 =	vmul.f32 v33, v18;
	v56 =	vmul.f32 v27, v19  }
0x902: {  	v59 =	vmul.f32 v30, v32;
	v34 =	vmul.f32 v55, v25;
	v31 =	vsub.f32 $1.500000000e+00, v54  }
0x903: {  	v29 =	vsub.f32 $1.500000000e+00, v29;
	v22 =	vmul.f32 v18, v22;
	v36 =	vmul.f32 v56, v27  }
0x904: {  	v60 =	vmul.f32 v59, v30;
	v57 =	vsub.f32 $1.500000000e+00, v34;
	v21 =	vmul.f32 v31, v21  }
0x905: {  	v26 =	vmul.f32 v29, v26;
	v22 =	vmul.f32 v22, v18;
	v58 =	vsub.f32 $1.500000000e+00, v36  }
0x906: {  	v25 =	vmul.f32 v57, v25;
	v17 =	vmul.f32 v21, v17  }
0x907: {  	v23 =	vmul.f32 v26, v23;
	v27 =	vmul.f32 v58, v27  }
0x908: {  	v29 =	vsub.f32 $1.500000000e+00, v60;
	v24 =	vmul.f32 v25, v24;
	v17 =	vmul.f32 v17, v21  }
0x909: {  	v22 =	vsub.f32 $1.500000000e+00, v22;
	v23 =	vmul.f32 v23, v26;
	v19 =	vmul.f32 v27, v19  }
0x90a: {  	[tilespmem:$0x8A00] =	vst v20;
	v61 =	vmul.f32 v29, v30;
	v24 =	vmul.f32 v24, v25;
	v17 =	vsub.f32 $1.500000000e+00, v17  }
0x90b: {  	[tilespmem:$0x8A10] =	vst v28;
	v18 =	vmul.f32 v22, v18;
	v62 =	vsub.f32 $1.500000000e+00, v23;
	v19 =	vmul.f32 v19, v27  }
0x90c: {  	[tilespmem:$0x8A20] =	vst v61;
	v63 =	vsub.f32 $1.500000000e+00, v24;
	v17 =	vmul.f32 v17, v21  }
0x90d: {  	[tilespmem:$0x8A30] =	vst v18;
	v18 =	vmul.f32 v62, v26;
	v19 =	vsub.f32 $1.500000000e+00, v19  }
0x90e: {  	[tilespmem:$0x8A40] =	vst v17;
	v17 =	vmul.f32 v63, v25  }
0x90f: {  	[tilespmem:$0x8A50] =	vst v18;
	v18 =	vmul.f32 v19, v27  }
0x910: {  	[tilespmem:$0x8A60] =	vst v17  }
0x911: {  	s7 =	simm.s32 $0x0;
	[tilespmem:$0x8A70] =	vst v18  }
0x912: {  	s8 =	simm.s32 $0x200;
	v17 =	vld [tilespmem:s7+$0x8200]  }
.LBB2_24:
0x913: {  	p1 =	sne.s32 s8, $0x1E00;
	v18 =	vld [tilespmem:$0x8A00];
	_ =	sdelay $0x4  }
0x914: {  	v17 =	vmul.f32 v18, v17;
	_ =	sdelay $0x1  }
0x915: {  	[tilespmem:s7+$0x8200] =	vst v17;
	v17 =	vld [tilespmem:s7+$0x8210]  }
0x916: {  	v18 =	vld [tilespmem:$0x8A10];
	_ =	sdelay $0x4  }
0x917: {  	v17 =	vmul.f32 v18, v17;
	_ =	sdelay $0x1  }
0x918: {  	[tilespmem:s7+$0x8210] =	vst v17;
	v17 =	vld [tilespmem:s7+$0x8220]  }
0x919: {  	v18 =	vld [tilespmem:$0x8A20];
	_ =	sdelay $0x4  }
0x91a: {  	v17 =	vmul.f32 v18, v17;
	_ =	sdelay $0x1  }
0x91b: {  	[tilespmem:s7+$0x8220] =	vst v17;
	v17 =	vld [tilespmem:s7+$0x8230]  }
0x91c: {  	v18 =	vld [tilespmem:$0x8A30];
	_ =	sdelay $0x4  }
0x91d: {  	v17 =	vmul.f32 v18, v17;
	_ =	sdelay $0x1  }
0x91e: {  	[tilespmem:s7+$0x8230] =	vst v17;
	v17 =	vld [tilespmem:s7+$0x8240]  }
0x91f: {  	v18 =	vld [tilespmem:$0x8A40];
	_ =	sdelay $0x4  }
0x920: {  	v17 =	vmul.f32 v18, v17;
	_ =	sdelay $0x1  }
0x921: {  	[tilespmem:s7+$0x8240] =	vst v17;
	v17 =	vld [tilespmem:s7+$0x8250]  }
0x922: {  	v18 =	vld [tilespmem:$0x8A50];
	_ =	sdelay $0x4  }
0x923: {  	v17 =	vmul.f32 v18, v17;
	_ =	sdelay $0x1  }
0x924: {  	[tilespmem:s7+$0x8250] =	vst v17;
	v17 =	vld [tilespmem:s7+$0x8260]  }
0x925: {  	v18 =	vld [tilespmem:$0x8A60];
	_ =	sdelay $0x4  }
0x926: {  	v17 =	vmul.f32 v18, v17;
	_ =	sdelay $0x1  }
0x927: {  	[tilespmem:s7+$0x8260] =	vst v17;
	v17 =	vld [tilespmem:s7+$0x8270]  }
0x928: {  	v18 =	vld [tilespmem:$0x8A70];
	_ =	sdelay $0x2  }
.Ltmp19:
0x929: {  	(pc) =	sbr.rel @p1 .LBB2_24-.Ltmp19, $4  }
0x92a: {  	_ = 	snop  }
0x92b: {  	v18 =	vmul.f32 v18, v17  }
0x92c: {  	s9 =	sshra.s32 s8, $0x2  }
0x92d: {  	s8 =	sadd.s32 $0x200, s8;
	v17 =	vld [tilespmem:s9+$0x8200];
	[tilespmem:s7+$0x8270] =	vst v18;
	s7 =	smov.u32 s9  }
0x92e: {  	v18 =	vld [tilespmem:$0x8A00];
	_ =	sdelay $0x4  }
0x92f: {  	v17 =	vmul.f32 v18, v17;
	_ =	sdelay $0x1  }
0x930: {  	[tilespmem:s7+$0x8200] =	vst v17;
	v17 =	vld [tilespmem:s7+$0x8210]  }
0x931: {  	v18 =	vld [tilespmem:$0x8A10];
	_ =	sdelay $0x4  }
0x932: {  	v17 =	vmul.f32 v18, v17;
	_ =	sdelay $0x1  }
0x933: {  	[tilespmem:s7+$0x8210] =	vst v17;
	v17 =	vld [tilespmem:s7+$0x8220]  }
0x934: {  	v18 =	vld [tilespmem:$0x8A20];
	_ =	sdelay $0x4  }
0x935: {  	v17 =	vmul.f32 v18, v17;
	_ =	sdelay $0x1  }
0x936: {  	[tilespmem:s7+$0x8220] =	vst v17;
	v17 =	vld [tilespmem:s7+$0x8230]  }
0x937: {  	v18 =	vld [tilespmem:$0x8A30];
	_ =	sdelay $0x4  }
0x938: {  	v17 =	vmul.f32 v18, v17;
	_ =	sdelay $0x1  }
0x939: {  	[tilespmem:s7+$0x8230] =	vst v17;
	v17 =	vld [tilespmem:s7+$0x8240]  }
0x93a: {  	v18 =	vld [tilespmem:$0x8A40];
	_ =	sdelay $0x4  }
0x93b: {  	v17 =	vmul.f32 v18, v17;
	_ =	sdelay $0x1  }
0x93c: {  	[tilespmem:s7+$0x8240] =	vst v17;
	v17 =	vld [tilespmem:s7+$0x8250]  }
0x93d: {  	v18 =	vld [tilespmem:$0x8A50];
	_ =	sdelay $0x4  }
0x93e: {  	v17 =	vmul.f32 v18, v17;
	_ =	sdelay $0x1  }
0x93f: {  	[tilespmem:s7+$0x8250] =	vst v17;
	v17 =	vld [tilespmem:s7+$0x8260]  }
0x940: {  	v18 =	vld [tilespmem:$0x8A60];
	_ =	sdelay $0x4  }
0x941: {  	v17 =	vmul.f32 v18, v17;
	_ =	sdelay $0x1  }
0x942: {  	[tilespmem:s7+$0x8260] =	vst v17;
	v17 =	vld [tilespmem:s7+$0x8270]  }
0x943: {  	v18 =	vld [tilespmem:$0x8A70];
	_ =	sdelay $0x4  }
0x944: {  	v17 =	vmul.f32 v18, v17;
	_ =	sdelay $0x1  }
0x945: {  	s8 =	simm.s32 @p0 $0x8200;
	s9 =	rddreg [dreg:$0x18];
	[tilespmem:s7+$0x8270] =	vst v17;
	s7 =	simm.s32 @p0 $0x0  }
0x946: {  	[hbm4b:s9+s7] =	stream.linear.scatter @p0 [tilespmem:s8], [sflag:$0x3], $0x400, $0x38;
	[tilespmem:$0x9680] =	vst v63  }
0x947: {  	s8 =	sadd.s32 @p0 $0x100, s9;
	s9 =	simm.s32 @p0 $0x8600  }
0x948: {  	[hbm4b:s8+s7] =	stream.linear.scatter @p0 [tilespmem:s9], [sflag:$0x3], $0x200, $0x38;
	[tilespmem:$0x9680] =	vst v63  }
0x949: {  	s7 =	simm.s32 @p0 $0x3  }
0x94a: {  	_ =	swait.ge @p0 [sflag:s7], $0x600  }
0x94b: {  	s8 =	simm.s32 @!p0 $0x800;
	s9 =	simm.s32 @!p0 $0x8200;
	[sflag:s7] =	ssyncset.done @p0 $0x0  }
0x94c: {  	s24 =	rddreg [dreg:$0x16];
	[sflag:s7] =	ssyncadd.s32 @p0 $0xFFFFFA00;
	s7 =	simm.s32 @!p0 $0x400  }
0x94d: {  	[hbm4b:s24+s7] =	stream.strided.scatter @!p0 [tilespmem:s9], [sflag:$0x3], $0x800, s8, s7, $0x38;
	[tilespmem:$0x9680] =	vst v63  }
0x94e: {  	s7 =	simm.s32 @!p0 $0x3  }
0x94f: {  	_ =	swait.ge @!p0 [sflag:s7], $0x800  }
0x950: {  	s10 =	rddreg [dreg:$0x1a]  }
0x951: {  	s24 =	rddreg [dreg:$0x19];
	s9 =	sadd.s32 $0x1, s10  }
0x952: {  	p1 =	sne.s32 s9, s24  }
.Ltmp20:
0x953: {  	_ = 	snop;
	(pc) =	sbr.rel @p1 .LBB2_1-.Ltmp20, $3  }
0x954: {  	_ =	sdelay $0x1  }
0x955: {  	[sflag:s7] =	ssyncset.done @!p0 $0x0  }
0x956: {  	[sflag:s7] =	ssyncadd.s32 @!p0 $0xFFFFF800  }
0x957: {  	_ =	sfence.sel $0x180000  }
0x958: {  	[bflag:$0x0] =	sbarrier.arrive $0xFFFF  }
0x959: {  	_ =	strace $0x90000047  }
0x95a: {  	s0 =	stileid.u32;
	[bflag:$0x2] =	sbarrier.arrive $0xFFFF  }
0x95b: {  	p0 =	sne.s32 s0, $0x0;
	s0 =	rddreg [dreg:$0x4]  }
0x95c: {  	s0 =	sadd.s32 @!p0 $0x100000, s0  }
0x95d: {  	[sflag:s0] =	ssyncadd.tile.s32 @!p0 $0x1;
	_ =	shalt  }
.Lfunc_end2:
_tile_overlayer_lowered:
.L_overlay_start_2:
0x95e: {  	(tag) =	ssettag $0x2  }
0x95f: {  	s0 =	rddreg [dreg:$0x0];
	s2 =	stileid.u32  }
0x960: {  	s1 =	rddreg [dreg:$0x1];
	p0 =	sne.s32 s2, $0x0  }
0x961: {  	s3 =	rddreg [dreg:$0x2];
	[bflag:$0x3] =	sbarrier.arrive $0xFFFF;
	s2 =	simm.s32 @!p0 $0x1C03  }
0x962: {  	[timem:s3], [sflag:s2] =	dma.local @!p0 [hbm:s0], s1  }
0x963: {  	s0 =	simm.s32 @!p0 $0x3  }
0x964: {  	_ =	swait.ge @!p0 [sflag:s0], s1  }
0x965: {  	s1 =	ssub.s32 @!p0 $0x0, s1;
	[sflag:s0] =	ssyncset.done @!p0 $0x0  }
0x966: {  	[sflag:s0] =	ssyncadd.s32 @!p0 s1  }
0x967: {  	[bflag:$0x3] =	sbarrier.arrive $0xFFFF  }
0x968: {  	_ =	shalt  }

</sc_bundles>
